<compile_context>
chip_gen: v7x
topology: tpu7x:2x2x1
jax: 0.10.2.dev20260603
libtpu: 0.0.44.dev20260713+nightly
codegen_flags: <defaults>
</compile_context>

<pallas_src>
import jax
import jax.numpy as jnp
from jax import lax
from jax.experimental import pallas as pl
from jax.experimental.pallas import tpu as pltpu
from jax.experimental.pallas import tpu_sc as plsc

N = 10000
C = 128
NPAD = 10240
HI = NPAD // 128
NC = 2
NS = 16
NW = NC * NS
CH = 128
CPB = 16
RPT = NPAD // NS
EB = 4096

_mesh = plsc.VectorSubcoreMesh(core_axis_name="c", subcore_axis_name="s")


def _make_scat(nblk):
    def body(gidx_hbm, sidx_hbm, tab_hbm, z_hbm, out_hbm,
             gia, gib, sia, sib, gb0, gb1, acc,
             sg0, sg1, sgi0, sgi1, ssi0, ssi1):
        cid = lax.axis_index("c")
        sid = lax.axis_index("s")
        wid = sid * NC + cid

        pltpu.sync_copy(z_hbm.at[pl.ds(sid * RPT, RPT)],
                        acc.at[pl.ds(sid * RPT, RPT)])
        pltpu.sync_copy(gidx_hbm.at[wid, 0], gia)
        pltpu.sync_copy(sidx_hbm.at[wid, 0], sia)

        plsc.subcore_barrier()

        def wdone(buf, sem):
            pltpu.make_async_copy(tab_hbm.at[pl.ds(0, CH)], buf, sem).wait()

        gslots = [(gia, sgi0), (gib, sgi1)]
        sslots = [(sia, ssi0), (sib, ssi1)]
        for b in range(nblk):
            cg, csgi = gslots[b % 2]
            cs, cssi = sslots[b % 2]
            ng, nsgi = gslots[(b + 1) % 2]
            ns, nssi = sslots[(b + 1) % 2]
            if b + 1 < nblk:
                pltpu.async_copy(gidx_hbm.at[wid, b + 1], ng, nsgi)
                pltpu.async_copy(sidx_hbm.at[wid, b + 1], ns, nssi)

            @pl.loop(0, CPB, step=2)
            def _pair(j):
                pltpu.async_copy(tab_hbm.at[cg.at[j]], gb0, sg0)
                pltpu.async_copy(tab_hbm.at[cg.at[j + 1]], gb1, sg1)
                wdone(gb0, sg0)
                pltpu.sync_copy(gb0, acc.at[cs.at[j]], add=True)
                wdone(gb1, sg1)
                pltpu.sync_copy(gb1, acc.at[cs.at[j + 1]], add=True)

            if b + 1 < nblk:
                pltpu.make_async_copy(gidx_hbm.at[wid, b + 1],
                                      ng, nsgi).wait()
                pltpu.make_async_copy(sidx_hbm.at[wid, b + 1],
                                      ns, nssi).wait()

        plsc.subcore_barrier()
        pltpu.sync_copy(acc.at[pl.ds(sid * RPT, RPT)],
                        out_hbm.at[cid, pl.ds(sid * RPT, RPT)])

    return pl.kernel(
        body,
        out_type=jax.ShapeDtypeStruct((NC, NPAD, C), jnp.float32),
        mesh=_mesh,
        scratch_types=[
            pltpu.VMEM((CPB, CH), jnp.int32),
            pltpu.VMEM((CPB, CH), jnp.int32),
            pltpu.VMEM((CPB, CH), jnp.int32),
            pltpu.VMEM((CPB, CH), jnp.int32),
            pltpu.VMEM((CH, C), jnp.float32),
            pltpu.VMEM((CH, C), jnp.float32),
            pltpu.VMEM_SHARED((NPAD, C), jnp.float32),
            pltpu.SemaphoreType.DMA,
            pltpu.SemaphoreType.DMA,
            pltpu.SemaphoreType.DMA,
            pltpu.SemaphoreType.DMA,
            pltpu.SemaphoreType.DMA,
            pltpu.SemaphoreType.DMA,
        ],
    )


def _hist_body(s_ref, d_ref, cnt_ref, cs_ref):
    i = pl.program_id(0)
    s = s_ref[0]
    d = d_ref[0]
    hi = lax.broadcasted_iota(jnp.int32, (HI, EB), 0)
    lo = lax.broadcasted_iota(jnp.int32, (C, EB), 0)
    oh_hi = ((s >> 7) == hi).astype(jnp.bfloat16)
    oh_lo = ((s & 127) == lo).astype(jnp.bfloat16)
    isself = (s == d).astype(jnp.bfloat16)
    dn = (((1,), (1,)), ((), ()))
    cnt = lax.dot_general(oh_hi, oh_lo, dn,
                          preferred_element_type=jnp.float32)
    cs = lax.dot_general(oh_hi * isself, oh_lo, dn,
                         preferred_element_type=jnp.float32)

    @pl.when(i == 0)
    def _():
        cnt_ref[...] = jnp.zeros_like(cnt_ref)
        cs_ref[...] = jnp.zeros_like(cs_ref)

    cnt_ref[...] += cnt
    cs_ref[...] += cs


def _hist_call(srce, dste):
    g = srce.shape[0]
    return pl.pallas_call(
        _hist_body,
        grid=(g,),
        in_specs=[
            pl.BlockSpec((1, 1, EB), lambda i: (i, 0, 0)),
            pl.BlockSpec((1, 1, EB), lambda i: (i, 0, 0)),
        ],
        out_specs=[
            pl.BlockSpec((HI, C), lambda i: (0, 0)),
            pl.BlockSpec((HI, C), lambda i: (0, 0)),
        ],
        out_shape=[
            jax.ShapeDtypeStruct((HI, C), jnp.float32),
            jax.ShapeDtypeStruct((HI, C), jnp.float32),
        ],
    )(srce, dste)


_B = 1024


def _pre_body(cnt_ref, cs_ref, x_ref, g0_ref, dis_ref):
    deg = cnt_ref[...] - cs_ref[...]
    i = pl.program_id(0)
    row = i * _B + lax.broadcasted_iota(jnp.int32, (_B, 1), 0)
    ok = jnp.logical_and(row < N, deg > 0)
    dis = jnp.where(ok, lax.rsqrt(jnp.maximum(deg, 1.0)), 0.0)
    dis_ref[...] = dis
    g0_ref[...] = dis * x_ref[...]


def _mid_body(p_ref, g0_ref, dis_ref, c_ref, tx1_ref, g1_ref):
    P = p_ref[0] + p_ref[1]
    dis = dis_ref[...]
    tx1 = -dis * (P - c_ref[...] * g0_ref[...])
    tx1_ref[...] = tx1
    g1_ref[...] = dis * tx1


_BF = 1000


def _fin_body(x_ref, tx1_ref, p2_ref, g1_ref, dis_ref, c_ref,
              w_ref, b_ref, gam_ref, bet_ref, o_ref):
    x = x_ref[...]
    tx1 = tx1_ref[...]
    P2 = p2_ref[0] + p2_ref[1]
    tx2 = -2.0 * dis_ref[...] * (P2 - c_ref[...] * g1_ref[...]) - x
    acc = jnp.dot(x, w_ref[0], preferred_element_type=jnp.float32)
    acc += jnp.dot(tx1, w_ref[1], preferred_element_type=jnp.float32)
    acc += jnp.dot(tx2, w_ref[2], preferred_element_type=jnp.float32)
    acc += b_ref[...]
    mean = jnp.mean(acc, axis=-1, keepdims=True)
    var = jnp.mean((acc - mean) ** 2, axis=-1, keepdims=True)
    y = (acc - mean) * lax.rsqrt(var + 1e-5) * gam_ref[...] + bet_ref[...]
    o_ref[...] = jnp.maximum(y, 0.0)


def _pre_call(cnt_n, cs_n, x_pad):
    g = NPAD // _B
    return pl.pallas_call(
        _pre_body,
        grid=(g,),
        in_specs=[
            pl.BlockSpec((_B, 1), lambda i: (i, 0)),
            pl.BlockSpec((_B, 1), lambda i: (i, 0)),
            pl.BlockSpec((_B, C), lambda i: (i, 0)),
        ],
        out_specs=[
            pl.BlockSpec((_B, C), lambda i: (i, 0)),
            pl.BlockSpec((_B, 1), lambda i: (i, 0)),
        ],
        out_shape=[
            jax.ShapeDtypeStruct((NPAD, C), jnp.float32),
            jax.ShapeDtypeStruct((NPAD, 1), jnp.float32),
        ],
    )(cnt_n, cs_n, x_pad)


def _mid_call(p1, g0, dis, c):
    g = NPAD // _B
    return pl.pallas_call(
        _mid_body,
        grid=(g,),
        in_specs=[
            pl.BlockSpec((NC, _B, C), lambda i: (0, i, 0)),
            pl.BlockSpec((_B, C), lambda i: (i, 0)),
            pl.BlockSpec((_B, 1), lambda i: (i, 0)),
            pl.BlockSpec((_B, 1), lambda i: (i, 0)),
        ],
        out_specs=[
            pl.BlockSpec((_B, C), lambda i: (i, 0)),
            pl.BlockSpec((_B, C), lambda i: (i, 0)),
        ],
        out_shape=[
            jax.ShapeDtypeStruct((NPAD, C), jnp.float32),
            jax.ShapeDtypeStruct((NPAD, C), jnp.float32),
        ],
    )(p1, g0, dis, c)


def _fin_call(x, tx1, p2, g1, dis, c, W, b, gamma, beta):
    g = N // _BF
    return pl.pallas_call(
        _fin_body,
        grid=(g,),
        in_specs=[
            pl.BlockSpec((_BF, C), lambda i: (i, 0)),
            pl.BlockSpec((_BF, C), lambda i: (i, 0)),
            pl.BlockSpec((NC, _BF, C), lambda i: (0, i, 0)),
            pl.BlockSpec((_BF, C), lambda i: (i, 0)),
            pl.BlockSpec((_BF, 1), lambda i: (i, 0)),
            pl.BlockSpec((_BF, 1), lambda i: (i, 0)),
            pl.BlockSpec((3, C, C), lambda i: (0, 0, 0)),
            pl.BlockSpec((C,), lambda i: (0,)),
            pl.BlockSpec((C,), lambda i: (0,)),
            pl.BlockSpec((C,), lambda i: (0,)),
        ],
        out_specs=pl.BlockSpec((_BF, C), lambda i: (i, 0)),
        out_shape=jax.ShapeDtypeStruct((N, C), jnp.float32),
    )(x, tx1, p2, g1, dis, c, W, b, gamma, beta)


@jax.jit
def kernel(x, edge_index, W, b, gamma, beta):
    E = edge_index.shape[1]
    nblk = -(-E // (NW * CH * CPB))
    ep = NW * CH * CPB * nblk
    pad = jnp.full((ep - E,), N, jnp.int32)
    src3 = jnp.concatenate([edge_index[0], pad]).reshape(NW, nblk, CPB, CH)
    dst3 = jnp.concatenate([edge_index[1], pad]).reshape(NW, nblk, CPB, CH)
    eph = -(-E // EB) * EB
    padh = jnp.full((eph - E,), N, jnp.int32)
    srcf = jnp.concatenate([edge_index[0], padh])
    dstf = jnp.concatenate([edge_index[1], padh])
    x_pad = jnp.concatenate(
        [x, jnp.zeros((NPAD - N, C), jnp.float32)], axis=0)
    z128 = jnp.zeros((NPAD, C), jnp.float32)

    cnt, cs = _hist_call(srcf.reshape(-1, 1, EB), dstf.reshape(-1, 1, EB))
    cnt_n = cnt.reshape(NPAD, 1)
    c = cs.reshape(NPAD, 1)
    g0, dis = _pre_call(cnt_n, c, x_pad)
    prop = _make_scat(nblk)
    p1 = prop(src3, dst3, g0, z128)
    tx1, g1 = _mid_call(p1, g0, dis, c)
    p2 = prop(src3, dst3, g1, z128)
    return _fin_call(x, tx1, p2, g1, dis, c, W, b, gamma, beta)

# --- scband reference (transcript-rebuilt; emitter-appended) ---
"""Pipeline reference for scband-spatial-graph-conv-block-49864570306621 (READ-ONLY COPY).

The authoritative reference and input builder live on the scoring server;
editing this copy changes nothing except your own understanding.
"""

import jax, jax.numpy as jnp
import numpy as np

N = 10000
E = 320000
CIN = 128
COUT = 128
K = 3


def setup_inputs(seed: int = 0) -> dict:
    key = jax.random.key(seed)
    ks = jax.random.split(key, 6)
    x = jax.random.normal(ks[0], (N, CIN), dtype=jnp.float32)
    edge_index = jax.random.randint(ks[1], (2, E), 0, N, dtype=jnp.int32)
    s = float(np.sqrt(6.0 / (CIN + COUT)))
    W = jax.random.uniform(ks[2], (K, CIN, COUT), jnp.float32, -s, s)
    b = jnp.zeros((COUT,), jnp.float32)
    gamma = jnp.ones((COUT,), jnp.float32)
    beta = jnp.zeros((COUT,), jnp.float32)
    return {"x": x, "edge_index": edge_index, "W": W, "b": b, "gamma": gamma, "beta": beta}


def reference(x, edge_index, W, b, gamma, beta):
    src = edge_index[0]
    dst = edge_index[1]
    # remove self loops (weight ones otherwise)
    w = jnp.where(src == dst, 0.0, 1.0).astype(jnp.float32)
    # sym-normalized Laplacian, scaled with lambda_max=2.0 (PyG ChebConv default):
    # L_hat = 2L/lambda_max - I = -D^{-1/2} A D^{-1/2}  (diag entries cancel to 0)
    deg = jnp.zeros((N,), jnp.float32).at[src].add(w)
    dis = jnp.where(deg > 0, jax.lax.rsqrt(jnp.where(deg > 0, deg, 1.0)), 0.0)
    norm = -dis[src] * w * dis[dst]

    def prop(h):
        return jnp.zeros((N, h.shape[1]), h.dtype).at[dst].add(norm[:, None] * h[src])

    Tx0 = x
    out = Tx0 @ W[0]
    Tx1 = prop(Tx0)
    out = out + Tx1 @ W[1]
    for k in range(2, K):
        Tx2 = 2.0 * prop(Tx1) - Tx0
        out = out + Tx2 @ W[k]
        Tx0, Tx1 = Tx1, Tx2
    out = out + b
    # LayerNorm (biased variance, eps=1e-5) then ReLU
    mean = jnp.mean(out, axis=-1, keepdims=True)
    var = jnp.mean((out - mean) ** 2, axis=-1, keepdims=True)
    y = (out - mean) * jax.lax.rsqrt(var + 1e-5) * gamma + beta
    return jax.nn.relu(y)

if __name__ == "__main__":
    import jax
    _d = setup_inputs()
    print(jax.jit(kernel)(*tuple(_d.values())))

</pallas_src>

<mosaic_0001>
#map = affine_map<(d0, d1) -> (0, 0, 0, 0)>
#map1 = affine_map<(d0, d1) -> (0, 0)>
#map2 = affine_map<(d0, d1) -> (0, 0, 0)>
module attributes {stable_mosaic.version = 14 : i64} {
  func.func @body(%arg0: i32, %arg1: i32, %arg2: memref<32x5x16x128xi32, #tpu.memory_space<hbm>>, %arg3: memref<32x5x16x128xi32, #tpu.memory_space<hbm>>, %arg4: memref<10240x128xf32, #tpu.memory_space<hbm>>, %arg5: memref<10240x128xf32, #tpu.memory_space<hbm>>, %arg6: memref<2x10240x128xf32, #tpu.memory_space<hbm>>, %arg7: memref<16x128xi32, #tpu.memory_space<vmem>>, %arg8: memref<16x128xi32, #tpu.memory_space<vmem>>, %arg9: memref<16x128xi32, #tpu.memory_space<vmem>>, %arg10: memref<16x128xi32, #tpu.memory_space<vmem>>, %arg11: memref<128x128xf32, #tpu.memory_space<vmem>>, %arg12: memref<128x128xf32, #tpu.memory_space<vmem>>, %arg13: memref<10240x128xf32, #tpu.memory_space<vmem_shared>>, %arg14: memref<!tpu.dma_semaphore, #tpu.memory_space<semaphore_mem>>, %arg15: memref<!tpu.dma_semaphore, #tpu.memory_space<semaphore_mem>>, %arg16: memref<!tpu.dma_semaphore, #tpu.memory_space<semaphore_mem>>, %arg17: memref<!tpu.dma_semaphore, #tpu.memory_space<semaphore_mem>>, %arg18: memref<!tpu.dma_semaphore, #tpu.memory_space<semaphore_mem>>, %arg19: memref<!tpu.dma_semaphore, #tpu.memory_space<semaphore_mem>>) attributes {dimension_semantics = [#tpu.dimension_semantics<core_parallel>, #tpu.dimension_semantics<subcore_parallel>], iteration_bounds = array<i64: 2, 16>, scalar_prefetch = 0 : i64, scratch_operands = 13 : i64, tpu.core_type = #tpu.core_type<sc_vector_subcore>, window_params = [{transform_indices = #map}, {transform_indices = #map}, {transform_indices = #map1}, {transform_indices = #map1}, {transform_indices = #map2}]} {
    %mul3A = arith.constant 2 : i32
    %mul3A_0 = arith.muli %arg1, %mul3A : i32
    %add3A = arith.addi %mul3A_0, %arg0 : i32
    %mul3A_1 = arith.constant 640 : i32
    %mul3A_2 = arith.muli %arg1, %mul3A_1 : i32
    %mul3A_3 = arith.constant 640 : i32
    %mul3A_4 = arith.muli %arg1, %mul3A_3 : i32
    "tpu.region"() ({
      %run_scoped3A_177 = tpu.sem_alloc : memref<!tpu.dma_semaphore, #tpu.memory_space<semaphore_mem>>
      %dma_start3A_178 = arith.constant 0 : i32
      %dma_start3A_179 = tpu.memref_slice %arg13[%mul3A_4, %dma_start3A_178] : memref<10240x128xf32, #tpu.memory_space<vmem_shared>> -> memref<640x128xf32, #tpu.memory_space<vmem_shared>>
      %dma_start3A_180 = arith.constant 0 : i32
      %dma_start3A_181 = tpu.memref_slice %arg5[%mul3A_2, %dma_start3A_180] : memref<10240x128xf32, #tpu.memory_space<hbm>> -> memref<640x128xf32, #tpu.memory_space<hbm>>
      tpu.enqueue_dma source(%dma_start3A_181 : memref<640x128xf32, #tpu.memory_space<hbm>>) target(%dma_start3A_179 : memref<640x128xf32, #tpu.memory_space<vmem_shared>>) target_semaphore(%run_scoped3A_177 : memref<!tpu.dma_semaphore, #tpu.memory_space<semaphore_mem>>)
      %dma_wait3A_182 = arith.constant 0 : i32
      %dma_wait3A_183 = tpu.memref_slice %arg13[%mul3A_4, %dma_wait3A_182] : memref<10240x128xf32, #tpu.memory_space<vmem_shared>> -> memref<640x128xf32, #tpu.memory_space<vmem_shared>>
      %dma_wait3A_184 = arith.constant 0 : i32
      %dma_wait3A_185 = tpu.memref_slice %arg5[%mul3A_2, %dma_wait3A_184] : memref<10240x128xf32, #tpu.memory_space<hbm>> -> memref<640x128xf32, #tpu.memory_space<hbm>>
      tpu.wait_dma2 semaphore(%run_scoped3A_177 : memref<!tpu.dma_semaphore, #tpu.memory_space<semaphore_mem>>) src(%dma_wait3A_185 : memref<640x128xf32, #tpu.memory_space<hbm>>) dst(%dma_wait3A_183 : memref<640x128xf32, #tpu.memory_space<vmem_shared>>)
      tpu.yield
    }) : () -> ()
    %run_scoped3A = arith.constant 0 : i32
    "tpu.region"() ({
      %run_scoped3A_177 = tpu.sem_alloc : memref<!tpu.dma_semaphore, #tpu.memory_space<semaphore_mem>>
      %dma_start3A_178 = arith.constant 0 : i32
      %dma_start3A_179 = arith.constant 0 : i32
      %dma_start3A_180 = tpu.memref_slice %arg2[%add3A, %run_scoped3A, %dma_start3A_178, %dma_start3A_179] : memref<32x5x16x128xi32, #tpu.memory_space<hbm>> -> memref<1x1x16x128xi32, #tpu.memory_space<hbm>>
      %dma_start3A_181 = tpu.memref_squeeze %dma_start3A_180 : memref<1x1x16x128xi32, #tpu.memory_space<hbm>> -> memref<16x128xi32, #tpu.memory_space<hbm>>
      %dma_start3A_182 = arith.constant 0 : i32
      %dma_start3A_183 = arith.constant 0 : i32
      %dma_start3A_184 = tpu.memref_slice %arg2[%add3A, %run_scoped3A, %dma_start3A_182, %dma_start3A_183] : memref<32x5x16x128xi32, #tpu.memory_space<hbm>> -> memref<1x1x16x128xi32, #tpu.memory_space<hbm>>
      %dma_start3A_185 = tpu.memref_squeeze %dma_start3A_184 : memref<1x1x16x128xi32, #tpu.memory_space<hbm>> -> memref<16x128xi32, #tpu.memory_space<hbm>>
      tpu.enqueue_dma source(%dma_start3A_185 : memref<16x128xi32, #tpu.memory_space<hbm>>) target(%arg7 : memref<16x128xi32, #tpu.memory_space<vmem>>) target_semaphore(%run_scoped3A_177 : memref<!tpu.dma_semaphore, #tpu.memory_space<semaphore_mem>>)
      %dma_wait3A_186 = arith.constant 0 : i32
      %dma_wait3A_187 = arith.constant 0 : i32
      %dma_wait3A_188 = tpu.memref_slice %arg2[%add3A, %run_scoped3A, %dma_wait3A_186, %dma_wait3A_187] : memref<32x5x16x128xi32, #tpu.memory_space<hbm>> -> memref<1x1x16x128xi32, #tpu.memory_space<hbm>>
      %dma_wait3A_189 = tpu.memref_squeeze %dma_wait3A_188 : memref<1x1x16x128xi32, #tpu.memory_space<hbm>> -> memref<16x128xi32, #tpu.memory_space<hbm>>
      %dma_wait3A_190 = arith.constant 0 : i32
      %dma_wait3A_191 = arith.constant 0 : i32
      %dma_wait3A_192 = tpu.memref_slice %arg2[%add3A, %run_scoped3A, %dma_wait3A_190, %dma_wait3A_191] : memref<32x5x16x128xi32, #tpu.memory_space<hbm>> -> memref<1x1x16x128xi32, #tpu.memory_space<hbm>>
      %dma_wait3A_193 = tpu.memref_squeeze %dma_wait3A_192 : memref<1x1x16x128xi32, #tpu.memory_space<hbm>> -> memref<16x128xi32, #tpu.memory_space<hbm>>
      tpu.wait_dma2 semaphore(%run_scoped3A_177 : memref<!tpu.dma_semaphore, #tpu.memory_space<semaphore_mem>>) src(%dma_wait3A_193 : memref<16x128xi32, #tpu.memory_space<hbm>>) dst(%arg7 : memref<16x128xi32, #tpu.memory_space<vmem>>)
      tpu.yield
    }) : () -> ()
    %run_scoped3A_5 = arith.constant 0 : i32
    "tpu.region"() ({
      %run_scoped3A_177 = tpu.sem_alloc : memref<!tpu.dma_semaphore, #tpu.memory_space<semaphore_mem>>
      %dma_start3A_178 = arith.constant 0 : i32
      %dma_start3A_179 = arith.constant 0 : i32
      %dma_start3A_180 = tpu.memref_slice %arg3[%add3A, %run_scoped3A_5, %dma_start3A_178, %dma_start3A_179] : memref<32x5x16x128xi32, #tpu.memory_space<hbm>> -> memref<1x1x16x128xi32, #tpu.memory_space<hbm>>
      %dma_start3A_181 = tpu.memref_squeeze %dma_start3A_180 : memref<1x1x16x128xi32, #tpu.memory_space<hbm>> -> memref<16x128xi32, #tpu.memory_space<hbm>>
      %dma_start3A_182 = arith.constant 0 : i32
      %dma_start3A_183 = arith.constant 0 : i32
      %dma_start3A_184 = tpu.memref_slice %arg3[%add3A, %run_scoped3A_5, %dma_start3A_182, %dma_start3A_183] : memref<32x5x16x128xi32, #tpu.memory_space<hbm>> -> memref<1x1x16x128xi32, #tpu.memory_space<hbm>>
      %dma_start3A_185 = tpu.memref_squeeze %dma_start3A_184 : memref<1x1x16x128xi32, #tpu.memory_space<hbm>> -> memref<16x128xi32, #tpu.memory_space<hbm>>
      tpu.enqueue_dma source(%dma_start3A_185 : memref<16x128xi32, #tpu.memory_space<hbm>>) target(%arg9 : memref<16x128xi32, #tpu.memory_space<vmem>>) target_semaphore(%run_scoped3A_177 : memref<!tpu.dma_semaphore, #tpu.memory_space<semaphore_mem>>)
      %dma_wait3A_186 = arith.constant 0 : i32
      %dma_wait3A_187 = arith.constant 0 : i32
      %dma_wait3A_188 = tpu.memref_slice %arg3[%add3A, %run_scoped3A_5, %dma_wait3A_186, %dma_wait3A_187] : memref<32x5x16x128xi32, #tpu.memory_space<hbm>> -> memref<1x1x16x128xi32, #tpu.memory_space<hbm>>
      %dma_wait3A_189 = tpu.memref_squeeze %dma_wait3A_188 : memref<1x1x16x128xi32, #tpu.memory_space<hbm>> -> memref<16x128xi32, #tpu.memory_space<hbm>>
      %dma_wait3A_190 = arith.constant 0 : i32
      %dma_wait3A_191 = arith.constant 0 : i32
      %dma_wait3A_192 = tpu.memref_slice %arg3[%add3A, %run_scoped3A_5, %dma_wait3A_190, %dma_wait3A_191] : memref<32x5x16x128xi32, #tpu.memory_space<hbm>> -> memref<1x1x16x128xi32, #tpu.memory_space<hbm>>
      %dma_wait3A_193 = tpu.memref_squeeze %dma_wait3A_192 : memref<1x1x16x128xi32, #tpu.memory_space<hbm>> -> memref<16x128xi32, #tpu.memory_space<hbm>>
      tpu.wait_dma2 semaphore(%run_scoped3A_177 : memref<!tpu.dma_semaphore, #tpu.memory_space<semaphore_mem>>) src(%dma_wait3A_193 : memref<16x128xi32, #tpu.memory_space<hbm>>) dst(%arg9 : memref<16x128xi32, #tpu.memory_space<vmem>>)
      tpu.yield
    }) : () -> ()
    %barrier3A = arith.constant 0 : index
    tpu.barrier barrier_id(%barrier3A)
    %dma_start3A = arith.constant 1 : i32
    %dma_start3A_6 = arith.constant 0 : i32
    %dma_start3A_7 = arith.constant 0 : i32
    %dma_start3A_8 = tpu.memref_slice %arg2[%add3A, %dma_start3A, %dma_start3A_6, %dma_start3A_7] : memref<32x5x16x128xi32, #tpu.memory_space<hbm>> -> memref<1x1x16x128xi32, #tpu.memory_space<hbm>>
    %dma_start3A_9 = tpu.memref_squeeze %dma_start3A_8 : memref<1x1x16x128xi32, #tpu.memory_space<hbm>> -> memref<16x128xi32, #tpu.memory_space<hbm>>
    %dma_start3A_10 = arith.constant 0 : i32
    %dma_start3A_11 = arith.constant 0 : i32
    %dma_start3A_12 = tpu.memref_slice %arg2[%add3A, %dma_start3A, %dma_start3A_10, %dma_start3A_11] : memref<32x5x16x128xi32, #tpu.memory_space<hbm>> -> memref<1x1x16x128xi32, #tpu.memory_space<hbm>>
    %dma_start3A_13 = tpu.memref_squeeze %dma_start3A_12 : memref<1x1x16x128xi32, #tpu.memory_space<hbm>> -> memref<16x128xi32, #tpu.memory_space<hbm>>
    tpu.enqueue_dma source(%dma_start3A_13 : memref<16x128xi32, #tpu.memory_space<hbm>>) target(%arg8 : memref<16x128xi32, #tpu.memory_space<vmem>>) target_semaphore(%arg17 : memref<!tpu.dma_semaphore, #tpu.memory_space<semaphore_mem>>)
    %dma_start3A_14 = arith.constant 1 : i32
    %dma_start3A_15 = arith.constant 0 : i32
    %dma_start3A_16 = arith.constant 0 : i32
    %dma_start3A_17 = tpu.memref_slice %arg3[%add3A, %dma_start3A_14, %dma_start3A_15, %dma_start3A_16] : memref<32x5x16x128xi32, #tpu.memory_space<hbm>> -> memref<1x1x16x128xi32, #tpu.memory_space<hbm>>
    %dma_start3A_18 = tpu.memref_squeeze %dma_start3A_17 : memref<1x1x16x128xi32, #tpu.memory_space<hbm>> -> memref<16x128xi32, #tpu.memory_space<hbm>>
    %dma_start3A_19 = arith.constant 0 : i32
    %dma_start3A_20 = arith.constant 0 : i32
    %dma_start3A_21 = tpu.memref_slice %arg3[%add3A, %dma_start3A_14, %dma_start3A_19, %dma_start3A_20] : memref<32x5x16x128xi32, #tpu.memory_space<hbm>> -> memref<1x1x16x128xi32, #tpu.memory_space<hbm>>
    %dma_start3A_22 = tpu.memref_squeeze %dma_start3A_21 : memref<1x1x16x128xi32, #tpu.memory_space<hbm>> -> memref<16x128xi32, #tpu.memory_space<hbm>>
    tpu.enqueue_dma source(%dma_start3A_22 : memref<16x128xi32, #tpu.memory_space<hbm>>) target(%arg10 : memref<16x128xi32, #tpu.memory_space<vmem>>) target_semaphore(%arg19 : memref<!tpu.dma_semaphore, #tpu.memory_space<semaphore_mem>>)
    %scan3A = arith.constant 0 : i32
    %scan3A_23 = arith.constant 8 : i32
    %scan3A_24 = arith.addi %scan3A, %scan3A_23 : i32
    %scan3A_25 = arith.constant 1 : i32
    scf.for %scan3A_177 = %scan3A to %scan3A_24 step %scan3A_25  : i32 {
      %mul3A_178 = arith.constant 2 : i32
      %mul3A_179 = arith.muli %scan3A_177, %mul3A_178 : i32
      %add3A_180 = arith.constant 0 : i32
      %add3A_181 = arith.addi %add3A_180, %mul3A_179 : i32
      %dma_start3A_182 = arith.constant 0 : i32
      %dma_start3A_183 = tpu.memref_slice %arg7[%add3A_181, %dma_start3A_182] : memref<16x128xi32, #tpu.memory_space<vmem>> -> memref<1x128xi32, #tpu.memory_space<vmem>>
      %dma_start3A_184 = tpu.memref_squeeze %dma_start3A_183 : memref<1x128xi32, #tpu.memory_space<vmem>> -> memref<128xi32, #tpu.memory_space<vmem>>
      %dma_start3A_185 = arith.constant 0 : i32
      %dma_start3A_186 = arith.constant 0 : i32
      %dma_start3A_187 = tpu.memref_slice %arg4[%dma_start3A_185, %dma_start3A_186] : memref<10240x128xf32, #tpu.memory_space<hbm>> -> memref<10240x128xf32, #tpu.memory_space<hbm>>
      tpu.enqueue_indirect_dma source(%dma_start3A_187 : memref<10240x128xf32, #tpu.memory_space<hbm>>) target(%arg11 : memref<128x128xf32, #tpu.memory_space<vmem>>) offsets(%dma_start3A_184 : memref<128xi32, #tpu.memory_space<vmem>>) semaphore(%arg14 : memref<!tpu.dma_semaphore, #tpu.memory_space<semaphore_mem>>)
      %add3A_188 = arith.constant 1 : i32
      %add3A_189 = arith.addi %add3A_181, %add3A_188 : i32
      %dma_start3A_190 = arith.constant 0 : i32
      %dma_start3A_191 = tpu.memref_slice %arg7[%add3A_189, %dma_start3A_190] : memref<16x128xi32, #tpu.memory_space<vmem>> -> memref<1x128xi32, #tpu.memory_space<vmem>>
      %dma_start3A_192 = tpu.memref_squeeze %dma_start3A_191 : memref<1x128xi32, #tpu.memory_space<vmem>> -> memref<128xi32, #tpu.memory_space<vmem>>
      %dma_start3A_193 = arith.constant 0 : i32
      %dma_start3A_194 = arith.constant 0 : i32
      %dma_start3A_195 = tpu.memref_slice %arg4[%dma_start3A_193, %dma_start3A_194] : memref<10240x128xf32, #tpu.memory_space<hbm>> -> memref<10240x128xf32, #tpu.memory_space<hbm>>
      tpu.enqueue_indirect_dma source(%dma_start3A_195 : memref<10240x128xf32, #tpu.memory_space<hbm>>) target(%arg12 : memref<128x128xf32, #tpu.memory_space<vmem>>) offsets(%dma_start3A_192 : memref<128xi32, #tpu.memory_space<vmem>>) semaphore(%arg15 : memref<!tpu.dma_semaphore, #tpu.memory_space<semaphore_mem>>)
      %dma_wait3A_196 = arith.constant 0 : i32
      %dma_wait3A_197 = arith.constant 0 : i32
      %dma_wait3A_198 = tpu.memref_slice %arg4[%dma_wait3A_196, %dma_wait3A_197] : memref<10240x128xf32, #tpu.memory_space<hbm>> -> memref<128x128xf32, #tpu.memory_space<hbm>>
      %dma_wait3A_199 = arith.constant 0 : i32
      %dma_wait3A_200 = arith.constant 0 : i32
      %dma_wait3A_201 = tpu.memref_slice %arg4[%dma_wait3A_199, %dma_wait3A_200] : memref<10240x128xf32, #tpu.memory_space<hbm>> -> memref<128x128xf32, #tpu.memory_space<hbm>>
      tpu.wait_dma2 semaphore(%arg14 : memref<!tpu.dma_semaphore, #tpu.memory_space<semaphore_mem>>) src(%dma_wait3A_201 : memref<128x128xf32, #tpu.memory_space<hbm>>) dst(%arg11 : memref<128x128xf32, #tpu.memory_space<vmem>>)
      "tpu.region"() ({
        %run_scoped3A_210 = tpu.sem_alloc : memref<!tpu.dma_semaphore, #tpu.memory_space<semaphore_mem>>
        %dma_start3A_211 = arith.constant 0 : i32
        %dma_start3A_212 = tpu.memref_slice %arg9[%add3A_181, %dma_start3A_211] : memref<16x128xi32, #tpu.memory_space<vmem>> -> memref<1x128xi32, #tpu.memory_space<vmem>>
        %dma_start3A_213 = tpu.memref_squeeze %dma_start3A_212 : memref<1x128xi32, #tpu.memory_space<vmem>> -> memref<128xi32, #tpu.memory_space<vmem>>
        %dma_start3A_214 = arith.constant 0 : i32
        %dma_start3A_215 = arith.constant 0 : i32
        %dma_start3A_216 = tpu.memref_slice %arg13[%dma_start3A_214, %dma_start3A_215] : memref<10240x128xf32, #tpu.memory_space<vmem_shared>> -> memref<10240x128xf32, #tpu.memory_space<vmem_shared>>
        tpu.enqueue_indirect_dma source(%arg11 : memref<128x128xf32, #tpu.memory_space<vmem>>) target(%dma_start3A_216 : memref<10240x128xf32, #tpu.memory_space<vmem_shared>>) offsets(%dma_start3A_213 : memref<128xi32, #tpu.memory_space<vmem>>) semaphore(%run_scoped3A_210 : memref<!tpu.dma_semaphore, #tpu.memory_space<semaphore_mem>>) {add = true}
        %dma_wait3A_217 = arith.constant 0 : i32
        %dma_wait3A_218 = tpu.memref_slice %arg9[%add3A_181, %dma_wait3A_217] : memref<16x128xi32, #tpu.memory_space<vmem>> -> memref<1x128xi32, #tpu.memory_space<vmem>>
        %dma_wait3A_219 = tpu.memref_squeeze %dma_wait3A_218 : memref<1x128xi32, #tpu.memory_space<vmem>> -> memref<128xi32, #tpu.memory_space<vmem>>
        %dma_wait3A_220 = arith.constant 0 : i32
        %dma_wait3A_221 = arith.constant 0 : i32
        %dma_wait3A_222 = tpu.memref_slice %arg13[%dma_wait3A_220, %dma_wait3A_221] : memref<10240x128xf32, #tpu.memory_space<vmem_shared>> -> memref<10240x128xf32, #tpu.memory_space<vmem_shared>>
        tpu.wait_indirect_dma semaphore(%run_scoped3A_210 : memref<!tpu.dma_semaphore, #tpu.memory_space<semaphore_mem>>) src(%arg11 : memref<128x128xf32, #tpu.memory_space<vmem>>) dst(%dma_wait3A_222 : memref<10240x128xf32, #tpu.memory_space<vmem_shared>>)
        tpu.yield
      }) : () -> ()
      %dma_wait3A_202 = arith.constant 0 : i32
      %dma_wait3A_203 = arith.constant 0 : i32
      %dma_wait3A_204 = tpu.memref_slice %arg4[%dma_wait3A_202, %dma_wait3A_203] : memref<10240x128xf32, #tpu.memory_space<hbm>> -> memref<128x128xf32, #tpu.memory_space<hbm>>
      %dma_wait3A_205 = arith.constant 0 : i32
      %dma_wait3A_206 = arith.constant 0 : i32
      %dma_wait3A_207 = tpu.memref_slice %arg4[%dma_wait3A_205, %dma_wait3A_206] : memref<10240x128xf32, #tpu.memory_space<hbm>> -> memref<128x128xf32, #tpu.memory_space<hbm>>
      tpu.wait_dma2 semaphore(%arg15 : memref<!tpu.dma_semaphore, #tpu.memory_space<semaphore_mem>>) src(%dma_wait3A_207 : memref<128x128xf32, #tpu.memory_space<hbm>>) dst(%arg12 : memref<128x128xf32, #tpu.memory_space<vmem>>)
      %add3A_208 = arith.constant 1 : i32
      %add3A_209 = arith.addi %add3A_181, %add3A_208 : i32
      "tpu.region"() ({
        %run_scoped3A_210 = tpu.sem_alloc : memref<!tpu.dma_semaphore, #tpu.memory_space<semaphore_mem>>
        %dma_start3A_211 = arith.constant 0 : i32
        %dma_start3A_212 = tpu.memref_slice %arg9[%add3A_209, %dma_start3A_211] : memref<16x128xi32, #tpu.memory_space<vmem>> -> memref<1x128xi32, #tpu.memory_space<vmem>>
        %dma_start3A_213 = tpu.memref_squeeze %dma_start3A_212 : memref<1x128xi32, #tpu.memory_space<vmem>> -> memref<128xi32, #tpu.memory_space<vmem>>
        %dma_start3A_214 = arith.constant 0 : i32
        %dma_start3A_215 = arith.constant 0 : i32
        %dma_start3A_216 = tpu.memref_slice %arg13[%dma_start3A_214, %dma_start3A_215] : memref<10240x128xf32, #tpu.memory_space<vmem_shared>> -> memref<10240x128xf32, #tpu.memory_space<vmem_shared>>
        tpu.enqueue_indirect_dma source(%arg12 : memref<128x128xf32, #tpu.memory_space<vmem>>) target(%dma_start3A_216 : memref<10240x128xf32, #tpu.memory_space<vmem_shared>>) offsets(%dma_start3A_213 : memref<128xi32, #tpu.memory_space<vmem>>) semaphore(%run_scoped3A_210 : memref<!tpu.dma_semaphore, #tpu.memory_space<semaphore_mem>>) {add = true}
        %dma_wait3A_217 = arith.constant 0 : i32
        %dma_wait3A_218 = tpu.memref_slice %arg9[%add3A_209, %dma_wait3A_217] : memref<16x128xi32, #tpu.memory_space<vmem>> -> memref<1x128xi32, #tpu.memory_space<vmem>>
        %dma_wait3A_219 = tpu.memref_squeeze %dma_wait3A_218 : memref<1x128xi32, #tpu.memory_space<vmem>> -> memref<128xi32, #tpu.memory_space<vmem>>
        %dma_wait3A_220 = arith.constant 0 : i32
        %dma_wait3A_221 = arith.constant 0 : i32
        %dma_wait3A_222 = tpu.memref_slice %arg13[%dma_wait3A_220, %dma_wait3A_221] : memref<10240x128xf32, #tpu.memory_space<vmem_shared>> -> memref<10240x128xf32, #tpu.memory_space<vmem_shared>>
        tpu.wait_indirect_dma semaphore(%run_scoped3A_210 : memref<!tpu.dma_semaphore, #tpu.memory_space<semaphore_mem>>) src(%arg12 : memref<128x128xf32, #tpu.memory_space<vmem>>) dst(%dma_wait3A_222 : memref<10240x128xf32, #tpu.memory_space<vmem_shared>>)
        tpu.yield
      }) : () -> ()
    }
    %scan3A_26 = arith.constant 8 : i32
    %dma_wait3A = arith.constant 1 : i32
    %dma_wait3A_27 = arith.constant 0 : i32
    %dma_wait3A_28 = arith.constant 0 : i32
    %dma_wait3A_29 = tpu.memref_slice %arg2[%add3A, %dma_wait3A, %dma_wait3A_27, %dma_wait3A_28] : memref<32x5x16x128xi32, #tpu.memory_space<hbm>> -> memref<1x1x16x128xi32, #tpu.memory_space<hbm>>
    %dma_wait3A_30 = tpu.memref_squeeze %dma_wait3A_29 : memref<1x1x16x128xi32, #tpu.memory_space<hbm>> -> memref<16x128xi32, #tpu.memory_space<hbm>>
    %dma_wait3A_31 = arith.constant 0 : i32
    %dma_wait3A_32 = arith.constant 0 : i32
    %dma_wait3A_33 = tpu.memref_slice %arg2[%add3A, %dma_wait3A, %dma_wait3A_31, %dma_wait3A_32] : memref<32x5x16x128xi32, #tpu.memory_space<hbm>> -> memref<1x1x16x128xi32, #tpu.memory_space<hbm>>
    %dma_wait3A_34 = tpu.memref_squeeze %dma_wait3A_33 : memref<1x1x16x128xi32, #tpu.memory_space<hbm>> -> memref<16x128xi32, #tpu.memory_space<hbm>>
    tpu.wait_dma2 semaphore(%arg17 : memref<!tpu.dma_semaphore, #tpu.memory_space<semaphore_mem>>) src(%dma_wait3A_34 : memref<16x128xi32, #tpu.memory_space<hbm>>) dst(%arg8 : memref<16x128xi32, #tpu.memory_space<vmem>>)
    %dma_wait3A_35 = arith.constant 1 : i32
    %dma_wait3A_36 = arith.constant 0 : i32
    %dma_wait3A_37 = arith.constant 0 : i32
    %dma_wait3A_38 = tpu.memref_slice %arg3[%add3A, %dma_wait3A_35, %dma_wait3A_36, %dma_wait3A_37] : memref<32x5x16x128xi32, #tpu.memory_space<hbm>> -> memref<1x1x16x128xi32, #tpu.memory_space<hbm>>
    %dma_wait3A_39 = tpu.memref_squeeze %dma_wait3A_38 : memref<1x1x16x128xi32, #tpu.memory_space<hbm>> -> memref<16x128xi32, #tpu.memory_space<hbm>>
    %dma_wait3A_40 = arith.constant 0 : i32
    %dma_wait3A_41 = arith.constant 0 : i32
    %dma_wait3A_42 = tpu.memref_slice %arg3[%add3A, %dma_wait3A_35, %dma_wait3A_40, %dma_wait3A_41] : memref<32x5x16x128xi32, #tpu.memory_space<hbm>> -> memref<1x1x16x128xi32, #tpu.memory_space<hbm>>
    %dma_wait3A_43 = tpu.memref_squeeze %dma_wait3A_42 : memref<1x1x16x128xi32, #tpu.memory_space<hbm>> -> memref<16x128xi32, #tpu.memory_space<hbm>>
    tpu.wait_dma2 semaphore(%arg19 : memref<!tpu.dma_semaphore, #tpu.memory_space<semaphore_mem>>) src(%dma_wait3A_43 : memref<16x128xi32, #tpu.memory_space<hbm>>) dst(%arg10 : memref<16x128xi32, #tpu.memory_space<vmem>>)
    %dma_start3A_44 = arith.constant 2 : i32
    %dma_start3A_45 = arith.constant 0 : i32
    %dma_start3A_46 = arith.constant 0 : i32
    %dma_start3A_47 = tpu.memref_slice %arg2[%add3A, %dma_start3A_44, %dma_start3A_45, %dma_start3A_46] : memref<32x5x16x128xi32, #tpu.memory_space<hbm>> -> memref<1x1x16x128xi32, #tpu.memory_space<hbm>>
    %dma_start3A_48 = tpu.memref_squeeze %dma_start3A_47 : memref<1x1x16x128xi32, #tpu.memory_space<hbm>> -> memref<16x128xi32, #tpu.memory_space<hbm>>
    %dma_start3A_49 = arith.constant 0 : i32
    %dma_start3A_50 = arith.constant 0 : i32
    %dma_start3A_51 = tpu.memref_slice %arg2[%add3A, %dma_start3A_44, %dma_start3A_49, %dma_start3A_50] : memref<32x5x16x128xi32, #tpu.memory_space<hbm>> -> memref<1x1x16x128xi32, #tpu.memory_space<hbm>>
    %dma_start3A_52 = tpu.memref_squeeze %dma_start3A_51 : memref<1x1x16x128xi32, #tpu.memory_space<hbm>> -> memref<16x128xi32, #tpu.memory_space<hbm>>
    tpu.enqueue_dma source(%dma_start3A_52 : memref<16x128xi32, #tpu.memory_space<hbm>>) target(%arg7 : memref<16x128xi32, #tpu.memory_space<vmem>>) target_semaphore(%arg16 : memref<!tpu.dma_semaphore, #tpu.memory_space<semaphore_mem>>)
    %dma_start3A_53 = arith.constant 2 : i32
    %dma_start3A_54 = arith.constant 0 : i32
    %dma_start3A_55 = arith.constant 0 : i32
    %dma_start3A_56 = tpu.memref_slice %arg3[%add3A, %dma_start3A_53, %dma_start3A_54, %dma_start3A_55] : memref<32x5x16x128xi32, #tpu.memory_space<hbm>> -> memref<1x1x16x128xi32, #tpu.memory_space<hbm>>
    %dma_start3A_57 = tpu.memref_squeeze %dma_start3A_56 : memref<1x1x16x128xi32, #tpu.memory_space<hbm>> -> memref<16x128xi32, #tpu.memory_space<hbm>>
    %dma_start3A_58 = arith.constant 0 : i32
    %dma_start3A_59 = arith.constant 0 : i32
    %dma_start3A_60 = tpu.memref_slice %arg3[%add3A, %dma_start3A_53, %dma_start3A_58, %dma_start3A_59] : memref<32x5x16x128xi32, #tpu.memory_space<hbm>> -> memref<1x1x16x128xi32, #tpu.memory_space<hbm>>
    %dma_start3A_61 = tpu.memref_squeeze %dma_start3A_60 : memref<1x1x16x128xi32, #tpu.memory_space<hbm>> -> memref<16x128xi32, #tpu.memory_space<hbm>>
    tpu.enqueue_dma source(%dma_start3A_61 : memref<16x128xi32, #tpu.memory_space<hbm>>) target(%arg9 : memref<16x128xi32, #tpu.memory_space<vmem>>) target_semaphore(%arg18 : memref<!tpu.dma_semaphore, #tpu.memory_space<semaphore_mem>>)
    %scan3A_62 = arith.constant 0 : i32
    %scan3A_63 = arith.constant 8 : i32
    %scan3A_64 = arith.addi %scan3A_62, %scan3A_63 : i32
    %scan3A_65 = arith.constant 1 : i32
    scf.for %scan3A_177 = %scan3A_62 to %scan3A_64 step %scan3A_65  : i32 {
      %mul3A_178 = arith.constant 2 : i32
      %mul3A_179 = arith.muli %scan3A_177, %mul3A_178 : i32
      %add3A_180 = arith.constant 0 : i32
      %add3A_181 = arith.addi %add3A_180, %mul3A_179 : i32
      %dma_start3A_182 = arith.constant 0 : i32
      %dma_start3A_183 = tpu.memref_slice %arg8[%add3A_181, %dma_start3A_182] : memref<16x128xi32, #tpu.memory_space<vmem>> -> memref<1x128xi32, #tpu.memory_space<vmem>>
      %dma_start3A_184 = tpu.memref_squeeze %dma_start3A_183 : memref<1x128xi32, #tpu.memory_space<vmem>> -> memref<128xi32, #tpu.memory_space<vmem>>
      %dma_start3A_185 = arith.constant 0 : i32
      %dma_start3A_186 = arith.constant 0 : i32
      %dma_start3A_187 = tpu.memref_slice %arg4[%dma_start3A_185, %dma_start3A_186] : memref<10240x128xf32, #tpu.memory_space<hbm>> -> memref<10240x128xf32, #tpu.memory_space<hbm>>
      tpu.enqueue_indirect_dma source(%dma_start3A_187 : memref<10240x128xf32, #tpu.memory_space<hbm>>) target(%arg11 : memref<128x128xf32, #tpu.memory_space<vmem>>) offsets(%dma_start3A_184 : memref<128xi32, #tpu.memory_space<vmem>>) semaphore(%arg14 : memref<!tpu.dma_semaphore, #tpu.memory_space<semaphore_mem>>)
      %add3A_188 = arith.constant 1 : i32
      %add3A_189 = arith.addi %add3A_181, %add3A_188 : i32
      %dma_start3A_190 = arith.constant 0 : i32
      %dma_start3A_191 = tpu.memref_slice %arg8[%add3A_189, %dma_start3A_190] : memref<16x128xi32, #tpu.memory_space<vmem>> -> memref<1x128xi32, #tpu.memory_space<vmem>>
      %dma_start3A_192 = tpu.memref_squeeze %dma_start3A_191 : memref<1x128xi32, #tpu.memory_space<vmem>> -> memref<128xi32, #tpu.memory_space<vmem>>
      %dma_start3A_193 = arith.constant 0 : i32
      %dma_start3A_194 = arith.constant 0 : i32
      %dma_start3A_195 = tpu.memref_slice %arg4[%dma_start3A_193, %dma_start3A_194] : memref<10240x128xf32, #tpu.memory_space<hbm>> -> memref<10240x128xf32, #tpu.memory_space<hbm>>
      tpu.enqueue_indirect_dma source(%dma_start3A_195 : memref<10240x128xf32, #tpu.memory_space<hbm>>) target(%arg12 : memref<128x128xf32, #tpu.memory_space<vmem>>) offsets(%dma_start3A_192 : memref<128xi32, #tpu.memory_space<vmem>>) semaphore(%arg15 : memref<!tpu.dma_semaphore, #tpu.memory_space<semaphore_mem>>)
      %dma_wait3A_196 = arith.constant 0 : i32
      %dma_wait3A_197 = arith.constant 0 : i32
      %dma_wait3A_198 = tpu.memref_slice %arg4[%dma_wait3A_196, %dma_wait3A_197] : memref<10240x128xf32, #tpu.memory_space<hbm>> -> memref<128x128xf32, #tpu.memory_space<hbm>>
      %dma_wait3A_199 = arith.constant 0 : i32
      %dma_wait3A_200 = arith.constant 0 : i32
      %dma_wait3A_201 = tpu.memref_slice %arg4[%dma_wait3A_199, %dma_wait3A_200] : memref<10240x128xf32, #tpu.memory_space<hbm>> -> memref<128x128xf32, #tpu.memory_space<hbm>>
      tpu.wait_dma2 semaphore(%arg14 : memref<!tpu.dma_semaphore, #tpu.memory_space<semaphore_mem>>) src(%dma_wait3A_201 : memref<128x128xf32, #tpu.memory_space<hbm>>) dst(%arg11 : memref<128x128xf32, #tpu.memory_space<vmem>>)
      "tpu.region"() ({
        %run_scoped3A_210 = tpu.sem_alloc : memref<!tpu.dma_semaphore, #tpu.memory_space<semaphore_mem>>
        %dma_start3A_211 = arith.constant 0 : i32
        %dma_start3A_212 = tpu.memref_slice %arg10[%add3A_181, %dma_start3A_211] : memref<16x128xi32, #tpu.memory_space<vmem>> -> memref<1x128xi32, #tpu.memory_space<vmem>>
        %dma_start3A_213 = tpu.memref_squeeze %dma_start3A_212 : memref<1x128xi32, #tpu.memory_space<vmem>> -> memref<128xi32, #tpu.memory_space<vmem>>
        %dma_start3A_214 = arith.constant 0 : i32
        %dma_start3A_215 = arith.constant 0 : i32
        %dma_start3A_216 = tpu.memref_slice %arg13[%dma_start3A_214, %dma_start3A_215] : memref<10240x128xf32, #tpu.memory_space<vmem_shared>> -> memref<10240x128xf32, #tpu.memory_space<vmem_shared>>
        tpu.enqueue_indirect_dma source(%arg11 : memref<128x128xf32, #tpu.memory_space<vmem>>) target(%dma_start3A_216 : memref<10240x128xf32, #tpu.memory_space<vmem_shared>>) offsets(%dma_start3A_213 : memref<128xi32, #tpu.memory_space<vmem>>) semaphore(%run_scoped3A_210 : memref<!tpu.dma_semaphore, #tpu.memory_space<semaphore_mem>>) {add = true}
        %dma_wait3A_217 = arith.constant 0 : i32
        %dma_wait3A_218 = tpu.memref_slice %arg10[%add3A_181, %dma_wait3A_217] : memref<16x128xi32, #tpu.memory_space<vmem>> -> memref<1x128xi32, #tpu.memory_space<vmem>>
        %dma_wait3A_219 = tpu.memref_squeeze %dma_wait3A_218 : memref<1x128xi32, #tpu.memory_space<vmem>> -> memref<128xi32, #tpu.memory_space<vmem>>
        %dma_wait3A_220 = arith.constant 0 : i32
        %dma_wait3A_221 = arith.constant 0 : i32
        %dma_wait3A_222 = tpu.memref_slice %arg13[%dma_wait3A_220, %dma_wait3A_221] : memref<10240x128xf32, #tpu.memory_space<vmem_shared>> -> memref<10240x128xf32, #tpu.memory_space<vmem_shared>>
        tpu.wait_indirect_dma semaphore(%run_scoped3A_210 : memref<!tpu.dma_semaphore, #tpu.memory_space<semaphore_mem>>) src(%arg11 : memref<128x128xf32, #tpu.memory_space<vmem>>) dst(%dma_wait3A_222 : memref<10240x128xf32, #tpu.memory_space<vmem_shared>>)
        tpu.yield
      }) : () -> ()
      %dma_wait3A_202 = arith.constant 0 : i32
      %dma_wait3A_203 = arith.constant 0 : i32
      %dma_wait3A_204 = tpu.memref_slice %arg4[%dma_wait3A_202, %dma_wait3A_203] : memref<10240x128xf32, #tpu.memory_space<hbm>> -> memref<128x128xf32, #tpu.memory_space<hbm>>
      %dma_wait3A_205 = arith.constant 0 : i32
      %dma_wait3A_206 = arith.constant 0 : i32
      %dma_wait3A_207 = tpu.memref_slice %arg4[%dma_wait3A_205, %dma_wait3A_206] : memref<10240x128xf32, #tpu.memory_space<hbm>> -> memref<128x128xf32, #tpu.memory_space<hbm>>
      tpu.wait_dma2 semaphore(%arg15 : memref<!tpu.dma_semaphore, #tpu.memory_space<semaphore_mem>>) src(%dma_wait3A_207 : memref<128x128xf32, #tpu.memory_space<hbm>>) dst(%arg12 : memref<128x128xf32, #tpu.memory_space<vmem>>)
      %add3A_208 = arith.constant 1 : i32
      %add3A_209 = arith.addi %add3A_181, %add3A_208 : i32
      "tpu.region"() ({
        %run_scoped3A_210 = tpu.sem_alloc : memref<!tpu.dma_semaphore, #tpu.memory_space<semaphore_mem>>
        %dma_start3A_211 = arith.constant 0 : i32
        %dma_start3A_212 = tpu.memref_slice %arg10[%add3A_209, %dma_start3A_211] : memref<16x128xi32, #tpu.memory_space<vmem>> -> memref<1x128xi32, #tpu.memory_space<vmem>>
        %dma_start3A_213 = tpu.memref_squeeze %dma_start3A_212 : memref<1x128xi32, #tpu.memory_space<vmem>> -> memref<128xi32, #tpu.memory_space<vmem>>
        %dma_start3A_214 = arith.constant 0 : i32
        %dma_start3A_215 = arith.constant 0 : i32
        %dma_start3A_216 = tpu.memref_slice %arg13[%dma_start3A_214, %dma_start3A_215] : memref<10240x128xf32, #tpu.memory_space<vmem_shared>> -> memref<10240x128xf32, #tpu.memory_space<vmem_shared>>
        tpu.enqueue_indirect_dma source(%arg12 : memref<128x128xf32, #tpu.memory_space<vmem>>) target(%dma_start3A_216 : memref<10240x128xf32, #tpu.memory_space<vmem_shared>>) offsets(%dma_start3A_213 : memref<128xi32, #tpu.memory_space<vmem>>) semaphore(%run_scoped3A_210 : memref<!tpu.dma_semaphore, #tpu.memory_space<semaphore_mem>>) {add = true}
        %dma_wait3A_217 = arith.constant 0 : i32
        %dma_wait3A_218 = tpu.memref_slice %arg10[%add3A_209, %dma_wait3A_217] : memref<16x128xi32, #tpu.memory_space<vmem>> -> memref<1x128xi32, #tpu.memory_space<vmem>>
        %dma_wait3A_219 = tpu.memref_squeeze %dma_wait3A_218 : memref<1x128xi32, #tpu.memory_space<vmem>> -> memref<128xi32, #tpu.memory_space<vmem>>
        %dma_wait3A_220 = arith.constant 0 : i32
        %dma_wait3A_221 = arith.constant 0 : i32
        %dma_wait3A_222 = tpu.memref_slice %arg13[%dma_wait3A_220, %dma_wait3A_221] : memref<10240x128xf32, #tpu.memory_space<vmem_shared>> -> memref<10240x128xf32, #tpu.memory_space<vmem_shared>>
        tpu.wait_indirect_dma semaphore(%run_scoped3A_210 : memref<!tpu.dma_semaphore, #tpu.memory_space<semaphore_mem>>) src(%arg12 : memref<128x128xf32, #tpu.memory_space<vmem>>) dst(%dma_wait3A_222 : memref<10240x128xf32, #tpu.memory_space<vmem_shared>>)
        tpu.yield
      }) : () -> ()
    }
    %scan3A_66 = arith.constant 8 : i32
    %dma_wait3A_67 = arith.constant 2 : i32
    %dma_wait3A_68 = arith.constant 0 : i32
    %dma_wait3A_69 = arith.constant 0 : i32
    %dma_wait3A_70 = tpu.memref_slice %arg2[%add3A, %dma_wait3A_67, %dma_wait3A_68, %dma_wait3A_69] : memref<32x5x16x128xi32, #tpu.memory_space<hbm>> -> memref<1x1x16x128xi32, #tpu.memory_space<hbm>>
    %dma_wait3A_71 = tpu.memref_squeeze %dma_wait3A_70 : memref<1x1x16x128xi32, #tpu.memory_space<hbm>> -> memref<16x128xi32, #tpu.memory_space<hbm>>
    %dma_wait3A_72 = arith.constant 0 : i32
    %dma_wait3A_73 = arith.constant 0 : i32
    %dma_wait3A_74 = tpu.memref_slice %arg2[%add3A, %dma_wait3A_67, %dma_wait3A_72, %dma_wait3A_73] : memref<32x5x16x128xi32, #tpu.memory_space<hbm>> -> memref<1x1x16x128xi32, #tpu.memory_space<hbm>>
    %dma_wait3A_75 = tpu.memref_squeeze %dma_wait3A_74 : memref<1x1x16x128xi32, #tpu.memory_space<hbm>> -> memref<16x128xi32, #tpu.memory_space<hbm>>
    tpu.wait_dma2 semaphore(%arg16 : memref<!tpu.dma_semaphore, #tpu.memory_space<semaphore_mem>>) src(%dma_wait3A_75 : memref<16x128xi32, #tpu.memory_space<hbm>>) dst(%arg7 : memref<16x128xi32, #tpu.memory_space<vmem>>)
    %dma_wait3A_76 = arith.constant 2 : i32
    %dma_wait3A_77 = arith.constant 0 : i32
    %dma_wait3A_78 = arith.constant 0 : i32
    %dma_wait3A_79 = tpu.memref_slice %arg3[%add3A, %dma_wait3A_76, %dma_wait3A_77, %dma_wait3A_78] : memref<32x5x16x128xi32, #tpu.memory_space<hbm>> -> memref<1x1x16x128xi32, #tpu.memory_space<hbm>>
    %dma_wait3A_80 = tpu.memref_squeeze %dma_wait3A_79 : memref<1x1x16x128xi32, #tpu.memory_space<hbm>> -> memref<16x128xi32, #tpu.memory_space<hbm>>
    %dma_wait3A_81 = arith.constant 0 : i32
    %dma_wait3A_82 = arith.constant 0 : i32
    %dma_wait3A_83 = tpu.memref_slice %arg3[%add3A, %dma_wait3A_76, %dma_wait3A_81, %dma_wait3A_82] : memref<32x5x16x128xi32, #tpu.memory_space<hbm>> -> memref<1x1x16x128xi32, #tpu.memory_space<hbm>>
    %dma_wait3A_84 = tpu.memref_squeeze %dma_wait3A_83 : memref<1x1x16x128xi32, #tpu.memory_space<hbm>> -> memref<16x128xi32, #tpu.memory_space<hbm>>
    tpu.wait_dma2 semaphore(%arg18 : memref<!tpu.dma_semaphore, #tpu.memory_space<semaphore_mem>>) src(%dma_wait3A_84 : memref<16x128xi32, #tpu.memory_space<hbm>>) dst(%arg9 : memref<16x128xi32, #tpu.memory_space<vmem>>)
    %dma_start3A_85 = arith.constant 3 : i32
    %dma_start3A_86 = arith.constant 0 : i32
    %dma_start3A_87 = arith.constant 0 : i32
    %dma_start3A_88 = tpu.memref_slice %arg2[%add3A, %dma_start3A_85, %dma_start3A_86, %dma_start3A_87] : memref<32x5x16x128xi32, #tpu.memory_space<hbm>> -> memref<1x1x16x128xi32, #tpu.memory_space<hbm>>
    %dma_start3A_89 = tpu.memref_squeeze %dma_start3A_88 : memref<1x1x16x128xi32, #tpu.memory_space<hbm>> -> memref<16x128xi32, #tpu.memory_space<hbm>>
    %dma_start3A_90 = arith.constant 0 : i32
    %dma_start3A_91 = arith.constant 0 : i32
    %dma_start3A_92 = tpu.memref_slice %arg2[%add3A, %dma_start3A_85, %dma_start3A_90, %dma_start3A_91] : memref<32x5x16x128xi32, #tpu.memory_space<hbm>> -> memref<1x1x16x128xi32, #tpu.memory_space<hbm>>
    %dma_start3A_93 = tpu.memref_squeeze %dma_start3A_92 : memref<1x1x16x128xi32, #tpu.memory_space<hbm>> -> memref<16x128xi32, #tpu.memory_space<hbm>>
    tpu.enqueue_dma source(%dma_start3A_93 : memref<16x128xi32, #tpu.memory_space<hbm>>) target(%arg8 : memref<16x128xi32, #tpu.memory_space<vmem>>) target_semaphore(%arg17 : memref<!tpu.dma_semaphore, #tpu.memory_space<semaphore_mem>>)
    %dma_start3A_94 = arith.constant 3 : i32
    %dma_start3A_95 = arith.constant 0 : i32
    %dma_start3A_96 = arith.constant 0 : i32
    %dma_start3A_97 = tpu.memref_slice %arg3[%add3A, %dma_start3A_94, %dma_start3A_95, %dma_start3A_96] : memref<32x5x16x128xi32, #tpu.memory_space<hbm>> -> memref<1x1x16x128xi32, #tpu.memory_space<hbm>>
    %dma_start3A_98 = tpu.memref_squeeze %dma_start3A_97 : memref<1x1x16x128xi32, #tpu.memory_space<hbm>> -> memref<16x128xi32, #tpu.memory_space<hbm>>
    %dma_start3A_99 = arith.constant 0 : i32
    %dma_start3A_100 = arith.constant 0 : i32
    %dma_start3A_101 = tpu.memref_slice %arg3[%add3A, %dma_start3A_94, %dma_start3A_99, %dma_start3A_100] : memref<32x5x16x128xi32, #tpu.memory_space<hbm>> -> memref<1x1x16x128xi32, #tpu.memory_space<hbm>>
    %dma_start3A_102 = tpu.memref_squeeze %dma_start3A_101 : memref<1x1x16x128xi32, #tpu.memory_space<hbm>> -> memref<16x128xi32, #tpu.memory_space<hbm>>
    tpu.enqueue_dma source(%dma_start3A_102 : memref<16x128xi32, #tpu.memory_space<hbm>>) target(%arg10 : memref<16x128xi32, #tpu.memory_space<vmem>>) target_semaphore(%arg19 : memref<!tpu.dma_semaphore, #tpu.memory_space<semaphore_mem>>)
    %scan3A_103 = arith.constant 0 : i32
    %scan3A_104 = arith.constant 8 : i32
    %scan3A_105 = arith.addi %scan3A_103, %scan3A_104 : i32
    %scan3A_106 = arith.constant 1 : i32
    scf.for %scan3A_177 = %scan3A_103 to %scan3A_105 step %scan3A_106  : i32 {
      %mul3A_178 = arith.constant 2 : i32
      %mul3A_179 = arith.muli %scan3A_177, %mul3A_178 : i32
      %add3A_180 = arith.constant 0 : i32
      %add3A_181 = arith.addi %add3A_180, %mul3A_179 : i32
      %dma_start3A_182 = arith.constant 0 : i32
      %dma_start3A_183 = tpu.memref_slice %arg7[%add3A_181, %dma_start3A_182] : memref<16x128xi32, #tpu.memory_space<vmem>> -> memref<1x128xi32, #tpu.memory_space<vmem>>
      %dma_start3A_184 = tpu.memref_squeeze %dma_start3A_183 : memref<1x128xi32, #tpu.memory_space<vmem>> -> memref<128xi32, #tpu.memory_space<vmem>>
      %dma_start3A_185 = arith.constant 0 : i32
      %dma_start3A_186 = arith.constant 0 : i32
      %dma_start3A_187 = tpu.memref_slice %arg4[%dma_start3A_185, %dma_start3A_186] : memref<10240x128xf32, #tpu.memory_space<hbm>> -> memref<10240x128xf32, #tpu.memory_space<hbm>>
      tpu.enqueue_indirect_dma source(%dma_start3A_187 : memref<10240x128xf32, #tpu.memory_space<hbm>>) target(%arg11 : memref<128x128xf32, #tpu.memory_space<vmem>>) offsets(%dma_start3A_184 : memref<128xi32, #tpu.memory_space<vmem>>) semaphore(%arg14 : memref<!tpu.dma_semaphore, #tpu.memory_space<semaphore_mem>>)
      %add3A_188 = arith.constant 1 : i32
      %add3A_189 = arith.addi %add3A_181, %add3A_188 : i32
      %dma_start3A_190 = arith.constant 0 : i32
      %dma_start3A_191 = tpu.memref_slice %arg7[%add3A_189, %dma_start3A_190] : memref<16x128xi32, #tpu.memory_space<vmem>> -> memref<1x128xi32, #tpu.memory_space<vmem>>
      %dma_start3A_192 = tpu.memref_squeeze %dma_start3A_191 : memref<1x128xi32, #tpu.memory_space<vmem>> -> memref<128xi32, #tpu.memory_space<vmem>>
      %dma_start3A_193 = arith.constant 0 : i32
      %dma_start3A_194 = arith.constant 0 : i32
      %dma_start3A_195 = tpu.memref_slice %arg4[%dma_start3A_193, %dma_start3A_194] : memref<10240x128xf32, #tpu.memory_space<hbm>> -> memref<10240x128xf32, #tpu.memory_space<hbm>>
      tpu.enqueue_indirect_dma source(%dma_start3A_195 : memref<10240x128xf32, #tpu.memory_space<hbm>>) target(%arg12 : memref<128x128xf32, #tpu.memory_space<vmem>>) offsets(%dma_start3A_192 : memref<128xi32, #tpu.memory_space<vmem>>) semaphore(%arg15 : memref<!tpu.dma_semaphore, #tpu.memory_space<semaphore_mem>>)
      %dma_wait3A_196 = arith.constant 0 : i32
      %dma_wait3A_197 = arith.constant 0 : i32
      %dma_wait3A_198 = tpu.memref_slice %arg4[%dma_wait3A_196, %dma_wait3A_197] : memref<10240x128xf32, #tpu.memory_space<hbm>> -> memref<128x128xf32, #tpu.memory_space<hbm>>
      %dma_wait3A_199 = arith.constant 0 : i32
      %dma_wait3A_200 = arith.constant 0 : i32
      %dma_wait3A_201 = tpu.memref_slice %arg4[%dma_wait3A_199, %dma_wait3A_200] : memref<10240x128xf32, #tpu.memory_space<hbm>> -> memref<128x128xf32, #tpu.memory_space<hbm>>
      tpu.wait_dma2 semaphore(%arg14 : memref<!tpu.dma_semaphore, #tpu.memory_space<semaphore_mem>>) src(%dma_wait3A_201 : memref<128x128xf32, #tpu.memory_space<hbm>>) dst(%arg11 : memref<128x128xf32, #tpu.memory_space<vmem>>)
      "tpu.region"() ({
        %run_scoped3A_210 = tpu.sem_alloc : memref<!tpu.dma_semaphore, #tpu.memory_space<semaphore_mem>>
        %dma_start3A_211 = arith.constant 0 : i32
        %dma_start3A_212 = tpu.memref_slice %arg9[%add3A_181, %dma_start3A_211] : memref<16x128xi32, #tpu.memory_space<vmem>> -> memref<1x128xi32, #tpu.memory_space<vmem>>
        %dma_start3A_213 = tpu.memref_squeeze %dma_start3A_212 : memref<1x128xi32, #tpu.memory_space<vmem>> -> memref<128xi32, #tpu.memory_space<vmem>>
        %dma_start3A_214 = arith.constant 0 : i32
        %dma_start3A_215 = arith.constant 0 : i32
        %dma_start3A_216 = tpu.memref_slice %arg13[%dma_start3A_214, %dma_start3A_215] : memref<10240x128xf32, #tpu.memory_space<vmem_shared>> -> memref<10240x128xf32, #tpu.memory_space<vmem_shared>>
        tpu.enqueue_indirect_dma source(%arg11 : memref<128x128xf32, #tpu.memory_space<vmem>>) target(%dma_start3A_216 : memref<10240x128xf32, #tpu.memory_space<vmem_shared>>) offsets(%dma_start3A_213 : memref<128xi32, #tpu.memory_space<vmem>>) semaphore(%run_scoped3A_210 : memref<!tpu.dma_semaphore, #tpu.memory_space<semaphore_mem>>) {add = true}
        %dma_wait3A_217 = arith.constant 0 : i32
        %dma_wait3A_218 = tpu.memref_slice %arg9[%add3A_181, %dma_wait3A_217] : memref<16x128xi32, #tpu.memory_space<vmem>> -> memref<1x128xi32, #tpu.memory_space<vmem>>
        %dma_wait3A_219 = tpu.memref_squeeze %dma_wait3A_218 : memref<1x128xi32, #tpu.memory_space<vmem>> -> memref<128xi32, #tpu.memory_space<vmem>>
        %dma_wait3A_220 = arith.constant 0 : i32
        %dma_wait3A_221 = arith.constant 0 : i32
        %dma_wait3A_222 = tpu.memref_slice %arg13[%dma_wait3A_220, %dma_wait3A_221] : memref<10240x128xf32, #tpu.memory_space<vmem_shared>> -> memref<10240x128xf32, #tpu.memory_space<vmem_shared>>
        tpu.wait_indirect_dma semaphore(%run_scoped3A_210 : memref<!tpu.dma_semaphore, #tpu.memory_space<semaphore_mem>>) src(%arg11 : memref<128x128xf32, #tpu.memory_space<vmem>>) dst(%dma_wait3A_222 : memref<10240x128xf32, #tpu.memory_space<vmem_shared>>)
        tpu.yield
      }) : () -> ()
      %dma_wait3A_202 = arith.constant 0 : i32
      %dma_wait3A_203 = arith.constant 0 : i32
      %dma_wait3A_204 = tpu.memref_slice %arg4[%dma_wait3A_202, %dma_wait3A_203] : memref<10240x128xf32, #tpu.memory_space<hbm>> -> memref<128x128xf32, #tpu.memory_space<hbm>>
      %dma_wait3A_205 = arith.constant 0 : i32
      %dma_wait3A_206 = arith.constant 0 : i32
      %dma_wait3A_207 = tpu.memref_slice %arg4[%dma_wait3A_205, %dma_wait3A_206] : memref<10240x128xf32, #tpu.memory_space<hbm>> -> memref<128x128xf32, #tpu.memory_space<hbm>>
      tpu.wait_dma2 semaphore(%arg15 : memref<!tpu.dma_semaphore, #tpu.memory_space<semaphore_mem>>) src(%dma_wait3A_207 : memref<128x128xf32, #tpu.memory_space<hbm>>) dst(%arg12 : memref<128x128xf32, #tpu.memory_space<vmem>>)
      %add3A_208 = arith.constant 1 : i32
      %add3A_209 = arith.addi %add3A_181, %add3A_208 : i32
      "tpu.region"() ({
        %run_scoped3A_210 = tpu.sem_alloc : memref<!tpu.dma_semaphore, #tpu.memory_space<semaphore_mem>>
        %dma_start3A_211 = arith.constant 0 : i32
        %dma_start3A_212 = tpu.memref_slice %arg9[%add3A_209, %dma_start3A_211] : memref<16x128xi32, #tpu.memory_space<vmem>> -> memref<1x128xi32, #tpu.memory_space<vmem>>
        %dma_start3A_213 = tpu.memref_squeeze %dma_start3A_212 : memref<1x128xi32, #tpu.memory_space<vmem>> -> memref<128xi32, #tpu.memory_space<vmem>>
        %dma_start3A_214 = arith.constant 0 : i32
        %dma_start3A_215 = arith.constant 0 : i32
        %dma_start3A_216 = tpu.memref_slice %arg13[%dma_start3A_214, %dma_start3A_215] : memref<10240x128xf32, #tpu.memory_space<vmem_shared>> -> memref<10240x128xf32, #tpu.memory_space<vmem_shared>>
        tpu.enqueue_indirect_dma source(%arg12 : memref<128x128xf32, #tpu.memory_space<vmem>>) target(%dma_start3A_216 : memref<10240x128xf32, #tpu.memory_space<vmem_shared>>) offsets(%dma_start3A_213 : memref<128xi32, #tpu.memory_space<vmem>>) semaphore(%run_scoped3A_210 : memref<!tpu.dma_semaphore, #tpu.memory_space<semaphore_mem>>) {add = true}
        %dma_wait3A_217 = arith.constant 0 : i32
        %dma_wait3A_218 = tpu.memref_slice %arg9[%add3A_209, %dma_wait3A_217] : memref<16x128xi32, #tpu.memory_space<vmem>> -> memref<1x128xi32, #tpu.memory_space<vmem>>
        %dma_wait3A_219 = tpu.memref_squeeze %dma_wait3A_218 : memref<1x128xi32, #tpu.memory_space<vmem>> -> memref<128xi32, #tpu.memory_space<vmem>>
        %dma_wait3A_220 = arith.constant 0 : i32
        %dma_wait3A_221 = arith.constant 0 : i32
        %dma_wait3A_222 = tpu.memref_slice %arg13[%dma_wait3A_220, %dma_wait3A_221] : memref<10240x128xf32, #tpu.memory_space<vmem_shared>> -> memref<10240x128xf32, #tpu.memory_space<vmem_shared>>
        tpu.wait_indirect_dma semaphore(%run_scoped3A_210 : memref<!tpu.dma_semaphore, #tpu.memory_space<semaphore_mem>>) src(%arg12 : memref<128x128xf32, #tpu.memory_space<vmem>>) dst(%dma_wait3A_222 : memref<10240x128xf32, #tpu.memory_space<vmem_shared>>)
        tpu.yield
      }) : () -> ()
    }
    %scan3A_107 = arith.constant 8 : i32
    %dma_wait3A_108 = arith.constant 3 : i32
    %dma_wait3A_109 = arith.constant 0 : i32
    %dma_wait3A_110 = arith.constant 0 : i32
    %dma_wait3A_111 = tpu.memref_slice %arg2[%add3A, %dma_wait3A_108, %dma_wait3A_109, %dma_wait3A_110] : memref<32x5x16x128xi32, #tpu.memory_space<hbm>> -> memref<1x1x16x128xi32, #tpu.memory_space<hbm>>
    %dma_wait3A_112 = tpu.memref_squeeze %dma_wait3A_111 : memref<1x1x16x128xi32, #tpu.memory_space<hbm>> -> memref<16x128xi32, #tpu.memory_space<hbm>>
    %dma_wait3A_113 = arith.constant 0 : i32
    %dma_wait3A_114 = arith.constant 0 : i32
    %dma_wait3A_115 = tpu.memref_slice %arg2[%add3A, %dma_wait3A_108, %dma_wait3A_113, %dma_wait3A_114] : memref<32x5x16x128xi32, #tpu.memory_space<hbm>> -> memref<1x1x16x128xi32, #tpu.memory_space<hbm>>
    %dma_wait3A_116 = tpu.memref_squeeze %dma_wait3A_115 : memref<1x1x16x128xi32, #tpu.memory_space<hbm>> -> memref<16x128xi32, #tpu.memory_space<hbm>>
    tpu.wait_dma2 semaphore(%arg17 : memref<!tpu.dma_semaphore, #tpu.memory_space<semaphore_mem>>) src(%dma_wait3A_116 : memref<16x128xi32, #tpu.memory_space<hbm>>) dst(%arg8 : memref<16x128xi32, #tpu.memory_space<vmem>>)
    %dma_wait3A_117 = arith.constant 3 : i32
    %dma_wait3A_118 = arith.constant 0 : i32
    %dma_wait3A_119 = arith.constant 0 : i32
    %dma_wait3A_120 = tpu.memref_slice %arg3[%add3A, %dma_wait3A_117, %dma_wait3A_118, %dma_wait3A_119] : memref<32x5x16x128xi32, #tpu.memory_space<hbm>> -> memref<1x1x16x128xi32, #tpu.memory_space<hbm>>
    %dma_wait3A_121 = tpu.memref_squeeze %dma_wait3A_120 : memref<1x1x16x128xi32, #tpu.memory_space<hbm>> -> memref<16x128xi32, #tpu.memory_space<hbm>>
    %dma_wait3A_122 = arith.constant 0 : i32
    %dma_wait3A_123 = arith.constant 0 : i32
    %dma_wait3A_124 = tpu.memref_slice %arg3[%add3A, %dma_wait3A_117, %dma_wait3A_122, %dma_wait3A_123] : memref<32x5x16x128xi32, #tpu.memory_space<hbm>> -> memref<1x1x16x128xi32, #tpu.memory_space<hbm>>
    %dma_wait3A_125 = tpu.memref_squeeze %dma_wait3A_124 : memref<1x1x16x128xi32, #tpu.memory_space<hbm>> -> memref<16x128xi32, #tpu.memory_space<hbm>>
    tpu.wait_dma2 semaphore(%arg19 : memref<!tpu.dma_semaphore, #tpu.memory_space<semaphore_mem>>) src(%dma_wait3A_125 : memref<16x128xi32, #tpu.memory_space<hbm>>) dst(%arg10 : memref<16x128xi32, #tpu.memory_space<vmem>>)
    %dma_start3A_126 = arith.constant 4 : i32
    %dma_start3A_127 = arith.constant 0 : i32
    %dma_start3A_128 = arith.constant 0 : i32
    %dma_start3A_129 = tpu.memref_slice %arg2[%add3A, %dma_start3A_126, %dma_start3A_127, %dma_start3A_128] : memref<32x5x16x128xi32, #tpu.memory_space<hbm>> -> memref<1x1x16x128xi32, #tpu.memory_space<hbm>>
    %dma_start3A_130 = tpu.memref_squeeze %dma_start3A_129 : memref<1x1x16x128xi32, #tpu.memory_space<hbm>> -> memref<16x128xi32, #tpu.memory_space<hbm>>
    %dma_start3A_131 = arith.constant 0 : i32
    %dma_start3A_132 = arith.constant 0 : i32
    %dma_start3A_133 = tpu.memref_slice %arg2[%add3A, %dma_start3A_126, %dma_start3A_131, %dma_start3A_132] : memref<32x5x16x128xi32, #tpu.memory_space<hbm>> -> memref<1x1x16x128xi32, #tpu.memory_space<hbm>>
    %dma_start3A_134 = tpu.memref_squeeze %dma_start3A_133 : memref<1x1x16x128xi32, #tpu.memory_space<hbm>> -> memref<16x128xi32, #tpu.memory_space<hbm>>
    tpu.enqueue_dma source(%dma_start3A_134 : memref<16x128xi32, #tpu.memory_space<hbm>>) target(%arg7 : memref<16x128xi32, #tpu.memory_space<vmem>>) target_semaphore(%arg16 : memref<!tpu.dma_semaphore, #tpu.memory_space<semaphore_mem>>)
    %dma_start3A_135 = arith.constant 4 : i32
    %dma_start3A_136 = arith.constant 0 : i32
    %dma_start3A_137 = arith.constant 0 : i32
    %dma_start3A_138 = tpu.memref_slice %arg3[%add3A, %dma_start3A_135, %dma_start3A_136, %dma_start3A_137] : memref<32x5x16x128xi32, #tpu.memory_space<hbm>> -> memref<1x1x16x128xi32, #tpu.memory_space<hbm>>
    %dma_start3A_139 = tpu.memref_squeeze %dma_start3A_138 : memref<1x1x16x128xi32, #tpu.memory_space<hbm>> -> memref<16x128xi32, #tpu.memory_space<hbm>>
    %dma_start3A_140 = arith.constant 0 : i32
    %dma_start3A_141 = arith.constant 0 : i32
    %dma_start3A_142 = tpu.memref_slice %arg3[%add3A, %dma_start3A_135, %dma_start3A_140, %dma_start3A_141] : memref<32x5x16x128xi32, #tpu.memory_space<hbm>> -> memref<1x1x16x128xi32, #tpu.memory_space<hbm>>
    %dma_start3A_143 = tpu.memref_squeeze %dma_start3A_142 : memref<1x1x16x128xi32, #tpu.memory_space<hbm>> -> memref<16x128xi32, #tpu.memory_space<hbm>>
    tpu.enqueue_dma source(%dma_start3A_143 : memref<16x128xi32, #tpu.memory_space<hbm>>) target(%arg9 : memref<16x128xi32, #tpu.memory_space<vmem>>) target_semaphore(%arg18 : memref<!tpu.dma_semaphore, #tpu.memory_space<semaphore_mem>>)
    %scan3A_144 = arith.constant 0 : i32
    %scan3A_145 = arith.constant 8 : i32
    %scan3A_146 = arith.addi %scan3A_144, %scan3A_145 : i32
    %scan3A_147 = arith.constant 1 : i32
    scf.for %scan3A_177 = %scan3A_144 to %scan3A_146 step %scan3A_147  : i32 {
      %mul3A_178 = arith.constant 2 : i32
      %mul3A_179 = arith.muli %scan3A_177, %mul3A_178 : i32
      %add3A_180 = arith.constant 0 : i32
      %add3A_181 = arith.addi %add3A_180, %mul3A_179 : i32
      %dma_start3A_182 = arith.constant 0 : i32
      %dma_start3A_183 = tpu.memref_slice %arg8[%add3A_181, %dma_start3A_182] : memref<16x128xi32, #tpu.memory_space<vmem>> -> memref<1x128xi32, #tpu.memory_space<vmem>>
      %dma_start3A_184 = tpu.memref_squeeze %dma_start3A_183 : memref<1x128xi32, #tpu.memory_space<vmem>> -> memref<128xi32, #tpu.memory_space<vmem>>
      %dma_start3A_185 = arith.constant 0 : i32
      %dma_start3A_186 = arith.constant 0 : i32
      %dma_start3A_187 = tpu.memref_slice %arg4[%dma_start3A_185, %dma_start3A_186] : memref<10240x128xf32, #tpu.memory_space<hbm>> -> memref<10240x128xf32, #tpu.memory_space<hbm>>
      tpu.enqueue_indirect_dma source(%dma_start3A_187 : memref<10240x128xf32, #tpu.memory_space<hbm>>) target(%arg11 : memref<128x128xf32, #tpu.memory_space<vmem>>) offsets(%dma_start3A_184 : memref<128xi32, #tpu.memory_space<vmem>>) semaphore(%arg14 : memref<!tpu.dma_semaphore, #tpu.memory_space<semaphore_mem>>)
      %add3A_188 = arith.constant 1 : i32
      %add3A_189 = arith.addi %add3A_181, %add3A_188 : i32
      %dma_start3A_190 = arith.constant 0 : i32
      %dma_start3A_191 = tpu.memref_slice %arg8[%add3A_189, %dma_start3A_190] : memref<16x128xi32, #tpu.memory_space<vmem>> -> memref<1x128xi32, #tpu.memory_space<vmem>>
      %dma_start3A_192 = tpu.memref_squeeze %dma_start3A_191 : memref<1x128xi32, #tpu.memory_space<vmem>> -> memref<128xi32, #tpu.memory_space<vmem>>
      %dma_start3A_193 = arith.constant 0 : i32
      %dma_start3A_194 = arith.constant 0 : i32
      %dma_start3A_195 = tpu.memref_slice %arg4[%dma_start3A_193, %dma_start3A_194] : memref<10240x128xf32, #tpu.memory_space<hbm>> -> memref<10240x128xf32, #tpu.memory_space<hbm>>
      tpu.enqueue_indirect_dma source(%dma_start3A_195 : memref<10240x128xf32, #tpu.memory_space<hbm>>) target(%arg12 : memref<128x128xf32, #tpu.memory_space<vmem>>) offsets(%dma_start3A_192 : memref<128xi32, #tpu.memory_space<vmem>>) semaphore(%arg15 : memref<!tpu.dma_semaphore, #tpu.memory_space<semaphore_mem>>)
      %dma_wait3A_196 = arith.constant 0 : i32
      %dma_wait3A_197 = arith.constant 0 : i32
      %dma_wait3A_198 = tpu.memref_slice %arg4[%dma_wait3A_196, %dma_wait3A_197] : memref<10240x128xf32, #tpu.memory_space<hbm>> -> memref<128x128xf32, #tpu.memory_space<hbm>>
      %dma_wait3A_199 = arith.constant 0 : i32
      %dma_wait3A_200 = arith.constant 0 : i32
      %dma_wait3A_201 = tpu.memref_slice %arg4[%dma_wait3A_199, %dma_wait3A_200] : memref<10240x128xf32, #tpu.memory_space<hbm>> -> memref<128x128xf32, #tpu.memory_space<hbm>>
      tpu.wait_dma2 semaphore(%arg14 : memref<!tpu.dma_semaphore, #tpu.memory_space<semaphore_mem>>) src(%dma_wait3A_201 : memref<128x128xf32, #tpu.memory_space<hbm>>) dst(%arg11 : memref<128x128xf32, #tpu.memory_space<vmem>>)
      "tpu.region"() ({
        %run_scoped3A_210 = tpu.sem_alloc : memref<!tpu.dma_semaphore, #tpu.memory_space<semaphore_mem>>
        %dma_start3A_211 = arith.constant 0 : i32
        %dma_start3A_212 = tpu.memref_slice %arg10[%add3A_181, %dma_start3A_211] : memref<16x128xi32, #tpu.memory_space<vmem>> -> memref<1x128xi32, #tpu.memory_space<vmem>>
        %dma_start3A_213 = tpu.memref_squeeze %dma_start3A_212 : memref<1x128xi32, #tpu.memory_space<vmem>> -> memref<128xi32, #tpu.memory_space<vmem>>
        %dma_start3A_214 = arith.constant 0 : i32
        %dma_start3A_215 = arith.constant 0 : i32
        %dma_start3A_216 = tpu.memref_slice %arg13[%dma_start3A_214, %dma_start3A_215] : memref<10240x128xf32, #tpu.memory_space<vmem_shared>> -> memref<10240x128xf32, #tpu.memory_space<vmem_shared>>
        tpu.enqueue_indirect_dma source(%arg11 : memref<128x128xf32, #tpu.memory_space<vmem>>) target(%dma_start3A_216 : memref<10240x128xf32, #tpu.memory_space<vmem_shared>>) offsets(%dma_start3A_213 : memref<128xi32, #tpu.memory_space<vmem>>) semaphore(%run_scoped3A_210 : memref<!tpu.dma_semaphore, #tpu.memory_space<semaphore_mem>>) {add = true}
        %dma_wait3A_217 = arith.constant 0 : i32
        %dma_wait3A_218 = tpu.memref_slice %arg10[%add3A_181, %dma_wait3A_217] : memref<16x128xi32, #tpu.memory_space<vmem>> -> memref<1x128xi32, #tpu.memory_space<vmem>>
        %dma_wait3A_219 = tpu.memref_squeeze %dma_wait3A_218 : memref<1x128xi32, #tpu.memory_space<vmem>> -> memref<128xi32, #tpu.memory_space<vmem>>
        %dma_wait3A_220 = arith.constant 0 : i32
        %dma_wait3A_221 = arith.constant 0 : i32
        %dma_wait3A_222 = tpu.memref_slice %arg13[%dma_wait3A_220, %dma_wait3A_221] : memref<10240x128xf32, #tpu.memory_space<vmem_shared>> -> memref<10240x128xf32, #tpu.memory_space<vmem_shared>>
        tpu.wait_indirect_dma semaphore(%run_scoped3A_210 : memref<!tpu.dma_semaphore, #tpu.memory_space<semaphore_mem>>) src(%arg11 : memref<128x128xf32, #tpu.memory_space<vmem>>) dst(%dma_wait3A_222 : memref<10240x128xf32, #tpu.memory_space<vmem_shared>>)
        tpu.yield
      }) : () -> ()
      %dma_wait3A_202 = arith.constant 0 : i32
      %dma_wait3A_203 = arith.constant 0 : i32
      %dma_wait3A_204 = tpu.memref_slice %arg4[%dma_wait3A_202, %dma_wait3A_203] : memref<10240x128xf32, #tpu.memory_space<hbm>> -> memref<128x128xf32, #tpu.memory_space<hbm>>
      %dma_wait3A_205 = arith.constant 0 : i32
      %dma_wait3A_206 = arith.constant 0 : i32
      %dma_wait3A_207 = tpu.memref_slice %arg4[%dma_wait3A_205, %dma_wait3A_206] : memref<10240x128xf32, #tpu.memory_space<hbm>> -> memref<128x128xf32, #tpu.memory_space<hbm>>
      tpu.wait_dma2 semaphore(%arg15 : memref<!tpu.dma_semaphore, #tpu.memory_space<semaphore_mem>>) src(%dma_wait3A_207 : memref<128x128xf32, #tpu.memory_space<hbm>>) dst(%arg12 : memref<128x128xf32, #tpu.memory_space<vmem>>)
      %add3A_208 = arith.constant 1 : i32
      %add3A_209 = arith.addi %add3A_181, %add3A_208 : i32
      "tpu.region"() ({
        %run_scoped3A_210 = tpu.sem_alloc : memref<!tpu.dma_semaphore, #tpu.memory_space<semaphore_mem>>
        %dma_start3A_211 = arith.constant 0 : i32
        %dma_start3A_212 = tpu.memref_slice %arg10[%add3A_209, %dma_start3A_211] : memref<16x128xi32, #tpu.memory_space<vmem>> -> memref<1x128xi32, #tpu.memory_space<vmem>>
        %dma_start3A_213 = tpu.memref_squeeze %dma_start3A_212 : memref<1x128xi32, #tpu.memory_space<vmem>> -> memref<128xi32, #tpu.memory_space<vmem>>
        %dma_start3A_214 = arith.constant 0 : i32
        %dma_start3A_215 = arith.constant 0 : i32
        %dma_start3A_216 = tpu.memref_slice %arg13[%dma_start3A_214, %dma_start3A_215] : memref<10240x128xf32, #tpu.memory_space<vmem_shared>> -> memref<10240x128xf32, #tpu.memory_space<vmem_shared>>
        tpu.enqueue_indirect_dma source(%arg12 : memref<128x128xf32, #tpu.memory_space<vmem>>) target(%dma_start3A_216 : memref<10240x128xf32, #tpu.memory_space<vmem_shared>>) offsets(%dma_start3A_213 : memref<128xi32, #tpu.memory_space<vmem>>) semaphore(%run_scoped3A_210 : memref<!tpu.dma_semaphore, #tpu.memory_space<semaphore_mem>>) {add = true}
        %dma_wait3A_217 = arith.constant 0 : i32
        %dma_wait3A_218 = tpu.memref_slice %arg10[%add3A_209, %dma_wait3A_217] : memref<16x128xi32, #tpu.memory_space<vmem>> -> memref<1x128xi32, #tpu.memory_space<vmem>>
        %dma_wait3A_219 = tpu.memref_squeeze %dma_wait3A_218 : memref<1x128xi32, #tpu.memory_space<vmem>> -> memref<128xi32, #tpu.memory_space<vmem>>
        %dma_wait3A_220 = arith.constant 0 : i32
        %dma_wait3A_221 = arith.constant 0 : i32
        %dma_wait3A_222 = tpu.memref_slice %arg13[%dma_wait3A_220, %dma_wait3A_221] : memref<10240x128xf32, #tpu.memory_space<vmem_shared>> -> memref<10240x128xf32, #tpu.memory_space<vmem_shared>>
        tpu.wait_indirect_dma semaphore(%run_scoped3A_210 : memref<!tpu.dma_semaphore, #tpu.memory_space<semaphore_mem>>) src(%arg12 : memref<128x128xf32, #tpu.memory_space<vmem>>) dst(%dma_wait3A_222 : memref<10240x128xf32, #tpu.memory_space<vmem_shared>>)
        tpu.yield
      }) : () -> ()
    }
    %scan3A_148 = arith.constant 8 : i32
    %dma_wait3A_149 = arith.constant 4 : i32
    %dma_wait3A_150 = arith.constant 0 : i32
    %dma_wait3A_151 = arith.constant 0 : i32
    %dma_wait3A_152 = tpu.memref_slice %arg2[%add3A, %dma_wait3A_149, %dma_wait3A_150, %dma_wait3A_151] : memref<32x5x16x128xi32, #tpu.memory_space<hbm>> -> memref<1x1x16x128xi32, #tpu.memory_space<hbm>>
    %dma_wait3A_153 = tpu.memref_squeeze %dma_wait3A_152 : memref<1x1x16x128xi32, #tpu.memory_space<hbm>> -> memref<16x128xi32, #tpu.memory_space<hbm>>
    %dma_wait3A_154 = arith.constant 0 : i32
    %dma_wait3A_155 = arith.constant 0 : i32
    %dma_wait3A_156 = tpu.memref_slice %arg2[%add3A, %dma_wait3A_149, %dma_wait3A_154, %dma_wait3A_155] : memref<32x5x16x128xi32, #tpu.memory_space<hbm>> -> memref<1x1x16x128xi32, #tpu.memory_space<hbm>>
    %dma_wait3A_157 = tpu.memref_squeeze %dma_wait3A_156 : memref<1x1x16x128xi32, #tpu.memory_space<hbm>> -> memref<16x128xi32, #tpu.memory_space<hbm>>
    tpu.wait_dma2 semaphore(%arg16 : memref<!tpu.dma_semaphore, #tpu.memory_space<semaphore_mem>>) src(%dma_wait3A_157 : memref<16x128xi32, #tpu.memory_space<hbm>>) dst(%arg7 : memref<16x128xi32, #tpu.memory_space<vmem>>)
    %dma_wait3A_158 = arith.constant 4 : i32
    %dma_wait3A_159 = arith.constant 0 : i32
    %dma_wait3A_160 = arith.constant 0 : i32
    %dma_wait3A_161 = tpu.memref_slice %arg3[%add3A, %dma_wait3A_158, %dma_wait3A_159, %dma_wait3A_160] : memref<32x5x16x128xi32, #tpu.memory_space<hbm>> -> memref<1x1x16x128xi32, #tpu.memory_space<hbm>>
    %dma_wait3A_162 = tpu.memref_squeeze %dma_wait3A_161 : memref<1x1x16x128xi32, #tpu.memory_space<hbm>> -> memref<16x128xi32, #tpu.memory_space<hbm>>
    %dma_wait3A_163 = arith.constant 0 : i32
    %dma_wait3A_164 = arith.constant 0 : i32
    %dma_wait3A_165 = tpu.memref_slice %arg3[%add3A, %dma_wait3A_158, %dma_wait3A_163, %dma_wait3A_164] : memref<32x5x16x128xi32, #tpu.memory_space<hbm>> -> memref<1x1x16x128xi32, #tpu.memory_space<hbm>>
    %dma_wait3A_166 = tpu.memref_squeeze %dma_wait3A_165 : memref<1x1x16x128xi32, #tpu.memory_space<hbm>> -> memref<16x128xi32, #tpu.memory_space<hbm>>
    tpu.wait_dma2 semaphore(%arg18 : memref<!tpu.dma_semaphore, #tpu.memory_space<semaphore_mem>>) src(%dma_wait3A_166 : memref<16x128xi32, #tpu.memory_space<hbm>>) dst(%arg9 : memref<16x128xi32, #tpu.memory_space<vmem>>)
    %scan3A_167 = arith.constant 0 : i32
    %scan3A_168 = arith.constant 8 : i32
    %scan3A_169 = arith.addi %scan3A_167, %scan3A_168 : i32
    %scan3A_170 = arith.constant 1 : i32
    scf.for %scan3A_177 = %scan3A_167 to %scan3A_169 step %scan3A_170  : i32 {
      %mul3A_178 = arith.constant 2 : i32
      %mul3A_179 = arith.muli %scan3A_177, %mul3A_178 : i32
      %add3A_180 = arith.constant 0 : i32
      %add3A_181 = arith.addi %add3A_180, %mul3A_179 : i32
      %dma_start3A_182 = arith.constant 0 : i32
      %dma_start3A_183 = tpu.memref_slice %arg7[%add3A_181, %dma_start3A_182] : memref<16x128xi32, #tpu.memory_space<vmem>> -> memref<1x128xi32, #tpu.memory_space<vmem>>
      %dma_start3A_184 = tpu.memref_squeeze %dma_start3A_183 : memref<1x128xi32, #tpu.memory_space<vmem>> -> memref<128xi32, #tpu.memory_space<vmem>>
      %dma_start3A_185 = arith.constant 0 : i32
      %dma_start3A_186 = arith.constant 0 : i32
      %dma_start3A_187 = tpu.memref_slice %arg4[%dma_start3A_185, %dma_start3A_186] : memref<10240x128xf32, #tpu.memory_space<hbm>> -> memref<10240x128xf32, #tpu.memory_space<hbm>>
      tpu.enqueue_indirect_dma source(%dma_start3A_187 : memref<10240x128xf32, #tpu.memory_space<hbm>>) target(%arg11 : memref<128x128xf32, #tpu.memory_space<vmem>>) offsets(%dma_start3A_184 : memref<128xi32, #tpu.memory_space<vmem>>) semaphore(%arg14 : memref<!tpu.dma_semaphore, #tpu.memory_space<semaphore_mem>>)
      %add3A_188 = arith.constant 1 : i32
      %add3A_189 = arith.addi %add3A_181, %add3A_188 : i32
      %dma_start3A_190 = arith.constant 0 : i32
      %dma_start3A_191 = tpu.memref_slice %arg7[%add3A_189, %dma_start3A_190] : memref<16x128xi32, #tpu.memory_space<vmem>> -> memref<1x128xi32, #tpu.memory_space<vmem>>
      %dma_start3A_192 = tpu.memref_squeeze %dma_start3A_191 : memref<1x128xi32, #tpu.memory_space<vmem>> -> memref<128xi32, #tpu.memory_space<vmem>>
      %dma_start3A_193 = arith.constant 0 : i32
      %dma_start3A_194 = arith.constant 0 : i32
      %dma_start3A_195 = tpu.memref_slice %arg4[%dma_start3A_193, %dma_start3A_194] : memref<10240x128xf32, #tpu.memory_space<hbm>> -> memref<10240x128xf32, #tpu.memory_space<hbm>>
      tpu.enqueue_indirect_dma source(%dma_start3A_195 : memref<10240x128xf32, #tpu.memory_space<hbm>>) target(%arg12 : memref<128x128xf32, #tpu.memory_space<vmem>>) offsets(%dma_start3A_192 : memref<128xi32, #tpu.memory_space<vmem>>) semaphore(%arg15 : memref<!tpu.dma_semaphore, #tpu.memory_space<semaphore_mem>>)
      %dma_wait3A_196 = arith.constant 0 : i32
      %dma_wait3A_197 = arith.constant 0 : i32
      %dma_wait3A_198 = tpu.memref_slice %arg4[%dma_wait3A_196, %dma_wait3A_197] : memref<10240x128xf32, #tpu.memory_space<hbm>> -> memref<128x128xf32, #tpu.memory_space<hbm>>
      %dma_wait3A_199 = arith.constant 0 : i32
      %dma_wait3A_200 = arith.constant 0 : i32
      %dma_wait3A_201 = tpu.memref_slice %arg4[%dma_wait3A_199, %dma_wait3A_200] : memref<10240x128xf32, #tpu.memory_space<hbm>> -> memref<128x128xf32, #tpu.memory_space<hbm>>
      tpu.wait_dma2 semaphore(%arg14 : memref<!tpu.dma_semaphore, #tpu.memory_space<semaphore_mem>>) src(%dma_wait3A_201 : memref<128x128xf32, #tpu.memory_space<hbm>>) dst(%arg11 : memref<128x128xf32, #tpu.memory_space<vmem>>)
      "tpu.region"() ({
        %run_scoped3A_210 = tpu.sem_alloc : memref<!tpu.dma_semaphore, #tpu.memory_space<semaphore_mem>>
        %dma_start3A_211 = arith.constant 0 : i32
        %dma_start3A_212 = tpu.memref_slice %arg9[%add3A_181, %dma_start3A_211] : memref<16x128xi32, #tpu.memory_space<vmem>> -> memref<1x128xi32, #tpu.memory_space<vmem>>
        %dma_start3A_213 = tpu.memref_squeeze %dma_start3A_212 : memref<1x128xi32, #tpu.memory_space<vmem>> -> memref<128xi32, #tpu.memory_space<vmem>>
        %dma_start3A_214 = arith.constant 0 : i32
        %dma_start3A_215 = arith.constant 0 : i32
        %dma_start3A_216 = tpu.memref_slice %arg13[%dma_start3A_214, %dma_start3A_215] : memref<10240x128xf32, #tpu.memory_space<vmem_shared>> -> memref<10240x128xf32, #tpu.memory_space<vmem_shared>>
        tpu.enqueue_indirect_dma source(%arg11 : memref<128x128xf32, #tpu.memory_space<vmem>>) target(%dma_start3A_216 : memref<10240x128xf32, #tpu.memory_space<vmem_shared>>) offsets(%dma_start3A_213 : memref<128xi32, #tpu.memory_space<vmem>>) semaphore(%run_scoped3A_210 : memref<!tpu.dma_semaphore, #tpu.memory_space<semaphore_mem>>) {add = true}
        %dma_wait3A_217 = arith.constant 0 : i32
        %dma_wait3A_218 = tpu.memref_slice %arg9[%add3A_181, %dma_wait3A_217] : memref<16x128xi32, #tpu.memory_space<vmem>> -> memref<1x128xi32, #tpu.memory_space<vmem>>
        %dma_wait3A_219 = tpu.memref_squeeze %dma_wait3A_218 : memref<1x128xi32, #tpu.memory_space<vmem>> -> memref<128xi32, #tpu.memory_space<vmem>>
        %dma_wait3A_220 = arith.constant 0 : i32
        %dma_wait3A_221 = arith.constant 0 : i32
        %dma_wait3A_222 = tpu.memref_slice %arg13[%dma_wait3A_220, %dma_wait3A_221] : memref<10240x128xf32, #tpu.memory_space<vmem_shared>> -> memref<10240x128xf32, #tpu.memory_space<vmem_shared>>
        tpu.wait_indirect_dma semaphore(%run_scoped3A_210 : memref<!tpu.dma_semaphore, #tpu.memory_space<semaphore_mem>>) src(%arg11 : memref<128x128xf32, #tpu.memory_space<vmem>>) dst(%dma_wait3A_222 : memref<10240x128xf32, #tpu.memory_space<vmem_shared>>)
        tpu.yield
      }) : () -> ()
      %dma_wait3A_202 = arith.constant 0 : i32
      %dma_wait3A_203 = arith.constant 0 : i32
      %dma_wait3A_204 = tpu.memref_slice %arg4[%dma_wait3A_202, %dma_wait3A_203] : memref<10240x128xf32, #tpu.memory_space<hbm>> -> memref<128x128xf32, #tpu.memory_space<hbm>>
      %dma_wait3A_205 = arith.constant 0 : i32
      %dma_wait3A_206 = arith.constant 0 : i32
      %dma_wait3A_207 = tpu.memref_slice %arg4[%dma_wait3A_205, %dma_wait3A_206] : memref<10240x128xf32, #tpu.memory_space<hbm>> -> memref<128x128xf32, #tpu.memory_space<hbm>>
      tpu.wait_dma2 semaphore(%arg15 : memref<!tpu.dma_semaphore, #tpu.memory_space<semaphore_mem>>) src(%dma_wait3A_207 : memref<128x128xf32, #tpu.memory_space<hbm>>) dst(%arg12 : memref<128x128xf32, #tpu.memory_space<vmem>>)
      %add3A_208 = arith.constant 1 : i32
      %add3A_209 = arith.addi %add3A_181, %add3A_208 : i32
      "tpu.region"() ({
        %run_scoped3A_210 = tpu.sem_alloc : memref<!tpu.dma_semaphore, #tpu.memory_space<semaphore_mem>>
        %dma_start3A_211 = arith.constant 0 : i32
        %dma_start3A_212 = tpu.memref_slice %arg9[%add3A_209, %dma_start3A_211] : memref<16x128xi32, #tpu.memory_space<vmem>> -> memref<1x128xi32, #tpu.memory_space<vmem>>
        %dma_start3A_213 = tpu.memref_squeeze %dma_start3A_212 : memref<1x128xi32, #tpu.memory_space<vmem>> -> memref<128xi32, #tpu.memory_space<vmem>>
        %dma_start3A_214 = arith.constant 0 : i32
        %dma_start3A_215 = arith.constant 0 : i32
        %dma_start3A_216 = tpu.memref_slice %arg13[%dma_start3A_214, %dma_start3A_215] : memref<10240x128xf32, #tpu.memory_space<vmem_shared>> -> memref<10240x128xf32, #tpu.memory_space<vmem_shared>>
        tpu.enqueue_indirect_dma source(%arg12 : memref<128x128xf32, #tpu.memory_space<vmem>>) target(%dma_start3A_216 : memref<10240x128xf32, #tpu.memory_space<vmem_shared>>) offsets(%dma_start3A_213 : memref<128xi32, #tpu.memory_space<vmem>>) semaphore(%run_scoped3A_210 : memref<!tpu.dma_semaphore, #tpu.memory_space<semaphore_mem>>) {add = true}
        %dma_wait3A_217 = arith.constant 0 : i32
        %dma_wait3A_218 = tpu.memref_slice %arg9[%add3A_209, %dma_wait3A_217] : memref<16x128xi32, #tpu.memory_space<vmem>> -> memref<1x128xi32, #tpu.memory_space<vmem>>
        %dma_wait3A_219 = tpu.memref_squeeze %dma_wait3A_218 : memref<1x128xi32, #tpu.memory_space<vmem>> -> memref<128xi32, #tpu.memory_space<vmem>>
        %dma_wait3A_220 = arith.constant 0 : i32
        %dma_wait3A_221 = arith.constant 0 : i32
        %dma_wait3A_222 = tpu.memref_slice %arg13[%dma_wait3A_220, %dma_wait3A_221] : memref<10240x128xf32, #tpu.memory_space<vmem_shared>> -> memref<10240x128xf32, #tpu.memory_space<vmem_shared>>
        tpu.wait_indirect_dma semaphore(%run_scoped3A_210 : memref<!tpu.dma_semaphore, #tpu.memory_space<semaphore_mem>>) src(%arg12 : memref<128x128xf32, #tpu.memory_space<vmem>>) dst(%dma_wait3A_222 : memref<10240x128xf32, #tpu.memory_space<vmem_shared>>)
        tpu.yield
      }) : () -> ()
    }
    %scan3A_171 = arith.constant 8 : i32
    %barrier3A_172 = arith.constant 0 : index
    tpu.barrier barrier_id(%barrier3A_172)
    %mul3A_173 = arith.constant 640 : i32
    %mul3A_174 = arith.muli %arg1, %mul3A_173 : i32
    %mul3A_175 = arith.constant 640 : i32
    %mul3A_176 = arith.muli %arg1, %mul3A_175 : i32
    "tpu.region"() ({
      %run_scoped3A_177 = tpu.sem_alloc : memref<!tpu.dma_semaphore, #tpu.memory_space<semaphore_mem>>
      %dma_start3A_178 = arith.constant 0 : i32
      %dma_start3A_179 = tpu.memref_slice %arg6[%arg0, %mul3A_176, %dma_start3A_178] : memref<2x10240x128xf32, #tpu.memory_space<hbm>> -> memref<1x640x128xf32, #tpu.memory_space<hbm>>
      %dma_start3A_180 = tpu.memref_squeeze %dma_start3A_179 : memref<1x640x128xf32, #tpu.memory_space<hbm>> -> memref<640x128xf32, #tpu.memory_space<hbm>>
      %dma_start3A_181 = arith.constant 0 : i32
      %dma_start3A_182 = tpu.memref_slice %arg13[%mul3A_174, %dma_start3A_181] : memref<10240x128xf32, #tpu.memory_space<vmem_shared>> -> memref<640x128xf32, #tpu.memory_space<vmem_shared>>
      tpu.enqueue_dma source(%dma_start3A_182 : memref<640x128xf32, #tpu.memory_space<vmem_shared>>) target(%dma_start3A_180 : memref<640x128xf32, #tpu.memory_space<hbm>>) target_semaphore(%run_scoped3A_177 : memref<!tpu.dma_semaphore, #tpu.memory_space<semaphore_mem>>)
      %dma_wait3A_183 = arith.constant 0 : i32
      %dma_wait3A_184 = tpu.memref_slice %arg6[%arg0, %mul3A_176, %dma_wait3A_183] : memref<2x10240x128xf32, #tpu.memory_space<hbm>> -> memref<1x640x128xf32, #tpu.memory_space<hbm>>
      %dma_wait3A_185 = tpu.memref_squeeze %dma_wait3A_184 : memref<1x640x128xf32, #tpu.memory_space<hbm>> -> memref<640x128xf32, #tpu.memory_space<hbm>>
      %dma_wait3A_186 = arith.constant 0 : i32
      %dma_wait3A_187 = tpu.memref_slice %arg13[%mul3A_174, %dma_wait3A_186] : memref<10240x128xf32, #tpu.memory_space<vmem_shared>> -> memref<640x128xf32, #tpu.memory_space<vmem_shared>>
      tpu.wait_dma2 semaphore(%run_scoped3A_177 : memref<!tpu.dma_semaphore, #tpu.memory_space<semaphore_mem>>) src(%dma_wait3A_187 : memref<640x128xf32, #tpu.memory_space<vmem_shared>>) dst(%dma_wait3A_185 : memref<640x128xf32, #tpu.memory_space<hbm>>)
      tpu.yield
    }) : () -> ()
    return
  }
}

#map = affine_map<(d0, d1) -> (0, 0, 0, 0)>
#map1 = affine_map<(d0, d1) -> (0, 0)>
#map2 = affine_map<(d0, d1) -> (0, 0, 0)>
module attributes {stable_mosaic.version = 14 : i64} {
  func.func @body(%arg0: i32, %arg1: i32, %arg2: memref<32x5x16x128xi32, #tpu.memory_space<hbm>>, %arg3: memref<32x5x16x128xi32, #tpu.memory_space<hbm>>, %arg4: memref<10240x128xf32, #tpu.memory_space<hbm>>, %arg5: memref<10240x128xf32, #tpu.memory_space<hbm>>, %arg6: memref<2x10240x128xf32, #tpu.memory_space<hbm>>, %arg7: memref<16x128xi32, #tpu.memory_space<vmem>>, %arg8: memref<16x128xi32, #tpu.memory_space<vmem>>, %arg9: memref<16x128xi32, #tpu.memory_space<vmem>>, %arg10: memref<16x128xi32, #tpu.memory_space<vmem>>, %arg11: memref<128x128xf32, #tpu.memory_space<vmem>>, %arg12: memref<128x128xf32, #tpu.memory_space<vmem>>, %arg13: memref<10240x128xf32, #tpu.memory_space<vmem_shared>>, %arg14: memref<!tpu.dma_semaphore, #tpu.memory_space<semaphore_mem>>, %arg15: memref<!tpu.dma_semaphore, #tpu.memory_space<semaphore_mem>>, %arg16: memref<!tpu.dma_semaphore, #tpu.memory_space<semaphore_mem>>, %arg17: memref<!tpu.dma_semaphore, #tpu.memory_space<semaphore_mem>>, %arg18: memref<!tpu.dma_semaphore, #tpu.memory_space<semaphore_mem>>, %arg19: memref<!tpu.dma_semaphore, #tpu.memory_space<semaphore_mem>>) attributes {dimension_semantics = [#tpu.dimension_semantics<core_parallel>, #tpu.dimension_semantics<subcore_parallel>], iteration_bounds = array<i64: 2, 16>, scalar_prefetch = 0 : i64, scratch_operands = 13 : i64, tpu.core_type = #tpu.core_type<sc_vector_subcore>, window_params = [{transform_indices = #map}, {transform_indices = #map}, {transform_indices = #map1}, {transform_indices = #map1}, {transform_indices = #map2}]} {
    %mul3A = arith.constant 2 : i32
    %mul3A_0 = arith.muli %arg1, %mul3A : i32
    %add3A = arith.addi %mul3A_0, %arg0 : i32
    %mul3A_1 = arith.constant 640 : i32
    %mul3A_2 = arith.muli %arg1, %mul3A_1 : i32
    %mul3A_3 = arith.constant 640 : i32
    %mul3A_4 = arith.muli %arg1, %mul3A_3 : i32
    "tpu.region"() ({
      %run_scoped3A_177 = tpu.sem_alloc : memref<!tpu.dma_semaphore, #tpu.memory_space<semaphore_mem>>
      %dma_start3A_178 = arith.constant 0 : i32
      %dma_start3A_179 = tpu.memref_slice %arg13[%mul3A_4, %dma_start3A_178] : memref<10240x128xf32, #tpu.memory_space<vmem_shared>> -> memref<640x128xf32, #tpu.memory_space<vmem_shared>>
      %dma_start3A_180 = arith.constant 0 : i32
      %dma_start3A_181 = tpu.memref_slice %arg5[%mul3A_2, %dma_start3A_180] : memref<10240x128xf32, #tpu.memory_space<hbm>> -> memref<640x128xf32, #tpu.memory_space<hbm>>
      tpu.enqueue_dma source(%dma_start3A_181 : memref<640x128xf32, #tpu.memory_space<hbm>>) target(%dma_start3A_179 : memref<640x128xf32, #tpu.memory_space<vmem_shared>>) target_semaphore(%run_scoped3A_177 : memref<!tpu.dma_semaphore, #tpu.memory_space<semaphore_mem>>)
      %dma_wait3A_182 = arith.constant 0 : i32
      %dma_wait3A_183 = tpu.memref_slice %arg13[%mul3A_4, %dma_wait3A_182] : memref<10240x128xf32, #tpu.memory_space<vmem_shared>> -> memref<640x128xf32, #tpu.memory_space<vmem_shared>>
      %dma_wait3A_184 = arith.constant 0 : i32
      %dma_wait3A_185 = tpu.memref_slice %arg5[%mul3A_2, %dma_wait3A_184] : memref<10240x128xf32, #tpu.memory_space<hbm>> -> memref<640x128xf32, #tpu.memory_space<hbm>>
      tpu.wait_dma2 semaphore(%run_scoped3A_177 : memref<!tpu.dma_semaphore, #tpu.memory_space<semaphore_mem>>) src(%dma_wait3A_185 : memref<640x128xf32, #tpu.memory_space<hbm>>) dst(%dma_wait3A_183 : memref<640x128xf32, #tpu.memory_space<vmem_shared>>)
      tpu.yield
    }) : () -> ()
    %run_scoped3A = arith.constant 0 : i32
    "tpu.region"() ({
      %run_scoped3A_177 = tpu.sem_alloc : memref<!tpu.dma_semaphore, #tpu.memory_space<semaphore_mem>>
      %dma_start3A_178 = arith.constant 0 : i32
      %dma_start3A_179 = arith.constant 0 : i32
      %dma_start3A_180 = tpu.memref_slice %arg2[%add3A, %run_scoped3A, %dma_start3A_178, %dma_start3A_179] : memref<32x5x16x128xi32, #tpu.memory_space<hbm>> -> memref<1x1x16x128xi32, #tpu.memory_space<hbm>>
      %dma_start3A_181 = tpu.memref_squeeze %dma_start3A_180 : memref<1x1x16x128xi32, #tpu.memory_space<hbm>> -> memref<16x128xi32, #tpu.memory_space<hbm>>
      %dma_start3A_182 = arith.constant 0 : i32
      %dma_start3A_183 = arith.constant 0 : i32
      %dma_start3A_184 = tpu.memref_slice %arg2[%add3A, %run_scoped3A, %dma_start3A_182, %dma_start3A_183] : memref<32x5x16x128xi32, #tpu.memory_space<hbm>> -> memref<1x1x16x128xi32, #tpu.memory_space<hbm>>
      %dma_start3A_185 = tpu.memref_squeeze %dma_start3A_184 : memref<1x1x16x128xi32, #tpu.memory_space<hbm>> -> memref<16x128xi32, #tpu.memory_space<hbm>>
      tpu.enqueue_dma source(%dma_start3A_185 : memref<16x128xi32, #tpu.memory_space<hbm>>) target(%arg7 : memref<16x128xi32, #tpu.memory_space<vmem>>) target_semaphore(%run_scoped3A_177 : memref<!tpu.dma_semaphore, #tpu.memory_space<semaphore_mem>>)
      %dma_wait3A_186 = arith.constant 0 : i32
      %dma_wait3A_187 = arith.constant 0 : i32
      %dma_wait3A_188 = tpu.memref_slice %arg2[%add3A, %run_scoped3A, %dma_wait3A_186, %dma_wait3A_187] : memref<32x5x16x128xi32, #tpu.memory_space<hbm>> -> memref<1x1x16x128xi32, #tpu.memory_space<hbm>>
      %dma_wait3A_189 = tpu.memref_squeeze %dma_wait3A_188 : memref<1x1x16x128xi32, #tpu.memory_space<hbm>> -> memref<16x128xi32, #tpu.memory_space<hbm>>
      %dma_wait3A_190 = arith.constant 0 : i32
      %dma_wait3A_191 = arith.constant 0 : i32
      %dma_wait3A_192 = tpu.memref_slice %arg2[%add3A, %run_scoped3A, %dma_wait3A_190, %dma_wait3A_191] : memref<32x5x16x128xi32, #tpu.memory_space<hbm>> -> memref<1x1x16x128xi32, #tpu.memory_space<hbm>>
      %dma_wait3A_193 = tpu.memref_squeeze %dma_wait3A_192 : memref<1x1x16x128xi32, #tpu.memory_space<hbm>> -> memref<16x128xi32, #tpu.memory_space<hbm>>
      tpu.wait_dma2 semaphore(%run_scoped3A_177 : memref<!tpu.dma_semaphore, #tpu.memory_space<semaphore_mem>>) src(%dma_wait3A_193 : memref<16x128xi32, #tpu.memory_space<hbm>>) dst(%arg7 : memref<16x128xi32, #tpu.memory_space<vmem>>)
      tpu.yield
    }) : () -> ()
    %run_scoped3A_5 = arith.constant 0 : i32
    "tpu.region"() ({
      %run_scoped3A_177 = tpu.sem_alloc : memref<!tpu.dma_semaphore, #tpu.memory_space<semaphore_mem>>
      %dma_start3A_178 = arith.constant 0 : i32
      %dma_start3A_179 = arith.constant 0 : i32
      %dma_start3A_180 = tpu.memref_slice %arg3[%add3A, %run_scoped3A_5, %dma_start3A_178, %dma_start3A_179] : memref<32x5x16x128xi32, #tpu.memory_space<hbm>> -> memref<1x1x16x128xi32, #tpu.memory_space<hbm>>
      %dma_start3A_181 = tpu.memref_squeeze %dma_start3A_180 : memref<1x1x16x128xi32, #tpu.memory_space<hbm>> -> memref<16x128xi32, #tpu.memory_space<hbm>>
      %dma_start3A_182 = arith.constant 0 : i32
      %dma_start3A_183 = arith.constant 0 : i32
      %dma_start3A_184 = tpu.memref_slice %arg3[%add3A, %run_scoped3A_5, %dma_start3A_182, %dma_start3A_183] : memref<32x5x16x128xi32, #tpu.memory_space<hbm>> -> memref<1x1x16x128xi32, #tpu.memory_space<hbm>>
      %dma_start3A_185 = tpu.memref_squeeze %dma_start3A_184 : memref<1x1x16x128xi32, #tpu.memory_space<hbm>> -> memref<16x128xi32, #tpu.memory_space<hbm>>
      tpu.enqueue_dma source(%dma_start3A_185 : memref<16x128xi32, #tpu.memory_space<hbm>>) target(%arg9 : memref<16x128xi32, #tpu.memory_space<vmem>>) target_semaphore(%run_scoped3A_177 : memref<!tpu.dma_semaphore, #tpu.memory_space<semaphore_mem>>)
      %dma_wait3A_186 = arith.constant 0 : i32
      %dma_wait3A_187 = arith.constant 0 : i32
      %dma_wait3A_188 = tpu.memref_slice %arg3[%add3A, %run_scoped3A_5, %dma_wait3A_186, %dma_wait3A_187] : memref<32x5x16x128xi32, #tpu.memory_space<hbm>> -> memref<1x1x16x128xi32, #tpu.memory_space<hbm>>
      %dma_wait3A_189 = tpu.memref_squeeze %dma_wait3A_188 : memref<1x1x16x128xi32, #tpu.memory_space<hbm>> -> memref<16x128xi32, #tpu.memory_space<hbm>>
      %dma_wait3A_190 = arith.constant 0 : i32
      %dma_wait3A_191 = arith.constant 0 : i32
      %dma_wait3A_192 = tpu.memref_slice %arg3[%add3A, %run_scoped3A_5, %dma_wait3A_190, %dma_wait3A_191] : memref<32x5x16x128xi32, #tpu.memory_space<hbm>> -> memref<1x1x16x128xi32, #tpu.memory_space<hbm>>
      %dma_wait3A_193 = tpu.memref_squeeze %dma_wait3A_192 : memref<1x1x16x128xi32, #tpu.memory_space<hbm>> -> memref<16x128xi32, #tpu.memory_space<hbm>>
      tpu.wait_dma2 semaphore(%run_scoped3A_177 : memref<!tpu.dma_semaphore, #tpu.memory_space<semaphore_mem>>) src(%dma_wait3A_193 : memref<16x128xi32, #tpu.memory_space<hbm>>) dst(%arg9 : memref<16x128xi32, #tpu.memory_space<vmem>>)
      tpu.yield
    }) : () -> ()
    %barrier3A = arith.constant 0 : index
    tpu.barrier barrier_id(%barrier3A)
    %dma_start3A = arith.constant 1 : i32
    %dma_start3A_6 = arith.constant 0 : i32
    %dma_start3A_7 = arith.constant 0 : i32
    %dma_start3A_8 = tpu.memref_slice %arg2[%add3A, %dma_start3A, %dma_start3A_6, %dma_start3A_7] : memref<32x5x16x128xi32, #tpu.memory_space<hbm>> -> memref<1x1x16x128xi32, #tpu.memory_space<hbm>>
    %dma_start3A_9 = tpu.memref_squeeze %dma_start3A_8 : memref<1x1x16x128xi32, #tpu.memory_space<hbm>> -> memref<16x128xi32, #tpu.memory_space<hbm>>
    %dma_start3A_10 = arith.constant 0 : i32
    %dma_start3A_11 = arith.constant 0 : i32
    %dma_start3A_12 = tpu.memref_slice %arg2[%add3A, %dma_start3A, %dma_start3A_10, %dma_start3A_11] : memref<32x5x16x128xi32, #tpu.memory_space<hbm>> -> memref<1x1x16x128xi32, #tpu.memory_space<hbm>>
    %dma_start3A_13 = tpu.memref_squeeze %dma_start3A_12 : memref<1x1x16x128xi32, #tpu.memory_space<hbm>> -> memref<16x128xi32, #tpu.memory_space<hbm>>
    tpu.enqueue_dma source(%dma_start3A_13 : memref<16x128xi32, #tpu.memory_space<hbm>>) target(%arg8 : memref<16x128xi32, #tpu.memory_space<vmem>>) target_semaphore(%arg17 : memref<!tpu.dma_semaphore, #tpu.memory_space<semaphore_mem>>)
    %dma_start3A_14 = arith.constant 1 : i32
    %dma_start3A_15 = arith.constant 0 : i32
    %dma_start3A_16 = arith.constant 0 : i32
    %dma_start3A_17 = tpu.memref_slice %arg3[%add3A, %dma_start3A_14, %dma_start3A_15, %dma_start3A_16] : memref<32x5x16x128xi32, #tpu.memory_space<hbm>> -> memref<1x1x16x128xi32, #tpu.memory_space<hbm>>
    %dma_start3A_18 = tpu.memref_squeeze %dma_start3A_17 : memref<1x1x16x128xi32, #tpu.memory_space<hbm>> -> memref<16x128xi32, #tpu.memory_space<hbm>>
    %dma_start3A_19 = arith.constant 0 : i32
    %dma_start3A_20 = arith.constant 0 : i32
    %dma_start3A_21 = tpu.memref_slice %arg3[%add3A, %dma_start3A_14, %dma_start3A_19, %dma_start3A_20] : memref<32x5x16x128xi32, #tpu.memory_space<hbm>> -> memref<1x1x16x128xi32, #tpu.memory_space<hbm>>
    %dma_start3A_22 = tpu.memref_squeeze %dma_start3A_21 : memref<1x1x16x128xi32, #tpu.memory_space<hbm>> -> memref<16x128xi32, #tpu.memory_space<hbm>>
    tpu.enqueue_dma source(%dma_start3A_22 : memref<16x128xi32, #tpu.memory_space<hbm>>) target(%arg10 : memref<16x128xi32, #tpu.memory_space<vmem>>) target_semaphore(%arg19 : memref<!tpu.dma_semaphore, #tpu.memory_space<semaphore_mem>>)
    %scan3A = arith.constant 0 : i32
    %scan3A_23 = arith.constant 8 : i32
    %scan3A_24 = arith.addi %scan3A, %scan3A_23 : i32
    %scan3A_25 = arith.constant 1 : i32
    scf.for %scan3A_177 = %scan3A to %scan3A_24 step %scan3A_25  : i32 {
      %mul3A_178 = arith.constant 2 : i32
      %mul3A_179 = arith.muli %scan3A_177, %mul3A_178 : i32
      %add3A_180 = arith.constant 0 : i32
      %add3A_181 = arith.addi %add3A_180, %mul3A_179 : i32
      %dma_start3A_182 = arith.constant 0 : i32
      %dma_start3A_183 = tpu.memref_slice %arg7[%add3A_181, %dma_start3A_182] : memref<16x128xi32, #tpu.memory_space<vmem>> -> memref<1x128xi32, #tpu.memory_space<vmem>>
      %dma_start3A_184 = tpu.memref_squeeze %dma_start3A_183 : memref<1x128xi32, #tpu.memory_space<vmem>> -> memref<128xi32, #tpu.memory_space<vmem>>
      %dma_start3A_185 = arith.constant 0 : i32
      %dma_start3A_186 = arith.constant 0 : i32
      %dma_start3A_187 = tpu.memref_slice %arg4[%dma_start3A_185, %dma_start3A_186] : memref<10240x128xf32, #tpu.memory_space<hbm>> -> memref<10240x128xf32, #tpu.memory_space<hbm>>
      tpu.enqueue_indirect_dma source(%dma_start3A_187 : memref<10240x128xf32, #tpu.memory_space<hbm>>) target(%arg11 : memref<128x128xf32, #tpu.memory_space<vmem>>) offsets(%dma_start3A_184 : memref<128xi32, #tpu.memory_space<vmem>>) semaphore(%arg14 : memref<!tpu.dma_semaphore, #tpu.memory_space<semaphore_mem>>)
      %add3A_188 = arith.constant 1 : i32
      %add3A_189 = arith.addi %add3A_181, %add3A_188 : i32
      %dma_start3A_190 = arith.constant 0 : i32
      %dma_start3A_191 = tpu.memref_slice %arg7[%add3A_189, %dma_start3A_190] : memref<16x128xi32, #tpu.memory_space<vmem>> -> memref<1x128xi32, #tpu.memory_space<vmem>>
      %dma_start3A_192 = tpu.memref_squeeze %dma_start3A_191 : memref<1x128xi32, #tpu.memory_space<vmem>> -> memref<128xi32, #tpu.memory_space<vmem>>
      %dma_start3A_193 = arith.constant 0 : i32
      %dma_start3A_194 = arith.constant 0 : i32
      %dma_start3A_195 = tpu.memref_slice %arg4[%dma_start3A_193, %dma_start3A_194] : memref<10240x128xf32, #tpu.memory_space<hbm>> -> memref<10240x128xf32, #tpu.memory_space<hbm>>
      tpu.enqueue_indirect_dma source(%dma_start3A_195 : memref<10240x128xf32, #tpu.memory_space<hbm>>) target(%arg12 : memref<128x128xf32, #tpu.memory_space<vmem>>) offsets(%dma_start3A_192 : memref<128xi32, #tpu.memory_space<vmem>>) semaphore(%arg15 : memref<!tpu.dma_semaphore, #tpu.memory_space<semaphore_mem>>)
      %dma_wait3A_196 = arith.constant 0 : i32
      %dma_wait3A_197 = arith.constant 0 : i32
      %dma_wait3A_198 = tpu.memref_slice %arg4[%dma_wait3A_196, %dma_wait3A_197] : memref<10240x128xf32, #tpu.memory_space<hbm>> -> memref<128x128xf32, #tpu.memory_space<hbm>>
      %dma_wait3A_199 = arith.constant 0 : i32
      %dma_wait3A_200 = arith.constant 0 : i32
      %dma_wait3A_201 = tpu.memref_slice %arg4[%dma_wait3A_199, %dma_wait3A_200] : memref<10240x128xf32, #tpu.memory_space<hbm>> -> memref<128x128xf32, #tpu.memory_space<hbm>>
      tpu.wait_dma2 semaphore(%arg14 : memref<!tpu.dma_semaphore, #tpu.memory_space<semaphore_mem>>) src(%dma_wait3A_201 : memref<128x128xf32, #tpu.memory_space<hbm>>) dst(%arg11 : memref<128x128xf32, #tpu.memory_space<vmem>>)
      "tpu.region"() ({
        %run_scoped3A_210 = tpu.sem_alloc : memref<!tpu.dma_semaphore, #tpu.memory_space<semaphore_mem>>
        %dma_start3A_211 = arith.constant 0 : i32
        %dma_start3A_212 = tpu.memref_slice %arg9[%add3A_181, %dma_start3A_211] : memref<16x128xi32, #tpu.memory_space<vmem>> -> memref<1x128xi32, #tpu.memory_space<vmem>>
        %dma_start3A_213 = tpu.memref_squeeze %dma_start3A_212 : memref<1x128xi32, #tpu.memory_space<vmem>> -> memref<128xi32, #tpu.memory_space<vmem>>
        %dma_start3A_214 = arith.constant 0 : i32
        %dma_start3A_215 = arith.constant 0 : i32
        %dma_start3A_216 = tpu.memref_slice %arg13[%dma_start3A_214, %dma_start3A_215] : memref<10240x128xf32, #tpu.memory_space<vmem_shared>> -> memref<10240x128xf32, #tpu.memory_space<vmem_shared>>
        tpu.enqueue_indirect_dma source(%arg11 : memref<128x128xf32, #tpu.memory_space<vmem>>) target(%dma_start3A_216 : memref<10240x128xf32, #tpu.memory_space<vmem_shared>>) offsets(%dma_start3A_213 : memref<128xi32, #tpu.memory_space<vmem>>) semaphore(%run_scoped3A_210 : memref<!tpu.dma_semaphore, #tpu.memory_space<semaphore_mem>>) {add = true}
        %dma_wait3A_217 = arith.constant 0 : i32
        %dma_wait3A_218 = tpu.memref_slice %arg9[%add3A_181, %dma_wait3A_217] : memref<16x128xi32, #tpu.memory_space<vmem>> -> memref<1x128xi32, #tpu.memory_space<vmem>>
        %dma_wait3A_219 = tpu.memref_squeeze %dma_wait3A_218 : memref<1x128xi32, #tpu.memory_space<vmem>> -> memref<128xi32, #tpu.memory_space<vmem>>
        %dma_wait3A_220 = arith.constant 0 : i32
        %dma_wait3A_221 = arith.constant 0 : i32
        %dma_wait3A_222 = tpu.memref_slice %arg13[%dma_wait3A_220, %dma_wait3A_221] : memref<10240x128xf32, #tpu.memory_space<vmem_shared>> -> memref<10240x128xf32, #tpu.memory_space<vmem_shared>>
        tpu.wait_indirect_dma semaphore(%run_scoped3A_210 : memref<!tpu.dma_semaphore, #tpu.memory_space<semaphore_mem>>) src(%arg11 : memref<128x128xf32, #tpu.memory_space<vmem>>) dst(%dma_wait3A_222 : memref<10240x128xf32, #tpu.memory_space<vmem_shared>>)
        tpu.yield
      }) : () -> ()
      %dma_wait3A_202 = arith.constant 0 : i32
      %dma_wait3A_203 = arith.constant 0 : i32
      %dma_wait3A_204 = tpu.memref_slice %arg4[%dma_wait3A_202, %dma_wait3A_203] : memref<10240x128xf32, #tpu.memory_space<hbm>> -> memref<128x128xf32, #tpu.memory_space<hbm>>
      %dma_wait3A_205 = arith.constant 0 : i32
      %dma_wait3A_206 = arith.constant 0 : i32
      %dma_wait3A_207 = tpu.memref_slice %arg4[%dma_wait3A_205, %dma_wait3A_206] : memref<10240x128xf32, #tpu.memory_space<hbm>> -> memref<128x128xf32, #tpu.memory_space<hbm>>
      tpu.wait_dma2 semaphore(%arg15 : memref<!tpu.dma_semaphore, #tpu.memory_space<semaphore_mem>>) src(%dma_wait3A_207 : memref<128x128xf32, #tpu.memory_space<hbm>>) dst(%arg12 : memref<128x128xf32, #tpu.memory_space<vmem>>)
      %add3A_208 = arith.constant 1 : i32
      %add3A_209 = arith.addi %add3A_181, %add3A_208 : i32
      "tpu.region"() ({
        %run_scoped3A_210 = tpu.sem_alloc : memref<!tpu.dma_semaphore, #tpu.memory_space<semaphore_mem>>
        %dma_start3A_211 = arith.constant 0 : i32
        %dma_start3A_212 = tpu.memref_slice %arg9[%add3A_209, %dma_start3A_211] : memref<16x128xi32, #tpu.memory_space<vmem>> -> memref<1x128xi32, #tpu.memory_space<vmem>>
        %dma_start3A_213 = tpu.memref_squeeze %dma_start3A_212 : memref<1x128xi32, #tpu.memory_space<vmem>> -> memref<128xi32, #tpu.memory_space<vmem>>
        %dma_start3A_214 = arith.constant 0 : i32
        %dma_start3A_215 = arith.constant 0 : i32
        %dma_start3A_216 = tpu.memref_slice %arg13[%dma_start3A_214, %dma_start3A_215] : memref<10240x128xf32, #tpu.memory_space<vmem_shared>> -> memref<10240x128xf32, #tpu.memory_space<vmem_shared>>
        tpu.enqueue_indirect_dma source(%arg12 : memref<128x128xf32, #tpu.memory_space<vmem>>) target(%dma_start3A_216 : memref<10240x128xf32, #tpu.memory_space<vmem_shared>>) offsets(%dma_start3A_213 : memref<128xi32, #tpu.memory_space<vmem>>) semaphore(%run_scoped3A_210 : memref<!tpu.dma_semaphore, #tpu.memory_space<semaphore_mem>>) {add = true}
        %dma_wait3A_217 = arith.constant 0 : i32
        %dma_wait3A_218 = tpu.memref_slice %arg9[%add3A_209, %dma_wait3A_217] : memref<16x128xi32, #tpu.memory_space<vmem>> -> memref<1x128xi32, #tpu.memory_space<vmem>>
        %dma_wait3A_219 = tpu.memref_squeeze %dma_wait3A_218 : memref<1x128xi32, #tpu.memory_space<vmem>> -> memref<128xi32, #tpu.memory_space<vmem>>
        %dma_wait3A_220 = arith.constant 0 : i32
        %dma_wait3A_221 = arith.constant 0 : i32
        %dma_wait3A_222 = tpu.memref_slice %arg13[%dma_wait3A_220, %dma_wait3A_221] : memref<10240x128xf32, #tpu.memory_space<vmem_shared>> -> memref<10240x128xf32, #tpu.memory_space<vmem_shared>>
        tpu.wait_indirect_dma semaphore(%run_scoped3A_210 : memref<!tpu.dma_semaphore, #tpu.memory_space<semaphore_mem>>) src(%arg12 : memref<128x128xf32, #tpu.memory_space<vmem>>) dst(%dma_wait3A_222 : memref<10240x128xf32, #tpu.memory_space<vmem_shared>>)
        tpu.yield
      }) : () -> ()
    }
    %scan3A_26 = arith.constant 8 : i32
    %dma_wait3A = arith.constant 1 : i32
    %dma_wait3A_27 = arith.constant 0 : i32
    %dma_wait3A_28 = arith.constant 0 : i32
    %dma_wait3A_29 = tpu.memref_slice %arg2[%add3A, %dma_wait3A, %dma_wait3A_27, %dma_wait3A_28] : memref<32x5x16x128xi32, #tpu.memory_space<hbm>> -> memref<1x1x16x128xi32, #tpu.memory_space<hbm>>
    %dma_wait3A_30 = tpu.memref_squeeze %dma_wait3A_29 : memref<1x1x16x128xi32, #tpu.memory_space<hbm>> -> memref<16x128xi32, #tpu.memory_space<hbm>>
    %dma_wait3A_31 = arith.constant 0 : i32
    %dma_wait3A_32 = arith.constant 0 : i32
    %dma_wait3A_33 = tpu.memref_slice %arg2[%add3A, %dma_wait3A, %dma_wait3A_31, %dma_wait3A_32] : memref<32x5x16x128xi32, #tpu.memory_space<hbm>> -> memref<1x1x16x128xi32, #tpu.memory_space<hbm>>
    %dma_wait3A_34 = tpu.memref_squeeze %dma_wait3A_33 : memref<1x1x16x128xi32, #tpu.memory_space<hbm>> -> memref<16x128xi32, #tpu.memory_space<hbm>>
    tpu.wait_dma2 semaphore(%arg17 : memref<!tpu.dma_semaphore, #tpu.memory_space<semaphore_mem>>) src(%dma_wait3A_34 : memref<16x128xi32, #tpu.memory_space<hbm>>) dst(%arg8 : memref<16x128xi32, #tpu.memory_space<vmem>>)
    %dma_wait3A_35 = arith.constant 1 : i32
    %dma_wait3A_36 = arith.constant 0 : i32
    %dma_wait3A_37 = arith.constant 0 : i32
    %dma_wait3A_38 = tpu.memref_slice %arg3[%add3A, %dma_wait3A_35, %dma_wait3A_36, %dma_wait3A_37] : memref<32x5x16x128xi32, #tpu.memory_space<hbm>> -> memref<1x1x16x128xi32, #tpu.memory_space<hbm>>
    %dma_wait3A_39 = tpu.memref_squeeze %dma_wait3A_38 : memref<1x1x16x128xi32, #tpu.memory_space<hbm>> -> memref<16x128xi32, #tpu.memory_space<hbm>>
    %dma_wait3A_40 = arith.constant 0 : i32
    %dma_wait3A_41 = arith.constant 0 : i32
    %dma_wait3A_42 = tpu.memref_slice %arg3[%add3A, %dma_wait3A_35, %dma_wait3A_40, %dma_wait3A_41] : memref<32x5x16x128xi32, #tpu.memory_space<hbm>> -> memref<1x1x16x128xi32, #tpu.memory_space<hbm>>
    %dma_wait3A_43 = tpu.memref_squeeze %dma_wait3A_42 : memref<1x1x16x128xi32, #tpu.memory_space<hbm>> -> memref<16x128xi32, #tpu.memory_space<hbm>>
    tpu.wait_dma2 semaphore(%arg19 : memref<!tpu.dma_semaphore, #tpu.memory_space<semaphore_mem>>) src(%dma_wait3A_43 : memref<16x128xi32, #tpu.memory_space<hbm>>) dst(%arg10 : memref<16x128xi32, #tpu.memory_space<vmem>>)
    %dma_start3A_44 = arith.constant 2 : i32
    %dma_start3A_45 = arith.constant 0 : i32
    %dma_start3A_46 = arith.constant 0 : i32
    %dma_start3A_47 = tpu.memref_slice %arg2[%add3A, %dma_start3A_44, %dma_start3A_45, %dma_start3A_46] : memref<32x5x16x128xi32, #tpu.memory_space<hbm>> -> memref<1x1x16x128xi32, #tpu.memory_space<hbm>>
    %dma_start3A_48 = tpu.memref_squeeze %dma_start3A_47 : memref<1x1x16x128xi32, #tpu.memory_space<hbm>> -> memref<16x128xi32, #tpu.memory_space<hbm>>
    %dma_start3A_49 = arith.constant 0 : i32
    %dma_start3A_50 = arith.constant 0 : i32
    %dma_start3A_51 = tpu.memref_slice %arg2[%add3A, %dma_start3A_44, %dma_start3A_49, %dma_start3A_50] : memref<32x5x16x128xi32, #tpu.memory_space<hbm>> -> memref<1x1x16x128xi32, #tpu.memory_space<hbm>>
    %dma_start3A_52 = tpu.memref_squeeze %dma_start3A_51 : memref<1x1x16x128xi32, #tpu.memory_space<hbm>> -> memref<16x128xi32, #tpu.memory_space<hbm>>
    tpu.enqueue_dma source(%dma_start3A_52 : memref<16x128xi32, #tpu.memory_space<hbm>>) target(%arg7 : memref<16x128xi32, #tpu.memory_space<vmem>>) target_semaphore(%arg16 : memref<!tpu.dma_semaphore, #tpu.memory_space<semaphore_mem>>)
    %dma_start3A_53 = arith.constant 2 : i32
    %dma_start3A_54 = arith.constant 0 : i32
    %dma_start3A_55 = arith.constant 0 : i32
    %dma_start3A_56 = tpu.memref_slice %arg3[%add3A, %dma_start3A_53, %dma_start3A_54, %dma_start3A_55] : memref<32x5x16x128xi32, #tpu.memory_space<hbm>> -> memref<1x1x16x128xi32, #tpu.memory_space<hbm>>
    %dma_start3A_57 = tpu.memref_squeeze %dma_start3A_56 : memref<1x1x16x128xi32, #tpu.memory_space<hbm>> -> memref<16x128xi32, #tpu.memory_space<hbm>>
    %dma_start3A_58 = arith.constant 0 : i32
    %dma_start3A_59 = arith.constant 0 : i32
    %dma_start3A_60 = tpu.memref_slice %arg3[%add3A, %dma_start3A_53, %dma_start3A_58, %dma_start3A_59] : memref<32x5x16x128xi32, #tpu.memory_space<hbm>> -> memref<1x1x16x128xi32, #tpu.memory_space<hbm>>
    %dma_start3A_61 = tpu.memref_squeeze %dma_start3A_60 : memref<1x1x16x128xi32, #tpu.memory_space<hbm>> -> memref<16x128xi32, #tpu.memory_space<hbm>>
    tpu.enqueue_dma source(%dma_start3A_61 : memref<16x128xi32, #tpu.memory_space<hbm>>) target(%arg9 : memref<16x128xi32, #tpu.memory_space<vmem>>) target_semaphore(%arg18 : memref<!tpu.dma_semaphore, #tpu.memory_space<semaphore_mem>>)
    %scan3A_62 = arith.constant 0 : i32
    %scan3A_63 = arith.constant 8 : i32
    %scan3A_64 = arith.addi %scan3A_62, %scan3A_63 : i32
    %scan3A_65 = arith.constant 1 : i32
    scf.for %scan3A_177 = %scan3A_62 to %scan3A_64 step %scan3A_65  : i32 {
      %mul3A_178 = arith.constant 2 : i32
      %mul3A_179 = arith.muli %scan3A_177, %mul3A_178 : i32
      %add3A_180 = arith.constant 0 : i32
      %add3A_181 = arith.addi %add3A_180, %mul3A_179 : i32
      %dma_start3A_182 = arith.constant 0 : i32
      %dma_start3A_183 = tpu.memref_slice %arg8[%add3A_181, %dma_start3A_182] : memref<16x128xi32, #tpu.memory_space<vmem>> -> memref<1x128xi32, #tpu.memory_space<vmem>>
      %dma_start3A_184 = tpu.memref_squeeze %dma_start3A_183 : memref<1x128xi32, #tpu.memory_space<vmem>> -> memref<128xi32, #tpu.memory_space<vmem>>
      %dma_start3A_185 = arith.constant 0 : i32
      %dma_start3A_186 = arith.constant 0 : i32
      %dma_start3A_187 = tpu.memref_slice %arg4[%dma_start3A_185, %dma_start3A_186] : memref<10240x128xf32, #tpu.memory_space<hbm>> -> memref<10240x128xf32, #tpu.memory_space<hbm>>
      tpu.enqueue_indirect_dma source(%dma_start3A_187 : memref<10240x128xf32, #tpu.memory_space<hbm>>) target(%arg11 : memref<128x128xf32, #tpu.memory_space<vmem>>) offsets(%dma_start3A_184 : memref<128xi32, #tpu.memory_space<vmem>>) semaphore(%arg14 : memref<!tpu.dma_semaphore, #tpu.memory_space<semaphore_mem>>)
      %add3A_188 = arith.constant 1 : i32
      %add3A_189 = arith.addi %add3A_181, %add3A_188 : i32
      %dma_start3A_190 = arith.constant 0 : i32
      %dma_start3A_191 = tpu.memref_slice %arg8[%add3A_189, %dma_start3A_190] : memref<16x128xi32, #tpu.memory_space<vmem>> -> memref<1x128xi32, #tpu.memory_space<vmem>>
      %dma_start3A_192 = tpu.memref_squeeze %dma_start3A_191 : memref<1x128xi32, #tpu.memory_space<vmem>> -> memref<128xi32, #tpu.memory_space<vmem>>
      %dma_start3A_193 = arith.constant 0 : i32
      %dma_start3A_194 = arith.constant 0 : i32
      %dma_start3A_195 = tpu.memref_slice %arg4[%dma_start3A_193, %dma_start3A_194] : memref<10240x128xf32, #tpu.memory_space<hbm>> -> memref<10240x128xf32, #tpu.memory_space<hbm>>
      tpu.enqueue_indirect_dma source(%dma_start3A_195 : memref<10240x128xf32, #tpu.memory_space<hbm>>) target(%arg12 : memref<128x128xf32, #tpu.memory_space<vmem>>) offsets(%dma_start3A_192 : memref<128xi32, #tpu.memory_space<vmem>>) semaphore(%arg15 : memref<!tpu.dma_semaphore, #tpu.memory_space<semaphore_mem>>)
      %dma_wait3A_196 = arith.constant 0 : i32
      %dma_wait3A_197 = arith.constant 0 : i32
      %dma_wait3A_198 = tpu.memref_slice %arg4[%dma_wait3A_196, %dma_wait3A_197] : memref<10240x128xf32, #tpu.memory_space<hbm>> -> memref<128x128xf32, #tpu.memory_space<hbm>>
      %dma_wait3A_199 = arith.constant 0 : i32
      %dma_wait3A_200 = arith.constant 0 : i32
      %dma_wait3A_201 = tpu.memref_slice %arg4[%dma_wait3A_199, %dma_wait3A_200] : memref<10240x128xf32, #tpu.memory_space<hbm>> -> memref<128x128xf32, #tpu.memory_space<hbm>>
      tpu.wait_dma2 semaphore(%arg14 : memref<!tpu.dma_semaphore, #tpu.memory_space<semaphore_mem>>) src(%dma_wait3A_201 : memref<128x128xf32, #tpu.memory_space<hbm>>) dst(%arg11 : memref<128x128xf32, #tpu.memory_space<vmem>>)
      "tpu.region"() ({
        %run_scoped3A_210 = tpu.sem_alloc : memref<!tpu.dma_semaphore, #tpu.memory_space<semaphore_mem>>
        %dma_start3A_211 = arith.constant 0 : i32
        %dma_start3A_212 = tpu.memref_slice %arg10[%add3A_181, %dma_start3A_211] : memref<16x128xi32, #tpu.memory_space<vmem>> -> memref<1x128xi32, #tpu.memory_space<vmem>>
        %dma_start3A_213 = tpu.memref_squeeze %dma_start3A_212 : memref<1x128xi32, #tpu.memory_space<vmem>> -> memref<128xi32, #tpu.memory_space<vmem>>
        %dma_start3A_214 = arith.constant 0 : i32
        %dma_start3A_215 = arith.constant 0 : i32
        %dma_start3A_216 = tpu.memref_slice %arg13[%dma_start3A_214, %dma_start3A_215] : memref<10240x128xf32, #tpu.memory_space<vmem_shared>> -> memref<10240x128xf32, #tpu.memory_space<vmem_shared>>
        tpu.enqueue_indirect_dma source(%arg11 : memref<128x128xf32, #tpu.memory_space<vmem>>) target(%dma_start3A_216 : memref<10240x128xf32, #tpu.memory_space<vmem_shared>>) offsets(%dma_start3A_213 : memref<128xi32, #tpu.memory_space<vmem>>) semaphore(%run_scoped3A_210 : memref<!tpu.dma_semaphore, #tpu.memory_space<semaphore_mem>>) {add = true}
        %dma_wait3A_217 = arith.constant 0 : i32
        %dma_wait3A_218 = tpu.memref_slice %arg10[%add3A_181, %dma_wait3A_217] : memref<16x128xi32, #tpu.memory_space<vmem>> -> memref<1x128xi32, #tpu.memory_space<vmem>>
        %dma_wait3A_219 = tpu.memref_squeeze %dma_wait3A_218 : memref<1x128xi32, #tpu.memory_space<vmem>> -> memref<128xi32, #tpu.memory_space<vmem>>
        %dma_wait3A_220 = arith.constant 0 : i32
        %dma_wait3A_221 = arith.constant 0 : i32
        %dma_wait3A_222 = tpu.memref_slice %arg13[%dma_wait3A_220, %dma_wait3A_221] : memref<10240x128xf32, #tpu.memory_space<vmem_shared>> -> memref<10240x128xf32, #tpu.memory_space<vmem_shared>>
        tpu.wait_indirect_dma semaphore(%run_scoped3A_210 : memref<!tpu.dma_semaphore, #tpu.memory_space<semaphore_mem>>) src(%arg11 : memref<128x128xf32, #tpu.memory_space<vmem>>) dst(%dma_wait3A_222 : memref<10240x128xf32, #tpu.memory_space<vmem_shared>>)
        tpu.yield
      }) : () -> ()
      %dma_wait3A_202 = arith.constant 0 : i32
      %dma_wait3A_203 = arith.constant 0 : i32
      %dma_wait3A_204 = tpu.memref_slice %arg4[%dma_wait3A_202, %dma_wait3A_203] : memref<10240x128xf32, #tpu.memory_space<hbm>> -> memref<128x128xf32, #tpu.memory_space<hbm>>
      %dma_wait3A_205 = arith.constant 0 : i32
      %dma_wait3A_206 = arith.constant 0 : i32
      %dma_wait3A_207 = tpu.memref_slice %arg4[%dma_wait3A_205, %dma_wait3A_206] : memref<10240x128xf32, #tpu.memory_space<hbm>> -> memref<128x128xf32, #tpu.memory_space<hbm>>
      tpu.wait_dma2 semaphore(%arg15 : memref<!tpu.dma_semaphore, #tpu.memory_space<semaphore_mem>>) src(%dma_wait3A_207 : memref<128x128xf32, #tpu.memory_space<hbm>>) dst(%arg12 : memref<128x128xf32, #tpu.memory_space<vmem>>)
      %add3A_208 = arith.constant 1 : i32
      %add3A_209 = arith.addi %add3A_181, %add3A_208 : i32
      "tpu.region"() ({
        %run_scoped3A_210 = tpu.sem_alloc : memref<!tpu.dma_semaphore, #tpu.memory_space<semaphore_mem>>
        %dma_start3A_211 = arith.constant 0 : i32
        %dma_start3A_212 = tpu.memref_slice %arg10[%add3A_209, %dma_start3A_211] : memref<16x128xi32, #tpu.memory_space<vmem>> -> memref<1x128xi32, #tpu.memory_space<vmem>>
        %dma_start3A_213 = tpu.memref_squeeze %dma_start3A_212 : memref<1x128xi32, #tpu.memory_space<vmem>> -> memref<128xi32, #tpu.memory_space<vmem>>
        %dma_start3A_214 = arith.constant 0 : i32
        %dma_start3A_215 = arith.constant 0 : i32
        %dma_start3A_216 = tpu.memref_slice %arg13[%dma_start3A_214, %dma_start3A_215] : memref<10240x128xf32, #tpu.memory_space<vmem_shared>> -> memref<10240x128xf32, #tpu.memory_space<vmem_shared>>
        tpu.enqueue_indirect_dma source(%arg12 : memref<128x128xf32, #tpu.memory_space<vmem>>) target(%dma_start3A_216 : memref<10240x128xf32, #tpu.memory_space<vmem_shared>>) offsets(%dma_start3A_213 : memref<128xi32, #tpu.memory_space<vmem>>) semaphore(%run_scoped3A_210 : memref<!tpu.dma_semaphore, #tpu.memory_space<semaphore_mem>>) {add = true}
        %dma_wait3A_217 = arith.constant 0 : i32
        %dma_wait3A_218 = tpu.memref_slice %arg10[%add3A_209, %dma_wait3A_217] : memref<16x128xi32, #tpu.memory_space<vmem>> -> memref<1x128xi32, #tpu.memory_space<vmem>>
        %dma_wait3A_219 = tpu.memref_squeeze %dma_wait3A_218 : memref<1x128xi32, #tpu.memory_space<vmem>> -> memref<128xi32, #tpu.memory_space<vmem>>
        %dma_wait3A_220 = arith.constant 0 : i32
        %dma_wait3A_221 = arith.constant 0 : i32
        %dma_wait3A_222 = tpu.memref_slice %arg13[%dma_wait3A_220, %dma_wait3A_221] : memref<10240x128xf32, #tpu.memory_space<vmem_shared>> -> memref<10240x128xf32, #tpu.memory_space<vmem_shared>>
        tpu.wait_indirect_dma semaphore(%run_scoped3A_210 : memref<!tpu.dma_semaphore, #tpu.memory_space<semaphore_mem>>) src(%arg12 : memref<128x128xf32, #tpu.memory_space<vmem>>) dst(%dma_wait3A_222 : memref<10240x128xf32, #tpu.memory_space<vmem_shared>>)
        tpu.yield
      }) : () -> ()
    }
    %scan3A_66 = arith.constant 8 : i32
    %dma_wait3A_67 = arith.constant 2 : i32
    %dma_wait3A_68 = arith.constant 0 : i32
    %dma_wait3A_69 = arith.constant 0 : i32
    %dma_wait3A_70 = tpu.memref_slice %arg2[%add3A, %dma_wait3A_67, %dma_wait3A_68, %dma_wait3A_69] : memref<32x5x16x128xi32, #tpu.memory_space<hbm>> -> memref<1x1x16x128xi32, #tpu.memory_space<hbm>>
    %dma_wait3A_71 = tpu.memref_squeeze %dma_wait3A_70 : memref<1x1x16x128xi32, #tpu.memory_space<hbm>> -> memref<16x128xi32, #tpu.memory_space<hbm>>
    %dma_wait3A_72 = arith.constant 0 : i32
    %dma_wait3A_73 = arith.constant 0 : i32
    %dma_wait3A_74 = tpu.memref_slice %arg2[%add3A, %dma_wait3A_67, %dma_wait3A_72, %dma_wait3A_73] : memref<32x5x16x128xi32, #tpu.memory_space<hbm>> -> memref<1x1x16x128xi32, #tpu.memory_space<hbm>>
    %dma_wait3A_75 = tpu.memref_squeeze %dma_wait3A_74 : memref<1x1x16x128xi32, #tpu.memory_space<hbm>> -> memref<16x128xi32, #tpu.memory_space<hbm>>
    tpu.wait_dma2 semaphore(%arg16 : memref<!tpu.dma_semaphore, #tpu.memory_space<semaphore_mem>>) src(%dma_wait3A_75 : memref<16x128xi32, #tpu.memory_space<hbm>>) dst(%arg7 : memref<16x128xi32, #tpu.memory_space<vmem>>)
    %dma_wait3A_76 = arith.constant 2 : i32
    %dma_wait3A_77 = arith.constant 0 : i32
    %dma_wait3A_78 = arith.constant 0 : i32
    %dma_wait3A_79 = tpu.memref_slice %arg3[%add3A, %dma_wait3A_76, %dma_wait3A_77, %dma_wait3A_78] : memref<32x5x16x128xi32, #tpu.memory_space<hbm>> -> memref<1x1x16x128xi32, #tpu.memory_space<hbm>>
    %dma_wait3A_80 = tpu.memref_squeeze %dma_wait3A_79 : memref<1x1x16x128xi32, #tpu.memory_space<hbm>> -> memref<16x128xi32, #tpu.memory_space<hbm>>
    %dma_wait3A_81 = arith.constant 0 : i32
    %dma_wait3A_82 = arith.constant 0 : i32
    %dma_wait3A_83 = tpu.memref_slice %arg3[%add3A, %dma_wait3A_76, %dma_wait3A_81, %dma_wait3A_82] : memref<32x5x16x128xi32, #tpu.memory_space<hbm>> -> memref<1x1x16x128xi32, #tpu.memory_space<hbm>>
    %dma_wait3A_84 = tpu.memref_squeeze %dma_wait3A_83 : memref<1x1x16x128xi32, #tpu.memory_space<hbm>> -> memref<16x128xi32, #tpu.memory_space<hbm>>
    tpu.wait_dma2 semaphore(%arg18 : memref<!tpu.dma_semaphore, #tpu.memory_space<semaphore_mem>>) src(%dma_wait3A_84 : memref<16x128xi32, #tpu.memory_space<hbm>>) dst(%arg9 : memref<16x128xi32, #tpu.memory_space<vmem>>)
    %dma_start3A_85 = arith.constant 3 : i32
    %dma_start3A_86 = arith.constant 0 : i32
    %dma_start3A_87 = arith.constant 0 : i32
    %dma_start3A_88 = tpu.memref_slice %arg2[%add3A, %dma_start3A_85, %dma_start3A_86, %dma_start3A_87] : memref<32x5x16x128xi32, #tpu.memory_space<hbm>> -> memref<1x1x16x128xi32, #tpu.memory_space<hbm>>
    %dma_start3A_89 = tpu.memref_squeeze %dma_start3A_88 : memref<1x1x16x128xi32, #tpu.memory_space<hbm>> -> memref<16x128xi32, #tpu.memory_space<hbm>>
    %dma_start3A_90 = arith.constant 0 : i32
    %dma_start3A_91 = arith.constant 0 : i32
    %dma_start3A_92 = tpu.memref_slice %arg2[%add3A, %dma_start3A_85, %dma_start3A_90, %dma_start3A_91] : memref<32x5x16x128xi32, #tpu.memory_space<hbm>> -> memref<1x1x16x128xi32, #tpu.memory_space<hbm>>
    %dma_start3A_93 = tpu.memref_squeeze %dma_start3A_92 : memref<1x1x16x128xi32, #tpu.memory_space<hbm>> -> memref<16x128xi32, #tpu.memory_space<hbm>>
    tpu.enqueue_dma source(%dma_start3A_93 : memref<16x128xi32, #tpu.memory_space<hbm>>) target(%arg8 : memref<16x128xi32, #tpu.memory_space<vmem>>) target_semaphore(%arg17 : memref<!tpu.dma_semaphore, #tpu.memory_space<semaphore_mem>>)
    %dma_start3A_94 = arith.constant 3 : i32
    %dma_start3A_95 = arith.constant 0 : i32
    %dma_start3A_96 = arith.constant 0 : i32
    %dma_start3A_97 = tpu.memref_slice %arg3[%add3A, %dma_start3A_94, %dma_start3A_95, %dma_start3A_96] : memref<32x5x16x128xi32, #tpu.memory_space<hbm>> -> memref<1x1x16x128xi32, #tpu.memory_space<hbm>>
    %dma_start3A_98 = tpu.memref_squeeze %dma_start3A_97 : memref<1x1x16x128xi32, #tpu.memory_space<hbm>> -> memref<16x128xi32, #tpu.memory_space<hbm>>
    %dma_start3A_99 = arith.constant 0 : i32
    %dma_start3A_100 = arith.constant 0 : i32
    %dma_start3A_101 = tpu.memref_slice %arg3[%add3A, %dma_start3A_94, %dma_start3A_99, %dma_start3A_100] : memref<32x5x16x128xi32, #tpu.memory_space<hbm>> -> memref<1x1x16x128xi32, #tpu.memory_space<hbm>>
    %dma_start3A_102 = tpu.memref_squeeze %dma_start3A_101 : memref<1x1x16x128xi32, #tpu.memory_space<hbm>> -> memref<16x128xi32, #tpu.memory_space<hbm>>
    tpu.enqueue_dma source(%dma_start3A_102 : memref<16x128xi32, #tpu.memory_space<hbm>>) target(%arg10 : memref<16x128xi32, #tpu.memory_space<vmem>>) target_semaphore(%arg19 : memref<!tpu.dma_semaphore, #tpu.memory_space<semaphore_mem>>)
    %scan3A_103 = arith.constant 0 : i32
    %scan3A_104 = arith.constant 8 : i32
    %scan3A_105 = arith.addi %scan3A_103, %scan3A_104 : i32
    %scan3A_106 = arith.constant 1 : i32
    scf.for %scan3A_177 = %scan3A_103 to %scan3A_105 step %scan3A_106  : i32 {
      %mul3A_178 = arith.constant 2 : i32
      %mul3A_179 = arith.muli %scan3A_177, %mul3A_178 : i32
      %add3A_180 = arith.constant 0 : i32
      %add3A_181 = arith.addi %add3A_180, %mul3A_179 : i32
      %dma_start3A_182 = arith.constant 0 : i32
      %dma_start3A_183 = tpu.memref_slice %arg7[%add3A_181, %dma_start3A_182] : memref<16x128xi32, #tpu.memory_space<vmem>> -> memref<1x128xi32, #tpu.memory_space<vmem>>
      %dma_start3A_184 = tpu.memref_squeeze %dma_start3A_183 : memref<1x128xi32, #tpu.memory_space<vmem>> -> memref<128xi32, #tpu.memory_space<vmem>>
      %dma_start3A_185 = arith.constant 0 : i32
      %dma_start3A_186 = arith.constant 0 : i32
      %dma_start3A_187 = tpu.memref_slice %arg4[%dma_start3A_185, %dma_start3A_186] : memref<10240x128xf32, #tpu.memory_space<hbm>> -> memref<10240x128xf32, #tpu.memory_space<hbm>>
      tpu.enqueue_indirect_dma source(%dma_start3A_187 : memref<10240x128xf32, #tpu.memory_space<hbm>>) target(%arg11 : memref<128x128xf32, #tpu.memory_space<vmem>>) offsets(%dma_start3A_184 : memref<128xi32, #tpu.memory_space<vmem>>) semaphore(%arg14 : memref<!tpu.dma_semaphore, #tpu.memory_space<semaphore_mem>>)
      %add3A_188 = arith.constant 1 : i32
      %add3A_189 = arith.addi %add3A_181, %add3A_188 : i32
      %dma_start3A_190 = arith.constant 0 : i32
      %dma_start3A_191 = tpu.memref_slice %arg7[%add3A_189, %dma_start3A_190] : memref<16x128xi32, #tpu.memory_space<vmem>> -> memref<1x128xi32, #tpu.memory_space<vmem>>
      %dma_start3A_192 = tpu.memref_squeeze %dma_start3A_191 : memref<1x128xi32, #tpu.memory_space<vmem>> -> memref<128xi32, #tpu.memory_space<vmem>>
      %dma_start3A_193 = arith.constant 0 : i32
      %dma_start3A_194 = arith.constant 0 : i32
      %dma_start3A_195 = tpu.memref_slice %arg4[%dma_start3A_193, %dma_start3A_194] : memref<10240x128xf32, #tpu.memory_space<hbm>> -> memref<10240x128xf32, #tpu.memory_space<hbm>>
      tpu.enqueue_indirect_dma source(%dma_start3A_195 : memref<10240x128xf32, #tpu.memory_space<hbm>>) target(%arg12 : memref<128x128xf32, #tpu.memory_space<vmem>>) offsets(%dma_start3A_192 : memref<128xi32, #tpu.memory_space<vmem>>) semaphore(%arg15 : memref<!tpu.dma_semaphore, #tpu.memory_space<semaphore_mem>>)
      %dma_wait3A_196 = arith.constant 0 : i32
      %dma_wait3A_197 = arith.constant 0 : i32
      %dma_wait3A_198 = tpu.memref_slice %arg4[%dma_wait3A_196, %dma_wait3A_197] : memref<10240x128xf32, #tpu.memory_space<hbm>> -> memref<128x128xf32, #tpu.memory_space<hbm>>
      %dma_wait3A_199 = arith.constant 0 : i32
      %dma_wait3A_200 = arith.constant 0 : i32
      %dma_wait3A_201 = tpu.memref_slice %arg4[%dma_wait3A_199, %dma_wait3A_200] : memref<10240x128xf32, #tpu.memory_space<hbm>> -> memref<128x128xf32, #tpu.memory_space<hbm>>
      tpu.wait_dma2 semaphore(%arg14 : memref<!tpu.dma_semaphore, #tpu.memory_space<semaphore_mem>>) src(%dma_wait3A_201 : memref<128x128xf32, #tpu.memory_space<hbm>>) dst(%arg11 : memref<128x128xf32, #tpu.memory_space<vmem>>)
      "tpu.region"() ({
        %run_scoped3A_210 = tpu.sem_alloc : memref<!tpu.dma_semaphore, #tpu.memory_space<semaphore_mem>>
        %dma_start3A_211 = arith.constant 0 : i32
        %dma_start3A_212 = tpu.memref_slice %arg9[%add3A_181, %dma_start3A_211] : memref<16x128xi32, #tpu.memory_space<vmem>> -> memref<1x128xi32, #tpu.memory_space<vmem>>
        %dma_start3A_213 = tpu.memref_squeeze %dma_start3A_212 : memref<1x128xi32, #tpu.memory_space<vmem>> -> memref<128xi32, #tpu.memory_space<vmem>>
        %dma_start3A_214 = arith.constant 0 : i32
        %dma_start3A_215 = arith.constant 0 : i32
        %dma_start3A_216 = tpu.memref_slice %arg13[%dma_start3A_214, %dma_start3A_215] : memref<10240x128xf32, #tpu.memory_space<vmem_shared>> -> memref<10240x128xf32, #tpu.memory_space<vmem_shared>>
        tpu.enqueue_indirect_dma source(%arg11 : memref<128x128xf32, #tpu.memory_space<vmem>>) target(%dma_start3A_216 : memref<10240x128xf32, #tpu.memory_space<vmem_shared>>) offsets(%dma_start3A_213 : memref<128xi32, #tpu.memory_space<vmem>>) semaphore(%run_scoped3A_210 : memref<!tpu.dma_semaphore, #tpu.memory_space<semaphore_mem>>) {add = true}
        %dma_wait3A_217 = arith.constant 0 : i32
        %dma_wait3A_218 = tpu.memref_slice %arg9[%add3A_181, %dma_wait3A_217] : memref<16x128xi32, #tpu.memory_space<vmem>> -> memref<1x128xi32, #tpu.memory_space<vmem>>
        %dma_wait3A_219 = tpu.memref_squeeze %dma_wait3A_218 : memref<1x128xi32, #tpu.memory_space<vmem>> -> memref<128xi32, #tpu.memory_space<vmem>>
        %dma_wait3A_220 = arith.constant 0 : i32
        %dma_wait3A_221 = arith.constant 0 : i32
        %dma_wait3A_222 = tpu.memref_slice %arg13[%dma_wait3A_220, %dma_wait3A_221] : memref<10240x128xf32, #tpu.memory_space<vmem_shared>> -> memref<10240x128xf32, #tpu.memory_space<vmem_shared>>
        tpu.wait_indirect_dma semaphore(%run_scoped3A_210 : memref<!tpu.dma_semaphore, #tpu.memory_space<semaphore_mem>>) src(%arg11 : memref<128x128xf32, #tpu.memory_space<vmem>>) dst(%dma_wait3A_222 : memref<10240x128xf32, #tpu.memory_space<vmem_shared>>)
        tpu.yield
      }) : () -> ()
      %dma_wait3A_202 = arith.constant 0 : i32
      %dma_wait3A_203 = arith.constant 0 : i32
      %dma_wait3A_204 = tpu.memref_slice %arg4[%dma_wait3A_202, %dma_wait3A_203] : memref<10240x128xf32, #tpu.memory_space<hbm>> -> memref<128x128xf32, #tpu.memory_space<hbm>>
      %dma_wait3A_205 = arith.constant 0 : i32
      %dma_wait3A_206 = arith.constant 0 : i32
      %dma_wait3A_207 = tpu.memref_slice %arg4[%dma_wait3A_205, %dma_wait3A_206] : memref<10240x128xf32, #tpu.memory_space<hbm>> -> memref<128x128xf32, #tpu.memory_space<hbm>>
      tpu.wait_dma2 semaphore(%arg15 : memref<!tpu.dma_semaphore, #tpu.memory_space<semaphore_mem>>) src(%dma_wait3A_207 : memref<128x128xf32, #tpu.memory_space<hbm>>) dst(%arg12 : memref<128x128xf32, #tpu.memory_space<vmem>>)
      %add3A_208 = arith.constant 1 : i32
      %add3A_209 = arith.addi %add3A_181, %add3A_208 : i32
      "tpu.region"() ({
        %run_scoped3A_210 = tpu.sem_alloc : memref<!tpu.dma_semaphore, #tpu.memory_space<semaphore_mem>>
        %dma_start3A_211 = arith.constant 0 : i32
        %dma_start3A_212 = tpu.memref_slice %arg9[%add3A_209, %dma_start3A_211] : memref<16x128xi32, #tpu.memory_space<vmem>> -> memref<1x128xi32, #tpu.memory_space<vmem>>
        %dma_start3A_213 = tpu.memref_squeeze %dma_start3A_212 : memref<1x128xi32, #tpu.memory_space<vmem>> -> memref<128xi32, #tpu.memory_space<vmem>>
        %dma_start3A_214 = arith.constant 0 : i32
        %dma_start3A_215 = arith.constant 0 : i32
        %dma_start3A_216 = tpu.memref_slice %arg13[%dma_start3A_214, %dma_start3A_215] : memref<10240x128xf32, #tpu.memory_space<vmem_shared>> -> memref<10240x128xf32, #tpu.memory_space<vmem_shared>>
        tpu.enqueue_indirect_dma source(%arg12 : memref<128x128xf32, #tpu.memory_space<vmem>>) target(%dma_start3A_216 : memref<10240x128xf32, #tpu.memory_space<vmem_shared>>) offsets(%dma_start3A_213 : memref<128xi32, #tpu.memory_space<vmem>>) semaphore(%run_scoped3A_210 : memref<!tpu.dma_semaphore, #tpu.memory_space<semaphore_mem>>) {add = true}
        %dma_wait3A_217 = arith.constant 0 : i32
        %dma_wait3A_218 = tpu.memref_slice %arg9[%add3A_209, %dma_wait3A_217] : memref<16x128xi32, #tpu.memory_space<vmem>> -> memref<1x128xi32, #tpu.memory_space<vmem>>
        %dma_wait3A_219 = tpu.memref_squeeze %dma_wait3A_218 : memref<1x128xi32, #tpu.memory_space<vmem>> -> memref<128xi32, #tpu.memory_space<vmem>>
        %dma_wait3A_220 = arith.constant 0 : i32
        %dma_wait3A_221 = arith.constant 0 : i32
        %dma_wait3A_222 = tpu.memref_slice %arg13[%dma_wait3A_220, %dma_wait3A_221] : memref<10240x128xf32, #tpu.memory_space<vmem_shared>> -> memref<10240x128xf32, #tpu.memory_space<vmem_shared>>
        tpu.wait_indirect_dma semaphore(%run_scoped3A_210 : memref<!tpu.dma_semaphore, #tpu.memory_space<semaphore_mem>>) src(%arg12 : memref<128x128xf32, #tpu.memory_space<vmem>>) dst(%dma_wait3A_222 : memref<10240x128xf32, #tpu.memory_space<vmem_shared>>)
        tpu.yield
      }) : () -> ()
    }
    %scan3A_107 = arith.constant 8 : i32
    %dma_wait3A_108 = arith.constant 3 : i32
    %dma_wait3A_109 = arith.constant 0 : i32
    %dma_wait3A_110 = arith.constant 0 : i32
    %dma_wait3A_111 = tpu.memref_slice %arg2[%add3A, %dma_wait3A_108, %dma_wait3A_109, %dma_wait3A_110] : memref<32x5x16x128xi32, #tpu.memory_space<hbm>> -> memref<1x1x16x128xi32, #tpu.memory_space<hbm>>
    %dma_wait3A_112 = tpu.memref_squeeze %dma_wait3A_111 : memref<1x1x16x128xi32, #tpu.memory_space<hbm>> -> memref<16x128xi32, #tpu.memory_space<hbm>>
    %dma_wait3A_113 = arith.constant 0 : i32
    %dma_wait3A_114 = arith.constant 0 : i32
    %dma_wait3A_115 = tpu.memref_slice %arg2[%add3A, %dma_wait3A_108, %dma_wait3A_113, %dma_wait3A_114] : memref<32x5x16x128xi32, #tpu.memory_space<hbm>> -> memref<1x1x16x128xi32, #tpu.memory_space<hbm>>
    %dma_wait3A_116 = tpu.memref_squeeze %dma_wait3A_115 : memref<1x1x16x128xi32, #tpu.memory_space<hbm>> -> memref<16x128xi32, #tpu.memory_space<hbm>>
    tpu.wait_dma2 semaphore(%arg17 : memref<!tpu.dma_semaphore, #tpu.memory_space<semaphore_mem>>) src(%dma_wait3A_116 : memref<16x128xi32, #tpu.memory_space<hbm>>) dst(%arg8 : memref<16x128xi32, #tpu.memory_space<vmem>>)
    %dma_wait3A_117 = arith.constant 3 : i32
    %dma_wait3A_118 = arith.constant 0 : i32
    %dma_wait3A_119 = arith.constant 0 : i32
    %dma_wait3A_120 = tpu.memref_slice %arg3[%add3A, %dma_wait3A_117, %dma_wait3A_118, %dma_wait3A_119] : memref<32x5x16x128xi32, #tpu.memory_space<hbm>> -> memref<1x1x16x128xi32, #tpu.memory_space<hbm>>
    %dma_wait3A_121 = tpu.memref_squeeze %dma_wait3A_120 : memref<1x1x16x128xi32, #tpu.memory_space<hbm>> -> memref<16x128xi32, #tpu.memory_space<hbm>>
    %dma_wait3A_122 = arith.constant 0 : i32
    %dma_wait3A_123 = arith.constant 0 : i32
    %dma_wait3A_124 = tpu.memref_slice %arg3[%add3A, %dma_wait3A_117, %dma_wait3A_122, %dma_wait3A_123] : memref<32x5x16x128xi32, #tpu.memory_space<hbm>> -> memref<1x1x16x128xi32, #tpu.memory_space<hbm>>
    %dma_wait3A_125 = tpu.memref_squeeze %dma_wait3A_124 : memref<1x1x16x128xi32, #tpu.memory_space<hbm>> -> memref<16x128xi32, #tpu.memory_space<hbm>>
    tpu.wait_dma2 semaphore(%arg19 : memref<!tpu.dma_semaphore, #tpu.memory_space<semaphore_mem>>) src(%dma_wait3A_125 : memref<16x128xi32, #tpu.memory_space<hbm>>) dst(%arg10 : memref<16x128xi32, #tpu.memory_space<vmem>>)
    %dma_start3A_126 = arith.constant 4 : i32
    %dma_start3A_127 = arith.constant 0 : i32
    %dma_start3A_128 = arith.constant 0 : i32
    %dma_start3A_129 = tpu.memref_slice %arg2[%add3A, %dma_start3A_126, %dma_start3A_127, %dma_start3A_128] : memref<32x5x16x128xi32, #tpu.memory_space<hbm>> -> memref<1x1x16x128xi32, #tpu.memory_space<hbm>>
    %dma_start3A_130 = tpu.memref_squeeze %dma_start3A_129 : memref<1x1x16x128xi32, #tpu.memory_space<hbm>> -> memref<16x128xi32, #tpu.memory_space<hbm>>
    %dma_start3A_131 = arith.constant 0 : i32
    %dma_start3A_132 = arith.constant 0 : i32
    %dma_start3A_133 = tpu.memref_slice %arg2[%add3A, %dma_start3A_126, %dma_start3A_131, %dma_start3A_132] : memref<32x5x16x128xi32, #tpu.memory_space<hbm>> -> memref<1x1x16x128xi32, #tpu.memory_space<hbm>>
    %dma_start3A_134 = tpu.memref_squeeze %dma_start3A_133 : memref<1x1x16x128xi32, #tpu.memory_space<hbm>> -> memref<16x128xi32, #tpu.memory_space<hbm>>
    tpu.enqueue_dma source(%dma_start3A_134 : memref<16x128xi32, #tpu.memory_space<hbm>>) target(%arg7 : memref<16x128xi32, #tpu.memory_space<vmem>>) target_semaphore(%arg16 : memref<!tpu.dma_semaphore, #tpu.memory_space<semaphore_mem>>)
    %dma_start3A_135 = arith.constant 4 : i32
    %dma_start3A_136 = arith.constant 0 : i32
    %dma_start3A_137 = arith.constant 0 : i32
    %dma_start3A_138 = tpu.memref_slice %arg3[%add3A, %dma_start3A_135, %dma_start3A_136, %dma_start3A_137] : memref<32x5x16x128xi32, #tpu.memory_space<hbm>> -> memref<1x1x16x128xi32, #tpu.memory_space<hbm>>
    %dma_start3A_139 = tpu.memref_squeeze %dma_start3A_138 : memref<1x1x16x128xi32, #tpu.memory_space<hbm>> -> memref<16x128xi32, #tpu.memory_space<hbm>>
    %dma_start3A_140 = arith.constant 0 : i32
    %dma_start3A_141 = arith.constant 0 : i32
    %dma_start3A_142 = tpu.memref_slice %arg3[%add3A, %dma_start3A_135, %dma_start3A_140, %dma_start3A_141] : memref<32x5x16x128xi32, #tpu.memory_space<hbm>> -> memref<1x1x16x128xi32, #tpu.memory_space<hbm>>
    %dma_start3A_143 = tpu.memref_squeeze %dma_start3A_142 : memref<1x1x16x128xi32, #tpu.memory_space<hbm>> -> memref<16x128xi32, #tpu.memory_space<hbm>>
    tpu.enqueue_dma source(%dma_start3A_143 : memref<16x128xi32, #tpu.memory_space<hbm>>) target(%arg9 : memref<16x128xi32, #tpu.memory_space<vmem>>) target_semaphore(%arg18 : memref<!tpu.dma_semaphore, #tpu.memory_space<semaphore_mem>>)
    %scan3A_144 = arith.constant 0 : i32
    %scan3A_145 = arith.constant 8 : i32
    %scan3A_146 = arith.addi %scan3A_144, %scan3A_145 : i32
    %scan3A_147 = arith.constant 1 : i32
    scf.for %scan3A_177 = %scan3A_144 to %scan3A_146 step %scan3A_147  : i32 {
      %mul3A_178 = arith.constant 2 : i32
      %mul3A_179 = arith.muli %scan3A_177, %mul3A_178 : i32
      %add3A_180 = arith.constant 0 : i32
      %add3A_181 = arith.addi %add3A_180, %mul3A_179 : i32
      %dma_start3A_182 = arith.constant 0 : i32
      %dma_start3A_183 = tpu.memref_slice %arg8[%add3A_181, %dma_start3A_182] : memref<16x128xi32, #tpu.memory_space<vmem>> -> memref<1x128xi32, #tpu.memory_space<vmem>>
      %dma_start3A_184 = tpu.memref_squeeze %dma_start3A_183 : memref<1x128xi32, #tpu.memory_space<vmem>> -> memref<128xi32, #tpu.memory_space<vmem>>
      %dma_start3A_185 = arith.constant 0 : i32
      %dma_start3A_186 = arith.constant 0 : i32
      %dma_start3A_187 = tpu.memref_slice %arg4[%dma_start3A_185, %dma_start3A_186] : memref<10240x128xf32, #tpu.memory_space<hbm>> -> memref<10240x128xf32, #tpu.memory_space<hbm>>
      tpu.enqueue_indirect_dma source(%dma_start3A_187 : memref<10240x128xf32, #tpu.memory_space<hbm>>) target(%arg11 : memref<128x128xf32, #tpu.memory_space<vmem>>) offsets(%dma_start3A_184 : memref<128xi32, #tpu.memory_space<vmem>>) semaphore(%arg14 : memref<!tpu.dma_semaphore, #tpu.memory_space<semaphore_mem>>)
      %add3A_188 = arith.constant 1 : i32
      %add3A_189 = arith.addi %add3A_181, %add3A_188 : i32
      %dma_start3A_190 = arith.constant 0 : i32
      %dma_start3A_191 = tpu.memref_slice %arg8[%add3A_189, %dma_start3A_190] : memref<16x128xi32, #tpu.memory_space<vmem>> -> memref<1x128xi32, #tpu.memory_space<vmem>>
      %dma_start3A_192 = tpu.memref_squeeze %dma_start3A_191 : memref<1x128xi32, #tpu.memory_space<vmem>> -> memref<128xi32, #tpu.memory_space<vmem>>
      %dma_start3A_193 = arith.constant 0 : i32
      %dma_start3A_194 = arith.constant 0 : i32
      %dma_start3A_195 = tpu.memref_slice %arg4[%dma_start3A_193, %dma_start3A_194] : memref<10240x128xf32, #tpu.memory_space<hbm>> -> memref<10240x128xf32, #tpu.memory_space<hbm>>
      tpu.enqueue_indirect_dma source(%dma_start3A_195 : memref<10240x128xf32, #tpu.memory_space<hbm>>) target(%arg12 : memref<128x128xf32, #tpu.memory_space<vmem>>) offsets(%dma_start3A_192 : memref<128xi32, #tpu.memory_space<vmem>>) semaphore(%arg15 : memref<!tpu.dma_semaphore, #tpu.memory_space<semaphore_mem>>)
      %dma_wait3A_196 = arith.constant 0 : i32
      %dma_wait3A_197 = arith.constant 0 : i32
      %dma_wait3A_198 = tpu.memref_slice %arg4[%dma_wait3A_196, %dma_wait3A_197] : memref<10240x128xf32, #tpu.memory_space<hbm>> -> memref<128x128xf32, #tpu.memory_space<hbm>>
      %dma_wait3A_199 = arith.constant 0 : i32
      %dma_wait3A_200 = arith.constant 0 : i32
      %dma_wait3A_201 = tpu.memref_slice %arg4[%dma_wait3A_199, %dma_wait3A_200] : memref<10240x128xf32, #tpu.memory_space<hbm>> -> memref<128x128xf32, #tpu.memory_space<hbm>>
      tpu.wait_dma2 semaphore(%arg14 : memref<!tpu.dma_semaphore, #tpu.memory_space<semaphore_mem>>) src(%dma_wait3A_201 : memref<128x128xf32, #tpu.memory_space<hbm>>) dst(%arg11 : memref<128x128xf32, #tpu.memory_space<vmem>>)
      "tpu.region"() ({
        %run_scoped3A_210 = tpu.sem_alloc : memref<!tpu.dma_semaphore, #tpu.memory_space<semaphore_mem>>
        %dma_start3A_211 = arith.constant 0 : i32
        %dma_start3A_212 = tpu.memref_slice %arg10[%add3A_181, %dma_start3A_211] : memref<16x128xi32, #tpu.memory_space<vmem>> -> memref<1x128xi32, #tpu.memory_space<vmem>>
        %dma_start3A_213 = tpu.memref_squeeze %dma_start3A_212 : memref<1x128xi32, #tpu.memory_space<vmem>> -> memref<128xi32, #tpu.memory_space<vmem>>
        %dma_start3A_214 = arith.constant 0 : i32
        %dma_start3A_215 = arith.constant 0 : i32
        %dma_start3A_216 = tpu.memref_slice %arg13[%dma_start3A_214, %dma_start3A_215] : memref<10240x128xf32, #tpu.memory_space<vmem_shared>> -> memref<10240x128xf32, #tpu.memory_space<vmem_shared>>
        tpu.enqueue_indirect_dma source(%arg11 : memref<128x128xf32, #tpu.memory_space<vmem>>) target(%dma_start3A_216 : memref<10240x128xf32, #tpu.memory_space<vmem_shared>>) offsets(%dma_start3A_213 : memref<128xi32, #tpu.memory_space<vmem>>) semaphore(%run_scoped3A_210 : memref<!tpu.dma_semaphore, #tpu.memory_space<semaphore_mem>>) {add = true}
        %dma_wait3A_217 = arith.constant 0 : i32
        %dma_wait3A_218 = tpu.memref_slice %arg10[%add3A_181, %dma_wait3A_217] : memref<16x128xi32, #tpu.memory_space<vmem>> -> memref<1x128xi32, #tpu.memory_space<vmem>>
        %dma_wait3A_219 = tpu.memref_squeeze %dma_wait3A_218 : memref<1x128xi32, #tpu.memory_space<vmem>> -> memref<128xi32, #tpu.memory_space<vmem>>
        %dma_wait3A_220 = arith.constant 0 : i32
        %dma_wait3A_221 = arith.constant 0 : i32
        %dma_wait3A_222 = tpu.memref_slice %arg13[%dma_wait3A_220, %dma_wait3A_221] : memref<10240x128xf32, #tpu.memory_space<vmem_shared>> -> memref<10240x128xf32, #tpu.memory_space<vmem_shared>>
        tpu.wait_indirect_dma semaphore(%run_scoped3A_210 : memref<!tpu.dma_semaphore, #tpu.memory_space<semaphore_mem>>) src(%arg11 : memref<128x128xf32, #tpu.memory_space<vmem>>) dst(%dma_wait3A_222 : memref<10240x128xf32, #tpu.memory_space<vmem_shared>>)
        tpu.yield
      }) : () -> ()
      %dma_wait3A_202 = arith.constant 0 : i32
      %dma_wait3A_203 = arith.constant 0 : i32
      %dma_wait3A_204 = tpu.memref_slice %arg4[%dma_wait3A_202, %dma_wait3A_203] : memref<10240x128xf32, #tpu.memory_space<hbm>> -> memref<128x128xf32, #tpu.memory_space<hbm>>
      %dma_wait3A_205 = arith.constant 0 : i32
      %dma_wait3A_206 = arith.constant 0 : i32
      %dma_wait3A_207 = tpu.memref_slice %arg4[%dma_wait3A_205, %dma_wait3A_206] : memref<10240x128xf32, #tpu.memory_space<hbm>> -> memref<128x128xf32, #tpu.memory_space<hbm>>
      tpu.wait_dma2 semaphore(%arg15 : memref<!tpu.dma_semaphore, #tpu.memory_space<semaphore_mem>>) src(%dma_wait3A_207 : memref<128x128xf32, #tpu.memory_space<hbm>>) dst(%arg12 : memref<128x128xf32, #tpu.memory_space<vmem>>)
      %add3A_208 = arith.constant 1 : i32
      %add3A_209 = arith.addi %add3A_181, %add3A_208 : i32
      "tpu.region"() ({
        %run_scoped3A_210 = tpu.sem_alloc : memref<!tpu.dma_semaphore, #tpu.memory_space<semaphore_mem>>
        %dma_start3A_211 = arith.constant 0 : i32
        %dma_start3A_212 = tpu.memref_slice %arg10[%add3A_209, %dma_start3A_211] : memref<16x128xi32, #tpu.memory_space<vmem>> -> memref<1x128xi32, #tpu.memory_space<vmem>>
        %dma_start3A_213 = tpu.memref_squeeze %dma_start3A_212 : memref<1x128xi32, #tpu.memory_space<vmem>> -> memref<128xi32, #tpu.memory_space<vmem>>
        %dma_start3A_214 = arith.constant 0 : i32
        %dma_start3A_215 = arith.constant 0 : i32
        %dma_start3A_216 = tpu.memref_slice %arg13[%dma_start3A_214, %dma_start3A_215] : memref<10240x128xf32, #tpu.memory_space<vmem_shared>> -> memref<10240x128xf32, #tpu.memory_space<vmem_shared>>
        tpu.enqueue_indirect_dma source(%arg12 : memref<128x128xf32, #tpu.memory_space<vmem>>) target(%dma_start3A_216 : memref<10240x128xf32, #tpu.memory_space<vmem_shared>>) offsets(%dma_start3A_213 : memref<128xi32, #tpu.memory_space<vmem>>) semaphore(%run_scoped3A_210 : memref<!tpu.dma_semaphore, #tpu.memory_space<semaphore_mem>>) {add = true}
        %dma_wait3A_217 = arith.constant 0 : i32
        %dma_wait3A_218 = tpu.memref_slice %arg10[%add3A_209, %dma_wait3A_217] : memref<16x128xi32, #tpu.memory_space<vmem>> -> memref<1x128xi32, #tpu.memory_space<vmem>>
        %dma_wait3A_219 = tpu.memref_squeeze %dma_wait3A_218 : memref<1x128xi32, #tpu.memory_space<vmem>> -> memref<128xi32, #tpu.memory_space<vmem>>
        %dma_wait3A_220 = arith.constant 0 : i32
        %dma_wait3A_221 = arith.constant 0 : i32
        %dma_wait3A_222 = tpu.memref_slice %arg13[%dma_wait3A_220, %dma_wait3A_221] : memref<10240x128xf32, #tpu.memory_space<vmem_shared>> -> memref<10240x128xf32, #tpu.memory_space<vmem_shared>>
        tpu.wait_indirect_dma semaphore(%run_scoped3A_210 : memref<!tpu.dma_semaphore, #tpu.memory_space<semaphore_mem>>) src(%arg12 : memref<128x128xf32, #tpu.memory_space<vmem>>) dst(%dma_wait3A_222 : memref<10240x128xf32, #tpu.memory_space<vmem_shared>>)
        tpu.yield
      }) : () -> ()
    }
    %scan3A_148 = arith.constant 8 : i32
    %dma_wait3A_149 = arith.constant 4 : i32
    %dma_wait3A_150 = arith.constant 0 : i32
    %dma_wait3A_151 = arith.constant 0 : i32
    %dma_wait3A_152 = tpu.memref_slice %arg2[%add3A, %dma_wait3A_149, %dma_wait3A_150, %dma_wait3A_151] : memref<32x5x16x128xi32, #tpu.memory_space<hbm>> -> memref<1x1x16x128xi32, #tpu.memory_space<hbm>>
    %dma_wait3A_153 = tpu.memref_squeeze %dma_wait3A_152 : memref<1x1x16x128xi32, #tpu.memory_space<hbm>> -> memref<16x128xi32, #tpu.memory_space<hbm>>
    %dma_wait3A_154 = arith.constant 0 : i32
    %dma_wait3A_155 = arith.constant 0 : i32
    %dma_wait3A_156 = tpu.memref_slice %arg2[%add3A, %dma_wait3A_149, %dma_wait3A_154, %dma_wait3A_155] : memref<32x5x16x128xi32, #tpu.memory_space<hbm>> -> memref<1x1x16x128xi32, #tpu.memory_space<hbm>>
    %dma_wait3A_157 = tpu.memref_squeeze %dma_wait3A_156 : memref<1x1x16x128xi32, #tpu.memory_space<hbm>> -> memref<16x128xi32, #tpu.memory_space<hbm>>
    tpu.wait_dma2 semaphore(%arg16 : memref<!tpu.dma_semaphore, #tpu.memory_space<semaphore_mem>>) src(%dma_wait3A_157 : memref<16x128xi32, #tpu.memory_space<hbm>>) dst(%arg7 : memref<16x128xi32, #tpu.memory_space<vmem>>)
    %dma_wait3A_158 = arith.constant 4 : i32
    %dma_wait3A_159 = arith.constant 0 : i32
    %dma_wait3A_160 = arith.constant 0 : i32
    %dma_wait3A_161 = tpu.memref_slice %arg3[%add3A, %dma_wait3A_158, %dma_wait3A_159, %dma_wait3A_160] : memref<32x5x16x128xi32, #tpu.memory_space<hbm>> -> memref<1x1x16x128xi32, #tpu.memory_space<hbm>>
    %dma_wait3A_162 = tpu.memref_squeeze %dma_wait3A_161 : memref<1x1x16x128xi32, #tpu.memory_space<hbm>> -> memref<16x128xi32, #tpu.memory_space<hbm>>
    %dma_wait3A_163 = arith.constant 0 : i32
    %dma_wait3A_164 = arith.constant 0 : i32
    %dma_wait3A_165 = tpu.memref_slice %arg3[%add3A, %dma_wait3A_158, %dma_wait3A_163, %dma_wait3A_164] : memref<32x5x16x128xi32, #tpu.memory_space<hbm>> -> memref<1x1x16x128xi32, #tpu.memory_space<hbm>>
    %dma_wait3A_166 = tpu.memref_squeeze %dma_wait3A_165 : memref<1x1x16x128xi32, #tpu.memory_space<hbm>> -> memref<16x128xi32, #tpu.memory_space<hbm>>
    tpu.wait_dma2 semaphore(%arg18 : memref<!tpu.dma_semaphore, #tpu.memory_space<semaphore_mem>>) src(%dma_wait3A_166 : memref<16x128xi32, #tpu.memory_space<hbm>>) dst(%arg9 : memref<16x128xi32, #tpu.memory_space<vmem>>)
    %scan3A_167 = arith.constant 0 : i32
    %scan3A_168 = arith.constant 8 : i32
    %scan3A_169 = arith.addi %scan3A_167, %scan3A_168 : i32
    %scan3A_170 = arith.constant 1 : i32
    scf.for %scan3A_177 = %scan3A_167 to %scan3A_169 step %scan3A_170  : i32 {
      %mul3A_178 = arith.constant 2 : i32
      %mul3A_179 = arith.muli %scan3A_177, %mul3A_178 : i32
      %add3A_180 = arith.constant 0 : i32
      %add3A_181 = arith.addi %add3A_180, %mul3A_179 : i32
      %dma_start3A_182 = arith.constant 0 : i32
      %dma_start3A_183 = tpu.memref_slice %arg7[%add3A_181, %dma_start3A_182] : memref<16x128xi32, #tpu.memory_space<vmem>> -> memref<1x128xi32, #tpu.memory_space<vmem>>
      %dma_start3A_184 = tpu.memref_squeeze %dma_start3A_183 : memref<1x128xi32, #tpu.memory_space<vmem>> -> memref<128xi32, #tpu.memory_space<vmem>>
      %dma_start3A_185 = arith.constant 0 : i32
      %dma_start3A_186 = arith.constant 0 : i32
      %dma_start3A_187 = tpu.memref_slice %arg4[%dma_start3A_185, %dma_start3A_186] : memref<10240x128xf32, #tpu.memory_space<hbm>> -> memref<10240x128xf32, #tpu.memory_space<hbm>>
      tpu.enqueue_indirect_dma source(%dma_start3A_187 : memref<10240x128xf32, #tpu.memory_space<hbm>>) target(%arg11 : memref<128x128xf32, #tpu.memory_space<vmem>>) offsets(%dma_start3A_184 : memref<128xi32, #tpu.memory_space<vmem>>) semaphore(%arg14 : memref<!tpu.dma_semaphore, #tpu.memory_space<semaphore_mem>>)
      %add3A_188 = arith.constant 1 : i32
      %add3A_189 = arith.addi %add3A_181, %add3A_188 : i32
      %dma_start3A_190 = arith.constant 0 : i32
      %dma_start3A_191 = tpu.memref_slice %arg7[%add3A_189, %dma_start3A_190] : memref<16x128xi32, #tpu.memory_space<vmem>> -> memref<1x128xi32, #tpu.memory_space<vmem>>
      %dma_start3A_192 = tpu.memref_squeeze %dma_start3A_191 : memref<1x128xi32, #tpu.memory_space<vmem>> -> memref<128xi32, #tpu.memory_space<vmem>>
      %dma_start3A_193 = arith.constant 0 : i32
      %dma_start3A_194 = arith.constant 0 : i32
      %dma_start3A_195 = tpu.memref_slice %arg4[%dma_start3A_193, %dma_start3A_194] : memref<10240x128xf32, #tpu.memory_space<hbm>> -> memref<10240x128xf32, #tpu.memory_space<hbm>>
      tpu.enqueue_indirect_dma source(%dma_start3A_195 : memref<10240x128xf32, #tpu.memory_space<hbm>>) target(%arg12 : memref<128x128xf32, #tpu.memory_space<vmem>>) offsets(%dma_start3A_192 : memref<128xi32, #tpu.memory_space<vmem>>) semaphore(%arg15 : memref<!tpu.dma_semaphore, #tpu.memory_space<semaphore_mem>>)
      %dma_wait3A_196 = arith.constant 0 : i32
      %dma_wait3A_197 = arith.constant 0 : i32
      %dma_wait3A_198 = tpu.memref_slice %arg4[%dma_wait3A_196, %dma_wait3A_197] : memref<10240x128xf32, #tpu.memory_space<hbm>> -> memref<128x128xf32, #tpu.memory_space<hbm>>
      %dma_wait3A_199 = arith.constant 0 : i32
      %dma_wait3A_200 = arith.constant 0 : i32
      %dma_wait3A_201 = tpu.memref_slice %arg4[%dma_wait3A_199, %dma_wait3A_200] : memref<10240x128xf32, #tpu.memory_space<hbm>> -> memref<128x128xf32, #tpu.memory_space<hbm>>
      tpu.wait_dma2 semaphore(%arg14 : memref<!tpu.dma_semaphore, #tpu.memory_space<semaphore_mem>>) src(%dma_wait3A_201 : memref<128x128xf32, #tpu.memory_space<hbm>>) dst(%arg11 : memref<128x128xf32, #tpu.memory_space<vmem>>)
      "tpu.region"() ({
        %run_scoped3A_210 = tpu.sem_alloc : memref<!tpu.dma_semaphore, #tpu.memory_space<semaphore_mem>>
        %dma_start3A_211 = arith.constant 0 : i32
        %dma_start3A_212 = tpu.memref_slice %arg9[%add3A_181, %dma_start3A_211] : memref<16x128xi32, #tpu.memory_space<vmem>> -> memref<1x128xi32, #tpu.memory_space<vmem>>
        %dma_start3A_213 = tpu.memref_squeeze %dma_start3A_212 : memref<1x128xi32, #tpu.memory_space<vmem>> -> memref<128xi32, #tpu.memory_space<vmem>>
        %dma_start3A_214 = arith.constant 0 : i32
        %dma_start3A_215 = arith.constant 0 : i32
        %dma_start3A_216 = tpu.memref_slice %arg13[%dma_start3A_214, %dma_start3A_215] : memref<10240x128xf32, #tpu.memory_space<vmem_shared>> -> memref<10240x128xf32, #tpu.memory_space<vmem_shared>>
        tpu.enqueue_indirect_dma source(%arg11 : memref<128x128xf32, #tpu.memory_space<vmem>>) target(%dma_start3A_216 : memref<10240x128xf32, #tpu.memory_space<vmem_shared>>) offsets(%dma_start3A_213 : memref<128xi32, #tpu.memory_space<vmem>>) semaphore(%run_scoped3A_210 : memref<!tpu.dma_semaphore, #tpu.memory_space<semaphore_mem>>) {add = true}
        %dma_wait3A_217 = arith.constant 0 : i32
        %dma_wait3A_218 = tpu.memref_slice %arg9[%add3A_181, %dma_wait3A_217] : memref<16x128xi32, #tpu.memory_space<vmem>> -> memref<1x128xi32, #tpu.memory_space<vmem>>
        %dma_wait3A_219 = tpu.memref_squeeze %dma_wait3A_218 : memref<1x128xi32, #tpu.memory_space<vmem>> -> memref<128xi32, #tpu.memory_space<vmem>>
        %dma_wait3A_220 = arith.constant 0 : i32
        %dma_wait3A_221 = arith.constant 0 : i32
        %dma_wait3A_222 = tpu.memref_slice %arg13[%dma_wait3A_220, %dma_wait3A_221] : memref<10240x128xf32, #tpu.memory_space<vmem_shared>> -> memref<10240x128xf32, #tpu.memory_space<vmem_shared>>
        tpu.wait_indirect_dma semaphore(%run_scoped3A_210 : memref<!tpu.dma_semaphore, #tpu.memory_space<semaphore_mem>>) src(%arg11 : memref<128x128xf32, #tpu.memory_space<vmem>>) dst(%dma_wait3A_222 : memref<10240x128xf32, #tpu.memory_space<vmem_shared>>)
        tpu.yield
      }) : () -> ()
      %dma_wait3A_202 = arith.constant 0 : i32
      %dma_wait3A_203 = arith.constant 0 : i32
      %dma_wait3A_204 = tpu.memref_slice %arg4[%dma_wait3A_202, %dma_wait3A_203] : memref<10240x128xf32, #tpu.memory_space<hbm>> -> memref<128x128xf32, #tpu.memory_space<hbm>>
      %dma_wait3A_205 = arith.constant 0 : i32
      %dma_wait3A_206 = arith.constant 0 : i32
      %dma_wait3A_207 = tpu.memref_slice %arg4[%dma_wait3A_205, %dma_wait3A_206] : memref<10240x128xf32, #tpu.memory_space<hbm>> -> memref<128x128xf32, #tpu.memory_space<hbm>>
      tpu.wait_dma2 semaphore(%arg15 : memref<!tpu.dma_semaphore, #tpu.memory_space<semaphore_mem>>) src(%dma_wait3A_207 : memref<128x128xf32, #tpu.memory_space<hbm>>) dst(%arg12 : memref<128x128xf32, #tpu.memory_space<vmem>>)
      %add3A_208 = arith.constant 1 : i32
      %add3A_209 = arith.addi %add3A_181, %add3A_208 : i32
      "tpu.region"() ({
        %run_scoped3A_210 = tpu.sem_alloc : memref<!tpu.dma_semaphore, #tpu.memory_space<semaphore_mem>>
        %dma_start3A_211 = arith.constant 0 : i32
        %dma_start3A_212 = tpu.memref_slice %arg9[%add3A_209, %dma_start3A_211] : memref<16x128xi32, #tpu.memory_space<vmem>> -> memref<1x128xi32, #tpu.memory_space<vmem>>
        %dma_start3A_213 = tpu.memref_squeeze %dma_start3A_212 : memref<1x128xi32, #tpu.memory_space<vmem>> -> memref<128xi32, #tpu.memory_space<vmem>>
        %dma_start3A_214 = arith.constant 0 : i32
        %dma_start3A_215 = arith.constant 0 : i32
        %dma_start3A_216 = tpu.memref_slice %arg13[%dma_start3A_214, %dma_start3A_215] : memref<10240x128xf32, #tpu.memory_space<vmem_shared>> -> memref<10240x128xf32, #tpu.memory_space<vmem_shared>>
        tpu.enqueue_indirect_dma source(%arg12 : memref<128x128xf32, #tpu.memory_space<vmem>>) target(%dma_start3A_216 : memref<10240x128xf32, #tpu.memory_space<vmem_shared>>) offsets(%dma_start3A_213 : memref<128xi32, #tpu.memory_space<vmem>>) semaphore(%run_scoped3A_210 : memref<!tpu.dma_semaphore, #tpu.memory_space<semaphore_mem>>) {add = true}
        %dma_wait3A_217 = arith.constant 0 : i32
        %dma_wait3A_218 = tpu.memref_slice %arg9[%add3A_209, %dma_wait3A_217] : memref<16x128xi32, #tpu.memory_space<vmem>> -> memref<1x128xi32, #tpu.memory_space<vmem>>
        %dma_wait3A_219 = tpu.memref_squeeze %dma_wait3A_218 : memref<1x128xi32, #tpu.memory_space<vmem>> -> memref<128xi32, #tpu.memory_space<vmem>>
        %dma_wait3A_220 = arith.constant 0 : i32
        %dma_wait3A_221 = arith.constant 0 : i32
        %dma_wait3A_222 = tpu.memref_slice %arg13[%dma_wait3A_220, %dma_wait3A_221] : memref<10240x128xf32, #tpu.memory_space<vmem_shared>> -> memref<10240x128xf32, #tpu.memory_space<vmem_shared>>
        tpu.wait_indirect_dma semaphore(%run_scoped3A_210 : memref<!tpu.dma_semaphore, #tpu.memory_space<semaphore_mem>>) src(%arg12 : memref<128x128xf32, #tpu.memory_space<vmem>>) dst(%dma_wait3A_222 : memref<10240x128xf32, #tpu.memory_space<vmem_shared>>)
        tpu.yield
      }) : () -> ()
    }
    %scan3A_171 = arith.constant 8 : i32
    %barrier3A_172 = arith.constant 0 : index
    tpu.barrier barrier_id(%barrier3A_172)
    %mul3A_173 = arith.constant 640 : i32
    %mul3A_174 = arith.muli %arg1, %mul3A_173 : i32
    %mul3A_175 = arith.constant 640 : i32
    %mul3A_176 = arith.muli %arg1, %mul3A_175 : i32
    "tpu.region"() ({
      %run_scoped3A_177 = tpu.sem_alloc : memref<!tpu.dma_semaphore, #tpu.memory_space<semaphore_mem>>
      %dma_start3A_178 = arith.constant 0 : i32
      %dma_start3A_179 = tpu.memref_slice %arg6[%arg0, %mul3A_176, %dma_start3A_178] : memref<2x10240x128xf32, #tpu.memory_space<hbm>> -> memref<1x640x128xf32, #tpu.memory_space<hbm>>
      %dma_start3A_180 = tpu.memref_squeeze %dma_start3A_179 : memref<1x640x128xf32, #tpu.memory_space<hbm>> -> memref<640x128xf32, #tpu.memory_space<hbm>>
      %dma_start3A_181 = arith.constant 0 : i32
      %dma_start3A_182 = tpu.memref_slice %arg13[%mul3A_174, %dma_start3A_181] : memref<10240x128xf32, #tpu.memory_space<vmem_shared>> -> memref<640x128xf32, #tpu.memory_space<vmem_shared>>
      tpu.enqueue_dma source(%dma_start3A_182 : memref<640x128xf32, #tpu.memory_space<vmem_shared>>) target(%dma_start3A_180 : memref<640x128xf32, #tpu.memory_space<hbm>>) target_semaphore(%run_scoped3A_177 : memref<!tpu.dma_semaphore, #tpu.memory_space<semaphore_mem>>)
      %dma_wait3A_183 = arith.constant 0 : i32
      %dma_wait3A_184 = tpu.memref_slice %arg6[%arg0, %mul3A_176, %dma_wait3A_183] : memref<2x10240x128xf32, #tpu.memory_space<hbm>> -> memref<1x640x128xf32, #tpu.memory_space<hbm>>
      %dma_wait3A_185 = tpu.memref_squeeze %dma_wait3A_184 : memref<1x640x128xf32, #tpu.memory_space<hbm>> -> memref<640x128xf32, #tpu.memory_space<hbm>>
      %dma_wait3A_186 = arith.constant 0 : i32
      %dma_wait3A_187 = tpu.memref_slice %arg13[%mul3A_174, %dma_wait3A_186] : memref<10240x128xf32, #tpu.memory_space<vmem_shared>> -> memref<640x128xf32, #tpu.memory_space<vmem_shared>>
      tpu.wait_dma2 semaphore(%run_scoped3A_177 : memref<!tpu.dma_semaphore, #tpu.memory_space<semaphore_mem>>) src(%dma_wait3A_187 : memref<640x128xf32, #tpu.memory_space<vmem_shared>>) dst(%dma_wait3A_185 : memref<640x128xf32, #tpu.memory_space<hbm>>)
      tpu.yield
    }) : () -> ()
    return
  }
}

module attributes {stable_mosaic.version = 14 : i64} {
  func.func @_hist_body(%arg0: i32, %arg1: memref<1x1x4096xi32, #tpu.memory_space<vmem>>, %arg2: memref<1x1x4096xi32, #tpu.memory_space<vmem>>, %arg3: memref<80x128xf32, #tpu.memory_space<vmem>>, %arg4: memref<80x128xf32, #tpu.memory_space<vmem>>) attributes {dimension_semantics = [#tpu.dimension_semantics<arbitrary>], iteration_bounds = array<i64: 79>, scalar_prefetch = 0 : i64, scratch_operands = 0 : i64, tpu.core_type = #tpu.core_type<tc>, window_params = [{transform_indices = @transform_0, window_bounds = array<i64: 1, 1, 4096>}, {transform_indices = @transform_1, window_bounds = array<i64: 1, 1, 4096>}, {pipeline_mode = #tpu.pipeline_mode<synchronous>, transform_indices = @transform_2, window_bounds = array<i64: 80, 128>}, {pipeline_mode = #tpu.pipeline_mode<synchronous>, transform_indices = @transform_3, window_bounds = array<i64: 80, 128>}]} {
    %get3A = arith.constant 0 : index
    %get3A_0 = arith.constant 0 : index
    %get3A_1 = arith.constant 0 : index
    %get3A_2 = vector.load %arg1[%get3A, %get3A_0, %get3A_1] : memref<1x1x4096xi32, #tpu.memory_space<vmem>>, vector<1x1x4096xi32>
    %get3A_3 = vector.shape_cast %get3A_2 : vector<1x1x4096xi32> to vector<1x4096xi32>
    %get3A_4 = arith.constant 0 : index
    %get3A_5 = arith.constant 0 : index
    %get3A_6 = arith.constant 0 : index
    %get3A_7 = vector.load %arg2[%get3A_4, %get3A_5, %get3A_6] : memref<1x1x4096xi32, #tpu.memory_space<vmem>>, vector<1x1x4096xi32>
    %get3A_8 = vector.shape_cast %get3A_7 : vector<1x1x4096xi32> to vector<1x4096xi32>
    %iota3A = tpu.iota {dimensions = array<i32: 0>} : vector<80x4096xi32>
    %iota3A_9 = tpu.iota {dimensions = array<i32: 0>} : vector<128x4096xi32>
    %shift_right_arithmetic3A = arith.constant 7 : i32
    %shift_right_arithmetic3A_10 = vector.broadcast %shift_right_arithmetic3A : i32 to vector<1x4096xi32>
    %shift_right_arithmetic3A_11 = arith.shrsi %get3A_3, %shift_right_arithmetic3A_10 : vector<1x4096xi32>
    %eq3A = vector.broadcast %shift_right_arithmetic3A_11 : vector<1x4096xi32> to vector<80x4096xi32>
    %eq3A_12 = arith.cmpi eq, %eq3A, %iota3A : vector<80x4096xi32>
    %convert_element_type3A = arith.extui %eq3A_12 : vector<80x4096xi1> to vector<80x4096xi32>
    %convert_element_type3A_13 = arith.sitofp %convert_element_type3A : vector<80x4096xi32> to vector<80x4096xf32>
    %convert_element_type3A_14 = arith.truncf %convert_element_type3A_13 : vector<80x4096xf32> to vector<80x4096xbf16>
    %and3A = arith.constant 127 : i32
    %and3A_15 = vector.broadcast %and3A : i32 to vector<1x4096xi32>
    %and3A_16 = arith.andi %get3A_3, %and3A_15 : vector<1x4096xi32>
    %eq3A_17 = vector.broadcast %and3A_16 : vector<1x4096xi32> to vector<128x4096xi32>
    %eq3A_18 = arith.cmpi eq, %eq3A_17, %iota3A_9 : vector<128x4096xi32>
    %convert_element_type3A_19 = arith.extui %eq3A_18 : vector<128x4096xi1> to vector<128x4096xi32>
    %convert_element_type3A_20 = arith.sitofp %convert_element_type3A_19 : vector<128x4096xi32> to vector<128x4096xf32>
    %convert_element_type3A_21 = arith.truncf %convert_element_type3A_20 : vector<128x4096xf32> to vector<128x4096xbf16>
    %eq3A_22 = arith.cmpi eq, %get3A_3, %get3A_8 : vector<1x4096xi32>
    %convert_element_type3A_23 = arith.extui %eq3A_22 : vector<1x4096xi1> to vector<1x4096xi32>
    %convert_element_type3A_24 = arith.sitofp %convert_element_type3A_23 : vector<1x4096xi32> to vector<1x4096xf32>
    %convert_element_type3A_25 = arith.truncf %convert_element_type3A_24 : vector<1x4096xf32> to vector<1x4096xbf16>
    %dot_general3A = arith.constant dense<0.000000e+00> : vector<80x128xf32>
    %dot_general3A_26 = tpu.matmul %convert_element_type3A_14, %convert_element_type3A_21, %dot_general3A {dimension_numbers = #tpu.dot_dimension_numbers<[1], [1], [0], [0], [0, 0, 1, 0], [], []>, transpose_lhs_hint = false} : vector<80x4096xbf16>, vector<128x4096xbf16>, vector<80x128xf32> -> vector<80x128xf32>
    %mul3A = vector.broadcast %convert_element_type3A_25 : vector<1x4096xbf16> to vector<80x4096xbf16>
    %mul3A_27 = arith.mulf %convert_element_type3A_14, %mul3A : vector<80x4096xbf16>
    %dot_general3A_28 = arith.constant dense<0.000000e+00> : vector<80x128xf32>
    %dot_general3A_29 = tpu.matmul %mul3A_27, %convert_element_type3A_21, %dot_general3A_28 {dimension_numbers = #tpu.dot_dimension_numbers<[1], [1], [0], [0], [0, 0, 1, 0], [], []>, transpose_lhs_hint = false} : vector<80x4096xbf16>, vector<128x4096xbf16>, vector<80x128xf32> -> vector<80x128xf32>
    %eq3A_30 = arith.constant 0 : i32
    %eq3A_31 = arith.cmpi eq, %arg0, %eq3A_30 : i32
    %convert_element_type3A_32 = arith.extui %eq3A_31 : i1 to i32
    %cond3A = arith.constant 0 : i32
    %cond3A_33 = arith.cmpi ne, %convert_element_type3A_32, %cond3A : i32
    scf.if %cond3A_33 {
      %broadcast_in_dim3A = arith.constant 0.000000e+00 : f32
      %broadcast_in_dim3A_46 = vector.broadcast %broadcast_in_dim3A : f32 to vector<80x128xf32>
      %swap3A_47 = arith.constant 0 : index
      %swap3A_48 = arith.constant 0 : index
      %swap3A_49 = vector.load %arg3[%swap3A_47, %swap3A_48] : memref<80x128xf32, #tpu.memory_space<vmem>>, vector<80x128xf32>
      tpu.vector_store %arg3[%swap3A_47, %swap3A_48], %broadcast_in_dim3A_46 {strides = array<i32>} : memref<80x128xf32, #tpu.memory_space<vmem>>, vector<80x128xf32>,
      %broadcast_in_dim3A_50 = arith.constant 0.000000e+00 : f32
      %broadcast_in_dim3A_51 = vector.broadcast %broadcast_in_dim3A_50 : f32 to vector<80x128xf32>
      %swap3A_52 = arith.constant 0 : index
      %swap3A_53 = arith.constant 0 : index
      %swap3A_54 = vector.load %arg4[%swap3A_52, %swap3A_53] : memref<80x128xf32, #tpu.memory_space<vmem>>, vector<80x128xf32>
      tpu.vector_store %arg4[%swap3A_52, %swap3A_53], %broadcast_in_dim3A_51 {strides = array<i32>} : memref<80x128xf32, #tpu.memory_space<vmem>>, vector<80x128xf32>,
    } else {
    }
    %get3A_34 = arith.constant 0 : index
    %get3A_35 = arith.constant 0 : index
    %get3A_36 = vector.load %arg3[%get3A_34, %get3A_35] : memref<80x128xf32, #tpu.memory_space<vmem>>, vector<80x128xf32>
    %add3A = arith.addf %get3A_36, %dot_general3A_26 : vector<80x128xf32>
    %swap3A = arith.constant 0 : index
    %swap3A_37 = arith.constant 0 : index
    %swap3A_38 = vector.load %arg3[%swap3A, %swap3A_37] : memref<80x128xf32, #tpu.memory_space<vmem>>, vector<80x128xf32>
    tpu.vector_store %arg3[%swap3A, %swap3A_37], %add3A {strides = array<i32>} : memref<80x128xf32, #tpu.memory_space<vmem>>, vector<80x128xf32>,
    %get3A_39 = arith.constant 0 : index
    %get3A_40 = arith.constant 0 : index
    %get3A_41 = vector.load %arg4[%get3A_39, %get3A_40] : memref<80x128xf32, #tpu.memory_space<vmem>>, vector<80x128xf32>
    %add3A_42 = arith.addf %get3A_41, %dot_general3A_29 : vector<80x128xf32>
    %swap3A_43 = arith.constant 0 : index
    %swap3A_44 = arith.constant 0 : index
    %swap3A_45 = vector.load %arg4[%swap3A_43, %swap3A_44] : memref<80x128xf32, #tpu.memory_space<vmem>>, vector<80x128xf32>
    tpu.vector_store %arg4[%swap3A_43, %swap3A_44], %add3A_42 {strides = array<i32>} : memref<80x128xf32, #tpu.memory_space<vmem>>, vector<80x128xf32>,
    return
  }
  func.func @transform_0(%arg0: i32) -> (i32, i32, i32) {
    %c0_i32 = arith.constant 0 : i32
    %c0_i32_0 = arith.constant 0 : i32
    %c0_i32_1 = arith.constant 0 : i32
    return %arg0, %c0_i32, %c0_i32_0 : i32, i32, i32
  }
  func.func @transform_1(%arg0: i32) -> (i32, i32, i32) {
    %c0_i32 = arith.constant 0 : i32
    %c0_i32_0 = arith.constant 0 : i32
    %c0_i32_1 = arith.constant 0 : i32
    return %arg0, %c0_i32, %c0_i32_0 : i32, i32, i32
  }
  func.func @transform_2(%arg0: i32) -> (i32, i32) {
    %c0_i32 = arith.constant 0 : i32
    %c0_i32_0 = arith.constant 0 : i32
    %c0_i32_1 = arith.constant 0 : i32
    return %c0_i32, %c0_i32_0 : i32, i32
  }
  func.func @transform_3(%arg0: i32) -> (i32, i32) {
    %c0_i32 = arith.constant 0 : i32
    %c0_i32_0 = arith.constant 0 : i32
    %c0_i32_1 = arith.constant 0 : i32
    return %c0_i32, %c0_i32_0 : i32, i32
  }
}

module attributes {stable_mosaic.version = 14 : i64} {
  func.func @_pre_body(%arg0: i32, %arg1: memref<1024x1xf32, #tpu.memory_space<vmem>>, %arg2: memref<1024x1xf32, #tpu.memory_space<vmem>>, %arg3: memref<1024x128xf32, #tpu.memory_space<vmem>>, %arg4: memref<1024x128xf32, #tpu.memory_space<vmem>>, %arg5: memref<1024x1xf32, #tpu.memory_space<vmem>>) attributes {dimension_semantics = [#tpu.dimension_semantics<arbitrary>], iteration_bounds = array<i64: 10>, scalar_prefetch = 0 : i64, scratch_operands = 0 : i64, tpu.core_type = #tpu.core_type<tc>, window_params = [{transform_indices = @transform_0, window_bounds = array<i64: 1024, 1>}, {transform_indices = @transform_1, window_bounds = array<i64: 1024, 1>}, {transform_indices = @transform_2, window_bounds = array<i64: 1024, 128>}, {transform_indices = @transform_3, window_bounds = array<i64: 1024, 128>}, {transform_indices = @transform_4, window_bounds = array<i64: 1024, 1>}]} {
    %get3A = arith.constant 0 : index
    %get3A_0 = arith.constant 0 : index
    %get3A_1 = vector.load %arg1[%get3A, %get3A_0] : memref<1024x1xf32, #tpu.memory_space<vmem>>, vector<1024x1xf32>
    %get3A_2 = arith.constant 0 : index
    %get3A_3 = arith.constant 0 : index
    %get3A_4 = vector.load %arg2[%get3A_2, %get3A_3] : memref<1024x1xf32, #tpu.memory_space<vmem>>, vector<1024x1xf32>
    %sub3A = arith.subf %get3A_1, %get3A_4 : vector<1024x1xf32>
    %mul3A = arith.constant 1024 : i32
    %mul3A_5 = arith.muli %arg0, %mul3A : i32
    %iota3A = tpu.iota {dimensions = array<i32: 0>} : vector<1024x1xi32>
    %add3A = vector.broadcast %mul3A_5 : i32 to vector<1024x1xi32>
    %add3A_6 = arith.addi %add3A, %iota3A : vector<1024x1xi32>
    %lt3A = arith.constant 10000 : i32
    %lt3A_7 = vector.broadcast %lt3A : i32 to vector<1024x1xi32>
    %lt3A_8 = arith.cmpi slt, %add3A_6, %lt3A_7 : vector<1024x1xi32>
    %gt3A = arith.constant 0.000000e+00 : f32
    %gt3A_9 = vector.broadcast %gt3A : f32 to vector<1024x1xf32>
    %gt3A_10 = arith.cmpf ogt, %sub3A, %gt3A_9 : vector<1024x1xf32>
    %and3A = arith.andi %lt3A_8, %gt3A_10 : vector<1024x1xi1>
    %max3A = arith.constant 1.000000e+00 : f32
    %max3A_11 = vector.broadcast %max3A : f32 to vector<1024x1xf32>
    %max3A_12 = arith.maximumf %sub3A, %max3A_11 : vector<1024x1xf32>
    %rsqrt3A = math.rsqrt %max3A_12 : vector<1024x1xf32>
    %jit3A = arith.constant 0.000000e+00 : f32
    %broadcast_in_dim3A = vector.broadcast %jit3A : f32 to vector<1024x1xf32>
    %select_n3A = arith.select %and3A, %rsqrt3A, %broadcast_in_dim3A : vector<1024x1xi1>, vector<1024x1xf32>
    %swap3A = arith.constant 0 : index
    %swap3A_13 = arith.constant 0 : index
    %swap3A_14 = vector.load %arg5[%swap3A, %swap3A_13] : memref<1024x1xf32, #tpu.memory_space<vmem>>, vector<1024x1xf32>
    tpu.vector_store %arg5[%swap3A, %swap3A_13], %select_n3A {strides = array<i32>} : memref<1024x1xf32, #tpu.memory_space<vmem>>, vector<1024x1xf32>,
    %get3A_15 = arith.constant 0 : index
    %get3A_16 = arith.constant 0 : index
    %get3A_17 = vector.load %arg3[%get3A_15, %get3A_16] : memref<1024x128xf32, #tpu.memory_space<vmem>>, vector<1024x128xf32>
    %mul3A_18 = vector.broadcast %select_n3A : vector<1024x1xf32> to vector<1024x128xf32>
    %mul3A_19 = arith.mulf %mul3A_18, %get3A_17 : vector<1024x128xf32>
    %swap3A_20 = arith.constant 0 : index
    %swap3A_21 = arith.constant 0 : index
    %swap3A_22 = vector.load %arg4[%swap3A_20, %swap3A_21] : memref<1024x128xf32, #tpu.memory_space<vmem>>, vector<1024x128xf32>
    tpu.vector_store %arg4[%swap3A_20, %swap3A_21], %mul3A_19 {strides = array<i32>} : memref<1024x128xf32, #tpu.memory_space<vmem>>, vector<1024x128xf32>,
    return
  }
  func.func @transform_0(%arg0: i32) -> (i32, i32) {
    %c0_i32 = arith.constant 0 : i32
    %c0_i32_0 = arith.constant 0 : i32
    return %arg0, %c0_i32 : i32, i32
  }
  func.func @transform_1(%arg0: i32) -> (i32, i32) {
    %c0_i32 = arith.constant 0 : i32
    %c0_i32_0 = arith.constant 0 : i32
    return %arg0, %c0_i32 : i32, i32
  }
  func.func @transform_2(%arg0: i32) -> (i32, i32) {
    %c0_i32 = arith.constant 0 : i32
    %c0_i32_0 = arith.constant 0 : i32
    return %arg0, %c0_i32 : i32, i32
  }
  func.func @transform_3(%arg0: i32) -> (i32, i32) {
    %c0_i32 = arith.constant 0 : i32
    %c0_i32_0 = arith.constant 0 : i32
    return %arg0, %c0_i32 : i32, i32
  }
  func.func @transform_4(%arg0: i32) -> (i32, i32) {
    %c0_i32 = arith.constant 0 : i32
    %c0_i32_0 = arith.constant 0 : i32
    return %arg0, %c0_i32 : i32, i32
  }
}

module attributes {stable_mosaic.version = 14 : i64} {
  func.func @_mid_body(%arg0: i32, %arg1: memref<2x1024x128xf32, #tpu.memory_space<vmem>>, %arg2: memref<1024x128xf32, #tpu.memory_space<vmem>>, %arg3: memref<1024x1xf32, #tpu.memory_space<vmem>>, %arg4: memref<1024x1xf32, #tpu.memory_space<vmem>>, %arg5: memref<1024x128xf32, #tpu.memory_space<vmem>>, %arg6: memref<1024x128xf32, #tpu.memory_space<vmem>>) attributes {dimension_semantics = [#tpu.dimension_semantics<arbitrary>], iteration_bounds = array<i64: 10>, scalar_prefetch = 0 : i64, scratch_operands = 0 : i64, tpu.core_type = #tpu.core_type<tc>, window_params = [{transform_indices = @transform_0, window_bounds = array<i64: 2, 1024, 128>}, {transform_indices = @transform_1, window_bounds = array<i64: 1024, 128>}, {transform_indices = @transform_2, window_bounds = array<i64: 1024, 1>}, {transform_indices = @transform_3, window_bounds = array<i64: 1024, 1>}, {transform_indices = @transform_4, window_bounds = array<i64: 1024, 128>}, {transform_indices = @transform_5, window_bounds = array<i64: 1024, 128>}]} {
    %get3A = arith.constant 0 : index
    %get3A_0 = arith.constant 0 : index
    %get3A_1 = arith.constant 0 : index
    %get3A_2 = vector.load %arg1[%get3A, %get3A_0, %get3A_1] : memref<2x1024x128xf32, #tpu.memory_space<vmem>>, vector<1x1024x128xf32>
    %get3A_3 = vector.shape_cast %get3A_2 : vector<1x1024x128xf32> to vector<1024x128xf32>
    %get3A_4 = arith.constant 1 : index
    %get3A_5 = arith.constant 0 : index
    %get3A_6 = arith.constant 0 : index
    %get3A_7 = vector.load %arg1[%get3A_4, %get3A_5, %get3A_6] : memref<2x1024x128xf32, #tpu.memory_space<vmem>>, vector<1x1024x128xf32>
    %get3A_8 = vector.shape_cast %get3A_7 : vector<1x1024x128xf32> to vector<1024x128xf32>
    %add3A = arith.addf %get3A_3, %get3A_8 : vector<1024x128xf32>
    %get3A_9 = arith.constant 0 : index
    %get3A_10 = arith.constant 0 : index
    %get3A_11 = vector.load %arg3[%get3A_9, %get3A_10] : memref<1024x1xf32, #tpu.memory_space<vmem>>, vector<1024x1xf32>
    %neg3A = arith.constant 0.000000e+00 : f32
    %neg3A_12 = vector.broadcast %neg3A : f32 to vector<1024x1xf32>
    %neg3A_13 = arith.subf %neg3A_12, %get3A_11 : vector<1024x1xf32>
    %get3A_14 = arith.constant 0 : index
    %get3A_15 = arith.constant 0 : index
    %get3A_16 = vector.load %arg4[%get3A_14, %get3A_15] : memref<1024x1xf32, #tpu.memory_space<vmem>>, vector<1024x1xf32>
    %get3A_17 = arith.constant 0 : index
    %get3A_18 = arith.constant 0 : index
    %get3A_19 = vector.load %arg2[%get3A_17, %get3A_18] : memref<1024x128xf32, #tpu.memory_space<vmem>>, vector<1024x128xf32>
    %mul3A = vector.broadcast %get3A_16 : vector<1024x1xf32> to vector<1024x128xf32>
    %mul3A_20 = arith.mulf %mul3A, %get3A_19 : vector<1024x128xf32>
    %sub3A = arith.subf %add3A, %mul3A_20 : vector<1024x128xf32>
    %mul3A_21 = vector.broadcast %neg3A_13 : vector<1024x1xf32> to vector<1024x128xf32>
    %mul3A_22 = arith.mulf %mul3A_21, %sub3A : vector<1024x128xf32>
    %swap3A = arith.constant 0 : index
    %swap3A_23 = arith.constant 0 : index
    %swap3A_24 = vector.load %arg5[%swap3A, %swap3A_23] : memref<1024x128xf32, #tpu.memory_space<vmem>>, vector<1024x128xf32>
    tpu.vector_store %arg5[%swap3A, %swap3A_23], %mul3A_22 {strides = array<i32>} : memref<1024x128xf32, #tpu.memory_space<vmem>>, vector<1024x128xf32>,
    %mul3A_25 = vector.broadcast %get3A_11 : vector<1024x1xf32> to vector<1024x128xf32>
    %mul3A_26 = arith.mulf %mul3A_25, %mul3A_22 : vector<1024x128xf32>
    %swap3A_27 = arith.constant 0 : index
    %swap3A_28 = arith.constant 0 : index
    %swap3A_29 = vector.load %arg6[%swap3A_27, %swap3A_28] : memref<1024x128xf32, #tpu.memory_space<vmem>>, vector<1024x128xf32>
    tpu.vector_store %arg6[%swap3A_27, %swap3A_28], %mul3A_26 {strides = array<i32>} : memref<1024x128xf32, #tpu.memory_space<vmem>>, vector<1024x128xf32>,
    return
  }
  func.func @transform_0(%arg0: i32) -> (i32, i32, i32) {
    %c0_i32 = arith.constant 0 : i32
    %c0_i32_0 = arith.constant 0 : i32
    %c0_i32_1 = arith.constant 0 : i32
    return %c0_i32, %arg0, %c0_i32_0 : i32, i32, i32
  }
  func.func @transform_1(%arg0: i32) -> (i32, i32) {
    %c0_i32 = arith.constant 0 : i32
    %c0_i32_0 = arith.constant 0 : i32
    return %arg0, %c0_i32 : i32, i32
  }
  func.func @transform_2(%arg0: i32) -> (i32, i32) {
    %c0_i32 = arith.constant 0 : i32
    %c0_i32_0 = arith.constant 0 : i32
    return %arg0, %c0_i32 : i32, i32
  }
  func.func @transform_3(%arg0: i32) -> (i32, i32) {
    %c0_i32 = arith.constant 0 : i32
    %c0_i32_0 = arith.constant 0 : i32
    return %arg0, %c0_i32 : i32, i32
  }
  func.func @transform_4(%arg0: i32) -> (i32, i32) {
    %c0_i32 = arith.constant 0 : i32
    %c0_i32_0 = arith.constant 0 : i32
    return %arg0, %c0_i32 : i32, i32
  }
  func.func @transform_5(%arg0: i32) -> (i32, i32) {
    %c0_i32 = arith.constant 0 : i32
    %c0_i32_0 = arith.constant 0 : i32
    return %arg0, %c0_i32 : i32, i32
  }
}

module attributes {stable_mosaic.version = 14 : i64} {
  func.func @_fin_body(%arg0: i32, %arg1: memref<1000x128xf32, #tpu.memory_space<vmem>>, %arg2: memref<1000x128xf32, #tpu.memory_space<vmem>>, %arg3: memref<2x1000x128xf32, #tpu.memory_space<vmem>>, %arg4: memref<1000x128xf32, #tpu.memory_space<vmem>>, %arg5: memref<1000x1xf32, #tpu.memory_space<vmem>>, %arg6: memref<1000x1xf32, #tpu.memory_space<vmem>>, %arg7: memref<3x128x128xf32, #tpu.memory_space<vmem>>, %arg8: memref<128xf32, #tpu.memory_space<vmem>>, %arg9: memref<128xf32, #tpu.memory_space<vmem>>, %arg10: memref<128xf32, #tpu.memory_space<vmem>>, %arg11: memref<1000x128xf32, #tpu.memory_space<vmem>>) attributes {dimension_semantics = [#tpu.dimension_semantics<arbitrary>], iteration_bounds = array<i64: 10>, scalar_prefetch = 0 : i64, scratch_operands = 0 : i64, tpu.core_type = #tpu.core_type<tc>, window_params = [{transform_indices = @transform_0, window_bounds = array<i64: 1000, 128>}, {transform_indices = @transform_1, window_bounds = array<i64: 1000, 128>}, {transform_indices = @transform_2, window_bounds = array<i64: 2, 1000, 128>}, {transform_indices = @transform_3, window_bounds = array<i64: 1000, 128>}, {transform_indices = @transform_4, window_bounds = array<i64: 1000, 1>}, {transform_indices = @transform_5, window_bounds = array<i64: 1000, 1>}, {pipeline_mode = #tpu.pipeline_mode<synchronous>, transform_indices = @transform_6, window_bounds = array<i64: 3, 128, 128>}, {pipeline_mode = #tpu.pipeline_mode<synchronous>, transform_indices = @transform_7, window_bounds = array<i64: 128>}, {pipeline_mode = #tpu.pipeline_mode<synchronous>, transform_indices = @transform_8, window_bounds = array<i64: 128>}, {pipeline_mode = #tpu.pipeline_mode<synchronous>, transform_indices = @transform_9, window_bounds = array<i64: 128>}, {transform_indices = @transform_10, window_bounds = array<i64: 1000, 128>}]} {
    %get3A = arith.constant 0 : index
    %get3A_0 = arith.constant 0 : index
    %get3A_1 = vector.load %arg1[%get3A, %get3A_0] : memref<1000x128xf32, #tpu.memory_space<vmem>>, vector<1000x128xf32>
    %get3A_2 = arith.constant 0 : index
    %get3A_3 = arith.constant 0 : index
    %get3A_4 = vector.load %arg2[%get3A_2, %get3A_3] : memref<1000x128xf32, #tpu.memory_space<vmem>>, vector<1000x128xf32>
    %get3A_5 = arith.constant 0 : index
    %get3A_6 = arith.constant 0 : index
    %get3A_7 = arith.constant 0 : index
    %get3A_8 = vector.load %arg3[%get3A_5, %get3A_6, %get3A_7] : memref<2x1000x128xf32, #tpu.memory_space<vmem>>, vector<1x1000x128xf32>
    %get3A_9 = vector.shape_cast %get3A_8 : vector<1x1000x128xf32> to vector<1000x128xf32>
    %get3A_10 = arith.constant 1 : index
    %get3A_11 = arith.constant 0 : index
    %get3A_12 = arith.constant 0 : index
    %get3A_13 = vector.load %arg3[%get3A_10, %get3A_11, %get3A_12] : memref<2x1000x128xf32, #tpu.memory_space<vmem>>, vector<1x1000x128xf32>
    %get3A_14 = vector.shape_cast %get3A_13 : vector<1x1000x128xf32> to vector<1000x128xf32>
    %add3A = arith.addf %get3A_9, %get3A_14 : vector<1000x128xf32>
    %get3A_15 = arith.constant 0 : index
    %get3A_16 = arith.constant 0 : index
    %get3A_17 = vector.load %arg5[%get3A_15, %get3A_16] : memref<1000x1xf32, #tpu.memory_space<vmem>>, vector<1000x1xf32>
    %mul3A = arith.constant -2.000000e+00 : f32
    %mul3A_18 = vector.broadcast %mul3A : f32 to vector<1000x1xf32>
    %mul3A_19 = arith.mulf %mul3A_18, %get3A_17 : vector<1000x1xf32>
    %get3A_20 = arith.constant 0 : index
    %get3A_21 = arith.constant 0 : index
    %get3A_22 = vector.load %arg6[%get3A_20, %get3A_21] : memref<1000x1xf32, #tpu.memory_space<vmem>>, vector<1000x1xf32>
    %get3A_23 = arith.constant 0 : index
    %get3A_24 = arith.constant 0 : index
    %get3A_25 = vector.load %arg4[%get3A_23, %get3A_24] : memref<1000x128xf32, #tpu.memory_space<vmem>>, vector<1000x128xf32>
    %mul3A_26 = vector.broadcast %get3A_22 : vector<1000x1xf32> to vector<1000x128xf32>
    %mul3A_27 = arith.mulf %mul3A_26, %get3A_25 : vector<1000x128xf32>
    %sub3A = arith.subf %add3A, %mul3A_27 : vector<1000x128xf32>
    %mul3A_28 = vector.broadcast %mul3A_19 : vector<1000x1xf32> to vector<1000x128xf32>
    %mul3A_29 = arith.mulf %mul3A_28, %sub3A : vector<1000x128xf32>
    %sub3A_30 = arith.subf %mul3A_29, %get3A_1 : vector<1000x128xf32>
    %get3A_31 = arith.constant 0 : index
    %get3A_32 = arith.constant 0 : index
    %get3A_33 = arith.constant 0 : index
    %get3A_34 = vector.load %arg7[%get3A_31, %get3A_32, %get3A_33] : memref<3x128x128xf32, #tpu.memory_space<vmem>>, vector<1x128x128xf32>
    %get3A_35 = vector.shape_cast %get3A_34 : vector<1x128x128xf32> to vector<128x128xf32>
    %dot_general3A = arith.constant dense<0.000000e+00> : vector<1000x128xf32>
    %dot_general3A_36 = tpu.matmul %get3A_1, %get3A_35, %dot_general3A {dimension_numbers = #tpu.dot_dimension_numbers<[1], [0], [0], [1], [0, 0, 1, 1], [], []>, transpose_lhs_hint = false} : vector<1000x128xf32>, vector<128x128xf32>, vector<1000x128xf32> -> vector<1000x128xf32>
    %get3A_37 = arith.constant 1 : index
    %get3A_38 = arith.constant 0 : index
    %get3A_39 = arith.constant 0 : index
    %get3A_40 = vector.load %arg7[%get3A_37, %get3A_38, %get3A_39] : memref<3x128x128xf32, #tpu.memory_space<vmem>>, vector<1x128x128xf32>
    %get3A_41 = vector.shape_cast %get3A_40 : vector<1x128x128xf32> to vector<128x128xf32>
    %dot_general3A_42 = arith.constant dense<0.000000e+00> : vector<1000x128xf32>
    %dot_general3A_43 = tpu.matmul %get3A_4, %get3A_41, %dot_general3A_42 {dimension_numbers = #tpu.dot_dimension_numbers<[1], [0], [0], [1], [0, 0, 1, 1], [], []>, transpose_lhs_hint = false} : vector<1000x128xf32>, vector<128x128xf32>, vector<1000x128xf32> -> vector<1000x128xf32>
    %add3A_44 = arith.addf %dot_general3A_36, %dot_general3A_43 : vector<1000x128xf32>
    %get3A_45 = arith.constant 2 : index
    %get3A_46 = arith.constant 0 : index
    %get3A_47 = arith.constant 0 : index
    %get3A_48 = vector.load %arg7[%get3A_45, %get3A_46, %get3A_47] : memref<3x128x128xf32, #tpu.memory_space<vmem>>, vector<1x128x128xf32>
    %get3A_49 = vector.shape_cast %get3A_48 : vector<1x128x128xf32> to vector<128x128xf32>
    %dot_general3A_50 = arith.constant dense<0.000000e+00> : vector<1000x128xf32>
    %dot_general3A_51 = tpu.matmul %sub3A_30, %get3A_49, %dot_general3A_50 {dimension_numbers = #tpu.dot_dimension_numbers<[1], [0], [0], [1], [0, 0, 1, 1], [], []>, transpose_lhs_hint = false} : vector<1000x128xf32>, vector<128x128xf32>, vector<1000x128xf32> -> vector<1000x128xf32>
    %add3A_52 = arith.addf %add3A_44, %dot_general3A_51 : vector<1000x128xf32>
    %get3A_53 = arith.constant 0 : index
    %get3A_54 = vector.load %arg8[%get3A_53] : memref<128xf32, #tpu.memory_space<vmem>>, vector<128xf32>
    %broadcast_in_dim3A = vector.shape_cast %get3A_54 : vector<128xf32> to vector<1x128xf32>
    %add3A_55 = vector.broadcast %broadcast_in_dim3A : vector<1x128xf32> to vector<1000x128xf32>
    %add3A_56 = arith.addf %add3A_52, %add3A_55 : vector<1000x128xf32>
    %reduce_sum3A = arith.constant dense<0.000000e+00> : vector<1000xf32>
    %reduce_sum3A_57 = vector.multi_reduction <add>, %add3A_56, %reduce_sum3A [1] : vector<1000x128xf32> to vector<1000xf32>
    %broadcast_in_dim3A_58 = vector.shape_cast %reduce_sum3A_57 : vector<1000xf32> to vector<1000x1xf32>
    %div3A = arith.constant 1.280000e+02 : f32
    %div3A_59 = vector.broadcast %div3A : f32 to vector<1000x1xf32>
    %div3A_60 = arith.divf %broadcast_in_dim3A_58, %div3A_59 : vector<1000x1xf32>
    %sub3A_61 = vector.broadcast %div3A_60 : vector<1000x1xf32> to vector<1000x128xf32>
    %sub3A_62 = arith.subf %add3A_56, %sub3A_61 : vector<1000x128xf32>
    %integer_pow3A = arith.mulf %sub3A_62, %sub3A_62 : vector<1000x128xf32>
    %reduce_sum3A_63 = arith.constant dense<0.000000e+00> : vector<1000xf32>
    %reduce_sum3A_64 = vector.multi_reduction <add>, %integer_pow3A, %reduce_sum3A_63 [1] : vector<1000x128xf32> to vector<1000xf32>
    %broadcast_in_dim3A_65 = vector.shape_cast %reduce_sum3A_64 : vector<1000xf32> to vector<1000x1xf32>
    %div3A_66 = arith.constant 1.280000e+02 : f32
    %div3A_67 = vector.broadcast %div3A_66 : f32 to vector<1000x1xf32>
    %div3A_68 = arith.divf %broadcast_in_dim3A_65, %div3A_67 : vector<1000x1xf32>
    %sub3A_69 = vector.broadcast %div3A_60 : vector<1000x1xf32> to vector<1000x128xf32>
    %sub3A_70 = arith.subf %add3A_56, %sub3A_69 : vector<1000x128xf32>
    %add3A_71 = arith.constant 9.99999974E-6 : f32
    %add3A_72 = vector.broadcast %add3A_71 : f32 to vector<1000x1xf32>
    %add3A_73 = arith.addf %div3A_68, %add3A_72 : vector<1000x1xf32>
    %rsqrt3A = math.rsqrt %add3A_73 : vector<1000x1xf32>
    %mul3A_74 = vector.broadcast %rsqrt3A : vector<1000x1xf32> to vector<1000x128xf32>
    %mul3A_75 = arith.mulf %sub3A_70, %mul3A_74 : vector<1000x128xf32>
    %get3A_76 = arith.constant 0 : index
    %get3A_77 = vector.load %arg9[%get3A_76] : memref<128xf32, #tpu.memory_space<vmem>>, vector<128xf32>
    %broadcast_in_dim3A_78 = vector.shape_cast %get3A_77 : vector<128xf32> to vector<1x128xf32>
    %mul3A_79 = vector.broadcast %broadcast_in_dim3A_78 : vector<1x128xf32> to vector<1000x128xf32>
    %mul3A_80 = arith.mulf %mul3A_75, %mul3A_79 : vector<1000x128xf32>
    %get3A_81 = arith.constant 0 : index
    %get3A_82 = vector.load %arg10[%get3A_81] : memref<128xf32, #tpu.memory_space<vmem>>, vector<128xf32>
    %broadcast_in_dim3A_83 = vector.shape_cast %get3A_82 : vector<128xf32> to vector<1x128xf32>
    %add3A_84 = vector.broadcast %broadcast_in_dim3A_83 : vector<1x128xf32> to vector<1000x128xf32>
    %add3A_85 = arith.addf %mul3A_80, %add3A_84 : vector<1000x128xf32>
    %max3A = arith.constant 0.000000e+00 : f32
    %max3A_86 = vector.broadcast %max3A : f32 to vector<1000x128xf32>
    %max3A_87 = arith.maximumf %add3A_85, %max3A_86 : vector<1000x128xf32>
    %swap3A = arith.constant 0 : index
    %swap3A_88 = arith.constant 0 : index
    %swap3A_89 = vector.load %arg11[%swap3A, %swap3A_88] : memref<1000x128xf32, #tpu.memory_space<vmem>>, vector<1000x128xf32>
    tpu.vector_store %arg11[%swap3A, %swap3A_88], %max3A_87 {strides = array<i32>} : memref<1000x128xf32, #tpu.memory_space<vmem>>, vector<1000x128xf32>,
    return
  }
  func.func @transform_0(%arg0: i32) -> (i32, i32) {
    %c0_i32 = arith.constant 0 : i32
    %c0_i32_0 = arith.constant 0 : i32
    return %arg0, %c0_i32 : i32, i32
  }
  func.func @transform_1(%arg0: i32) -> (i32, i32) {
    %c0_i32 = arith.constant 0 : i32
    %c0_i32_0 = arith.constant 0 : i32
    return %arg0, %c0_i32 : i32, i32
  }
  func.func @transform_2(%arg0: i32) -> (i32, i32, i32) {
    %c0_i32 = arith.constant 0 : i32
    %c0_i32_0 = arith.constant 0 : i32
    %c0_i32_1 = arith.constant 0 : i32
    return %c0_i32, %arg0, %c0_i32_0 : i32, i32, i32
  }
  func.func @transform_3(%arg0: i32) -> (i32, i32) {
    %c0_i32 = arith.constant 0 : i32
    %c0_i32_0 = arith.constant 0 : i32
    return %arg0, %c0_i32 : i32, i32
  }
  func.func @transform_4(%arg0: i32) -> (i32, i32) {
    %c0_i32 = arith.constant 0 : i32
    %c0_i32_0 = arith.constant 0 : i32
    return %arg0, %c0_i32 : i32, i32
  }
  func.func @transform_5(%arg0: i32) -> (i32, i32) {
    %c0_i32 = arith.constant 0 : i32
    %c0_i32_0 = arith.constant 0 : i32
    return %arg0, %c0_i32 : i32, i32
  }
  func.func @transform_6(%arg0: i32) -> (i32, i32, i32) {
    %c0_i32 = arith.constant 0 : i32
    %c0_i32_0 = arith.constant 0 : i32
    %c0_i32_1 = arith.constant 0 : i32
    %c0_i32_2 = arith.constant 0 : i32
    return %c0_i32, %c0_i32_0, %c0_i32_1 : i32, i32, i32
  }
  func.func @transform_7(%arg0: i32) -> i32 {
    %c0_i32 = arith.constant 0 : i32
    %c0_i32_0 = arith.constant 0 : i32
    return %c0_i32 : i32
  }
  func.func @transform_8(%arg0: i32) -> i32 {
    %c0_i32 = arith.constant 0 : i32
    %c0_i32_0 = arith.constant 0 : i32
    return %c0_i32 : i32
  }
  func.func @transform_9(%arg0: i32) -> i32 {
    %c0_i32 = arith.constant 0 : i32
    %c0_i32_0 = arith.constant 0 : i32
    return %c0_i32 : i32
  }
  func.func @transform_10(%arg0: i32) -> (i32, i32) {
    %c0_i32 = arith.constant 0 : i32
    %c0_i32_0 = arith.constant 0 : i32
    return %arg0, %c0_i32 : i32, i32
  }
}

</mosaic_0001>

<sc_bundles>
// kernel: kernel.11.cloned.1.call-start
scs
__scs_entry_jumppad:
0x0: {  	(pc) =	sbr.rel $0x88, $3  }
0x1: {  	(tag) =	ssettag $0x0;
	lr =	simm.s32 $0x1  }
0x2: {  	[smem:$0x3F9B] =	sst lr;
	_ =	strace $0xD0000000  }
0x3: {  	_ = 	snop  }
0x4: {  	_ = 	snop  }
0x5: {  	_ = 	snop  }
0x6: {  	_ = 	snop  }
0x7: {  	_ = 	snop  }
__scs_overlays_trampoline_lowered:
0x8: {  	[smem:$0x3FAA] =	sst s0  }
0x9: {  	[smem:$0x3FAB] =	sst s1  }
0xa: {  	[smem:$0x3FAC] =	sst s2  }
0xb: {  	[smem:$0x3FAD] =	sst s3  }
0xc: {  	[smem:$0x3FAE] =	sst s4  }
0xd: {  	[smem:$0x3FAF] =	sst s5  }
0xe: {  	[smem:$0x3FB0] =	sst s6  }
0xf: {  	[smem:$0x3FB1] =	sst s7  }
0x10: {  	[smem:$0x3FB2] =	sst s8  }
0x11: {  	[smem:$0x3FB3] =	sst s9;
	s0 =	simm.s32 @!p0 $0x0  }
0x12: {  	s1 =	sld [smem:$0x3F99];
	s0 =	simm.s32 @p0 $0x1  }
0x13: {  	[smem:$0x3FB4] =	sst s0;
	s0 =	simm.s32 @!p1 $0x0  }
0x14: {  	s2 =	sld [smem:$0x3F98];
	s0 =	simm.s32 @p1 $0x1  }
0x15: {  	[smem:$0x3FB5] =	sst s0;
	s0 =	simm.s32 @!p2 $0x0  }
0x16: {  	s3 =	sld [smem:$0x3FDB];
	s0 =	simm.s32 @p2 $0x1  }
0x17: {  	s4 =	simm.s32 $0x1BF5;
	[smem:$0x3FB7] =	sst s0  }
0x18: {  	s0 =	sld [smem:$0x3F9A];
	_ =	swait.ge [sflag:s4], $0x0  }
0x19: {  	s7 =	sld [smem:$0x3F9B]  }
0x1a: {  	s8 =	sadd.s32 $0xFFFFE003, lr  }
0x1b: {  	s9 =	sadd.s32 $0xFFFFFEF7, lr;
	s5 =	simm.s32 $0xFFFFFFFF;
	p2 =	slt.u32 s8, $0xFFFFF086  }
0x1c: {  	p1 =	slt.u32 s9, $0xF7A;
	s5 =	simm.s32 @!p2 $0x0  }
0x1d: {  	s5 =	simm.s32 @p1 $0x1;
	p0 =	seq.s32 s7, s2  }
0x1e: {  	s7 =	smul.u32 @!p0 $0xF7A, s2;
	p2 =	seq.s32 @!p0 s5, $0x0  }
0x1f: {  	s9 =	smul.u32 $0xF7A, s1;
	s8 =	simm.s32 @!p0 $0x1BF5;
	p2 =	por !p2, p0  }
0x20: {  	[sflag:s8] =	ssyncset.s32 @!p0 $0xFFFFF086;
	s6 =	sadd.s32 @!p0 s3, s7;
	s7 =	simm.s32 @!p0 $0x108  }
0x21: {  	s3 =	sadd.s32 s3, s9;
	s6 =	sadd.s32 @!p0 $0x88, s6;
	s7 =	simm.s32 @p2 $0x1082  }
0x22: {  	[simem:s7], [sflag:s8] =	dma.local @!p0 [hbm:s6], $0xF7A  }
0x23: {  	s9 =	sor.u32 $0xD0000000, s2;
	s6 =	simm.s32 $0x108;
	_ =	swait.ge @!p0 [sflag:s8], $0x0  }
0x24: {  	s3 =	sadd.s32 $0x88, s3;
	s6 =	simm.s32 @!p1 $0x1082;
	[sflag:s4] =	ssyncset.s32 $0xFFFFF086  }
0x25: {  	[simem:s6], [sflag:s4] =	dma.local [hbm:s3], $0xF7A  }
0x26: {  	[smem:$0x3F9B] =	sst s1;
	(tag) =	ssettag s2;
	_ =	strace s9  }
0x27: {  	s1 =	sld [smem:$0x3FAB]  }
0x28: {  	s2 =	sld [smem:$0x3FAC]  }
0x29: {  	s4 =	sld [smem:$0x3FAE]  }
0x2a: {  	p0 =	seq.s32 s5, $0x0;
	s5 =	sld [smem:$0x3FAF]  }
0x2b: {  	s6 =	sld [smem:$0x3FB0]  }
0x2c: {  	s7 =	sld [smem:$0x3FB1]  }
0x2d: {  	s3 =	simm.s32 $0x108;
	s8 =	sld [smem:$0x3FB2]  }
0x2e: {  	s3 =	simm.s32 @!p0 $0x1082;
	s9 =	sld [smem:$0x3FB3]  }
0x2f: {  	lr =	sadd.s32 s0, s3;
	s0 =	sld [smem:$0x3FAA]  }
0x30: {  	s3 =	sld [smem:$0x3FAD]  }
0x31: {  	[smem:$0x3FB6] =	sst s10  }
0x32: {  	s10 =	sld [smem:$0x3FB4];
	_ =	sdelay $0x3  }
0x33: {  	p0 =	seq.s32 s10, $0x1;
	s10 =	sld [smem:$0x3FB6];
	_ =	sdelay $0x3  }
0x34: {  	[smem:$0x3FB6] =	sst s10  }
0x35: {  	s10 =	sld [smem:$0x3FB5];
	_ =	sdelay $0x3  }
0x36: {  	p1 =	seq.s32 s10, $0x1;
	s10 =	sld [smem:$0x3FB6];
	_ =	sdelay $0x3  }
0x37: {  	[smem:$0x3FB6] =	sst s10  }
0x38: {  	s10 =	sld [smem:$0x3FB7]  }
0x39: {  	_ = 	snop;
	(pc) =	sbr.ind lr, $3  }
0x3a: {  	_ = 	snop  }
0x3b: {  	_ = 	snop  }
0x3c: {  	p2 =	seq.s32 s10, $0x1;
	s10 =	sld [smem:$0x3FB6]  }
0x3d: {  	_ =	shalt  }
0x3e: {  	_ =	shalt  }
0x3f: {  	_ =	shalt  }
0x40: {  	_ =	shalt  }
0x41: {  	_ =	shalt  }
0x42: {  	_ =	shalt  }
0x43: {  	_ =	shalt  }
0x44: {  	_ =	shalt  }
0x45: {  	_ =	shalt  }
0x46: {  	_ =	shalt  }
0x47: {  	_ =	shalt  }
0x48: {  	_ =	shalt  }
0x49: {  	_ =	shalt  }
0x4a: {  	_ =	shalt  }
0x4b: {  	_ =	shalt  }
0x4c: {  	_ =	shalt  }
0x4d: {  	_ =	shalt  }
0x4e: {  	_ =	shalt  }
0x4f: {  	_ =	shalt  }
0x50: {  	_ =	shalt  }
0x51: {  	_ =	shalt  }
0x52: {  	_ =	shalt  }
0x53: {  	_ =	shalt  }
0x54: {  	_ =	shalt  }
0x55: {  	_ =	shalt  }
0x56: {  	_ =	shalt  }
0x57: {  	_ =	shalt  }
0x58: {  	_ =	shalt  }
0x59: {  	_ =	shalt  }
0x5a: {  	_ =	shalt  }
0x5b: {  	_ =	shalt  }
0x5c: {  	_ =	shalt  }
0x5d: {  	_ =	shalt  }
0x5e: {  	_ =	shalt  }
0x5f: {  	_ =	shalt  }
0x60: {  	_ =	shalt  }
0x61: {  	_ =	shalt  }
0x62: {  	_ =	shalt  }
0x63: {  	_ =	shalt  }
0x64: {  	_ =	shalt  }
0x65: {  	_ =	shalt  }
0x66: {  	_ =	shalt  }
0x67: {  	_ =	shalt  }
0x68: {  	_ =	shalt  }
0x69: {  	_ =	shalt  }
0x6a: {  	_ =	shalt  }
0x6b: {  	_ =	shalt  }
0x6c: {  	_ =	shalt  }
0x6d: {  	_ =	shalt  }
0x6e: {  	_ =	shalt  }
0x6f: {  	_ =	shalt  }
0x70: {  	_ =	shalt  }
0x71: {  	_ =	shalt  }
0x72: {  	_ =	shalt  }
0x73: {  	_ =	shalt  }
0x74: {  	_ =	shalt  }
0x75: {  	_ =	shalt  }
0x76: {  	_ =	shalt  }
0x77: {  	_ =	shalt  }
0x78: {  	_ =	shalt  }
0x79: {  	_ =	shalt  }
0x7a: {  	_ =	shalt  }
0x7b: {  	_ =	shalt  }
0x7c: {  	_ =	shalt  }
0x7d: {  	_ =	shalt  }
0x7e: {  	_ =	shalt  }
0x7f: {  	_ =	shalt  }
0x80: {  	_ =	shalt  }
0x81: {  	_ =	shalt  }
0x82: {  	_ =	shalt  }
0x83: {  	_ =	shalt  }
0x84: {  	_ =	shalt  }
0x85: {  	_ =	shalt  }
0x86: {  	_ =	shalt  }
0x87: {  	_ =	shalt  }
.Lfunc_end0:
.L_simem_size_0:
called_computation.1_lowered:
.L_overlay_start_0:
0x88: {  	s2 =	sld [smem:$0x3FD9]  }
0x89: {  	s3 =	sld [smem:$0x3FFE];
	_ =	sdelay $0x1  }
0x8a: {  	s1 =	srdreg.scid  }
0x8b: {  	s0 =	sand.u32 $0x1, s1  }
0x8c: {  	s17 =	sshll.u32 s0, $0xA;
	s2 =	sadd.s32 s3, s2  }
0x8d: {  	s2 =	sadd.s32 s2, s17  }
0x8e: {  	[smem:$0x3FC2] =	sst s2  }
0x8f: {  	_ = 	snop  }
0x90: {  	s2 =	sld [smem:$0x3FD0];
	(tm) =	ssettm $0x1  }
0x91: {  	s18 =	sld [smem:$0x3FFB];
	_ =	sdelay $0x3  }
0x92: {  	_ =	strace s18  }
0x93: {  	s3 =	sld [smem:$0x3FFC];
	_ =	sdelay $0x3  }
0x94: {  	_ =	strace s3  }
0x95: {  	s3 =	sld [smem:$0x3FFD];
	_ =	sdelay $0x3  }
0x96: {  	_ =	strace s3  }
0x97: {  	_ =	strace $0x8FFFFFFF  }
0x98: {  	s19 =	sld [smem:$0x3FDB];
	_ =	sdelay $0x1  }
0x99: {  	s4 =	simm.s32 $_scs_section_size  }
0x9a: {  	s5 =	simm.s32 $_size__tile_overlayer_lowered;
	s6 =	simm.s32 $_tile_overlayer_lowered  }
0x9b: {  	s22 =	simm.s32 $0x1BFF;
	s21 =	sshll.u32 s6, $0x1;
	s3 =	sadd.s32 s4, s19  }
0x9c: {  	s7 =	simm.s32 $0x0;
	s20 =	sshll.u32 s5, $0x1;
	s5 =	sadd.s32 s21, s3  }
0x9d: {  	[timem:s7], [sflag:s22] =	dma.local [hbm:s5], s20  }
0x9e: {  	_ =	swait.ge [sflag:s22], s20  }
0x9f: {  	s4 =	ssub.s32 $0x0, s20;
	[sflag:s22] =	ssyncset.done $0x0  }
0xa0: {  	[sflag:s22] =	ssyncadd.s32 s4;
	_ =	sdelay $0x1  }
0xa1: {  	s23 =	simm.s32 $0x1B8B  }
0xa2: {  	_ =	swait.ge [sflag:s23], $0x1  }
0xa3: {  	[sflag:s23] =	ssyncset.done $0x0  }
0xa4: {  	s25 =	simm.s32 $0x1B8E;
	s24 =	sld [smem:$0x3FFE];
	[sflag:s23] =	ssyncadd.s32 $0xFFFFFFFF  }
0xa5: {  	s26 =	simm.s32 $execute0_lowered;
	[smem:$0x3FD2] =	sst s25  }
0xa6: {  	s5 =	sshll.u32 s26, $0x1;
	_ =	strace $0x80000049;
	[dreg:$0x1] =	wrdreg $0xFFFFFFFF  }
0xa7: {  	s28 =	simm.s32 $_size_execute0_lowered;
	s3 =	sadd.s32 s3, s5;
	[dreg:$0x0] =	wrdreg $0x0  }
0xa8: {  	s5 =	sshll.u32 s28, $0x1;
	[dreg:$0x2] =	wrdreg s3  }
0xa9: {  	[dreg:$0x3] =	wrdreg s5  }
0xaa: {  	[dreg:$0x4] =	wrdreg $0xC0  }
0xab: {  	_ =	task [dreg:s7], $0x5FFFF  }
0xac: {  	[dreg:$0x1] =	wrdreg $0xFFFFFFFF  }
0xad: {  	[dreg:$0x0] =	wrdreg $0x60  }
0xae: {  	[dreg:$0x2] =	wrdreg s2  }
0xaf: {  	[dreg:$0x3] =	wrdreg s24  }
0xb0: {  	[dreg:$0x4] =	wrdreg $0xA0000  }
0xb1: {  	[dreg:$0x5] =	wrdreg $0x9  }
0xb2: {  	_ =	task.clear_ibuf [dreg:s7], $0x6FFFF;
	_ =	strace $0x90000049  }
0xb3: {  	s29 =	simm.s32 $0x9;
	_ =	strace $0x8000004B  }
0xb4: {  	_ =	swait.ge [sflag:s29], $0x1  }
0xb5: {  	[sflag:s29] =	ssyncadd.s32 $0xFFFFFFFF  }
0xb6: {  	_ =	strace $0x9000004B  }
0xb7: {  	_ =	sfence  }
0xb8: {  	s30 =	sld [smem:$0x0];
	_ =	sdelay $0x2  }
0xb9: {  	s31 =	sshll.u32 s1, $0xD;
	s1 =	sshrl.u32 s1, $0x2  }
0xba: {  	s3 =	sand.u32 $0x4000, s31;
	s1 =	sadd.s32 s1, s30  }
0xbb: {  	s0 =	sor.u32 s3, s0;
	s1 =	sshll.u32 s1, $0x11  }
0xbc: {  	s0 =	sor.u32 s1, s0  }
0xbd: {  	s0 =	sadd.s32 $0x8F2B, s0  }
0xbe: {  	[sflag:s0] =	ssyncadd.remote.s32 $0x1  }
0xbf: {  	_ =	sfence.sel $0xFFFF  }
0xc0: {  	[dreg:$0x0] =	wrdreg $0xFFFFFFFF;
	(pc) =	sbr.abs _section_cstart, $3  }
0xc1: {  	[dreg:$0x1] =	wrdreg $0xFFFFFFFF  }
0xc2: {  	_ =	task.clear_ibuf [dreg:s7], $0x2FFFF;
	_ =	strace $0x9FFFFFFF  }
0xc3: {  	(tm) =	ssettm $0x7FFFFFFF  }
tec
execute0_lowered:
.L_overlay_start_1:
0x0: {  	(tag) =	ssettag $0x1  }
0x1: {  	s1 =	rddreg [dreg:$0x0]  }
0x2: {  	s3 =	rddreg [dreg:$0x1]  }
0x3: {  	s11 =	stileid.u32;
	s0 =	srdreg.scid  }
0x4: {  	s5 =	smul.u32 $0x14000, s11;
	s4 =	sand.u32 $0x1, s0;
	s10 =	sshll.u32 s11, $0x1  }
0x5: {  	s2 =	rddreg [dreg:$0x2];
	s0 =	sor.u32 s4, s10  }
0x6: {  	s8 =	simm.s32 $0x0;
	s7 =	sshrl.u32 s5, $0x3;
	s0 =	smul.u32 $0x2800, s0  }
0x7: {  	[smem:$0x7FF] =	sst s8;
	s6 =	sadd.s32 $0x2800, s3;
	s7 =	sadd.s32 s7, s3  }
0x8: {  	[dreg:$0x12] =	wrdreg s4;
	s7 =	sadd.s32 $0x5C800, s7;
	s0 =	sshrl.u32 s0, $0x3  }
0x9: {  	_ =	strace $0x8000004A;
	[dreg:$0x4] =	wrdreg s7;
	s12 =	sadd.s32 s1, s0  }
0xa: {  	s13 =	sadd.s32 s6, s0;
	[dreg:$0x5] =	wrdreg s12  }
0xb: {  	s20 =	smul.u32 $0x50000, s11;
	s10 =	sadd.s32 $0x100, s0;
	[dreg:$0x6] =	wrdreg s13  }
0xc: {  	s26 =	sshll.u32 s11, $0x6;
	s14 =	sadd.s32 s1, s10;
	s29 =	rddreg [dreg:$0x4]  }
0xd: {  	s16 =	sadd.s32 $0x200, s0;
	s15 =	sadd.s32 s6, s10;
	[dreg:$0x7] =	wrdreg s14  }
0xe: {  	s9 =	smul.u32 $0x140000, s4;
	s17 =	sadd.s32 s1, s16;
	[dreg:$0x8] =	wrdreg s15  }
0xf: {  	s19 =	sadd.s32 $0x300, s0;
	s18 =	sadd.s32 s6, s16;
	[dreg:$0x9] =	wrdreg s17  }
0x10: {  	s5 =	sadd.s32 s5, s9;
	s21 =	sadd.s32 s1, s19;
	[dreg:$0xa] =	wrdreg s18  }
0x11: {  	s23 =	sadd.s32 $0x400, s0;
	s22 =	sadd.s32 s6, s19;
	[dreg:$0xb] =	wrdreg s21  }
0x12: {  	s5 =	sshrl.u32 s5, $0x3;
	s0 =	sadd.s32 s1, s23;
	[dreg:$0xc] =	wrdreg s22  }
0x13: {  	s5 =	sadd.s32 s5, s3;
	s28 =	sadd.s32 s6, s23;
	[dreg:$0xd] =	wrdreg s0  }
0x14: {  	s24 =	sshrl.u32 s20, $0x2;
	s5 =	sadd.s32 $0x84800, s5;
	[dreg:$0xe] =	wrdreg s28  }
0x15: {  	s25 =	sadd.s32 s24, s2;
	s0 =	sor.u32 $0x1C07, s26;
	[dreg:$0xf] =	wrdreg s5  }
0x16: {  	s16 =	sshrl.u32 s25, $0x3;
	s5 =	simm.s32 $0x7;
	[dreg:$0x10] =	wrdreg s0  }
0x17: {  	[spmem:s16], [sflag:s0] =	dma.local [hbm:s29], $0x2800  }
0x18: {  	_ =	swait.ge [sflag:s5], $0x2800  }
0x19: {  	[sflag:s5] =	ssyncset.done $0x0  }
0x1a: {  	s30 =	rddreg [dreg:$0x5];
	[sflag:s5] =	ssyncadd.s32 $0xFFFFD800  }
0x1b: {  	[tilespmem:s8], [sflag:$0x7] =	stream.linear.gather [hbm4b:s30+s8], $0x800, $0x38;
	[tilespmem:$0x1E000] =	vst v63  }
0x1c: {  	_ =	swait.ge [sflag:s5], $0x800  }
0x1d: {  	[sflag:s5] =	ssyncset.done $0x0  }
0x1e: {  	s28 =	simm.s32 $0x1000;
	s31 =	rddreg [dreg:$0x6];
	[sflag:s5] =	ssyncadd.s32 $0xFFFFF800  }
0x1f: {  	[tilespmem:s28], [sflag:$0x7] =	stream.linear.gather [hbm4b:s31+s8], $0x800, $0x38;
	[tilespmem:$0x1E000] =	vst v63  }
0x20: {  	_ =	swait.ge [sflag:s5], $0x800  }
0x21: {  	[sflag:s5] =	ssyncset.done $0x0  }
0x22: {  	[sflag:s5] =	ssyncadd.s32 $0xFFFFF800  }
0x23: {  	[bflag:$0x0] =	sbarrier.arrive $0xFFFF  }
0x24: {  	s4 =	simm.s32 $0x800;
	s1 =	rddreg [dreg:$0x7]  }
0x25: {  	[tilespmem:s4], [sflag:$0x4] =	stream.linear.gather [hbm4b:s1+s8], $0x800, $0x38;
	[tilespmem:$0x1E000] =	vst v63  }
0x26: {  	s7 =	simm.s32 $0x1800;
	s6 =	rddreg [dreg:$0x8]  }
0x27: {  	[tilespmem:s7], [sflag:$0x6] =	stream.linear.gather [hbm4b:s6+s8], $0x800, $0x38;
	[tilespmem:$0x1E000] =	vst v63  }
0x28: {  	s11 =	simm.s32 $0x80;
	s10 =	sadd.s32 $0x34800, s3;
	s12 =	simm.s32 $0x2000  }
0x29: {  	[tilespmem:s12], [sflag:$0x1] =	stream.indirect.gather [hbm4b:s10+s11], $0x80, s8, s11, $0xb8;
	[tilespmem:$0x1E000] =	vst v63  }
0x2a: {  	s13 =	simm.s32 $0x6000;
	s14 =	simm.s32 $0x1  }
0x2b: {  	[tilespmem:s13], [sflag:$0x2] =	stream.indirect.gather [hbm4b:s10+s11], $0x80, s11, s11, $0xb8;
	[tilespmem:$0x1E000] =	vst v63  }
0x2c: {  	_ =	swait.ge [sflag:s14], $0x4000  }
0x2d: {  	[sflag:s14] =	ssyncset.done $0x0  }
0x2e: {  	[sflag:s14] =	ssyncadd.s32 $0xFFFFC000  }
0x2f: {  	[spmem:s2] =	stream.indirect.scatter.add.f32 [tilespmem:s12], [sflag:$0x7], $0x80, s28, s11, $0xb8;
	[tilespmem:$0x1E000] =	vst v63  }
0x30: {  	_ =	swait.ge [sflag:s5], $0x4000  }
0x31: {  	[sflag:s5] =	ssyncset.done $0x0  }
0x32: {  	s15 =	simm.s32 $0x2;
	[sflag:s5] =	ssyncadd.s32 $0xFFFFC000  }
0x33: {  	_ =	swait.ge [sflag:s15], $0x4000  }
0x34: {  	[sflag:s15] =	ssyncset.done $0x0  }
0x35: {  	s9 =	simm.s32 $0x1080;
	[sflag:s15] =	ssyncadd.s32 $0xFFFFC000  }
0x36: {  	[spmem:s2] =	stream.indirect.scatter.add.f32 [tilespmem:s13], [sflag:$0x7], $0x80, s9, s11, $0xb8;
	[tilespmem:$0x1E000] =	vst v63  }
0x37: {  	_ =	swait.ge [sflag:s5], $0x4000  }
0x38: {  	[sflag:s5] =	ssyncset.done $0x0  }
0x39: {  	s17 =	simm.s32 $0x100;
	[sflag:s5] =	ssyncadd.s32 $0xFFFFC000  }
0x3a: {  	[tilespmem:s12], [sflag:$0x1] =	stream.indirect.gather [hbm4b:s10+s11], $0x80, s17, s11, $0xb8;
	[tilespmem:$0x1E000] =	vst v63  }
0x3b: {  	s18 =	simm.s32 $0x180  }
0x3c: {  	[tilespmem:s13], [sflag:$0x2] =	stream.indirect.gather [hbm4b:s10+s11], $0x80, s18, s11, $0xb8;
	[tilespmem:$0x1E000] =	vst v63  }
0x3d: {  	_ =	swait.ge [sflag:s14], $0x4000  }
0x3e: {  	[sflag:s14] =	ssyncset.done $0x0  }
0x3f: {  	s19 =	simm.s32 $0x1100;
	[sflag:s14] =	ssyncadd.s32 $0xFFFFC000  }
0x40: {  	[spmem:s2] =	stream.indirect.scatter.add.f32 [tilespmem:s12], [sflag:$0x7], $0x80, s19, s11, $0xb8;
	[tilespmem:$0x1E000] =	vst v63  }
0x41: {  	_ =	swait.ge [sflag:s5], $0x4000  }
0x42: {  	[sflag:s5] =	ssyncset.done $0x0  }
0x43: {  	[sflag:s5] =	ssyncadd.s32 $0xFFFFC000  }
0x44: {  	_ =	swait.ge [sflag:s15], $0x4000  }
0x45: {  	[sflag:s15] =	ssyncset.done $0x0  }
0x46: {  	s20 =	simm.s32 $0x1180;
	[sflag:s15] =	ssyncadd.s32 $0xFFFFC000  }
0x47: {  	[spmem:s2] =	stream.indirect.scatter.add.f32 [tilespmem:s13], [sflag:$0x7], $0x80, s20, s11, $0xb8;
	[tilespmem:$0x1E000] =	vst v63  }
0x48: {  	_ =	swait.ge [sflag:s5], $0x4000  }
0x49: {  	[sflag:s5] =	ssyncset.done $0x0  }
0x4a: {  	s21 =	simm.s32 $0x200;
	[sflag:s5] =	ssyncadd.s32 $0xFFFFC000  }
0x4b: {  	[tilespmem:s12], [sflag:$0x1] =	stream.indirect.gather [hbm4b:s10+s11], $0x80, s21, s11, $0xb8;
	[tilespmem:$0x1E000] =	vst v63  }
0x4c: {  	s22 =	simm.s32 $0x280  }
0x4d: {  	[tilespmem:s13], [sflag:$0x2] =	stream.indirect.gather [hbm4b:s10+s11], $0x80, s22, s11, $0xb8;
	[tilespmem:$0x1E000] =	vst v63  }
0x4e: {  	_ =	swait.ge [sflag:s14], $0x4000  }
0x4f: {  	[sflag:s14] =	ssyncset.done $0x0  }
0x50: {  	s23 =	simm.s32 $0x1200;
	[sflag:s14] =	ssyncadd.s32 $0xFFFFC000  }
0x51: {  	[spmem:s2] =	stream.indirect.scatter.add.f32 [tilespmem:s12], [sflag:$0x7], $0x80, s23, s11, $0xb8;
	[tilespmem:$0x1E000] =	vst v63  }
0x52: {  	_ =	swait.ge [sflag:s5], $0x4000  }
0x53: {  	[sflag:s5] =	ssyncset.done $0x0  }
0x54: {  	[sflag:s5] =	ssyncadd.s32 $0xFFFFC000  }
0x55: {  	_ =	swait.ge [sflag:s15], $0x4000  }
0x56: {  	[sflag:s15] =	ssyncset.done $0x0  }
0x57: {  	s24 =	simm.s32 $0x1280;
	[sflag:s15] =	ssyncadd.s32 $0xFFFFC000  }
0x58: {  	[spmem:s2] =	stream.indirect.scatter.add.f32 [tilespmem:s13], [sflag:$0x7], $0x80, s24, s11, $0xb8;
	[tilespmem:$0x1E000] =	vst v63  }
0x59: {  	_ =	swait.ge [sflag:s5], $0x4000  }
0x5a: {  	[sflag:s5] =	ssyncset.done $0x0  }
0x5b: {  	s25 =	simm.s32 $0x300;
	[sflag:s5] =	ssyncadd.s32 $0xFFFFC000  }
0x5c: {  	[tilespmem:s12], [sflag:$0x1] =	stream.indirect.gather [hbm4b:s10+s11], $0x80, s25, s11, $0xb8;
	[tilespmem:$0x1E000] =	vst v63  }
0x5d: {  	s26 =	simm.s32 $0x380  }
0x5e: {  	[tilespmem:s13], [sflag:$0x2] =	stream.indirect.gather [hbm4b:s10+s11], $0x80, s26, s11, $0xb8;
	[tilespmem:$0x1E000] =	vst v63  }
0x5f: {  	_ =	swait.ge [sflag:s14], $0x4000  }
0x60: {  	[sflag:s14] =	ssyncset.done $0x0  }
0x61: {  	s29 =	simm.s32 $0x1300;
	[sflag:s14] =	ssyncadd.s32 $0xFFFFC000  }
0x62: {  	[spmem:s2] =	stream.indirect.scatter.add.f32 [tilespmem:s12], [sflag:$0x7], $0x80, s29, s11, $0xb8;
	[tilespmem:$0x1E000] =	vst v63  }
0x63: {  	_ =	swait.ge [sflag:s5], $0x4000  }
0x64: {  	[sflag:s5] =	ssyncset.done $0x0  }
0x65: {  	[sflag:s5] =	ssyncadd.s32 $0xFFFFC000  }
0x66: {  	_ =	swait.ge [sflag:s15], $0x4000  }
0x67: {  	[sflag:s15] =	ssyncset.done $0x0  }
0x68: {  	s30 =	simm.s32 $0x1380;
	[sflag:s15] =	ssyncadd.s32 $0xFFFFC000  }
0x69: {  	[spmem:s2] =	stream.indirect.scatter.add.f32 [tilespmem:s13], [sflag:$0x7], $0x80, s30, s11, $0xb8;
	[tilespmem:$0x1E000] =	vst v63  }
0x6a: {  	_ =	swait.ge [sflag:s5], $0x4000  }
0x6b: {  	[sflag:s5] =	ssyncset.done $0x0  }
0x6c: {  	s31 =	simm.s32 $0x400;
	[sflag:s5] =	ssyncadd.s32 $0xFFFFC000  }
0x6d: {  	[tilespmem:s12], [sflag:$0x1] =	stream.indirect.gather [hbm4b:s10+s11], $0x80, s31, s11, $0xb8;
	[tilespmem:$0x1E000] =	vst v63  }
0x6e: {  	s1 =	simm.s32 $0x480  }
0x6f: {  	[tilespmem:s13], [sflag:$0x2] =	stream.indirect.gather [hbm4b:s10+s11], $0x80, s1, s11, $0xb8;
	[tilespmem:$0x1E000] =	vst v63  }
0x70: {  	_ =	swait.ge [sflag:s14], $0x4000  }
0x71: {  	[sflag:s14] =	ssyncset.done $0x0  }
0x72: {  	s3 =	simm.s32 $0x1400;
	[sflag:s14] =	ssyncadd.s32 $0xFFFFC000  }
0x73: {  	[spmem:s2] =	stream.indirect.scatter.add.f32 [tilespmem:s12], [sflag:$0x7], $0x80, s3, s11, $0xb8;
	[tilespmem:$0x1E000] =	vst v63  }
0x74: {  	_ =	swait.ge [sflag:s5], $0x4000  }
0x75: {  	[sflag:s5] =	ssyncset.done $0x0  }
0x76: {  	[sflag:s5] =	ssyncadd.s32 $0xFFFFC000  }
0x77: {  	_ =	swait.ge [sflag:s15], $0x4000  }
0x78: {  	[sflag:s15] =	ssyncset.done $0x0  }
0x79: {  	s4 =	simm.s32 $0x1480;
	[sflag:s15] =	ssyncadd.s32 $0xFFFFC000  }
0x7a: {  	[spmem:s2] =	stream.indirect.scatter.add.f32 [tilespmem:s13], [sflag:$0x7], $0x80, s4, s11, $0xb8;
	[tilespmem:$0x1E000] =	vst v63  }
0x7b: {  	_ =	swait.ge [sflag:s5], $0x4000  }
0x7c: {  	[sflag:s5] =	ssyncset.done $0x0  }
0x7d: {  	s6 =	simm.s32 $0x500;
	[sflag:s5] =	ssyncadd.s32 $0xFFFFC000  }
0x7e: {  	[tilespmem:s12], [sflag:$0x1] =	stream.indirect.gather [hbm4b:s10+s11], $0x80, s6, s11, $0xb8;
	[tilespmem:$0x1E000] =	vst v63  }
0x7f: {  	s7 =	simm.s32 $0x580  }
0x80: {  	[tilespmem:s13], [sflag:$0x2] =	stream.indirect.gather [hbm4b:s10+s11], $0x80, s7, s11, $0xb8;
	[tilespmem:$0x1E000] =	vst v63  }
0x81: {  	_ =	swait.ge [sflag:s14], $0x4000  }
0x82: {  	[sflag:s14] =	ssyncset.done $0x0  }
0x83: {  	s9 =	simm.s32 $0x1500;
	[sflag:s14] =	ssyncadd.s32 $0xFFFFC000  }
0x84: {  	[spmem:s2] =	stream.indirect.scatter.add.f32 [tilespmem:s12], [sflag:$0x7], $0x80, s9, s11, $0xb8;
	[tilespmem:$0x1E000] =	vst v63  }
0x85: {  	_ =	swait.ge [sflag:s5], $0x4000  }
0x86: {  	[sflag:s5] =	ssyncset.done $0x0  }
0x87: {  	[sflag:s5] =	ssyncadd.s32 $0xFFFFC000  }
0x88: {  	_ =	swait.ge [sflag:s15], $0x4000  }
0x89: {  	[sflag:s15] =	ssyncset.done $0x0  }
0x8a: {  	s17 =	simm.s32 $0x1580;
	[sflag:s15] =	ssyncadd.s32 $0xFFFFC000  }
0x8b: {  	[spmem:s2] =	stream.indirect.scatter.add.f32 [tilespmem:s13], [sflag:$0x7], $0x80, s17, s11, $0xb8;
	[tilespmem:$0x1E000] =	vst v63  }
0x8c: {  	_ =	swait.ge [sflag:s5], $0x4000  }
0x8d: {  	[sflag:s5] =	ssyncset.done $0x0  }
0x8e: {  	s18 =	simm.s32 $0x600;
	[sflag:s5] =	ssyncadd.s32 $0xFFFFC000  }
0x8f: {  	[tilespmem:s12], [sflag:$0x1] =	stream.indirect.gather [hbm4b:s10+s11], $0x80, s18, s11, $0xb8;
	[tilespmem:$0x1E000] =	vst v63  }
0x90: {  	s19 =	simm.s32 $0x680  }
0x91: {  	[tilespmem:s13], [sflag:$0x2] =	stream.indirect.gather [hbm4b:s10+s11], $0x80, s19, s11, $0xb8;
	[tilespmem:$0x1E000] =	vst v63  }
0x92: {  	_ =	swait.ge [sflag:s14], $0x4000  }
0x93: {  	[sflag:s14] =	ssyncset.done $0x0  }
0x94: {  	s20 =	simm.s32 $0x1600;
	[sflag:s14] =	ssyncadd.s32 $0xFFFFC000  }
0x95: {  	[spmem:s2] =	stream.indirect.scatter.add.f32 [tilespmem:s12], [sflag:$0x7], $0x80, s20, s11, $0xb8;
	[tilespmem:$0x1E000] =	vst v63  }
0x96: {  	_ =	swait.ge [sflag:s5], $0x4000  }
0x97: {  	[sflag:s5] =	ssyncset.done $0x0  }
0x98: {  	[sflag:s5] =	ssyncadd.s32 $0xFFFFC000  }
0x99: {  	_ =	swait.ge [sflag:s15], $0x4000  }
0x9a: {  	[sflag:s15] =	ssyncset.done $0x0  }
0x9b: {  	s21 =	simm.s32 $0x1680;
	[sflag:s15] =	ssyncadd.s32 $0xFFFFC000  }
0x9c: {  	[spmem:s2] =	stream.indirect.scatter.add.f32 [tilespmem:s13], [sflag:$0x7], $0x80, s21, s11, $0xb8;
	[tilespmem:$0x1E000] =	vst v63  }
0x9d: {  	_ =	swait.ge [sflag:s5], $0x4000  }
0x9e: {  	[sflag:s5] =	ssyncset.done $0x0  }
0x9f: {  	s22 =	simm.s32 $0x700;
	[sflag:s5] =	ssyncadd.s32 $0xFFFFC000  }
0xa0: {  	[tilespmem:s12], [sflag:$0x1] =	stream.indirect.gather [hbm4b:s10+s11], $0x80, s22, s11, $0xb8;
	[tilespmem:$0x1E000] =	vst v63  }
0xa1: {  	s23 =	simm.s32 $0x780  }
0xa2: {  	[tilespmem:s13], [sflag:$0x2] =	stream.indirect.gather [hbm4b:s10+s11], $0x80, s23, s11, $0xb8;
	[tilespmem:$0x1E000] =	vst v63  }
0xa3: {  	_ =	swait.ge [sflag:s14], $0x4000  }
0xa4: {  	[sflag:s14] =	ssyncset.done $0x0  }
0xa5: {  	s24 =	simm.s32 $0x1700;
	[sflag:s14] =	ssyncadd.s32 $0xFFFFC000  }
0xa6: {  	[spmem:s2] =	stream.indirect.scatter.add.f32 [tilespmem:s12], [sflag:$0x7], $0x80, s24, s11, $0xb8;
	[tilespmem:$0x1E000] =	vst v63  }
0xa7: {  	_ =	swait.ge [sflag:s5], $0x4000  }
0xa8: {  	[sflag:s5] =	ssyncset.done $0x0  }
0xa9: {  	[sflag:s5] =	ssyncadd.s32 $0xFFFFC000  }
0xaa: {  	_ =	swait.ge [sflag:s15], $0x4000  }
0xab: {  	[sflag:s15] =	ssyncset.done $0x0  }
0xac: {  	s25 =	simm.s32 $0x1780;
	[sflag:s15] =	ssyncadd.s32 $0xFFFFC000  }
0xad: {  	[spmem:s2] =	stream.indirect.scatter.add.f32 [tilespmem:s13], [sflag:$0x7], $0x80, s25, s11, $0xb8;
	[tilespmem:$0x1E000] =	vst v63  }
0xae: {  	_ =	swait.ge [sflag:s5], $0x4000  }
0xaf: {  	[sflag:s5] =	ssyncset.done $0x0  }
0xb0: {  	s6 =	simm.s32 $0x4;
	[sflag:s5] =	ssyncadd.s32 $0xFFFFC000  }
0xb1: {  	_ =	swait.ge [sflag:s6], $0x800  }
0xb2: {  	[sflag:s6] =	ssyncset.done $0x0  }
0xb3: {  	s4 =	simm.s32 $0x6;
	[sflag:s6] =	ssyncadd.s32 $0xFFFFF800  }
0xb4: {  	_ =	swait.ge [sflag:s4], $0x800  }
0xb5: {  	[sflag:s4] =	ssyncset.done $0x0  }
0xb6: {  	s26 =	rddreg [dreg:$0x9];
	[sflag:s4] =	ssyncadd.s32 $0xFFFFF800  }
0xb7: {  	[tilespmem:s8], [sflag:$0x3] =	stream.linear.gather [hbm4b:s26+s8], $0x800, $0x38;
	[tilespmem:$0x1E000] =	vst v63  }
0xb8: {  	s31 =	rddreg [dreg:$0xa]  }
0xb9: {  	[tilespmem:s28], [sflag:$0x5] =	stream.linear.gather [hbm4b:s31+s8], $0x800, $0x38;
	[tilespmem:$0x1E000] =	vst v63  }
0xba: {  	s9 =	simm.s32 $0x800  }
0xbb: {  	[tilespmem:s12], [sflag:$0x1] =	stream.indirect.gather [hbm4b:s10+s11], $0x80, s9, s11, $0xb8;
	[tilespmem:$0x1E000] =	vst v63  }
0xbc: {  	s29 =	simm.s32 $0x880  }
0xbd: {  	[tilespmem:s13], [sflag:$0x2] =	stream.indirect.gather [hbm4b:s10+s11], $0x80, s29, s11, $0xb8;
	[tilespmem:$0x1E000] =	vst v63  }
0xbe: {  	_ =	swait.ge [sflag:s14], $0x4000  }
0xbf: {  	[sflag:s14] =	ssyncset.done $0x0  }
0xc0: {  	s7 =	simm.s32 $0x1800;
	[sflag:s14] =	ssyncadd.s32 $0xFFFFC000  }
0xc1: {  	[spmem:s2] =	stream.indirect.scatter.add.f32 [tilespmem:s12], [sflag:$0x7], $0x80, s7, s11, $0xb8;
	[tilespmem:$0x1E000] =	vst v63  }
0xc2: {  	_ =	swait.ge [sflag:s5], $0x4000  }
0xc3: {  	[sflag:s5] =	ssyncset.done $0x0  }
0xc4: {  	[sflag:s5] =	ssyncadd.s32 $0xFFFFC000  }
0xc5: {  	_ =	swait.ge [sflag:s15], $0x4000  }
0xc6: {  	[sflag:s15] =	ssyncset.done $0x0  }
0xc7: {  	s30 =	simm.s32 $0x1880;
	[sflag:s15] =	ssyncadd.s32 $0xFFFFC000  }
0xc8: {  	[spmem:s2] =	stream.indirect.scatter.add.f32 [tilespmem:s13], [sflag:$0x7], $0x80, s30, s11, $0xb8;
	[tilespmem:$0x1E000] =	vst v63  }
0xc9: {  	_ =	swait.ge [sflag:s5], $0x4000  }
0xca: {  	[sflag:s5] =	ssyncset.done $0x0  }
0xcb: {  	s31 =	simm.s32 $0x900;
	[sflag:s5] =	ssyncadd.s32 $0xFFFFC000  }
0xcc: {  	[tilespmem:s12], [sflag:$0x1] =	stream.indirect.gather [hbm4b:s10+s11], $0x80, s31, s11, $0xb8;
	[tilespmem:$0x1E000] =	vst v63  }
0xcd: {  	s1 =	simm.s32 $0x980  }
0xce: {  	[tilespmem:s13], [sflag:$0x2] =	stream.indirect.gather [hbm4b:s10+s11], $0x80, s1, s11, $0xb8;
	[tilespmem:$0x1E000] =	vst v63  }
0xcf: {  	_ =	swait.ge [sflag:s14], $0x4000  }
0xd0: {  	[sflag:s14] =	ssyncset.done $0x0  }
0xd1: {  	s3 =	simm.s32 $0x1900;
	[sflag:s14] =	ssyncadd.s32 $0xFFFFC000  }
0xd2: {  	[spmem:s2] =	stream.indirect.scatter.add.f32 [tilespmem:s12], [sflag:$0x7], $0x80, s3, s11, $0xb8;
	[tilespmem:$0x1E000] =	vst v63  }
0xd3: {  	_ =	swait.ge [sflag:s5], $0x4000  }
0xd4: {  	[sflag:s5] =	ssyncset.done $0x0  }
0xd5: {  	[sflag:s5] =	ssyncadd.s32 $0xFFFFC000  }
0xd6: {  	_ =	swait.ge [sflag:s15], $0x4000  }
0xd7: {  	[sflag:s15] =	ssyncset.done $0x0  }
0xd8: {  	s17 =	simm.s32 $0x1980;
	[sflag:s15] =	ssyncadd.s32 $0xFFFFC000  }
0xd9: {  	[spmem:s2] =	stream.indirect.scatter.add.f32 [tilespmem:s13], [sflag:$0x7], $0x80, s17, s11, $0xb8;
	[tilespmem:$0x1E000] =	vst v63  }
0xda: {  	_ =	swait.ge [sflag:s5], $0x4000  }
0xdb: {  	[sflag:s5] =	ssyncset.done $0x0  }
0xdc: {  	s18 =	simm.s32 $0xA00;
	[sflag:s5] =	ssyncadd.s32 $0xFFFFC000  }
0xdd: {  	[tilespmem:s12], [sflag:$0x1] =	stream.indirect.gather [hbm4b:s10+s11], $0x80, s18, s11, $0xb8;
	[tilespmem:$0x1E000] =	vst v63  }
0xde: {  	s19 =	simm.s32 $0xA80  }
0xdf: {  	[tilespmem:s13], [sflag:$0x2] =	stream.indirect.gather [hbm4b:s10+s11], $0x80, s19, s11, $0xb8;
	[tilespmem:$0x1E000] =	vst v63  }
0xe0: {  	_ =	swait.ge [sflag:s14], $0x4000  }
0xe1: {  	[sflag:s14] =	ssyncset.done $0x0  }
0xe2: {  	s20 =	simm.s32 $0x1A00;
	[sflag:s14] =	ssyncadd.s32 $0xFFFFC000  }
0xe3: {  	[spmem:s2] =	stream.indirect.scatter.add.f32 [tilespmem:s12], [sflag:$0x7], $0x80, s20, s11, $0xb8;
	[tilespmem:$0x1E000] =	vst v63  }
0xe4: {  	_ =	swait.ge [sflag:s5], $0x4000  }
0xe5: {  	[sflag:s5] =	ssyncset.done $0x0  }
0xe6: {  	[sflag:s5] =	ssyncadd.s32 $0xFFFFC000  }
0xe7: {  	_ =	swait.ge [sflag:s15], $0x4000  }
0xe8: {  	[sflag:s15] =	ssyncset.done $0x0  }
0xe9: {  	s21 =	simm.s32 $0x1A80;
	[sflag:s15] =	ssyncadd.s32 $0xFFFFC000  }
0xea: {  	[spmem:s2] =	stream.indirect.scatter.add.f32 [tilespmem:s13], [sflag:$0x7], $0x80, s21, s11, $0xb8;
	[tilespmem:$0x1E000] =	vst v63  }
0xeb: {  	_ =	swait.ge [sflag:s5], $0x4000  }
0xec: {  	[sflag:s5] =	ssyncset.done $0x0  }
0xed: {  	s22 =	simm.s32 $0xB00;
	[sflag:s5] =	ssyncadd.s32 $0xFFFFC000  }
0xee: {  	[tilespmem:s12], [sflag:$0x1] =	stream.indirect.gather [hbm4b:s10+s11], $0x80, s22, s11, $0xb8;
	[tilespmem:$0x1E000] =	vst v63  }
0xef: {  	s23 =	simm.s32 $0xB80  }
0xf0: {  	[tilespmem:s13], [sflag:$0x2] =	stream.indirect.gather [hbm4b:s10+s11], $0x80, s23, s11, $0xb8;
	[tilespmem:$0x1E000] =	vst v63  }
0xf1: {  	_ =	swait.ge [sflag:s14], $0x4000  }
0xf2: {  	[sflag:s14] =	ssyncset.done $0x0  }
0xf3: {  	s24 =	simm.s32 $0x1B00;
	[sflag:s14] =	ssyncadd.s32 $0xFFFFC000  }
0xf4: {  	[spmem:s2] =	stream.indirect.scatter.add.f32 [tilespmem:s12], [sflag:$0x7], $0x80, s24, s11, $0xb8;
	[tilespmem:$0x1E000] =	vst v63  }
0xf5: {  	_ =	swait.ge [sflag:s5], $0x4000  }
0xf6: {  	[sflag:s5] =	ssyncset.done $0x0  }
0xf7: {  	[sflag:s5] =	ssyncadd.s32 $0xFFFFC000  }
0xf8: {  	_ =	swait.ge [sflag:s15], $0x4000  }
0xf9: {  	[sflag:s15] =	ssyncset.done $0x0  }
0xfa: {  	s25 =	simm.s32 $0x1B80;
	[sflag:s15] =	ssyncadd.s32 $0xFFFFC000  }
0xfb: {  	[spmem:s2] =	stream.indirect.scatter.add.f32 [tilespmem:s13], [sflag:$0x7], $0x80, s25, s11, $0xb8;
	[tilespmem:$0x1E000] =	vst v63  }
0xfc: {  	_ =	swait.ge [sflag:s5], $0x4000  }
0xfd: {  	[sflag:s5] =	ssyncset.done $0x0  }
0xfe: {  	s26 =	simm.s32 $0xC00;
	[sflag:s5] =	ssyncadd.s32 $0xFFFFC000  }
0xff: {  	[tilespmem:s12], [sflag:$0x1] =	stream.indirect.gather [hbm4b:s10+s11], $0x80, s26, s11, $0xb8;
	[tilespmem:$0x1E000] =	vst v63  }
0x100: {  	s29 =	simm.s32 $0xC80  }
0x101: {  	[tilespmem:s13], [sflag:$0x2] =	stream.indirect.gather [hbm4b:s10+s11], $0x80, s29, s11, $0xb8;
	[tilespmem:$0x1E000] =	vst v63  }
0x102: {  	_ =	swait.ge [sflag:s14], $0x4000  }
0x103: {  	[sflag:s14] =	ssyncset.done $0x0  }
0x104: {  	s30 =	simm.s32 $0x1C00;
	[sflag:s14] =	ssyncadd.s32 $0xFFFFC000  }
0x105: {  	[spmem:s2] =	stream.indirect.scatter.add.f32 [tilespmem:s12], [sflag:$0x7], $0x80, s30, s11, $0xb8;
	[tilespmem:$0x1E000] =	vst v63  }
0x106: {  	_ =	swait.ge [sflag:s5], $0x4000  }
0x107: {  	[sflag:s5] =	ssyncset.done $0x0  }
0x108: {  	[sflag:s5] =	ssyncadd.s32 $0xFFFFC000  }
0x109: {  	_ =	swait.ge [sflag:s15], $0x4000  }
0x10a: {  	[sflag:s15] =	ssyncset.done $0x0  }
0x10b: {  	s31 =	simm.s32 $0x1C80;
	[sflag:s15] =	ssyncadd.s32 $0xFFFFC000  }
0x10c: {  	[spmem:s2] =	stream.indirect.scatter.add.f32 [tilespmem:s13], [sflag:$0x7], $0x80, s31, s11, $0xb8;
	[tilespmem:$0x1E000] =	vst v63  }
0x10d: {  	_ =	swait.ge [sflag:s5], $0x4000  }
0x10e: {  	[sflag:s5] =	ssyncset.done $0x0  }
0x10f: {  	s1 =	simm.s32 $0xD00;
	[sflag:s5] =	ssyncadd.s32 $0xFFFFC000  }
0x110: {  	[tilespmem:s12], [sflag:$0x1] =	stream.indirect.gather [hbm4b:s10+s11], $0x80, s1, s11, $0xb8;
	[tilespmem:$0x1E000] =	vst v63  }
0x111: {  	s3 =	simm.s32 $0xD80  }
0x112: {  	[tilespmem:s13], [sflag:$0x2] =	stream.indirect.gather [hbm4b:s10+s11], $0x80, s3, s11, $0xb8;
	[tilespmem:$0x1E000] =	vst v63  }
0x113: {  	_ =	swait.ge [sflag:s14], $0x4000  }
0x114: {  	[sflag:s14] =	ssyncset.done $0x0  }
0x115: {  	s17 =	simm.s32 $0x1D00;
	[sflag:s14] =	ssyncadd.s32 $0xFFFFC000  }
0x116: {  	[spmem:s2] =	stream.indirect.scatter.add.f32 [tilespmem:s12], [sflag:$0x7], $0x80, s17, s11, $0xb8;
	[tilespmem:$0x1E000] =	vst v63  }
0x117: {  	_ =	swait.ge [sflag:s5], $0x4000  }
0x118: {  	[sflag:s5] =	ssyncset.done $0x0  }
0x119: {  	[sflag:s5] =	ssyncadd.s32 $0xFFFFC000  }
0x11a: {  	_ =	swait.ge [sflag:s15], $0x4000  }
0x11b: {  	[sflag:s15] =	ssyncset.done $0x0  }
0x11c: {  	s18 =	simm.s32 $0x1D80;
	[sflag:s15] =	ssyncadd.s32 $0xFFFFC000  }
0x11d: {  	[spmem:s2] =	stream.indirect.scatter.add.f32 [tilespmem:s13], [sflag:$0x7], $0x80, s18, s11, $0xb8;
	[tilespmem:$0x1E000] =	vst v63  }
0x11e: {  	_ =	swait.ge [sflag:s5], $0x4000  }
0x11f: {  	[sflag:s5] =	ssyncset.done $0x0  }
0x120: {  	s19 =	simm.s32 $0xE00;
	[sflag:s5] =	ssyncadd.s32 $0xFFFFC000  }
0x121: {  	[tilespmem:s12], [sflag:$0x1] =	stream.indirect.gather [hbm4b:s10+s11], $0x80, s19, s11, $0xb8;
	[tilespmem:$0x1E000] =	vst v63  }
0x122: {  	s20 =	simm.s32 $0xE80  }
0x123: {  	[tilespmem:s13], [sflag:$0x2] =	stream.indirect.gather [hbm4b:s10+s11], $0x80, s20, s11, $0xb8;
	[tilespmem:$0x1E000] =	vst v63  }
0x124: {  	_ =	swait.ge [sflag:s14], $0x4000  }
0x125: {  	[sflag:s14] =	ssyncset.done $0x0  }
0x126: {  	s21 =	simm.s32 $0x1E00;
	[sflag:s14] =	ssyncadd.s32 $0xFFFFC000  }
0x127: {  	[spmem:s2] =	stream.indirect.scatter.add.f32 [tilespmem:s12], [sflag:$0x7], $0x80, s21, s11, $0xb8;
	[tilespmem:$0x1E000] =	vst v63  }
0x128: {  	_ =	swait.ge [sflag:s5], $0x4000  }
0x129: {  	[sflag:s5] =	ssyncset.done $0x0  }
0x12a: {  	[sflag:s5] =	ssyncadd.s32 $0xFFFFC000  }
0x12b: {  	_ =	swait.ge [sflag:s15], $0x4000  }
0x12c: {  	[sflag:s15] =	ssyncset.done $0x0  }
0x12d: {  	s22 =	simm.s32 $0x1E80;
	[sflag:s15] =	ssyncadd.s32 $0xFFFFC000  }
0x12e: {  	[spmem:s2] =	stream.indirect.scatter.add.f32 [tilespmem:s13], [sflag:$0x7], $0x80, s22, s11, $0xb8;
	[tilespmem:$0x1E000] =	vst v63  }
0x12f: {  	_ =	swait.ge [sflag:s5], $0x4000  }
0x130: {  	[sflag:s5] =	ssyncset.done $0x0  }
0x131: {  	s23 =	simm.s32 $0xF00;
	[sflag:s5] =	ssyncadd.s32 $0xFFFFC000  }
0x132: {  	[tilespmem:s12], [sflag:$0x1] =	stream.indirect.gather [hbm4b:s10+s11], $0x80, s23, s11, $0xb8;
	[tilespmem:$0x1E000] =	vst v63  }
0x133: {  	s24 =	simm.s32 $0xF80  }
0x134: {  	[tilespmem:s13], [sflag:$0x2] =	stream.indirect.gather [hbm4b:s10+s11], $0x80, s24, s11, $0xb8;
	[tilespmem:$0x1E000] =	vst v63  }
0x135: {  	_ =	swait.ge [sflag:s14], $0x4000  }
0x136: {  	[sflag:s14] =	ssyncset.done $0x0  }
0x137: {  	s25 =	simm.s32 $0x1F00;
	[sflag:s14] =	ssyncadd.s32 $0xFFFFC000  }
0x138: {  	[spmem:s2] =	stream.indirect.scatter.add.f32 [tilespmem:s12], [sflag:$0x7], $0x80, s25, s11, $0xb8;
	[tilespmem:$0x1E000] =	vst v63  }
0x139: {  	_ =	swait.ge [sflag:s5], $0x4000  }
0x13a: {  	[sflag:s5] =	ssyncset.done $0x0  }
0x13b: {  	[sflag:s5] =	ssyncadd.s32 $0xFFFFC000  }
0x13c: {  	_ =	swait.ge [sflag:s15], $0x4000  }
0x13d: {  	[sflag:s15] =	ssyncset.done $0x0  }
0x13e: {  	s26 =	simm.s32 $0x1F80;
	[sflag:s15] =	ssyncadd.s32 $0xFFFFC000  }
0x13f: {  	[spmem:s2] =	stream.indirect.scatter.add.f32 [tilespmem:s13], [sflag:$0x7], $0x80, s26, s11, $0xb8;
	[tilespmem:$0x1E000] =	vst v63  }
0x140: {  	_ =	swait.ge [sflag:s5], $0x4000  }
0x141: {  	[sflag:s5] =	ssyncset.done $0x0  }
0x142: {  	s3 =	simm.s32 $0x3;
	[sflag:s5] =	ssyncadd.s32 $0xFFFFC000  }
0x143: {  	_ =	swait.ge [sflag:s3], $0x800  }
0x144: {  	[sflag:s3] =	ssyncset.done $0x0  }
0x145: {  	s1 =	simm.s32 $0x5;
	[sflag:s3] =	ssyncadd.s32 $0xFFFFF800  }
0x146: {  	_ =	swait.ge [sflag:s1], $0x800  }
0x147: {  	[sflag:s1] =	ssyncset.done $0x0  }
0x148: {  	s17 =	rddreg [dreg:$0xb];
	[sflag:s1] =	ssyncadd.s32 $0xFFFFF800  }
0x149: {  	[tilespmem:s9], [sflag:$0x4] =	stream.linear.gather [hbm4b:s17+s8], $0x800, $0x38;
	[tilespmem:$0x1E000] =	vst v63  }
0x14a: {  	s29 =	rddreg [dreg:$0xc]  }
0x14b: {  	[tilespmem:s7], [sflag:$0x6] =	stream.linear.gather [hbm4b:s29+s8], $0x800, $0x38;
	[tilespmem:$0x1E000] =	vst v63  }
0x14c: {  	_ = 	snop  }
0x14d: {  	[tilespmem:s12], [sflag:$0x1] =	stream.indirect.gather [hbm4b:s10+s11], $0x80, s8, s11, $0xb8;
	[tilespmem:$0x1E000] =	vst v63  }
0x14e: {  	_ = 	snop  }
0x14f: {  	[tilespmem:s13], [sflag:$0x2] =	stream.indirect.gather [hbm4b:s10+s11], $0x80, s11, s11, $0xb8;
	[tilespmem:$0x1E000] =	vst v63  }
0x150: {  	_ =	swait.ge [sflag:s14], $0x4000  }
0x151: {  	[sflag:s14] =	ssyncset.done $0x0  }
0x152: {  	[sflag:s14] =	ssyncadd.s32 $0xFFFFC000  }
0x153: {  	[spmem:s2] =	stream.indirect.scatter.add.f32 [tilespmem:s12], [sflag:$0x7], $0x80, s28, s11, $0xb8;
	[tilespmem:$0x1E000] =	vst v63  }
0x154: {  	_ =	swait.ge [sflag:s5], $0x4000  }
0x155: {  	[sflag:s5] =	ssyncset.done $0x0  }
0x156: {  	[sflag:s5] =	ssyncadd.s32 $0xFFFFC000  }
0x157: {  	_ =	swait.ge [sflag:s15], $0x4000  }
0x158: {  	[sflag:s15] =	ssyncset.done $0x0  }
0x159: {  	s30 =	simm.s32 $0x1080;
	[sflag:s15] =	ssyncadd.s32 $0xFFFFC000  }
0x15a: {  	[spmem:s2] =	stream.indirect.scatter.add.f32 [tilespmem:s13], [sflag:$0x7], $0x80, s30, s11, $0xb8;
	[tilespmem:$0x1E000] =	vst v63  }
0x15b: {  	_ =	swait.ge [sflag:s5], $0x4000  }
0x15c: {  	[sflag:s5] =	ssyncset.done $0x0  }
0x15d: {  	s31 =	simm.s32 $0x100;
	[sflag:s5] =	ssyncadd.s32 $0xFFFFC000  }
0x15e: {  	[tilespmem:s12], [sflag:$0x1] =	stream.indirect.gather [hbm4b:s10+s11], $0x80, s31, s11, $0xb8;
	[tilespmem:$0x1E000] =	vst v63  }
0x15f: {  	s17 =	simm.s32 $0x180  }
0x160: {  	[tilespmem:s13], [sflag:$0x2] =	stream.indirect.gather [hbm4b:s10+s11], $0x80, s17, s11, $0xb8;
	[tilespmem:$0x1E000] =	vst v63  }
0x161: {  	_ =	swait.ge [sflag:s14], $0x4000  }
0x162: {  	[sflag:s14] =	ssyncset.done $0x0  }
0x163: {  	s18 =	simm.s32 $0x1100;
	[sflag:s14] =	ssyncadd.s32 $0xFFFFC000  }
0x164: {  	[spmem:s2] =	stream.indirect.scatter.add.f32 [tilespmem:s12], [sflag:$0x7], $0x80, s18, s11, $0xb8;
	[tilespmem:$0x1E000] =	vst v63  }
0x165: {  	_ =	swait.ge [sflag:s5], $0x4000  }
0x166: {  	[sflag:s5] =	ssyncset.done $0x0  }
0x167: {  	[sflag:s5] =	ssyncadd.s32 $0xFFFFC000  }
0x168: {  	_ =	swait.ge [sflag:s15], $0x4000  }
0x169: {  	[sflag:s15] =	ssyncset.done $0x0  }
0x16a: {  	s19 =	simm.s32 $0x1180;
	[sflag:s15] =	ssyncadd.s32 $0xFFFFC000  }
0x16b: {  	[spmem:s2] =	stream.indirect.scatter.add.f32 [tilespmem:s13], [sflag:$0x7], $0x80, s19, s11, $0xb8;
	[tilespmem:$0x1E000] =	vst v63  }
0x16c: {  	_ =	swait.ge [sflag:s5], $0x4000  }
0x16d: {  	[sflag:s5] =	ssyncset.done $0x0  }
0x16e: {  	s20 =	simm.s32 $0x200;
	[sflag:s5] =	ssyncadd.s32 $0xFFFFC000  }
0x16f: {  	[tilespmem:s12], [sflag:$0x1] =	stream.indirect.gather [hbm4b:s10+s11], $0x80, s20, s11, $0xb8;
	[tilespmem:$0x1E000] =	vst v63  }
0x170: {  	s21 =	simm.s32 $0x280  }
0x171: {  	[tilespmem:s13], [sflag:$0x2] =	stream.indirect.gather [hbm4b:s10+s11], $0x80, s21, s11, $0xb8;
	[tilespmem:$0x1E000] =	vst v63  }
0x172: {  	_ =	swait.ge [sflag:s14], $0x4000  }
0x173: {  	[sflag:s14] =	ssyncset.done $0x0  }
0x174: {  	s22 =	simm.s32 $0x1200;
	[sflag:s14] =	ssyncadd.s32 $0xFFFFC000  }
0x175: {  	[spmem:s2] =	stream.indirect.scatter.add.f32 [tilespmem:s12], [sflag:$0x7], $0x80, s22, s11, $0xb8;
	[tilespmem:$0x1E000] =	vst v63  }
0x176: {  	_ =	swait.ge [sflag:s5], $0x4000  }
0x177: {  	[sflag:s5] =	ssyncset.done $0x0  }
0x178: {  	[sflag:s5] =	ssyncadd.s32 $0xFFFFC000  }
0x179: {  	_ =	swait.ge [sflag:s15], $0x4000  }
0x17a: {  	[sflag:s15] =	ssyncset.done $0x0  }
0x17b: {  	s23 =	simm.s32 $0x1280;
	[sflag:s15] =	ssyncadd.s32 $0xFFFFC000  }
0x17c: {  	[spmem:s2] =	stream.indirect.scatter.add.f32 [tilespmem:s13], [sflag:$0x7], $0x80, s23, s11, $0xb8;
	[tilespmem:$0x1E000] =	vst v63  }
0x17d: {  	_ =	swait.ge [sflag:s5], $0x4000  }
0x17e: {  	[sflag:s5] =	ssyncset.done $0x0  }
0x17f: {  	s24 =	simm.s32 $0x300;
	[sflag:s5] =	ssyncadd.s32 $0xFFFFC000  }
0x180: {  	[tilespmem:s12], [sflag:$0x1] =	stream.indirect.gather [hbm4b:s10+s11], $0x80, s24, s11, $0xb8;
	[tilespmem:$0x1E000] =	vst v63  }
0x181: {  	s25 =	simm.s32 $0x380  }
0x182: {  	[tilespmem:s13], [sflag:$0x2] =	stream.indirect.gather [hbm4b:s10+s11], $0x80, s25, s11, $0xb8;
	[tilespmem:$0x1E000] =	vst v63  }
0x183: {  	_ =	swait.ge [sflag:s14], $0x4000  }
0x184: {  	[sflag:s14] =	ssyncset.done $0x0  }
0x185: {  	s26 =	simm.s32 $0x1300;
	[sflag:s14] =	ssyncadd.s32 $0xFFFFC000  }
0x186: {  	[spmem:s2] =	stream.indirect.scatter.add.f32 [tilespmem:s12], [sflag:$0x7], $0x80, s26, s11, $0xb8;
	[tilespmem:$0x1E000] =	vst v63  }
0x187: {  	_ =	swait.ge [sflag:s5], $0x4000  }
0x188: {  	[sflag:s5] =	ssyncset.done $0x0  }
0x189: {  	[sflag:s5] =	ssyncadd.s32 $0xFFFFC000  }
0x18a: {  	_ =	swait.ge [sflag:s15], $0x4000  }
0x18b: {  	[sflag:s15] =	ssyncset.done $0x0  }
0x18c: {  	s29 =	simm.s32 $0x1380;
	[sflag:s15] =	ssyncadd.s32 $0xFFFFC000  }
0x18d: {  	[spmem:s2] =	stream.indirect.scatter.add.f32 [tilespmem:s13], [sflag:$0x7], $0x80, s29, s11, $0xb8;
	[tilespmem:$0x1E000] =	vst v63  }
0x18e: {  	_ =	swait.ge [sflag:s5], $0x4000  }
0x18f: {  	[sflag:s5] =	ssyncset.done $0x0  }
0x190: {  	s30 =	simm.s32 $0x400;
	[sflag:s5] =	ssyncadd.s32 $0xFFFFC000  }
0x191: {  	[tilespmem:s12], [sflag:$0x1] =	stream.indirect.gather [hbm4b:s10+s11], $0x80, s30, s11, $0xb8;
	[tilespmem:$0x1E000] =	vst v63  }
0x192: {  	s31 =	simm.s32 $0x480  }
0x193: {  	[tilespmem:s13], [sflag:$0x2] =	stream.indirect.gather [hbm4b:s10+s11], $0x80, s31, s11, $0xb8;
	[tilespmem:$0x1E000] =	vst v63  }
0x194: {  	_ =	swait.ge [sflag:s14], $0x4000  }
0x195: {  	[sflag:s14] =	ssyncset.done $0x0  }
0x196: {  	s0 =	simm.s32 $0x1400;
	[sflag:s14] =	ssyncadd.s32 $0xFFFFC000  }
0x197: {  	[spmem:s2] =	stream.indirect.scatter.add.f32 [tilespmem:s12], [sflag:$0x7], $0x80, s0, s11, $0xb8;
	[tilespmem:$0x1E000] =	vst v63  }
0x198: {  	_ =	swait.ge [sflag:s5], $0x4000  }
0x199: {  	[sflag:s5] =	ssyncset.done $0x0  }
0x19a: {  	[sflag:s5] =	ssyncadd.s32 $0xFFFFC000  }
0x19b: {  	_ =	swait.ge [sflag:s15], $0x4000  }
0x19c: {  	[sflag:s15] =	ssyncset.done $0x0  }
0x19d: {  	s0 =	simm.s32 $0x1480;
	[sflag:s15] =	ssyncadd.s32 $0xFFFFC000  }
0x19e: {  	[spmem:s2] =	stream.indirect.scatter.add.f32 [tilespmem:s13], [sflag:$0x7], $0x80, s0, s11, $0xb8;
	[tilespmem:$0x1E000] =	vst v63  }
0x19f: {  	_ =	swait.ge [sflag:s5], $0x4000  }
0x1a0: {  	[sflag:s5] =	ssyncset.done $0x0  }
0x1a1: {  	s0 =	simm.s32 $0x500;
	[sflag:s5] =	ssyncadd.s32 $0xFFFFC000  }
0x1a2: {  	[tilespmem:s12], [sflag:$0x1] =	stream.indirect.gather [hbm4b:s10+s11], $0x80, s0, s11, $0xb8;
	[tilespmem:$0x1E000] =	vst v63  }
0x1a3: {  	s0 =	simm.s32 $0x580  }
0x1a4: {  	[tilespmem:s13], [sflag:$0x2] =	stream.indirect.gather [hbm4b:s10+s11], $0x80, s0, s11, $0xb8;
	[tilespmem:$0x1E000] =	vst v63  }
0x1a5: {  	_ =	swait.ge [sflag:s14], $0x4000  }
0x1a6: {  	[sflag:s14] =	ssyncset.done $0x0  }
0x1a7: {  	s0 =	simm.s32 $0x1500;
	[sflag:s14] =	ssyncadd.s32 $0xFFFFC000  }
0x1a8: {  	[spmem:s2] =	stream.indirect.scatter.add.f32 [tilespmem:s12], [sflag:$0x7], $0x80, s0, s11, $0xb8;
	[tilespmem:$0x1E000] =	vst v63  }
0x1a9: {  	_ =	swait.ge [sflag:s5], $0x4000  }
0x1aa: {  	[sflag:s5] =	ssyncset.done $0x0  }
0x1ab: {  	[sflag:s5] =	ssyncadd.s32 $0xFFFFC000  }
0x1ac: {  	_ =	swait.ge [sflag:s15], $0x4000  }
0x1ad: {  	[sflag:s15] =	ssyncset.done $0x0  }
0x1ae: {  	s0 =	simm.s32 $0x1580;
	[sflag:s15] =	ssyncadd.s32 $0xFFFFC000  }
0x1af: {  	[spmem:s2] =	stream.indirect.scatter.add.f32 [tilespmem:s13], [sflag:$0x7], $0x80, s0, s11, $0xb8;
	[tilespmem:$0x1E000] =	vst v63  }
0x1b0: {  	_ =	swait.ge [sflag:s5], $0x4000  }
0x1b1: {  	[sflag:s5] =	ssyncset.done $0x0  }
0x1b2: {  	s0 =	simm.s32 $0x600;
	[sflag:s5] =	ssyncadd.s32 $0xFFFFC000  }
0x1b3: {  	[tilespmem:s12], [sflag:$0x1] =	stream.indirect.gather [hbm4b:s10+s11], $0x80, s0, s11, $0xb8;
	[tilespmem:$0x1E000] =	vst v63  }
0x1b4: {  	s0 =	simm.s32 $0x680  }
0x1b5: {  	[tilespmem:s13], [sflag:$0x2] =	stream.indirect.gather [hbm4b:s10+s11], $0x80, s0, s11, $0xb8;
	[tilespmem:$0x1E000] =	vst v63  }
0x1b6: {  	_ =	swait.ge [sflag:s14], $0x4000  }
0x1b7: {  	[sflag:s14] =	ssyncset.done $0x0  }
0x1b8: {  	s0 =	simm.s32 $0x1600;
	[sflag:s14] =	ssyncadd.s32 $0xFFFFC000  }
0x1b9: {  	[spmem:s2] =	stream.indirect.scatter.add.f32 [tilespmem:s12], [sflag:$0x7], $0x80, s0, s11, $0xb8;
	[tilespmem:$0x1E000] =	vst v63  }
0x1ba: {  	_ =	swait.ge [sflag:s5], $0x4000  }
0x1bb: {  	[sflag:s5] =	ssyncset.done $0x0  }
0x1bc: {  	[sflag:s5] =	ssyncadd.s32 $0xFFFFC000  }
0x1bd: {  	_ =	swait.ge [sflag:s15], $0x4000  }
0x1be: {  	[sflag:s15] =	ssyncset.done $0x0  }
0x1bf: {  	s0 =	simm.s32 $0x1680;
	[sflag:s15] =	ssyncadd.s32 $0xFFFFC000  }
0x1c0: {  	[spmem:s2] =	stream.indirect.scatter.add.f32 [tilespmem:s13], [sflag:$0x7], $0x80, s0, s11, $0xb8;
	[tilespmem:$0x1E000] =	vst v63  }
0x1c1: {  	_ =	swait.ge [sflag:s5], $0x4000  }
0x1c2: {  	[sflag:s5] =	ssyncset.done $0x0  }
0x1c3: {  	s0 =	simm.s32 $0x700;
	[sflag:s5] =	ssyncadd.s32 $0xFFFFC000  }
0x1c4: {  	[tilespmem:s12], [sflag:$0x1] =	stream.indirect.gather [hbm4b:s10+s11], $0x80, s0, s11, $0xb8;
	[tilespmem:$0x1E000] =	vst v63  }
0x1c5: {  	s0 =	simm.s32 $0x780  }
0x1c6: {  	[tilespmem:s13], [sflag:$0x2] =	stream.indirect.gather [hbm4b:s10+s11], $0x80, s0, s11, $0xb8;
	[tilespmem:$0x1E000] =	vst v63  }
0x1c7: {  	_ =	swait.ge [sflag:s14], $0x4000  }
0x1c8: {  	[sflag:s14] =	ssyncset.done $0x0  }
0x1c9: {  	s0 =	simm.s32 $0x1700;
	[sflag:s14] =	ssyncadd.s32 $0xFFFFC000  }
0x1ca: {  	[spmem:s2] =	stream.indirect.scatter.add.f32 [tilespmem:s12], [sflag:$0x7], $0x80, s0, s11, $0xb8;
	[tilespmem:$0x1E000] =	vst v63  }
0x1cb: {  	_ =	swait.ge [sflag:s5], $0x4000  }
0x1cc: {  	[sflag:s5] =	ssyncset.done $0x0  }
0x1cd: {  	[sflag:s5] =	ssyncadd.s32 $0xFFFFC000  }
0x1ce: {  	_ =	swait.ge [sflag:s15], $0x4000  }
0x1cf: {  	[sflag:s15] =	ssyncset.done $0x0  }
0x1d0: {  	s0 =	simm.s32 $0x1780;
	[sflag:s15] =	ssyncadd.s32 $0xFFFFC000  }
0x1d1: {  	[spmem:s2] =	stream.indirect.scatter.add.f32 [tilespmem:s13], [sflag:$0x7], $0x80, s0, s11, $0xb8;
	[tilespmem:$0x1E000] =	vst v63  }
0x1d2: {  	_ =	swait.ge [sflag:s5], $0x4000  }
0x1d3: {  	[sflag:s5] =	ssyncset.done $0x0  }
0x1d4: {  	[sflag:s5] =	ssyncadd.s32 $0xFFFFC000  }
0x1d5: {  	_ =	swait.ge [sflag:s6], $0x800  }
0x1d6: {  	[sflag:s6] =	ssyncset.done $0x0  }
0x1d7: {  	[sflag:s6] =	ssyncadd.s32 $0xFFFFF800  }
0x1d8: {  	_ =	swait.ge [sflag:s4], $0x800  }
0x1d9: {  	[sflag:s4] =	ssyncset.done $0x0  }
0x1da: {  	s0 =	rddreg [dreg:$0xd];
	[sflag:s4] =	ssyncadd.s32 $0xFFFFF800  }
0x1db: {  	[tilespmem:s8], [sflag:$0x3] =	stream.linear.gather [hbm4b:s0+s8], $0x800, $0x38;
	[tilespmem:$0x1E000] =	vst v63  }
0x1dc: {  	s4 =	rddreg [dreg:$0xe]  }
0x1dd: {  	[tilespmem:s28], [sflag:$0x5] =	stream.linear.gather [hbm4b:s4+s8], $0x800, $0x38;
	[tilespmem:$0x1E000] =	vst v63  }
0x1de: {  	s9 =	simm.s32 $0x800  }
0x1df: {  	[tilespmem:s12], [sflag:$0x1] =	stream.indirect.gather [hbm4b:s10+s11], $0x80, s9, s11, $0xb8;
	[tilespmem:$0x1E000] =	vst v63  }
0x1e0: {  	s6 =	simm.s32 $0x880  }
0x1e1: {  	[tilespmem:s13], [sflag:$0x2] =	stream.indirect.gather [hbm4b:s10+s11], $0x80, s6, s11, $0xb8;
	[tilespmem:$0x1E000] =	vst v63  }
0x1e2: {  	_ =	swait.ge [sflag:s14], $0x4000  }
0x1e3: {  	[sflag:s14] =	ssyncset.done $0x0  }
0x1e4: {  	s7 =	simm.s32 $0x1800;
	[sflag:s14] =	ssyncadd.s32 $0xFFFFC000  }
0x1e5: {  	[spmem:s2] =	stream.indirect.scatter.add.f32 [tilespmem:s12], [sflag:$0x7], $0x80, s7, s11, $0xb8;
	[tilespmem:$0x1E000] =	vst v63  }
0x1e6: {  	_ =	swait.ge [sflag:s5], $0x4000  }
0x1e7: {  	[sflag:s5] =	ssyncset.done $0x0  }
0x1e8: {  	[sflag:s5] =	ssyncadd.s32 $0xFFFFC000  }
0x1e9: {  	_ =	swait.ge [sflag:s15], $0x4000  }
0x1ea: {  	[sflag:s15] =	ssyncset.done $0x0  }
0x1eb: {  	s9 =	simm.s32 $0x1880;
	[sflag:s15] =	ssyncadd.s32 $0xFFFFC000  }
0x1ec: {  	[spmem:s2] =	stream.indirect.scatter.add.f32 [tilespmem:s13], [sflag:$0x7], $0x80, s9, s11, $0xb8;
	[tilespmem:$0x1E000] =	vst v63  }
0x1ed: {  	_ =	swait.ge [sflag:s5], $0x4000  }
0x1ee: {  	[sflag:s5] =	ssyncset.done $0x0  }
0x1ef: {  	s4 =	simm.s32 $0x900;
	[sflag:s5] =	ssyncadd.s32 $0xFFFFC000  }
0x1f0: {  	[tilespmem:s12], [sflag:$0x1] =	stream.indirect.gather [hbm4b:s10+s11], $0x80, s4, s11, $0xb8;
	[tilespmem:$0x1E000] =	vst v63  }
0x1f1: {  	s6 =	simm.s32 $0x980  }
0x1f2: {  	[tilespmem:s13], [sflag:$0x2] =	stream.indirect.gather [hbm4b:s10+s11], $0x80, s6, s11, $0xb8;
	[tilespmem:$0x1E000] =	vst v63  }
0x1f3: {  	_ =	swait.ge [sflag:s14], $0x4000  }
0x1f4: {  	[sflag:s14] =	ssyncset.done $0x0  }
0x1f5: {  	s7 =	simm.s32 $0x1900;
	[sflag:s14] =	ssyncadd.s32 $0xFFFFC000  }
0x1f6: {  	[spmem:s2] =	stream.indirect.scatter.add.f32 [tilespmem:s12], [sflag:$0x7], $0x80, s7, s11, $0xb8;
	[tilespmem:$0x1E000] =	vst v63  }
0x1f7: {  	_ =	swait.ge [sflag:s5], $0x4000  }
0x1f8: {  	[sflag:s5] =	ssyncset.done $0x0  }
0x1f9: {  	[sflag:s5] =	ssyncadd.s32 $0xFFFFC000  }
0x1fa: {  	_ =	swait.ge [sflag:s15], $0x4000  }
0x1fb: {  	[sflag:s15] =	ssyncset.done $0x0  }
0x1fc: {  	s9 =	simm.s32 $0x1980;
	[sflag:s15] =	ssyncadd.s32 $0xFFFFC000  }
0x1fd: {  	[spmem:s2] =	stream.indirect.scatter.add.f32 [tilespmem:s13], [sflag:$0x7], $0x80, s9, s11, $0xb8;
	[tilespmem:$0x1E000] =	vst v63  }
0x1fe: {  	_ =	swait.ge [sflag:s5], $0x4000  }
0x1ff: {  	[sflag:s5] =	ssyncset.done $0x0  }
0x200: {  	s4 =	simm.s32 $0xA00;
	[sflag:s5] =	ssyncadd.s32 $0xFFFFC000  }
0x201: {  	[tilespmem:s12], [sflag:$0x1] =	stream.indirect.gather [hbm4b:s10+s11], $0x80, s4, s11, $0xb8;
	[tilespmem:$0x1E000] =	vst v63  }
0x202: {  	s6 =	simm.s32 $0xA80  }
0x203: {  	[tilespmem:s13], [sflag:$0x2] =	stream.indirect.gather [hbm4b:s10+s11], $0x80, s6, s11, $0xb8;
	[tilespmem:$0x1E000] =	vst v63  }
0x204: {  	_ =	swait.ge [sflag:s14], $0x4000  }
0x205: {  	[sflag:s14] =	ssyncset.done $0x0  }
0x206: {  	s7 =	simm.s32 $0x1A00;
	[sflag:s14] =	ssyncadd.s32 $0xFFFFC000  }
0x207: {  	[spmem:s2] =	stream.indirect.scatter.add.f32 [tilespmem:s12], [sflag:$0x7], $0x80, s7, s11, $0xb8;
	[tilespmem:$0x1E000] =	vst v63  }
0x208: {  	_ =	swait.ge [sflag:s5], $0x4000  }
0x209: {  	[sflag:s5] =	ssyncset.done $0x0  }
0x20a: {  	[sflag:s5] =	ssyncadd.s32 $0xFFFFC000  }
0x20b: {  	_ =	swait.ge [sflag:s15], $0x4000  }
0x20c: {  	[sflag:s15] =	ssyncset.done $0x0  }
0x20d: {  	s9 =	simm.s32 $0x1A80;
	[sflag:s15] =	ssyncadd.s32 $0xFFFFC000  }
0x20e: {  	[spmem:s2] =	stream.indirect.scatter.add.f32 [tilespmem:s13], [sflag:$0x7], $0x80, s9, s11, $0xb8;
	[tilespmem:$0x1E000] =	vst v63  }
0x20f: {  	_ =	swait.ge [sflag:s5], $0x4000  }
0x210: {  	[sflag:s5] =	ssyncset.done $0x0  }
0x211: {  	s4 =	simm.s32 $0xB00;
	[sflag:s5] =	ssyncadd.s32 $0xFFFFC000  }
0x212: {  	[tilespmem:s12], [sflag:$0x1] =	stream.indirect.gather [hbm4b:s10+s11], $0x80, s4, s11, $0xb8;
	[tilespmem:$0x1E000] =	vst v63  }
0x213: {  	s6 =	simm.s32 $0xB80  }
0x214: {  	[tilespmem:s13], [sflag:$0x2] =	stream.indirect.gather [hbm4b:s10+s11], $0x80, s6, s11, $0xb8;
	[tilespmem:$0x1E000] =	vst v63  }
0x215: {  	_ =	swait.ge [sflag:s14], $0x4000  }
0x216: {  	[sflag:s14] =	ssyncset.done $0x0  }
0x217: {  	s7 =	simm.s32 $0x1B00;
	[sflag:s14] =	ssyncadd.s32 $0xFFFFC000  }
0x218: {  	[spmem:s2] =	stream.indirect.scatter.add.f32 [tilespmem:s12], [sflag:$0x7], $0x80, s7, s11, $0xb8;
	[tilespmem:$0x1E000] =	vst v63  }
0x219: {  	_ =	swait.ge [sflag:s5], $0x4000  }
0x21a: {  	[sflag:s5] =	ssyncset.done $0x0  }
0x21b: {  	[sflag:s5] =	ssyncadd.s32 $0xFFFFC000  }
0x21c: {  	_ =	swait.ge [sflag:s15], $0x4000  }
0x21d: {  	[sflag:s15] =	ssyncset.done $0x0  }
0x21e: {  	s9 =	simm.s32 $0x1B80;
	[sflag:s15] =	ssyncadd.s32 $0xFFFFC000  }
0x21f: {  	[spmem:s2] =	stream.indirect.scatter.add.f32 [tilespmem:s13], [sflag:$0x7], $0x80, s9, s11, $0xb8;
	[tilespmem:$0x1E000] =	vst v63  }
0x220: {  	_ =	swait.ge [sflag:s5], $0x4000  }
0x221: {  	[sflag:s5] =	ssyncset.done $0x0  }
0x222: {  	s4 =	simm.s32 $0xC00;
	[sflag:s5] =	ssyncadd.s32 $0xFFFFC000  }
0x223: {  	[tilespmem:s12], [sflag:$0x1] =	stream.indirect.gather [hbm4b:s10+s11], $0x80, s4, s11, $0xb8;
	[tilespmem:$0x1E000] =	vst v63  }
0x224: {  	s6 =	simm.s32 $0xC80  }
0x225: {  	[tilespmem:s13], [sflag:$0x2] =	stream.indirect.gather [hbm4b:s10+s11], $0x80, s6, s11, $0xb8;
	[tilespmem:$0x1E000] =	vst v63  }
0x226: {  	_ =	swait.ge [sflag:s14], $0x4000  }
0x227: {  	[sflag:s14] =	ssyncset.done $0x0  }
0x228: {  	s7 =	simm.s32 $0x1C00;
	[sflag:s14] =	ssyncadd.s32 $0xFFFFC000  }
0x229: {  	[spmem:s2] =	stream.indirect.scatter.add.f32 [tilespmem:s12], [sflag:$0x7], $0x80, s7, s11, $0xb8;
	[tilespmem:$0x1E000] =	vst v63  }
0x22a: {  	_ =	swait.ge [sflag:s5], $0x4000  }
0x22b: {  	[sflag:s5] =	ssyncset.done $0x0  }
0x22c: {  	[sflag:s5] =	ssyncadd.s32 $0xFFFFC000  }
0x22d: {  	_ =	swait.ge [sflag:s15], $0x4000  }
0x22e: {  	[sflag:s15] =	ssyncset.done $0x0  }
0x22f: {  	s9 =	simm.s32 $0x1C80;
	[sflag:s15] =	ssyncadd.s32 $0xFFFFC000  }
0x230: {  	[spmem:s2] =	stream.indirect.scatter.add.f32 [tilespmem:s13], [sflag:$0x7], $0x80, s9, s11, $0xb8;
	[tilespmem:$0x1E000] =	vst v63  }
0x231: {  	_ =	swait.ge [sflag:s5], $0x4000  }
0x232: {  	[sflag:s5] =	ssyncset.done $0x0  }
0x233: {  	s4 =	simm.s32 $0xD00;
	[sflag:s5] =	ssyncadd.s32 $0xFFFFC000  }
0x234: {  	[tilespmem:s12], [sflag:$0x1] =	stream.indirect.gather [hbm4b:s10+s11], $0x80, s4, s11, $0xb8;
	[tilespmem:$0x1E000] =	vst v63  }
0x235: {  	s6 =	simm.s32 $0xD80  }
0x236: {  	[tilespmem:s13], [sflag:$0x2] =	stream.indirect.gather [hbm4b:s10+s11], $0x80, s6, s11, $0xb8;
	[tilespmem:$0x1E000] =	vst v63  }
0x237: {  	_ =	swait.ge [sflag:s14], $0x4000  }
0x238: {  	[sflag:s14] =	ssyncset.done $0x0  }
0x239: {  	s7 =	simm.s32 $0x1D00;
	[sflag:s14] =	ssyncadd.s32 $0xFFFFC000  }
0x23a: {  	[spmem:s2] =	stream.indirect.scatter.add.f32 [tilespmem:s12], [sflag:$0x7], $0x80, s7, s11, $0xb8;
	[tilespmem:$0x1E000] =	vst v63  }
0x23b: {  	_ =	swait.ge [sflag:s5], $0x4000  }
0x23c: {  	[sflag:s5] =	ssyncset.done $0x0  }
0x23d: {  	[sflag:s5] =	ssyncadd.s32 $0xFFFFC000  }
0x23e: {  	_ =	swait.ge [sflag:s15], $0x4000  }
0x23f: {  	[sflag:s15] =	ssyncset.done $0x0  }
0x240: {  	s9 =	simm.s32 $0x1D80;
	[sflag:s15] =	ssyncadd.s32 $0xFFFFC000  }
0x241: {  	[spmem:s2] =	stream.indirect.scatter.add.f32 [tilespmem:s13], [sflag:$0x7], $0x80, s9, s11, $0xb8;
	[tilespmem:$0x1E000] =	vst v63  }
0x242: {  	_ =	swait.ge [sflag:s5], $0x4000  }
0x243: {  	[sflag:s5] =	ssyncset.done $0x0  }
0x244: {  	s4 =	simm.s32 $0xE00;
	[sflag:s5] =	ssyncadd.s32 $0xFFFFC000  }
0x245: {  	[tilespmem:s12], [sflag:$0x1] =	stream.indirect.gather [hbm4b:s10+s11], $0x80, s4, s11, $0xb8;
	[tilespmem:$0x1E000] =	vst v63  }
0x246: {  	s6 =	simm.s32 $0xE80  }
0x247: {  	[tilespmem:s13], [sflag:$0x2] =	stream.indirect.gather [hbm4b:s10+s11], $0x80, s6, s11, $0xb8;
	[tilespmem:$0x1E000] =	vst v63  }
0x248: {  	_ =	swait.ge [sflag:s14], $0x4000  }
0x249: {  	[sflag:s14] =	ssyncset.done $0x0  }
0x24a: {  	s7 =	simm.s32 $0x1E00;
	[sflag:s14] =	ssyncadd.s32 $0xFFFFC000  }
0x24b: {  	[spmem:s2] =	stream.indirect.scatter.add.f32 [tilespmem:s12], [sflag:$0x7], $0x80, s7, s11, $0xb8;
	[tilespmem:$0x1E000] =	vst v63  }
0x24c: {  	_ =	swait.ge [sflag:s5], $0x4000  }
0x24d: {  	[sflag:s5] =	ssyncset.done $0x0  }
0x24e: {  	[sflag:s5] =	ssyncadd.s32 $0xFFFFC000  }
0x24f: {  	_ =	swait.ge [sflag:s15], $0x4000  }
0x250: {  	[sflag:s15] =	ssyncset.done $0x0  }
0x251: {  	s9 =	simm.s32 $0x1E80;
	[sflag:s15] =	ssyncadd.s32 $0xFFFFC000  }
0x252: {  	[spmem:s2] =	stream.indirect.scatter.add.f32 [tilespmem:s13], [sflag:$0x7], $0x80, s9, s11, $0xb8;
	[tilespmem:$0x1E000] =	vst v63  }
0x253: {  	_ =	swait.ge [sflag:s5], $0x4000  }
0x254: {  	[sflag:s5] =	ssyncset.done $0x0  }
0x255: {  	s4 =	simm.s32 $0xF00;
	[sflag:s5] =	ssyncadd.s32 $0xFFFFC000  }
0x256: {  	[tilespmem:s12], [sflag:$0x1] =	stream.indirect.gather [hbm4b:s10+s11], $0x80, s4, s11, $0xb8;
	[tilespmem:$0x1E000] =	vst v63  }
0x257: {  	s6 =	simm.s32 $0xF80  }
0x258: {  	[tilespmem:s13], [sflag:$0x2] =	stream.indirect.gather [hbm4b:s10+s11], $0x80, s6, s11, $0xb8;
	[tilespmem:$0x1E000] =	vst v63  }
0x259: {  	_ =	swait.ge [sflag:s14], $0x4000  }
0x25a: {  	[sflag:s14] =	ssyncset.done $0x0  }
0x25b: {  	s7 =	simm.s32 $0x1F00;
	[sflag:s14] =	ssyncadd.s32 $0xFFFFC000  }
0x25c: {  	[spmem:s2] =	stream.indirect.scatter.add.f32 [tilespmem:s12], [sflag:$0x7], $0x80, s7, s11, $0xb8;
	[tilespmem:$0x1E000] =	vst v63  }
0x25d: {  	_ =	swait.ge [sflag:s5], $0x4000  }
0x25e: {  	[sflag:s5] =	ssyncset.done $0x0  }
0x25f: {  	[sflag:s5] =	ssyncadd.s32 $0xFFFFC000  }
0x260: {  	_ =	swait.ge [sflag:s15], $0x4000  }
0x261: {  	[sflag:s15] =	ssyncset.done $0x0  }
0x262: {  	s9 =	simm.s32 $0x1F80;
	[sflag:s15] =	ssyncadd.s32 $0xFFFFC000  }
0x263: {  	[spmem:s2] =	stream.indirect.scatter.add.f32 [tilespmem:s13], [sflag:$0x7], $0x80, s9, s11, $0xb8;
	[tilespmem:$0x1E000] =	vst v63  }
0x264: {  	_ =	swait.ge [sflag:s5], $0x4000  }
0x265: {  	[sflag:s5] =	ssyncset.done $0x0  }
0x266: {  	[sflag:s5] =	ssyncadd.s32 $0xFFFFC000  }
0x267: {  	_ =	swait.ge [sflag:s3], $0x800  }
0x268: {  	[sflag:s3] =	ssyncset.done $0x0  }
0x269: {  	[sflag:s3] =	ssyncadd.s32 $0xFFFFF800  }
0x26a: {  	_ =	swait.ge [sflag:s1], $0x800  }
0x26b: {  	[sflag:s1] =	ssyncset.done $0x0  }
0x26c: {  	[sflag:s1] =	ssyncadd.s32 $0xFFFFF800  }
0x26d: {  	[tilespmem:s12], [sflag:$0x1] =	stream.indirect.gather [hbm4b:s10+s11], $0x80, s8, s11, $0xb8;
	[tilespmem:$0x1E000] =	vst v63  }
0x26e: {  	_ = 	snop  }
0x26f: {  	[tilespmem:s13], [sflag:$0x2] =	stream.indirect.gather [hbm4b:s10+s11], $0x80, s11, s11, $0xb8;
	[tilespmem:$0x1E000] =	vst v63  }
0x270: {  	_ =	swait.ge [sflag:s14], $0x4000  }
0x271: {  	[sflag:s14] =	ssyncset.done $0x0  }
0x272: {  	[sflag:s14] =	ssyncadd.s32 $0xFFFFC000  }
0x273: {  	[spmem:s2] =	stream.indirect.scatter.add.f32 [tilespmem:s12], [sflag:$0x7], $0x80, s28, s11, $0xb8;
	[tilespmem:$0x1E000] =	vst v63  }
0x274: {  	_ =	swait.ge [sflag:s5], $0x4000  }
0x275: {  	[sflag:s5] =	ssyncset.done $0x0  }
0x276: {  	[sflag:s5] =	ssyncadd.s32 $0xFFFFC000  }
0x277: {  	_ =	swait.ge [sflag:s15], $0x4000  }
0x278: {  	[sflag:s15] =	ssyncset.done $0x0  }
0x279: {  	s1 =	simm.s32 $0x1080;
	[sflag:s15] =	ssyncadd.s32 $0xFFFFC000  }
0x27a: {  	[spmem:s2] =	stream.indirect.scatter.add.f32 [tilespmem:s13], [sflag:$0x7], $0x80, s1, s11, $0xb8;
	[tilespmem:$0x1E000] =	vst v63  }
0x27b: {  	_ =	swait.ge [sflag:s5], $0x4000  }
0x27c: {  	[sflag:s5] =	ssyncset.done $0x0  }
0x27d: {  	s3 =	simm.s32 $0x100;
	[sflag:s5] =	ssyncadd.s32 $0xFFFFC000  }
0x27e: {  	[tilespmem:s12], [sflag:$0x1] =	stream.indirect.gather [hbm4b:s10+s11], $0x80, s3, s11, $0xb8;
	[tilespmem:$0x1E000] =	vst v63  }
0x27f: {  	_ = 	snop  }
0x280: {  	[tilespmem:s13], [sflag:$0x2] =	stream.indirect.gather [hbm4b:s10+s11], $0x80, s17, s11, $0xb8;
	[tilespmem:$0x1E000] =	vst v63  }
0x281: {  	_ =	swait.ge [sflag:s14], $0x4000  }
0x282: {  	[sflag:s14] =	ssyncset.done $0x0  }
0x283: {  	[sflag:s14] =	ssyncadd.s32 $0xFFFFC000  }
0x284: {  	[spmem:s2] =	stream.indirect.scatter.add.f32 [tilespmem:s12], [sflag:$0x7], $0x80, s18, s11, $0xb8;
	[tilespmem:$0x1E000] =	vst v63  }
0x285: {  	_ =	swait.ge [sflag:s5], $0x4000  }
0x286: {  	[sflag:s5] =	ssyncset.done $0x0  }
0x287: {  	[sflag:s5] =	ssyncadd.s32 $0xFFFFC000  }
0x288: {  	_ =	swait.ge [sflag:s15], $0x4000  }
0x289: {  	[sflag:s15] =	ssyncset.done $0x0  }
0x28a: {  	[sflag:s15] =	ssyncadd.s32 $0xFFFFC000  }
0x28b: {  	[spmem:s2] =	stream.indirect.scatter.add.f32 [tilespmem:s13], [sflag:$0x7], $0x80, s19, s11, $0xb8;
	[tilespmem:$0x1E000] =	vst v63  }
0x28c: {  	_ =	swait.ge [sflag:s5], $0x4000  }
0x28d: {  	[sflag:s5] =	ssyncset.done $0x0  }
0x28e: {  	[sflag:s5] =	ssyncadd.s32 $0xFFFFC000  }
0x28f: {  	[tilespmem:s12], [sflag:$0x1] =	stream.indirect.gather [hbm4b:s10+s11], $0x80, s20, s11, $0xb8;
	[tilespmem:$0x1E000] =	vst v63  }
0x290: {  	_ = 	snop  }
0x291: {  	[tilespmem:s13], [sflag:$0x2] =	stream.indirect.gather [hbm4b:s10+s11], $0x80, s21, s11, $0xb8;
	[tilespmem:$0x1E000] =	vst v63  }
0x292: {  	_ =	swait.ge [sflag:s14], $0x4000  }
0x293: {  	[sflag:s14] =	ssyncset.done $0x0  }
0x294: {  	[sflag:s14] =	ssyncadd.s32 $0xFFFFC000  }
0x295: {  	[spmem:s2] =	stream.indirect.scatter.add.f32 [tilespmem:s12], [sflag:$0x7], $0x80, s22, s11, $0xb8;
	[tilespmem:$0x1E000] =	vst v63  }
0x296: {  	_ =	swait.ge [sflag:s5], $0x4000  }
0x297: {  	[sflag:s5] =	ssyncset.done $0x0  }
0x298: {  	[sflag:s5] =	ssyncadd.s32 $0xFFFFC000  }
0x299: {  	_ =	swait.ge [sflag:s15], $0x4000  }
0x29a: {  	[sflag:s15] =	ssyncset.done $0x0  }
0x29b: {  	[sflag:s15] =	ssyncadd.s32 $0xFFFFC000  }
0x29c: {  	[spmem:s2] =	stream.indirect.scatter.add.f32 [tilespmem:s13], [sflag:$0x7], $0x80, s23, s11, $0xb8;
	[tilespmem:$0x1E000] =	vst v63  }
0x29d: {  	_ =	swait.ge [sflag:s5], $0x4000  }
0x29e: {  	[sflag:s5] =	ssyncset.done $0x0  }
0x29f: {  	[sflag:s5] =	ssyncadd.s32 $0xFFFFC000  }
0x2a0: {  	[tilespmem:s12], [sflag:$0x1] =	stream.indirect.gather [hbm4b:s10+s11], $0x80, s24, s11, $0xb8;
	[tilespmem:$0x1E000] =	vst v63  }
0x2a1: {  	_ = 	snop  }
0x2a2: {  	[tilespmem:s13], [sflag:$0x2] =	stream.indirect.gather [hbm4b:s10+s11], $0x80, s25, s11, $0xb8;
	[tilespmem:$0x1E000] =	vst v63  }
0x2a3: {  	_ =	swait.ge [sflag:s14], $0x4000  }
0x2a4: {  	[sflag:s14] =	ssyncset.done $0x0  }
0x2a5: {  	[sflag:s14] =	ssyncadd.s32 $0xFFFFC000  }
0x2a6: {  	[spmem:s2] =	stream.indirect.scatter.add.f32 [tilespmem:s12], [sflag:$0x7], $0x80, s26, s11, $0xb8;
	[tilespmem:$0x1E000] =	vst v63  }
0x2a7: {  	_ =	swait.ge [sflag:s5], $0x4000  }
0x2a8: {  	[sflag:s5] =	ssyncset.done $0x0  }
0x2a9: {  	[sflag:s5] =	ssyncadd.s32 $0xFFFFC000  }
0x2aa: {  	_ =	swait.ge [sflag:s15], $0x4000  }
0x2ab: {  	[sflag:s15] =	ssyncset.done $0x0  }
0x2ac: {  	[sflag:s15] =	ssyncadd.s32 $0xFFFFC000  }
0x2ad: {  	[spmem:s2] =	stream.indirect.scatter.add.f32 [tilespmem:s13], [sflag:$0x7], $0x80, s29, s11, $0xb8;
	[tilespmem:$0x1E000] =	vst v63  }
0x2ae: {  	_ =	swait.ge [sflag:s5], $0x4000  }
0x2af: {  	[sflag:s5] =	ssyncset.done $0x0  }
0x2b0: {  	[sflag:s5] =	ssyncadd.s32 $0xFFFFC000  }
0x2b1: {  	[tilespmem:s12], [sflag:$0x1] =	stream.indirect.gather [hbm4b:s10+s11], $0x80, s30, s11, $0xb8;
	[tilespmem:$0x1E000] =	vst v63  }
0x2b2: {  	_ = 	snop  }
0x2b3: {  	[tilespmem:s13], [sflag:$0x2] =	stream.indirect.gather [hbm4b:s10+s11], $0x80, s31, s11, $0xb8;
	[tilespmem:$0x1E000] =	vst v63  }
0x2b4: {  	_ =	swait.ge [sflag:s14], $0x4000  }
0x2b5: {  	[sflag:s14] =	ssyncset.done $0x0  }
0x2b6: {  	s4 =	simm.s32 $0x1400;
	[sflag:s14] =	ssyncadd.s32 $0xFFFFC000  }
0x2b7: {  	[spmem:s2] =	stream.indirect.scatter.add.f32 [tilespmem:s12], [sflag:$0x7], $0x80, s4, s11, $0xb8;
	[tilespmem:$0x1E000] =	vst v63  }
0x2b8: {  	_ =	swait.ge [sflag:s5], $0x4000  }
0x2b9: {  	[sflag:s5] =	ssyncset.done $0x0  }
0x2ba: {  	[sflag:s5] =	ssyncadd.s32 $0xFFFFC000  }
0x2bb: {  	_ =	swait.ge [sflag:s15], $0x4000  }
0x2bc: {  	[sflag:s15] =	ssyncset.done $0x0  }
0x2bd: {  	s6 =	simm.s32 $0x1480;
	[sflag:s15] =	ssyncadd.s32 $0xFFFFC000  }
0x2be: {  	[spmem:s2] =	stream.indirect.scatter.add.f32 [tilespmem:s13], [sflag:$0x7], $0x80, s6, s11, $0xb8;
	[tilespmem:$0x1E000] =	vst v63  }
0x2bf: {  	_ =	swait.ge [sflag:s5], $0x4000  }
0x2c0: {  	[sflag:s5] =	ssyncset.done $0x0  }
0x2c1: {  	s7 =	simm.s32 $0x500;
	[sflag:s5] =	ssyncadd.s32 $0xFFFFC000  }
0x2c2: {  	[tilespmem:s12], [sflag:$0x1] =	stream.indirect.gather [hbm4b:s10+s11], $0x80, s7, s11, $0xb8;
	[tilespmem:$0x1E000] =	vst v63  }
0x2c3: {  	s9 =	simm.s32 $0x580  }
0x2c4: {  	[tilespmem:s13], [sflag:$0x2] =	stream.indirect.gather [hbm4b:s10+s11], $0x80, s9, s11, $0xb8;
	[tilespmem:$0x1E000] =	vst v63  }
0x2c5: {  	_ =	swait.ge [sflag:s14], $0x4000  }
0x2c6: {  	[sflag:s14] =	ssyncset.done $0x0  }
0x2c7: {  	s17 =	simm.s32 $0x1500;
	[sflag:s14] =	ssyncadd.s32 $0xFFFFC000  }
0x2c8: {  	[spmem:s2] =	stream.indirect.scatter.add.f32 [tilespmem:s12], [sflag:$0x7], $0x80, s17, s11, $0xb8;
	[tilespmem:$0x1E000] =	vst v63  }
0x2c9: {  	_ =	swait.ge [sflag:s5], $0x4000  }
0x2ca: {  	[sflag:s5] =	ssyncset.done $0x0  }
0x2cb: {  	[sflag:s5] =	ssyncadd.s32 $0xFFFFC000  }
0x2cc: {  	_ =	swait.ge [sflag:s15], $0x4000  }
0x2cd: {  	[sflag:s15] =	ssyncset.done $0x0  }
0x2ce: {  	s18 =	simm.s32 $0x1580;
	[sflag:s15] =	ssyncadd.s32 $0xFFFFC000  }
0x2cf: {  	[spmem:s2] =	stream.indirect.scatter.add.f32 [tilespmem:s13], [sflag:$0x7], $0x80, s18, s11, $0xb8;
	[tilespmem:$0x1E000] =	vst v63  }
0x2d0: {  	_ =	swait.ge [sflag:s5], $0x4000  }
0x2d1: {  	[sflag:s5] =	ssyncset.done $0x0  }
0x2d2: {  	s19 =	simm.s32 $0x600;
	[sflag:s5] =	ssyncadd.s32 $0xFFFFC000  }
0x2d3: {  	[tilespmem:s12], [sflag:$0x1] =	stream.indirect.gather [hbm4b:s10+s11], $0x80, s19, s11, $0xb8;
	[tilespmem:$0x1E000] =	vst v63  }
0x2d4: {  	s20 =	simm.s32 $0x680  }
0x2d5: {  	[tilespmem:s13], [sflag:$0x2] =	stream.indirect.gather [hbm4b:s10+s11], $0x80, s20, s11, $0xb8;
	[tilespmem:$0x1E000] =	vst v63  }
0x2d6: {  	_ =	swait.ge [sflag:s14], $0x4000  }
0x2d7: {  	[sflag:s14] =	ssyncset.done $0x0  }
0x2d8: {  	s21 =	simm.s32 $0x1600;
	[sflag:s14] =	ssyncadd.s32 $0xFFFFC000  }
0x2d9: {  	[spmem:s2] =	stream.indirect.scatter.add.f32 [tilespmem:s12], [sflag:$0x7], $0x80, s21, s11, $0xb8;
	[tilespmem:$0x1E000] =	vst v63  }
0x2da: {  	_ =	swait.ge [sflag:s5], $0x4000  }
0x2db: {  	[sflag:s5] =	ssyncset.done $0x0  }
0x2dc: {  	[sflag:s5] =	ssyncadd.s32 $0xFFFFC000  }
0x2dd: {  	_ =	swait.ge [sflag:s15], $0x4000  }
0x2de: {  	[sflag:s15] =	ssyncset.done $0x0  }
0x2df: {  	s22 =	simm.s32 $0x1680;
	[sflag:s15] =	ssyncadd.s32 $0xFFFFC000  }
0x2e0: {  	[spmem:s2] =	stream.indirect.scatter.add.f32 [tilespmem:s13], [sflag:$0x7], $0x80, s22, s11, $0xb8;
	[tilespmem:$0x1E000] =	vst v63  }
0x2e1: {  	_ =	swait.ge [sflag:s5], $0x4000  }
0x2e2: {  	[sflag:s5] =	ssyncset.done $0x0  }
0x2e3: {  	s23 =	simm.s32 $0x700;
	[sflag:s5] =	ssyncadd.s32 $0xFFFFC000  }
0x2e4: {  	[tilespmem:s12], [sflag:$0x1] =	stream.indirect.gather [hbm4b:s10+s11], $0x80, s23, s11, $0xb8;
	[tilespmem:$0x1E000] =	vst v63  }
0x2e5: {  	s24 =	simm.s32 $0x780  }
0x2e6: {  	[tilespmem:s13], [sflag:$0x2] =	stream.indirect.gather [hbm4b:s10+s11], $0x80, s24, s11, $0xb8;
	[tilespmem:$0x1E000] =	vst v63  }
0x2e7: {  	_ =	swait.ge [sflag:s14], $0x4000  }
0x2e8: {  	[sflag:s14] =	ssyncset.done $0x0  }
0x2e9: {  	s25 =	simm.s32 $0x1700;
	[sflag:s14] =	ssyncadd.s32 $0xFFFFC000  }
0x2ea: {  	[spmem:s2] =	stream.indirect.scatter.add.f32 [tilespmem:s12], [sflag:$0x7], $0x80, s25, s11, $0xb8;
	[tilespmem:$0x1E000] =	vst v63  }
0x2eb: {  	_ =	swait.ge [sflag:s5], $0x4000  }
0x2ec: {  	[sflag:s5] =	ssyncset.done $0x0  }
0x2ed: {  	[sflag:s5] =	ssyncadd.s32 $0xFFFFC000  }
0x2ee: {  	_ =	swait.ge [sflag:s15], $0x4000  }
0x2ef: {  	[sflag:s15] =	ssyncset.done $0x0  }
0x2f0: {  	s26 =	simm.s32 $0x1780;
	[sflag:s15] =	ssyncadd.s32 $0xFFFFC000  }
0x2f1: {  	[spmem:s2] =	stream.indirect.scatter.add.f32 [tilespmem:s13], [sflag:$0x7], $0x80, s26, s11, $0xb8;
	[tilespmem:$0x1E000] =	vst v63  }
0x2f2: {  	_ =	swait.ge [sflag:s5], $0x4000  }
0x2f3: {  	[sflag:s5] =	ssyncset.done $0x0  }
0x2f4: {  	[sflag:s5] =	ssyncadd.s32 $0xFFFFC000  }
0x2f5: {  	[bflag:$0x0] =	sbarrier.arrive $0xFFFF  }
0x2f6: {  	s28 =	rddreg [dreg:$0x12]  }
0x2f7: {  	s29 =	ssub.s32 $0x2, s28  }
0x2f8: {  	s0 =	sshrl.u32 s29, $0x1  }
0x2f9: {  	s0 =	ssub.s32 s29, s0  }
0x2fa: {  	s0 =	smax.u32 s0, $0x1  }
0x2fb: {  	p0 =	sne.s32 s0, $0x1  }
.Ltmp0:
0x2fc: {  	s30 =	rddreg [dreg:$0xf];
	(pc) =	sbr.rel @!p0 .LBB2_3-.Ltmp0, $4  }
0x2fd: {  	s31 =	rddreg [dreg:$0x10]  }
0x2fe: {  	[dreg:$0x11] =	wrdreg s16  }
0x2ff: {  	[hbm:s30], [sflag:s31] =	dma.local [spmem:s16], $0x2800  }
0x300: {  	_ =	swait.ge [sflag:s5], $0x2800;
	s0 =	sadd.s32 $0xFFFFFFFF, s0  }
0x301: {  	s29 =	simm.s32 $0x1000  }
0x302: {  	s9 =	simm.s32 $0x800;
	s7 =	simm.s32 $0x1800;
	s18 =	simm.s32 $0x900  }
0x303: {  	s19 =	simm.s32 $0x980;
	s20 =	simm.s32 $0x1900;
	s21 =	simm.s32 $0x1980  }
0x304: {  	s22 =	simm.s32 $0xA00;
	s23 =	simm.s32 $0xA80;
	s24 =	simm.s32 $0x1A00  }
0x305: {  	s25 =	simm.s32 $0x1A80;
	s26 =	simm.s32 $0xB00;
	s28 =	simm.s32 $0xB80  }
0x306: {  	s30 =	simm.s32 $0x1B00;
	s31 =	simm.s32 $0x1B80;
	s6 =	simm.s32 $0x5  }
.LBB2_2:
0x307: {  	s16 =	rddreg [dreg:$0x4]  }
0x308: {  	[sflag:s5] =	ssyncset.done $0x0;
	s1 =	rddreg [dreg:$0x10]  }
0x309: {  	s3 =	rddreg [dreg:$0x11];
	[sflag:s5] =	ssyncadd.s32 $0xFFFFD800  }
0x30a: {  	[spmem:s3], [sflag:s1] =	dma.local [hbm:s16], $0x2800  }
0x30b: {  	_ =	swait.ge [sflag:s5], $0x2800  }
0x30c: {  	[sflag:s5] =	ssyncset.done $0x0  }
0x30d: {  	s1 =	rddreg [dreg:$0x5];
	[sflag:s5] =	ssyncadd.s32 $0xFFFFD800  }
0x30e: {  	[tilespmem:s8], [sflag:$0x7] =	stream.linear.gather [hbm4b:s1+s8], $0x800, $0x38;
	[tilespmem:$0x1E000] =	vst v63  }
0x30f: {  	_ =	swait.ge [sflag:s5], $0x800  }
0x310: {  	[sflag:s5] =	ssyncset.done $0x0  }
0x311: {  	s3 =	rddreg [dreg:$0x6];
	[sflag:s5] =	ssyncadd.s32 $0xFFFFF800  }
0x312: {  	[tilespmem:s29], [sflag:$0x7] =	stream.linear.gather [hbm4b:s3+s8], $0x800, $0x38;
	[tilespmem:$0x1E000] =	vst v63  }
0x313: {  	_ =	swait.ge [sflag:s5], $0x800  }
0x314: {  	[sflag:s5] =	ssyncset.done $0x0  }
0x315: {  	[sflag:s5] =	ssyncadd.s32 $0xFFFFF800  }
0x316: {  	[bflag:$0x0] =	sbarrier.arrive $0xFFFF  }
0x317: {  	s4 =	rddreg [dreg:$0x7]  }
0x318: {  	[tilespmem:s9], [sflag:$0x4] =	stream.linear.gather [hbm4b:s4+s8], $0x800, $0x38;
	[tilespmem:$0x1E000] =	vst v63  }
0x319: {  	s17 =	rddreg [dreg:$0x8]  }
0x31a: {  	[tilespmem:s7], [sflag:$0x6] =	stream.linear.gather [hbm4b:s17+s8], $0x800, $0x38;
	[tilespmem:$0x1E000] =	vst v63  }
0x31b: {  	_ = 	snop  }
0x31c: {  	[tilespmem:s12], [sflag:$0x1] =	stream.indirect.gather [hbm4b:s10+s11], $0x80, s8, s11, $0xb8;
	[tilespmem:$0x1E000] =	vst v63  }
0x31d: {  	_ = 	snop  }
0x31e: {  	[tilespmem:s13], [sflag:$0x2] =	stream.indirect.gather [hbm4b:s10+s11], $0x80, s11, s11, $0xb8;
	[tilespmem:$0x1E000] =	vst v63  }
0x31f: {  	_ =	swait.ge [sflag:s14], $0x4000  }
0x320: {  	[sflag:s14] =	ssyncset.done $0x0  }
0x321: {  	[sflag:s14] =	ssyncadd.s32 $0xFFFFC000  }
0x322: {  	[spmem:s2] =	stream.indirect.scatter.add.f32 [tilespmem:s12], [sflag:$0x7], $0x80, s29, s11, $0xb8;
	[tilespmem:$0x1E000] =	vst v63  }
0x323: {  	_ =	swait.ge [sflag:s5], $0x4000  }
0x324: {  	[sflag:s5] =	ssyncset.done $0x0  }
0x325: {  	[sflag:s5] =	ssyncadd.s32 $0xFFFFC000  }
0x326: {  	_ =	swait.ge [sflag:s15], $0x4000  }
0x327: {  	[sflag:s15] =	ssyncset.done $0x0  }
0x328: {  	s16 =	simm.s32 $0x1080;
	[sflag:s15] =	ssyncadd.s32 $0xFFFFC000  }
0x329: {  	[spmem:s2] =	stream.indirect.scatter.add.f32 [tilespmem:s13], [sflag:$0x7], $0x80, s16, s11, $0xb8;
	[tilespmem:$0x1E000] =	vst v63  }
0x32a: {  	_ =	swait.ge [sflag:s5], $0x4000  }
0x32b: {  	[sflag:s5] =	ssyncset.done $0x0  }
0x32c: {  	s17 =	simm.s32 $0x100;
	[sflag:s5] =	ssyncadd.s32 $0xFFFFC000  }
0x32d: {  	[tilespmem:s12], [sflag:$0x1] =	stream.indirect.gather [hbm4b:s10+s11], $0x80, s17, s11, $0xb8;
	[tilespmem:$0x1E000] =	vst v63  }
0x32e: {  	s3 =	simm.s32 $0x180  }
0x32f: {  	[tilespmem:s13], [sflag:$0x2] =	stream.indirect.gather [hbm4b:s10+s11], $0x80, s3, s11, $0xb8;
	[tilespmem:$0x1E000] =	vst v63  }
0x330: {  	_ =	swait.ge [sflag:s14], $0x4000  }
0x331: {  	[sflag:s14] =	ssyncset.done $0x0  }
0x332: {  	s4 =	simm.s32 $0x1100;
	[sflag:s14] =	ssyncadd.s32 $0xFFFFC000  }
0x333: {  	[spmem:s2] =	stream.indirect.scatter.add.f32 [tilespmem:s12], [sflag:$0x7], $0x80, s4, s11, $0xb8;
	[tilespmem:$0x1E000] =	vst v63  }
0x334: {  	_ =	swait.ge [sflag:s5], $0x4000  }
0x335: {  	[sflag:s5] =	ssyncset.done $0x0  }
0x336: {  	[sflag:s5] =	ssyncadd.s32 $0xFFFFC000  }
0x337: {  	_ =	swait.ge [sflag:s15], $0x4000  }
0x338: {  	[sflag:s15] =	ssyncset.done $0x0  }
0x339: {  	s16 =	simm.s32 $0x1180;
	[sflag:s15] =	ssyncadd.s32 $0xFFFFC000  }
0x33a: {  	[spmem:s2] =	stream.indirect.scatter.add.f32 [tilespmem:s13], [sflag:$0x7], $0x80, s16, s11, $0xb8;
	[tilespmem:$0x1E000] =	vst v63  }
0x33b: {  	_ =	swait.ge [sflag:s5], $0x4000  }
0x33c: {  	[sflag:s5] =	ssyncset.done $0x0  }
0x33d: {  	s17 =	simm.s32 $0x200;
	[sflag:s5] =	ssyncadd.s32 $0xFFFFC000  }
0x33e: {  	[tilespmem:s12], [sflag:$0x1] =	stream.indirect.gather [hbm4b:s10+s11], $0x80, s17, s11, $0xb8;
	[tilespmem:$0x1E000] =	vst v63  }
0x33f: {  	s3 =	simm.s32 $0x280  }
0x340: {  	[tilespmem:s13], [sflag:$0x2] =	stream.indirect.gather [hbm4b:s10+s11], $0x80, s3, s11, $0xb8;
	[tilespmem:$0x1E000] =	vst v63  }
0x341: {  	_ =	swait.ge [sflag:s14], $0x4000  }
0x342: {  	[sflag:s14] =	ssyncset.done $0x0  }
0x343: {  	s4 =	simm.s32 $0x1200;
	[sflag:s14] =	ssyncadd.s32 $0xFFFFC000  }
0x344: {  	[spmem:s2] =	stream.indirect.scatter.add.f32 [tilespmem:s12], [sflag:$0x7], $0x80, s4, s11, $0xb8;
	[tilespmem:$0x1E000] =	vst v63  }
0x345: {  	_ =	swait.ge [sflag:s5], $0x4000  }
0x346: {  	[sflag:s5] =	ssyncset.done $0x0  }
0x347: {  	[sflag:s5] =	ssyncadd.s32 $0xFFFFC000  }
0x348: {  	_ =	swait.ge [sflag:s15], $0x4000  }
0x349: {  	[sflag:s15] =	ssyncset.done $0x0  }
0x34a: {  	s16 =	simm.s32 $0x1280;
	[sflag:s15] =	ssyncadd.s32 $0xFFFFC000  }
0x34b: {  	[spmem:s2] =	stream.indirect.scatter.add.f32 [tilespmem:s13], [sflag:$0x7], $0x80, s16, s11, $0xb8;
	[tilespmem:$0x1E000] =	vst v63  }
0x34c: {  	_ =	swait.ge [sflag:s5], $0x4000  }
0x34d: {  	[sflag:s5] =	ssyncset.done $0x0  }
0x34e: {  	s17 =	simm.s32 $0x300;
	[sflag:s5] =	ssyncadd.s32 $0xFFFFC000  }
0x34f: {  	[tilespmem:s12], [sflag:$0x1] =	stream.indirect.gather [hbm4b:s10+s11], $0x80, s17, s11, $0xb8;
	[tilespmem:$0x1E000] =	vst v63  }
0x350: {  	s3 =	simm.s32 $0x380  }
0x351: {  	[tilespmem:s13], [sflag:$0x2] =	stream.indirect.gather [hbm4b:s10+s11], $0x80, s3, s11, $0xb8;
	[tilespmem:$0x1E000] =	vst v63  }
0x352: {  	_ =	swait.ge [sflag:s14], $0x4000  }
0x353: {  	[sflag:s14] =	ssyncset.done $0x0  }
0x354: {  	s4 =	simm.s32 $0x1300;
	[sflag:s14] =	ssyncadd.s32 $0xFFFFC000  }
0x355: {  	[spmem:s2] =	stream.indirect.scatter.add.f32 [tilespmem:s12], [sflag:$0x7], $0x80, s4, s11, $0xb8;
	[tilespmem:$0x1E000] =	vst v63  }
0x356: {  	_ =	swait.ge [sflag:s5], $0x4000  }
0x357: {  	[sflag:s5] =	ssyncset.done $0x0  }
0x358: {  	[sflag:s5] =	ssyncadd.s32 $0xFFFFC000  }
0x359: {  	_ =	swait.ge [sflag:s15], $0x4000  }
0x35a: {  	[sflag:s15] =	ssyncset.done $0x0  }
0x35b: {  	s16 =	simm.s32 $0x1380;
	[sflag:s15] =	ssyncadd.s32 $0xFFFFC000  }
0x35c: {  	[spmem:s2] =	stream.indirect.scatter.add.f32 [tilespmem:s13], [sflag:$0x7], $0x80, s16, s11, $0xb8;
	[tilespmem:$0x1E000] =	vst v63  }
0x35d: {  	_ =	swait.ge [sflag:s5], $0x4000  }
0x35e: {  	[sflag:s5] =	ssyncset.done $0x0  }
0x35f: {  	s17 =	simm.s32 $0x400;
	[sflag:s5] =	ssyncadd.s32 $0xFFFFC000  }
0x360: {  	[tilespmem:s12], [sflag:$0x1] =	stream.indirect.gather [hbm4b:s10+s11], $0x80, s17, s11, $0xb8;
	[tilespmem:$0x1E000] =	vst v63  }
0x361: {  	s3 =	simm.s32 $0x480  }
0x362: {  	[tilespmem:s13], [sflag:$0x2] =	stream.indirect.gather [hbm4b:s10+s11], $0x80, s3, s11, $0xb8;
	[tilespmem:$0x1E000] =	vst v63  }
0x363: {  	_ =	swait.ge [sflag:s14], $0x4000  }
0x364: {  	[sflag:s14] =	ssyncset.done $0x0  }
0x365: {  	s4 =	simm.s32 $0x1400;
	[sflag:s14] =	ssyncadd.s32 $0xFFFFC000  }
0x366: {  	[spmem:s2] =	stream.indirect.scatter.add.f32 [tilespmem:s12], [sflag:$0x7], $0x80, s4, s11, $0xb8;
	[tilespmem:$0x1E000] =	vst v63  }
0x367: {  	_ =	swait.ge [sflag:s5], $0x4000  }
0x368: {  	[sflag:s5] =	ssyncset.done $0x0  }
0x369: {  	[sflag:s5] =	ssyncadd.s32 $0xFFFFC000  }
0x36a: {  	_ =	swait.ge [sflag:s15], $0x4000  }
0x36b: {  	[sflag:s15] =	ssyncset.done $0x0  }
0x36c: {  	s16 =	simm.s32 $0x1480;
	[sflag:s15] =	ssyncadd.s32 $0xFFFFC000  }
0x36d: {  	[spmem:s2] =	stream.indirect.scatter.add.f32 [tilespmem:s13], [sflag:$0x7], $0x80, s16, s11, $0xb8;
	[tilespmem:$0x1E000] =	vst v63  }
0x36e: {  	_ =	swait.ge [sflag:s5], $0x4000  }
0x36f: {  	[sflag:s5] =	ssyncset.done $0x0  }
0x370: {  	s17 =	simm.s32 $0x500;
	[sflag:s5] =	ssyncadd.s32 $0xFFFFC000  }
0x371: {  	[tilespmem:s12], [sflag:$0x1] =	stream.indirect.gather [hbm4b:s10+s11], $0x80, s17, s11, $0xb8;
	[tilespmem:$0x1E000] =	vst v63  }
0x372: {  	s3 =	simm.s32 $0x580  }
0x373: {  	[tilespmem:s13], [sflag:$0x2] =	stream.indirect.gather [hbm4b:s10+s11], $0x80, s3, s11, $0xb8;
	[tilespmem:$0x1E000] =	vst v63  }
0x374: {  	_ =	swait.ge [sflag:s14], $0x4000  }
0x375: {  	[sflag:s14] =	ssyncset.done $0x0  }
0x376: {  	s4 =	simm.s32 $0x1500;
	[sflag:s14] =	ssyncadd.s32 $0xFFFFC000  }
0x377: {  	[spmem:s2] =	stream.indirect.scatter.add.f32 [tilespmem:s12], [sflag:$0x7], $0x80, s4, s11, $0xb8;
	[tilespmem:$0x1E000] =	vst v63  }
0x378: {  	_ =	swait.ge [sflag:s5], $0x4000  }
0x379: {  	[sflag:s5] =	ssyncset.done $0x0  }
0x37a: {  	[sflag:s5] =	ssyncadd.s32 $0xFFFFC000  }
0x37b: {  	_ =	swait.ge [sflag:s15], $0x4000  }
0x37c: {  	[sflag:s15] =	ssyncset.done $0x0  }
0x37d: {  	s16 =	simm.s32 $0x1580;
	[sflag:s15] =	ssyncadd.s32 $0xFFFFC000  }
0x37e: {  	[spmem:s2] =	stream.indirect.scatter.add.f32 [tilespmem:s13], [sflag:$0x7], $0x80, s16, s11, $0xb8;
	[tilespmem:$0x1E000] =	vst v63  }
0x37f: {  	_ =	swait.ge [sflag:s5], $0x4000  }
0x380: {  	[sflag:s5] =	ssyncset.done $0x0  }
0x381: {  	s17 =	simm.s32 $0x600;
	[sflag:s5] =	ssyncadd.s32 $0xFFFFC000  }
0x382: {  	[tilespmem:s12], [sflag:$0x1] =	stream.indirect.gather [hbm4b:s10+s11], $0x80, s17, s11, $0xb8;
	[tilespmem:$0x1E000] =	vst v63  }
0x383: {  	s3 =	simm.s32 $0x680  }
0x384: {  	[tilespmem:s13], [sflag:$0x2] =	stream.indirect.gather [hbm4b:s10+s11], $0x80, s3, s11, $0xb8;
	[tilespmem:$0x1E000] =	vst v63  }
0x385: {  	_ =	swait.ge [sflag:s14], $0x4000  }
0x386: {  	[sflag:s14] =	ssyncset.done $0x0  }
0x387: {  	s4 =	simm.s32 $0x1600;
	[sflag:s14] =	ssyncadd.s32 $0xFFFFC000  }
0x388: {  	[spmem:s2] =	stream.indirect.scatter.add.f32 [tilespmem:s12], [sflag:$0x7], $0x80, s4, s11, $0xb8;
	[tilespmem:$0x1E000] =	vst v63  }
0x389: {  	_ =	swait.ge [sflag:s5], $0x4000  }
0x38a: {  	[sflag:s5] =	ssyncset.done $0x0  }
0x38b: {  	[sflag:s5] =	ssyncadd.s32 $0xFFFFC000  }
0x38c: {  	_ =	swait.ge [sflag:s15], $0x4000  }
0x38d: {  	[sflag:s15] =	ssyncset.done $0x0  }
0x38e: {  	s16 =	simm.s32 $0x1680;
	[sflag:s15] =	ssyncadd.s32 $0xFFFFC000  }
0x38f: {  	[spmem:s2] =	stream.indirect.scatter.add.f32 [tilespmem:s13], [sflag:$0x7], $0x80, s16, s11, $0xb8;
	[tilespmem:$0x1E000] =	vst v63  }
0x390: {  	_ =	swait.ge [sflag:s5], $0x4000  }
0x391: {  	[sflag:s5] =	ssyncset.done $0x0  }
0x392: {  	s17 =	simm.s32 $0x700;
	[sflag:s5] =	ssyncadd.s32 $0xFFFFC000  }
0x393: {  	[tilespmem:s12], [sflag:$0x1] =	stream.indirect.gather [hbm4b:s10+s11], $0x80, s17, s11, $0xb8;
	[tilespmem:$0x1E000] =	vst v63  }
0x394: {  	s3 =	simm.s32 $0x780  }
0x395: {  	[tilespmem:s13], [sflag:$0x2] =	stream.indirect.gather [hbm4b:s10+s11], $0x80, s3, s11, $0xb8;
	[tilespmem:$0x1E000] =	vst v63  }
0x396: {  	_ =	swait.ge [sflag:s14], $0x4000  }
0x397: {  	[sflag:s14] =	ssyncset.done $0x0  }
0x398: {  	s4 =	simm.s32 $0x1700;
	[sflag:s14] =	ssyncadd.s32 $0xFFFFC000  }
0x399: {  	[spmem:s2] =	stream.indirect.scatter.add.f32 [tilespmem:s12], [sflag:$0x7], $0x80, s4, s11, $0xb8;
	[tilespmem:$0x1E000] =	vst v63  }
0x39a: {  	_ =	swait.ge [sflag:s5], $0x4000  }
0x39b: {  	[sflag:s5] =	ssyncset.done $0x0  }
0x39c: {  	[sflag:s5] =	ssyncadd.s32 $0xFFFFC000  }
0x39d: {  	_ =	swait.ge [sflag:s15], $0x4000  }
0x39e: {  	[sflag:s15] =	ssyncset.done $0x0  }
0x39f: {  	s16 =	simm.s32 $0x1780;
	[sflag:s15] =	ssyncadd.s32 $0xFFFFC000  }
0x3a0: {  	[spmem:s2] =	stream.indirect.scatter.add.f32 [tilespmem:s13], [sflag:$0x7], $0x80, s16, s11, $0xb8;
	[tilespmem:$0x1E000] =	vst v63  }
0x3a1: {  	_ =	swait.ge [sflag:s5], $0x4000  }
0x3a2: {  	[sflag:s5] =	ssyncset.done $0x0  }
0x3a3: {  	s3 =	simm.s32 $0x4;
	[sflag:s5] =	ssyncadd.s32 $0xFFFFC000  }
0x3a4: {  	_ =	swait.ge [sflag:s3], $0x800  }
0x3a5: {  	[sflag:s3] =	ssyncset.done $0x0  }
0x3a6: {  	s1 =	simm.s32 $0x6;
	[sflag:s3] =	ssyncadd.s32 $0xFFFFF800  }
0x3a7: {  	_ =	swait.ge [sflag:s1], $0x800  }
0x3a8: {  	[sflag:s1] =	ssyncset.done $0x0  }
0x3a9: {  	s17 =	rddreg [dreg:$0x9];
	[sflag:s1] =	ssyncadd.s32 $0xFFFFF800  }
0x3aa: {  	[tilespmem:s8], [sflag:$0x3] =	stream.linear.gather [hbm4b:s17+s8], $0x800, $0x38;
	[tilespmem:$0x1E000] =	vst v63  }
0x3ab: {  	s4 =	rddreg [dreg:$0xa]  }
0x3ac: {  	[tilespmem:s29], [sflag:$0x5] =	stream.linear.gather [hbm4b:s4+s8], $0x800, $0x38;
	[tilespmem:$0x1E000] =	vst v63  }
0x3ad: {  	_ = 	snop  }
0x3ae: {  	[tilespmem:s12], [sflag:$0x1] =	stream.indirect.gather [hbm4b:s10+s11], $0x80, s9, s11, $0xb8;
	[tilespmem:$0x1E000] =	vst v63  }
0x3af: {  	s4 =	simm.s32 $0x880  }
0x3b0: {  	[tilespmem:s13], [sflag:$0x2] =	stream.indirect.gather [hbm4b:s10+s11], $0x80, s4, s11, $0xb8;
	[tilespmem:$0x1E000] =	vst v63  }
0x3b1: {  	_ =	swait.ge [sflag:s14], $0x4000  }
0x3b2: {  	[sflag:s14] =	ssyncset.done $0x0  }
0x3b3: {  	[sflag:s14] =	ssyncadd.s32 $0xFFFFC000  }
0x3b4: {  	[spmem:s2] =	stream.indirect.scatter.add.f32 [tilespmem:s12], [sflag:$0x7], $0x80, s7, s11, $0xb8;
	[tilespmem:$0x1E000] =	vst v63  }
0x3b5: {  	_ =	swait.ge [sflag:s5], $0x4000  }
0x3b6: {  	[sflag:s5] =	ssyncset.done $0x0  }
0x3b7: {  	[sflag:s5] =	ssyncadd.s32 $0xFFFFC000  }
0x3b8: {  	_ =	swait.ge [sflag:s15], $0x4000  }
0x3b9: {  	[sflag:s15] =	ssyncset.done $0x0  }
0x3ba: {  	s16 =	simm.s32 $0x1880;
	[sflag:s15] =	ssyncadd.s32 $0xFFFFC000  }
0x3bb: {  	[spmem:s2] =	stream.indirect.scatter.add.f32 [tilespmem:s13], [sflag:$0x7], $0x80, s16, s11, $0xb8;
	[tilespmem:$0x1E000] =	vst v63  }
0x3bc: {  	_ =	swait.ge [sflag:s5], $0x4000  }
0x3bd: {  	[sflag:s5] =	ssyncset.done $0x0  }
0x3be: {  	[sflag:s5] =	ssyncadd.s32 $0xFFFFC000  }
0x3bf: {  	[tilespmem:s12], [sflag:$0x1] =	stream.indirect.gather [hbm4b:s10+s11], $0x80, s18, s11, $0xb8;
	[tilespmem:$0x1E000] =	vst v63  }
0x3c0: {  	_ = 	snop  }
0x3c1: {  	[tilespmem:s13], [sflag:$0x2] =	stream.indirect.gather [hbm4b:s10+s11], $0x80, s19, s11, $0xb8;
	[tilespmem:$0x1E000] =	vst v63  }
0x3c2: {  	_ =	swait.ge [sflag:s14], $0x4000  }
0x3c3: {  	[sflag:s14] =	ssyncset.done $0x0  }
0x3c4: {  	[sflag:s14] =	ssyncadd.s32 $0xFFFFC000  }
0x3c5: {  	[spmem:s2] =	stream.indirect.scatter.add.f32 [tilespmem:s12], [sflag:$0x7], $0x80, s20, s11, $0xb8;
	[tilespmem:$0x1E000] =	vst v63  }
0x3c6: {  	_ =	swait.ge [sflag:s5], $0x4000  }
0x3c7: {  	[sflag:s5] =	ssyncset.done $0x0  }
0x3c8: {  	[sflag:s5] =	ssyncadd.s32 $0xFFFFC000  }
0x3c9: {  	_ =	swait.ge [sflag:s15], $0x4000  }
0x3ca: {  	[sflag:s15] =	ssyncset.done $0x0  }
0x3cb: {  	[sflag:s15] =	ssyncadd.s32 $0xFFFFC000  }
0x3cc: {  	[spmem:s2] =	stream.indirect.scatter.add.f32 [tilespmem:s13], [sflag:$0x7], $0x80, s21, s11, $0xb8;
	[tilespmem:$0x1E000] =	vst v63  }
0x3cd: {  	_ =	swait.ge [sflag:s5], $0x4000  }
0x3ce: {  	[sflag:s5] =	ssyncset.done $0x0  }
0x3cf: {  	[sflag:s5] =	ssyncadd.s32 $0xFFFFC000  }
0x3d0: {  	[tilespmem:s12], [sflag:$0x1] =	stream.indirect.gather [hbm4b:s10+s11], $0x80, s22, s11, $0xb8;
	[tilespmem:$0x1E000] =	vst v63  }
0x3d1: {  	_ = 	snop  }
0x3d2: {  	[tilespmem:s13], [sflag:$0x2] =	stream.indirect.gather [hbm4b:s10+s11], $0x80, s23, s11, $0xb8;
	[tilespmem:$0x1E000] =	vst v63  }
0x3d3: {  	_ =	swait.ge [sflag:s14], $0x4000  }
0x3d4: {  	[sflag:s14] =	ssyncset.done $0x0  }
0x3d5: {  	[sflag:s14] =	ssyncadd.s32 $0xFFFFC000  }
0x3d6: {  	[spmem:s2] =	stream.indirect.scatter.add.f32 [tilespmem:s12], [sflag:$0x7], $0x80, s24, s11, $0xb8;
	[tilespmem:$0x1E000] =	vst v63  }
0x3d7: {  	_ =	swait.ge [sflag:s5], $0x4000  }
0x3d8: {  	[sflag:s5] =	ssyncset.done $0x0  }
0x3d9: {  	[sflag:s5] =	ssyncadd.s32 $0xFFFFC000  }
0x3da: {  	_ =	swait.ge [sflag:s15], $0x4000  }
0x3db: {  	[sflag:s15] =	ssyncset.done $0x0  }
0x3dc: {  	[sflag:s15] =	ssyncadd.s32 $0xFFFFC000  }
0x3dd: {  	[spmem:s2] =	stream.indirect.scatter.add.f32 [tilespmem:s13], [sflag:$0x7], $0x80, s25, s11, $0xb8;
	[tilespmem:$0x1E000] =	vst v63  }
0x3de: {  	_ =	swait.ge [sflag:s5], $0x4000  }
0x3df: {  	[sflag:s5] =	ssyncset.done $0x0  }
0x3e0: {  	[sflag:s5] =	ssyncadd.s32 $0xFFFFC000  }
0x3e1: {  	[tilespmem:s12], [sflag:$0x1] =	stream.indirect.gather [hbm4b:s10+s11], $0x80, s26, s11, $0xb8;
	[tilespmem:$0x1E000] =	vst v63  }
0x3e2: {  	_ = 	snop  }
0x3e3: {  	[tilespmem:s13], [sflag:$0x2] =	stream.indirect.gather [hbm4b:s10+s11], $0x80, s28, s11, $0xb8;
	[tilespmem:$0x1E000] =	vst v63  }
0x3e4: {  	_ =	swait.ge [sflag:s14], $0x4000  }
0x3e5: {  	[sflag:s14] =	ssyncset.done $0x0  }
0x3e6: {  	[sflag:s14] =	ssyncadd.s32 $0xFFFFC000  }
0x3e7: {  	[spmem:s2] =	stream.indirect.scatter.add.f32 [tilespmem:s12], [sflag:$0x7], $0x80, s30, s11, $0xb8;
	[tilespmem:$0x1E000] =	vst v63  }
0x3e8: {  	_ =	swait.ge [sflag:s5], $0x4000  }
0x3e9: {  	[sflag:s5] =	ssyncset.done $0x0  }
0x3ea: {  	[sflag:s5] =	ssyncadd.s32 $0xFFFFC000  }
0x3eb: {  	_ =	swait.ge [sflag:s15], $0x4000  }
0x3ec: {  	[sflag:s15] =	ssyncset.done $0x0  }
0x3ed: {  	[sflag:s15] =	ssyncadd.s32 $0xFFFFC000  }
0x3ee: {  	[spmem:s2] =	stream.indirect.scatter.add.f32 [tilespmem:s13], [sflag:$0x7], $0x80, s31, s11, $0xb8;
	[tilespmem:$0x1E000] =	vst v63  }
0x3ef: {  	_ =	swait.ge [sflag:s5], $0x4000  }
0x3f0: {  	[sflag:s5] =	ssyncset.done $0x0  }
0x3f1: {  	s17 =	simm.s32 $0xC00;
	[sflag:s5] =	ssyncadd.s32 $0xFFFFC000  }
0x3f2: {  	[tilespmem:s12], [sflag:$0x1] =	stream.indirect.gather [hbm4b:s10+s11], $0x80, s17, s11, $0xb8;
	[tilespmem:$0x1E000] =	vst v63  }
0x3f3: {  	s16 =	simm.s32 $0xC80  }
0x3f4: {  	[tilespmem:s13], [sflag:$0x2] =	stream.indirect.gather [hbm4b:s10+s11], $0x80, s16, s11, $0xb8;
	[tilespmem:$0x1E000] =	vst v63  }
0x3f5: {  	_ =	swait.ge [sflag:s14], $0x4000  }
0x3f6: {  	[sflag:s14] =	ssyncset.done $0x0  }
0x3f7: {  	s17 =	simm.s32 $0x1C00;
	[sflag:s14] =	ssyncadd.s32 $0xFFFFC000  }
0x3f8: {  	[spmem:s2] =	stream.indirect.scatter.add.f32 [tilespmem:s12], [sflag:$0x7], $0x80, s17, s11, $0xb8;
	[tilespmem:$0x1E000] =	vst v63  }
0x3f9: {  	_ =	swait.ge [sflag:s5], $0x4000  }
0x3fa: {  	[sflag:s5] =	ssyncset.done $0x0  }
0x3fb: {  	[sflag:s5] =	ssyncadd.s32 $0xFFFFC000  }
0x3fc: {  	_ =	swait.ge [sflag:s15], $0x4000  }
0x3fd: {  	[sflag:s15] =	ssyncset.done $0x0  }
0x3fe: {  	s16 =	simm.s32 $0x1C80;
	[sflag:s15] =	ssyncadd.s32 $0xFFFFC000  }
0x3ff: {  	[spmem:s2] =	stream.indirect.scatter.add.f32 [tilespmem:s13], [sflag:$0x7], $0x80, s16, s11, $0xb8;
	[tilespmem:$0x1E000] =	vst v63  }
0x400: {  	_ =	swait.ge [sflag:s5], $0x4000  }
0x401: {  	[sflag:s5] =	ssyncset.done $0x0  }
0x402: {  	s17 =	simm.s32 $0xD00;
	[sflag:s5] =	ssyncadd.s32 $0xFFFFC000  }
0x403: {  	[tilespmem:s12], [sflag:$0x1] =	stream.indirect.gather [hbm4b:s10+s11], $0x80, s17, s11, $0xb8;
	[tilespmem:$0x1E000] =	vst v63  }
0x404: {  	s16 =	simm.s32 $0xD80  }
0x405: {  	[tilespmem:s13], [sflag:$0x2] =	stream.indirect.gather [hbm4b:s10+s11], $0x80, s16, s11, $0xb8;
	[tilespmem:$0x1E000] =	vst v63  }
0x406: {  	_ =	swait.ge [sflag:s14], $0x4000  }
0x407: {  	[sflag:s14] =	ssyncset.done $0x0  }
0x408: {  	s17 =	simm.s32 $0x1D00;
	[sflag:s14] =	ssyncadd.s32 $0xFFFFC000  }
0x409: {  	[spmem:s2] =	stream.indirect.scatter.add.f32 [tilespmem:s12], [sflag:$0x7], $0x80, s17, s11, $0xb8;
	[tilespmem:$0x1E000] =	vst v63  }
0x40a: {  	_ =	swait.ge [sflag:s5], $0x4000  }
0x40b: {  	[sflag:s5] =	ssyncset.done $0x0  }
0x40c: {  	[sflag:s5] =	ssyncadd.s32 $0xFFFFC000  }
0x40d: {  	_ =	swait.ge [sflag:s15], $0x4000  }
0x40e: {  	[sflag:s15] =	ssyncset.done $0x0  }
0x40f: {  	s16 =	simm.s32 $0x1D80;
	[sflag:s15] =	ssyncadd.s32 $0xFFFFC000  }
0x410: {  	[spmem:s2] =	stream.indirect.scatter.add.f32 [tilespmem:s13], [sflag:$0x7], $0x80, s16, s11, $0xb8;
	[tilespmem:$0x1E000] =	vst v63  }
0x411: {  	_ =	swait.ge [sflag:s5], $0x4000  }
0x412: {  	[sflag:s5] =	ssyncset.done $0x0  }
0x413: {  	s17 =	simm.s32 $0xE00;
	[sflag:s5] =	ssyncadd.s32 $0xFFFFC000  }
0x414: {  	[tilespmem:s12], [sflag:$0x1] =	stream.indirect.gather [hbm4b:s10+s11], $0x80, s17, s11, $0xb8;
	[tilespmem:$0x1E000] =	vst v63  }
0x415: {  	s16 =	simm.s32 $0xE80  }
0x416: {  	[tilespmem:s13], [sflag:$0x2] =	stream.indirect.gather [hbm4b:s10+s11], $0x80, s16, s11, $0xb8;
	[tilespmem:$0x1E000] =	vst v63  }
0x417: {  	_ =	swait.ge [sflag:s14], $0x4000  }
0x418: {  	[sflag:s14] =	ssyncset.done $0x0  }
0x419: {  	s17 =	simm.s32 $0x1E00;
	[sflag:s14] =	ssyncadd.s32 $0xFFFFC000  }
0x41a: {  	[spmem:s2] =	stream.indirect.scatter.add.f32 [tilespmem:s12], [sflag:$0x7], $0x80, s17, s11, $0xb8;
	[tilespmem:$0x1E000] =	vst v63  }
0x41b: {  	_ =	swait.ge [sflag:s5], $0x4000  }
0x41c: {  	[sflag:s5] =	ssyncset.done $0x0  }
0x41d: {  	[sflag:s5] =	ssyncadd.s32 $0xFFFFC000  }
0x41e: {  	_ =	swait.ge [sflag:s15], $0x4000  }
0x41f: {  	[sflag:s15] =	ssyncset.done $0x0  }
0x420: {  	s16 =	simm.s32 $0x1E80;
	[sflag:s15] =	ssyncadd.s32 $0xFFFFC000  }
0x421: {  	[spmem:s2] =	stream.indirect.scatter.add.f32 [tilespmem:s13], [sflag:$0x7], $0x80, s16, s11, $0xb8;
	[tilespmem:$0x1E000] =	vst v63  }
0x422: {  	_ =	swait.ge [sflag:s5], $0x4000  }
0x423: {  	[sflag:s5] =	ssyncset.done $0x0  }
0x424: {  	s17 =	simm.s32 $0xF00;
	[sflag:s5] =	ssyncadd.s32 $0xFFFFC000  }
0x425: {  	[tilespmem:s12], [sflag:$0x1] =	stream.indirect.gather [hbm4b:s10+s11], $0x80, s17, s11, $0xb8;
	[tilespmem:$0x1E000] =	vst v63  }
0x426: {  	s16 =	simm.s32 $0xF80  }
0x427: {  	[tilespmem:s13], [sflag:$0x2] =	stream.indirect.gather [hbm4b:s10+s11], $0x80, s16, s11, $0xb8;
	[tilespmem:$0x1E000] =	vst v63  }
0x428: {  	_ =	swait.ge [sflag:s14], $0x4000  }
0x429: {  	[sflag:s14] =	ssyncset.done $0x0  }
0x42a: {  	s17 =	simm.s32 $0x1F00;
	[sflag:s14] =	ssyncadd.s32 $0xFFFFC000  }
0x42b: {  	[spmem:s2] =	stream.indirect.scatter.add.f32 [tilespmem:s12], [sflag:$0x7], $0x80, s17, s11, $0xb8;
	[tilespmem:$0x1E000] =	vst v63  }
0x42c: {  	_ =	swait.ge [sflag:s5], $0x4000  }
0x42d: {  	[sflag:s5] =	ssyncset.done $0x0  }
0x42e: {  	[sflag:s5] =	ssyncadd.s32 $0xFFFFC000  }
0x42f: {  	_ =	swait.ge [sflag:s15], $0x4000  }
0x430: {  	[sflag:s15] =	ssyncset.done $0x0  }
0x431: {  	s16 =	simm.s32 $0x1F80;
	[sflag:s15] =	ssyncadd.s32 $0xFFFFC000  }
0x432: {  	[spmem:s2] =	stream.indirect.scatter.add.f32 [tilespmem:s13], [sflag:$0x7], $0x80, s16, s11, $0xb8;
	[tilespmem:$0x1E000] =	vst v63  }
0x433: {  	_ =	swait.ge [sflag:s5], $0x4000  }
0x434: {  	[sflag:s5] =	ssyncset.done $0x0  }
0x435: {  	s4 =	simm.s32 $0x3;
	[sflag:s5] =	ssyncadd.s32 $0xFFFFC000  }
0x436: {  	_ =	swait.ge [sflag:s4], $0x800  }
0x437: {  	[sflag:s4] =	ssyncset.done $0x0  }
0x438: {  	[sflag:s4] =	ssyncadd.s32 $0xFFFFF800  }
0x439: {  	_ =	swait.ge [sflag:s6], $0x800  }
0x43a: {  	[sflag:s6] =	ssyncset.done $0x0  }
0x43b: {  	s16 =	rddreg [dreg:$0xb];
	[sflag:s6] =	ssyncadd.s32 $0xFFFFF800  }
0x43c: {  	[tilespmem:s9], [sflag:$0x4] =	stream.linear.gather [hbm4b:s16+s8], $0x800, $0x38;
	[tilespmem:$0x1E000] =	vst v63  }
0x43d: {  	s17 =	rddreg [dreg:$0xc]  }
0x43e: {  	[tilespmem:s7], [sflag:$0x6] =	stream.linear.gather [hbm4b:s17+s8], $0x800, $0x38;
	[tilespmem:$0x1E000] =	vst v63  }
0x43f: {  	_ = 	snop  }
0x440: {  	[tilespmem:s12], [sflag:$0x1] =	stream.indirect.gather [hbm4b:s10+s11], $0x80, s8, s11, $0xb8;
	[tilespmem:$0x1E000] =	vst v63  }
0x441: {  	_ = 	snop  }
0x442: {  	[tilespmem:s13], [sflag:$0x2] =	stream.indirect.gather [hbm4b:s10+s11], $0x80, s11, s11, $0xb8;
	[tilespmem:$0x1E000] =	vst v63  }
0x443: {  	_ =	swait.ge [sflag:s14], $0x4000  }
0x444: {  	[sflag:s14] =	ssyncset.done $0x0  }
0x445: {  	[sflag:s14] =	ssyncadd.s32 $0xFFFFC000  }
0x446: {  	[spmem:s2] =	stream.indirect.scatter.add.f32 [tilespmem:s12], [sflag:$0x7], $0x80, s29, s11, $0xb8;
	[tilespmem:$0x1E000] =	vst v63  }
0x447: {  	_ =	swait.ge [sflag:s5], $0x4000  }
0x448: {  	[sflag:s5] =	ssyncset.done $0x0  }
0x449: {  	[sflag:s5] =	ssyncadd.s32 $0xFFFFC000  }
0x44a: {  	_ =	swait.ge [sflag:s15], $0x4000  }
0x44b: {  	[sflag:s15] =	ssyncset.done $0x0  }
0x44c: {  	s17 =	simm.s32 $0x1080;
	[sflag:s15] =	ssyncadd.s32 $0xFFFFC000  }
0x44d: {  	[spmem:s2] =	stream.indirect.scatter.add.f32 [tilespmem:s13], [sflag:$0x7], $0x80, s17, s11, $0xb8;
	[tilespmem:$0x1E000] =	vst v63  }
0x44e: {  	_ =	swait.ge [sflag:s5], $0x4000  }
0x44f: {  	[sflag:s5] =	ssyncset.done $0x0  }
0x450: {  	s17 =	simm.s32 $0x100;
	[sflag:s5] =	ssyncadd.s32 $0xFFFFC000  }
0x451: {  	[tilespmem:s12], [sflag:$0x1] =	stream.indirect.gather [hbm4b:s10+s11], $0x80, s17, s11, $0xb8;
	[tilespmem:$0x1E000] =	vst v63  }
0x452: {  	s17 =	simm.s32 $0x180  }
0x453: {  	[tilespmem:s13], [sflag:$0x2] =	stream.indirect.gather [hbm4b:s10+s11], $0x80, s17, s11, $0xb8;
	[tilespmem:$0x1E000] =	vst v63  }
0x454: {  	_ =	swait.ge [sflag:s14], $0x4000  }
0x455: {  	[sflag:s14] =	ssyncset.done $0x0  }
0x456: {  	s17 =	simm.s32 $0x1100;
	[sflag:s14] =	ssyncadd.s32 $0xFFFFC000  }
0x457: {  	[spmem:s2] =	stream.indirect.scatter.add.f32 [tilespmem:s12], [sflag:$0x7], $0x80, s17, s11, $0xb8;
	[tilespmem:$0x1E000] =	vst v63  }
0x458: {  	_ =	swait.ge [sflag:s5], $0x4000  }
0x459: {  	[sflag:s5] =	ssyncset.done $0x0  }
0x45a: {  	[sflag:s5] =	ssyncadd.s32 $0xFFFFC000  }
0x45b: {  	_ =	swait.ge [sflag:s15], $0x4000  }
0x45c: {  	[sflag:s15] =	ssyncset.done $0x0  }
0x45d: {  	s17 =	simm.s32 $0x1180;
	[sflag:s15] =	ssyncadd.s32 $0xFFFFC000  }
0x45e: {  	[spmem:s2] =	stream.indirect.scatter.add.f32 [tilespmem:s13], [sflag:$0x7], $0x80, s17, s11, $0xb8;
	[tilespmem:$0x1E000] =	vst v63  }
0x45f: {  	_ =	swait.ge [sflag:s5], $0x4000  }
0x460: {  	[sflag:s5] =	ssyncset.done $0x0  }
0x461: {  	s17 =	simm.s32 $0x200;
	[sflag:s5] =	ssyncadd.s32 $0xFFFFC000  }
0x462: {  	[tilespmem:s12], [sflag:$0x1] =	stream.indirect.gather [hbm4b:s10+s11], $0x80, s17, s11, $0xb8;
	[tilespmem:$0x1E000] =	vst v63  }
0x463: {  	s17 =	simm.s32 $0x280  }
0x464: {  	[tilespmem:s13], [sflag:$0x2] =	stream.indirect.gather [hbm4b:s10+s11], $0x80, s17, s11, $0xb8;
	[tilespmem:$0x1E000] =	vst v63  }
0x465: {  	_ =	swait.ge [sflag:s14], $0x4000  }
0x466: {  	[sflag:s14] =	ssyncset.done $0x0  }
0x467: {  	s17 =	simm.s32 $0x1200;
	[sflag:s14] =	ssyncadd.s32 $0xFFFFC000  }
0x468: {  	[spmem:s2] =	stream.indirect.scatter.add.f32 [tilespmem:s12], [sflag:$0x7], $0x80, s17, s11, $0xb8;
	[tilespmem:$0x1E000] =	vst v63  }
0x469: {  	_ =	swait.ge [sflag:s5], $0x4000  }
0x46a: {  	[sflag:s5] =	ssyncset.done $0x0  }
0x46b: {  	[sflag:s5] =	ssyncadd.s32 $0xFFFFC000  }
0x46c: {  	_ =	swait.ge [sflag:s15], $0x4000  }
0x46d: {  	[sflag:s15] =	ssyncset.done $0x0  }
0x46e: {  	s17 =	simm.s32 $0x1280;
	[sflag:s15] =	ssyncadd.s32 $0xFFFFC000  }
0x46f: {  	[spmem:s2] =	stream.indirect.scatter.add.f32 [tilespmem:s13], [sflag:$0x7], $0x80, s17, s11, $0xb8;
	[tilespmem:$0x1E000] =	vst v63  }
0x470: {  	_ =	swait.ge [sflag:s5], $0x4000  }
0x471: {  	[sflag:s5] =	ssyncset.done $0x0  }
0x472: {  	s17 =	simm.s32 $0x300;
	[sflag:s5] =	ssyncadd.s32 $0xFFFFC000  }
0x473: {  	[tilespmem:s12], [sflag:$0x1] =	stream.indirect.gather [hbm4b:s10+s11], $0x80, s17, s11, $0xb8;
	[tilespmem:$0x1E000] =	vst v63  }
0x474: {  	s17 =	simm.s32 $0x380  }
0x475: {  	[tilespmem:s13], [sflag:$0x2] =	stream.indirect.gather [hbm4b:s10+s11], $0x80, s17, s11, $0xb8;
	[tilespmem:$0x1E000] =	vst v63  }
0x476: {  	_ =	swait.ge [sflag:s14], $0x4000  }
0x477: {  	[sflag:s14] =	ssyncset.done $0x0  }
0x478: {  	s17 =	simm.s32 $0x1300;
	[sflag:s14] =	ssyncadd.s32 $0xFFFFC000  }
0x479: {  	[spmem:s2] =	stream.indirect.scatter.add.f32 [tilespmem:s12], [sflag:$0x7], $0x80, s17, s11, $0xb8;
	[tilespmem:$0x1E000] =	vst v63  }
0x47a: {  	_ =	swait.ge [sflag:s5], $0x4000  }
0x47b: {  	[sflag:s5] =	ssyncset.done $0x0  }
0x47c: {  	[sflag:s5] =	ssyncadd.s32 $0xFFFFC000  }
0x47d: {  	_ =	swait.ge [sflag:s15], $0x4000  }
0x47e: {  	[sflag:s15] =	ssyncset.done $0x0  }
0x47f: {  	s17 =	simm.s32 $0x1380;
	[sflag:s15] =	ssyncadd.s32 $0xFFFFC000  }
0x480: {  	[spmem:s2] =	stream.indirect.scatter.add.f32 [tilespmem:s13], [sflag:$0x7], $0x80, s17, s11, $0xb8;
	[tilespmem:$0x1E000] =	vst v63  }
0x481: {  	_ =	swait.ge [sflag:s5], $0x4000  }
0x482: {  	[sflag:s5] =	ssyncset.done $0x0  }
0x483: {  	s17 =	simm.s32 $0x400;
	[sflag:s5] =	ssyncadd.s32 $0xFFFFC000  }
0x484: {  	[tilespmem:s12], [sflag:$0x1] =	stream.indirect.gather [hbm4b:s10+s11], $0x80, s17, s11, $0xb8;
	[tilespmem:$0x1E000] =	vst v63  }
0x485: {  	s17 =	simm.s32 $0x480  }
0x486: {  	[tilespmem:s13], [sflag:$0x2] =	stream.indirect.gather [hbm4b:s10+s11], $0x80, s17, s11, $0xb8;
	[tilespmem:$0x1E000] =	vst v63  }
0x487: {  	_ =	swait.ge [sflag:s14], $0x4000  }
0x488: {  	[sflag:s14] =	ssyncset.done $0x0  }
0x489: {  	s17 =	simm.s32 $0x1400;
	[sflag:s14] =	ssyncadd.s32 $0xFFFFC000  }
0x48a: {  	[spmem:s2] =	stream.indirect.scatter.add.f32 [tilespmem:s12], [sflag:$0x7], $0x80, s17, s11, $0xb8;
	[tilespmem:$0x1E000] =	vst v63  }
0x48b: {  	_ =	swait.ge [sflag:s5], $0x4000  }
0x48c: {  	[sflag:s5] =	ssyncset.done $0x0  }
0x48d: {  	[sflag:s5] =	ssyncadd.s32 $0xFFFFC000  }
0x48e: {  	_ =	swait.ge [sflag:s15], $0x4000  }
0x48f: {  	[sflag:s15] =	ssyncset.done $0x0  }
0x490: {  	s17 =	simm.s32 $0x1480;
	[sflag:s15] =	ssyncadd.s32 $0xFFFFC000  }
0x491: {  	[spmem:s2] =	stream.indirect.scatter.add.f32 [tilespmem:s13], [sflag:$0x7], $0x80, s17, s11, $0xb8;
	[tilespmem:$0x1E000] =	vst v63  }
0x492: {  	_ =	swait.ge [sflag:s5], $0x4000  }
0x493: {  	[sflag:s5] =	ssyncset.done $0x0  }
0x494: {  	s17 =	simm.s32 $0x500;
	[sflag:s5] =	ssyncadd.s32 $0xFFFFC000  }
0x495: {  	[tilespmem:s12], [sflag:$0x1] =	stream.indirect.gather [hbm4b:s10+s11], $0x80, s17, s11, $0xb8;
	[tilespmem:$0x1E000] =	vst v63  }
0x496: {  	s17 =	simm.s32 $0x580  }
0x497: {  	[tilespmem:s13], [sflag:$0x2] =	stream.indirect.gather [hbm4b:s10+s11], $0x80, s17, s11, $0xb8;
	[tilespmem:$0x1E000] =	vst v63  }
0x498: {  	_ =	swait.ge [sflag:s14], $0x4000  }
0x499: {  	[sflag:s14] =	ssyncset.done $0x0  }
0x49a: {  	s17 =	simm.s32 $0x1500;
	[sflag:s14] =	ssyncadd.s32 $0xFFFFC000  }
0x49b: {  	[spmem:s2] =	stream.indirect.scatter.add.f32 [tilespmem:s12], [sflag:$0x7], $0x80, s17, s11, $0xb8;
	[tilespmem:$0x1E000] =	vst v63  }
0x49c: {  	_ =	swait.ge [sflag:s5], $0x4000  }
0x49d: {  	[sflag:s5] =	ssyncset.done $0x0  }
0x49e: {  	[sflag:s5] =	ssyncadd.s32 $0xFFFFC000  }
0x49f: {  	_ =	swait.ge [sflag:s15], $0x4000  }
0x4a0: {  	[sflag:s15] =	ssyncset.done $0x0  }
0x4a1: {  	s17 =	simm.s32 $0x1580;
	[sflag:s15] =	ssyncadd.s32 $0xFFFFC000  }
0x4a2: {  	[spmem:s2] =	stream.indirect.scatter.add.f32 [tilespmem:s13], [sflag:$0x7], $0x80, s17, s11, $0xb8;
	[tilespmem:$0x1E000] =	vst v63  }
0x4a3: {  	_ =	swait.ge [sflag:s5], $0x4000  }
0x4a4: {  	[sflag:s5] =	ssyncset.done $0x0  }
0x4a5: {  	s17 =	simm.s32 $0x600;
	[sflag:s5] =	ssyncadd.s32 $0xFFFFC000  }
0x4a6: {  	[tilespmem:s12], [sflag:$0x1] =	stream.indirect.gather [hbm4b:s10+s11], $0x80, s17, s11, $0xb8;
	[tilespmem:$0x1E000] =	vst v63  }
0x4a7: {  	s17 =	simm.s32 $0x680  }
0x4a8: {  	[tilespmem:s13], [sflag:$0x2] =	stream.indirect.gather [hbm4b:s10+s11], $0x80, s17, s11, $0xb8;
	[tilespmem:$0x1E000] =	vst v63  }
0x4a9: {  	_ =	swait.ge [sflag:s14], $0x4000  }
0x4aa: {  	[sflag:s14] =	ssyncset.done $0x0  }
0x4ab: {  	s17 =	simm.s32 $0x1600;
	[sflag:s14] =	ssyncadd.s32 $0xFFFFC000  }
0x4ac: {  	[spmem:s2] =	stream.indirect.scatter.add.f32 [tilespmem:s12], [sflag:$0x7], $0x80, s17, s11, $0xb8;
	[tilespmem:$0x1E000] =	vst v63  }
0x4ad: {  	_ =	swait.ge [sflag:s5], $0x4000  }
0x4ae: {  	[sflag:s5] =	ssyncset.done $0x0  }
0x4af: {  	[sflag:s5] =	ssyncadd.s32 $0xFFFFC000  }
0x4b0: {  	_ =	swait.ge [sflag:s15], $0x4000  }
0x4b1: {  	[sflag:s15] =	ssyncset.done $0x0  }
0x4b2: {  	s17 =	simm.s32 $0x1680;
	[sflag:s15] =	ssyncadd.s32 $0xFFFFC000  }
0x4b3: {  	[spmem:s2] =	stream.indirect.scatter.add.f32 [tilespmem:s13], [sflag:$0x7], $0x80, s17, s11, $0xb8;
	[tilespmem:$0x1E000] =	vst v63  }
0x4b4: {  	_ =	swait.ge [sflag:s5], $0x4000  }
0x4b5: {  	[sflag:s5] =	ssyncset.done $0x0  }
0x4b6: {  	s17 =	simm.s32 $0x700;
	[sflag:s5] =	ssyncadd.s32 $0xFFFFC000  }
0x4b7: {  	[tilespmem:s12], [sflag:$0x1] =	stream.indirect.gather [hbm4b:s10+s11], $0x80, s17, s11, $0xb8;
	[tilespmem:$0x1E000] =	vst v63  }
0x4b8: {  	s17 =	simm.s32 $0x780  }
0x4b9: {  	[tilespmem:s13], [sflag:$0x2] =	stream.indirect.gather [hbm4b:s10+s11], $0x80, s17, s11, $0xb8;
	[tilespmem:$0x1E000] =	vst v63  }
0x4ba: {  	_ =	swait.ge [sflag:s14], $0x4000  }
0x4bb: {  	[sflag:s14] =	ssyncset.done $0x0  }
0x4bc: {  	s17 =	simm.s32 $0x1700;
	[sflag:s14] =	ssyncadd.s32 $0xFFFFC000  }
0x4bd: {  	[spmem:s2] =	stream.indirect.scatter.add.f32 [tilespmem:s12], [sflag:$0x7], $0x80, s17, s11, $0xb8;
	[tilespmem:$0x1E000] =	vst v63  }
0x4be: {  	_ =	swait.ge [sflag:s5], $0x4000  }
0x4bf: {  	[sflag:s5] =	ssyncset.done $0x0  }
0x4c0: {  	[sflag:s5] =	ssyncadd.s32 $0xFFFFC000  }
0x4c1: {  	_ =	swait.ge [sflag:s15], $0x4000  }
0x4c2: {  	[sflag:s15] =	ssyncset.done $0x0  }
0x4c3: {  	s17 =	simm.s32 $0x1780;
	[sflag:s15] =	ssyncadd.s32 $0xFFFFC000  }
0x4c4: {  	[spmem:s2] =	stream.indirect.scatter.add.f32 [tilespmem:s13], [sflag:$0x7], $0x80, s17, s11, $0xb8;
	[tilespmem:$0x1E000] =	vst v63  }
0x4c5: {  	_ =	swait.ge [sflag:s5], $0x4000  }
0x4c6: {  	[sflag:s5] =	ssyncset.done $0x0  }
0x4c7: {  	[sflag:s5] =	ssyncadd.s32 $0xFFFFC000  }
0x4c8: {  	_ =	swait.ge [sflag:s3], $0x800  }
0x4c9: {  	[sflag:s3] =	ssyncset.done $0x0  }
0x4ca: {  	[sflag:s3] =	ssyncadd.s32 $0xFFFFF800  }
0x4cb: {  	_ =	swait.ge [sflag:s1], $0x800  }
0x4cc: {  	[sflag:s1] =	ssyncset.done $0x0  }
0x4cd: {  	s17 =	rddreg [dreg:$0xd];
	[sflag:s1] =	ssyncadd.s32 $0xFFFFF800  }
0x4ce: {  	[tilespmem:s8], [sflag:$0x3] =	stream.linear.gather [hbm4b:s17+s8], $0x800, $0x38;
	[tilespmem:$0x1E000] =	vst v63  }
0x4cf: {  	s3 =	rddreg [dreg:$0xe]  }
0x4d0: {  	[tilespmem:s29], [sflag:$0x5] =	stream.linear.gather [hbm4b:s3+s8], $0x800, $0x38;
	[tilespmem:$0x1E000] =	vst v63  }
0x4d1: {  	_ = 	snop  }
0x4d2: {  	[tilespmem:s12], [sflag:$0x1] =	stream.indirect.gather [hbm4b:s10+s11], $0x80, s9, s11, $0xb8;
	[tilespmem:$0x1E000] =	vst v63  }
0x4d3: {  	s17 =	simm.s32 $0x880  }
0x4d4: {  	[tilespmem:s13], [sflag:$0x2] =	stream.indirect.gather [hbm4b:s10+s11], $0x80, s17, s11, $0xb8;
	[tilespmem:$0x1E000] =	vst v63  }
0x4d5: {  	_ =	swait.ge [sflag:s14], $0x4000  }
0x4d6: {  	[sflag:s14] =	ssyncset.done $0x0  }
0x4d7: {  	[sflag:s14] =	ssyncadd.s32 $0xFFFFC000  }
0x4d8: {  	[spmem:s2] =	stream.indirect.scatter.add.f32 [tilespmem:s12], [sflag:$0x7], $0x80, s7, s11, $0xb8;
	[tilespmem:$0x1E000] =	vst v63  }
0x4d9: {  	_ =	swait.ge [sflag:s5], $0x4000  }
0x4da: {  	[sflag:s5] =	ssyncset.done $0x0  }
0x4db: {  	[sflag:s5] =	ssyncadd.s32 $0xFFFFC000  }
0x4dc: {  	_ =	swait.ge [sflag:s15], $0x4000  }
0x4dd: {  	[sflag:s15] =	ssyncset.done $0x0  }
0x4de: {  	s3 =	simm.s32 $0x1880;
	[sflag:s15] =	ssyncadd.s32 $0xFFFFC000  }
0x4df: {  	[spmem:s2] =	stream.indirect.scatter.add.f32 [tilespmem:s13], [sflag:$0x7], $0x80, s3, s11, $0xb8;
	[tilespmem:$0x1E000] =	vst v63  }
0x4e0: {  	_ =	swait.ge [sflag:s5], $0x4000  }
0x4e1: {  	[sflag:s5] =	ssyncset.done $0x0  }
0x4e2: {  	[sflag:s5] =	ssyncadd.s32 $0xFFFFC000  }
0x4e3: {  	[tilespmem:s12], [sflag:$0x1] =	stream.indirect.gather [hbm4b:s10+s11], $0x80, s18, s11, $0xb8;
	[tilespmem:$0x1E000] =	vst v63  }
0x4e4: {  	_ = 	snop  }
0x4e5: {  	[tilespmem:s13], [sflag:$0x2] =	stream.indirect.gather [hbm4b:s10+s11], $0x80, s19, s11, $0xb8;
	[tilespmem:$0x1E000] =	vst v63  }
0x4e6: {  	_ =	swait.ge [sflag:s14], $0x4000  }
0x4e7: {  	[sflag:s14] =	ssyncset.done $0x0  }
0x4e8: {  	[sflag:s14] =	ssyncadd.s32 $0xFFFFC000  }
0x4e9: {  	[spmem:s2] =	stream.indirect.scatter.add.f32 [tilespmem:s12], [sflag:$0x7], $0x80, s20, s11, $0xb8;
	[tilespmem:$0x1E000] =	vst v63  }
0x4ea: {  	_ =	swait.ge [sflag:s5], $0x4000  }
0x4eb: {  	[sflag:s5] =	ssyncset.done $0x0  }
0x4ec: {  	[sflag:s5] =	ssyncadd.s32 $0xFFFFC000  }
0x4ed: {  	_ =	swait.ge [sflag:s15], $0x4000  }
0x4ee: {  	[sflag:s15] =	ssyncset.done $0x0  }
0x4ef: {  	[sflag:s15] =	ssyncadd.s32 $0xFFFFC000  }
0x4f0: {  	[spmem:s2] =	stream.indirect.scatter.add.f32 [tilespmem:s13], [sflag:$0x7], $0x80, s21, s11, $0xb8;
	[tilespmem:$0x1E000] =	vst v63  }
0x4f1: {  	_ =	swait.ge [sflag:s5], $0x4000  }
0x4f2: {  	[sflag:s5] =	ssyncset.done $0x0  }
0x4f3: {  	[sflag:s5] =	ssyncadd.s32 $0xFFFFC000  }
0x4f4: {  	[tilespmem:s12], [sflag:$0x1] =	stream.indirect.gather [hbm4b:s10+s11], $0x80, s22, s11, $0xb8;
	[tilespmem:$0x1E000] =	vst v63  }
0x4f5: {  	_ = 	snop  }
0x4f6: {  	[tilespmem:s13], [sflag:$0x2] =	stream.indirect.gather [hbm4b:s10+s11], $0x80, s23, s11, $0xb8;
	[tilespmem:$0x1E000] =	vst v63  }
0x4f7: {  	_ =	swait.ge [sflag:s14], $0x4000  }
0x4f8: {  	[sflag:s14] =	ssyncset.done $0x0  }
0x4f9: {  	[sflag:s14] =	ssyncadd.s32 $0xFFFFC000  }
0x4fa: {  	[spmem:s2] =	stream.indirect.scatter.add.f32 [tilespmem:s12], [sflag:$0x7], $0x80, s24, s11, $0xb8;
	[tilespmem:$0x1E000] =	vst v63  }
0x4fb: {  	_ =	swait.ge [sflag:s5], $0x4000  }
0x4fc: {  	[sflag:s5] =	ssyncset.done $0x0  }
0x4fd: {  	[sflag:s5] =	ssyncadd.s32 $0xFFFFC000  }
0x4fe: {  	_ =	swait.ge [sflag:s15], $0x4000  }
0x4ff: {  	[sflag:s15] =	ssyncset.done $0x0  }
0x500: {  	[sflag:s15] =	ssyncadd.s32 $0xFFFFC000  }
0x501: {  	[spmem:s2] =	stream.indirect.scatter.add.f32 [tilespmem:s13], [sflag:$0x7], $0x80, s25, s11, $0xb8;
	[tilespmem:$0x1E000] =	vst v63  }
0x502: {  	_ =	swait.ge [sflag:s5], $0x4000  }
0x503: {  	[sflag:s5] =	ssyncset.done $0x0  }
0x504: {  	[sflag:s5] =	ssyncadd.s32 $0xFFFFC000  }
0x505: {  	[tilespmem:s12], [sflag:$0x1] =	stream.indirect.gather [hbm4b:s10+s11], $0x80, s26, s11, $0xb8;
	[tilespmem:$0x1E000] =	vst v63  }
0x506: {  	_ = 	snop  }
0x507: {  	[tilespmem:s13], [sflag:$0x2] =	stream.indirect.gather [hbm4b:s10+s11], $0x80, s28, s11, $0xb8;
	[tilespmem:$0x1E000] =	vst v63  }
0x508: {  	_ =	swait.ge [sflag:s14], $0x4000  }
0x509: {  	[sflag:s14] =	ssyncset.done $0x0  }
0x50a: {  	[sflag:s14] =	ssyncadd.s32 $0xFFFFC000  }
0x50b: {  	[spmem:s2] =	stream.indirect.scatter.add.f32 [tilespmem:s12], [sflag:$0x7], $0x80, s30, s11, $0xb8;
	[tilespmem:$0x1E000] =	vst v63  }
0x50c: {  	_ =	swait.ge [sflag:s5], $0x4000  }
0x50d: {  	[sflag:s5] =	ssyncset.done $0x0  }
0x50e: {  	[sflag:s5] =	ssyncadd.s32 $0xFFFFC000  }
0x50f: {  	_ =	swait.ge [sflag:s15], $0x4000  }
0x510: {  	[sflag:s15] =	ssyncset.done $0x0  }
0x511: {  	[sflag:s15] =	ssyncadd.s32 $0xFFFFC000  }
0x512: {  	[spmem:s2] =	stream.indirect.scatter.add.f32 [tilespmem:s13], [sflag:$0x7], $0x80, s31, s11, $0xb8;
	[tilespmem:$0x1E000] =	vst v63  }
0x513: {  	_ =	swait.ge [sflag:s5], $0x4000  }
0x514: {  	[sflag:s5] =	ssyncset.done $0x0  }
0x515: {  	s16 =	simm.s32 $0xC00;
	[sflag:s5] =	ssyncadd.s32 $0xFFFFC000  }
0x516: {  	[tilespmem:s12], [sflag:$0x1] =	stream.indirect.gather [hbm4b:s10+s11], $0x80, s16, s11, $0xb8;
	[tilespmem:$0x1E000] =	vst v63  }
0x517: {  	s17 =	simm.s32 $0xC80  }
0x518: {  	[tilespmem:s13], [sflag:$0x2] =	stream.indirect.gather [hbm4b:s10+s11], $0x80, s17, s11, $0xb8;
	[tilespmem:$0x1E000] =	vst v63  }
0x519: {  	_ =	swait.ge [sflag:s14], $0x4000  }
0x51a: {  	[sflag:s14] =	ssyncset.done $0x0  }
0x51b: {  	s3 =	simm.s32 $0x1C00;
	[sflag:s14] =	ssyncadd.s32 $0xFFFFC000  }
0x51c: {  	[spmem:s2] =	stream.indirect.scatter.add.f32 [tilespmem:s12], [sflag:$0x7], $0x80, s3, s11, $0xb8;
	[tilespmem:$0x1E000] =	vst v63  }
0x51d: {  	_ =	swait.ge [sflag:s5], $0x4000  }
0x51e: {  	[sflag:s5] =	ssyncset.done $0x0  }
0x51f: {  	[sflag:s5] =	ssyncadd.s32 $0xFFFFC000  }
0x520: {  	_ =	swait.ge [sflag:s15], $0x4000  }
0x521: {  	[sflag:s15] =	ssyncset.done $0x0  }
0x522: {  	s16 =	simm.s32 $0x1C80;
	[sflag:s15] =	ssyncadd.s32 $0xFFFFC000  }
0x523: {  	[spmem:s2] =	stream.indirect.scatter.add.f32 [tilespmem:s13], [sflag:$0x7], $0x80, s16, s11, $0xb8;
	[tilespmem:$0x1E000] =	vst v63  }
0x524: {  	_ =	swait.ge [sflag:s5], $0x4000  }
0x525: {  	[sflag:s5] =	ssyncset.done $0x0  }
0x526: {  	s17 =	simm.s32 $0xD00;
	[sflag:s5] =	ssyncadd.s32 $0xFFFFC000  }
0x527: {  	[tilespmem:s12], [sflag:$0x1] =	stream.indirect.gather [hbm4b:s10+s11], $0x80, s17, s11, $0xb8;
	[tilespmem:$0x1E000] =	vst v63  }
0x528: {  	s3 =	simm.s32 $0xD80  }
0x529: {  	[tilespmem:s13], [sflag:$0x2] =	stream.indirect.gather [hbm4b:s10+s11], $0x80, s3, s11, $0xb8;
	[tilespmem:$0x1E000] =	vst v63  }
0x52a: {  	_ =	swait.ge [sflag:s14], $0x4000  }
0x52b: {  	[sflag:s14] =	ssyncset.done $0x0  }
0x52c: {  	s16 =	simm.s32 $0x1D00;
	[sflag:s14] =	ssyncadd.s32 $0xFFFFC000  }
0x52d: {  	[spmem:s2] =	stream.indirect.scatter.add.f32 [tilespmem:s12], [sflag:$0x7], $0x80, s16, s11, $0xb8;
	[tilespmem:$0x1E000] =	vst v63  }
0x52e: {  	_ =	swait.ge [sflag:s5], $0x4000  }
0x52f: {  	[sflag:s5] =	ssyncset.done $0x0  }
0x530: {  	[sflag:s5] =	ssyncadd.s32 $0xFFFFC000  }
0x531: {  	_ =	swait.ge [sflag:s15], $0x4000  }
0x532: {  	[sflag:s15] =	ssyncset.done $0x0  }
0x533: {  	s17 =	simm.s32 $0x1D80;
	[sflag:s15] =	ssyncadd.s32 $0xFFFFC000  }
0x534: {  	[spmem:s2] =	stream.indirect.scatter.add.f32 [tilespmem:s13], [sflag:$0x7], $0x80, s17, s11, $0xb8;
	[tilespmem:$0x1E000] =	vst v63  }
0x535: {  	_ =	swait.ge [sflag:s5], $0x4000  }
0x536: {  	[sflag:s5] =	ssyncset.done $0x0  }
0x537: {  	s3 =	simm.s32 $0xE00;
	[sflag:s5] =	ssyncadd.s32 $0xFFFFC000  }
0x538: {  	[tilespmem:s12], [sflag:$0x1] =	stream.indirect.gather [hbm4b:s10+s11], $0x80, s3, s11, $0xb8;
	[tilespmem:$0x1E000] =	vst v63  }
0x539: {  	s16 =	simm.s32 $0xE80  }
0x53a: {  	[tilespmem:s13], [sflag:$0x2] =	stream.indirect.gather [hbm4b:s10+s11], $0x80, s16, s11, $0xb8;
	[tilespmem:$0x1E000] =	vst v63  }
0x53b: {  	_ =	swait.ge [sflag:s14], $0x4000  }
0x53c: {  	[sflag:s14] =	ssyncset.done $0x0  }
0x53d: {  	s17 =	simm.s32 $0x1E00;
	[sflag:s14] =	ssyncadd.s32 $0xFFFFC000  }
0x53e: {  	[spmem:s2] =	stream.indirect.scatter.add.f32 [tilespmem:s12], [sflag:$0x7], $0x80, s17, s11, $0xb8;
	[tilespmem:$0x1E000] =	vst v63  }
0x53f: {  	_ =	swait.ge [sflag:s5], $0x4000  }
0x540: {  	[sflag:s5] =	ssyncset.done $0x0  }
0x541: {  	[sflag:s5] =	ssyncadd.s32 $0xFFFFC000  }
0x542: {  	_ =	swait.ge [sflag:s15], $0x4000  }
0x543: {  	[sflag:s15] =	ssyncset.done $0x0  }
0x544: {  	s3 =	simm.s32 $0x1E80;
	[sflag:s15] =	ssyncadd.s32 $0xFFFFC000  }
0x545: {  	[spmem:s2] =	stream.indirect.scatter.add.f32 [tilespmem:s13], [sflag:$0x7], $0x80, s3, s11, $0xb8;
	[tilespmem:$0x1E000] =	vst v63  }
0x546: {  	_ =	swait.ge [sflag:s5], $0x4000  }
0x547: {  	[sflag:s5] =	ssyncset.done $0x0  }
0x548: {  	s16 =	simm.s32 $0xF00;
	[sflag:s5] =	ssyncadd.s32 $0xFFFFC000  }
0x549: {  	[tilespmem:s12], [sflag:$0x1] =	stream.indirect.gather [hbm4b:s10+s11], $0x80, s16, s11, $0xb8;
	[tilespmem:$0x1E000] =	vst v63  }
0x54a: {  	s17 =	simm.s32 $0xF80  }
0x54b: {  	[tilespmem:s13], [sflag:$0x2] =	stream.indirect.gather [hbm4b:s10+s11], $0x80, s17, s11, $0xb8;
	[tilespmem:$0x1E000] =	vst v63  }
0x54c: {  	_ =	swait.ge [sflag:s14], $0x4000  }
0x54d: {  	[sflag:s14] =	ssyncset.done $0x0  }
0x54e: {  	s3 =	simm.s32 $0x1F00;
	[sflag:s14] =	ssyncadd.s32 $0xFFFFC000  }
0x54f: {  	[spmem:s2] =	stream.indirect.scatter.add.f32 [tilespmem:s12], [sflag:$0x7], $0x80, s3, s11, $0xb8;
	[tilespmem:$0x1E000] =	vst v63  }
0x550: {  	_ =	swait.ge [sflag:s5], $0x4000  }
0x551: {  	[sflag:s5] =	ssyncset.done $0x0  }
0x552: {  	[sflag:s5] =	ssyncadd.s32 $0xFFFFC000  }
0x553: {  	_ =	swait.ge [sflag:s15], $0x4000  }
0x554: {  	[sflag:s15] =	ssyncset.done $0x0  }
0x555: {  	s16 =	simm.s32 $0x1F80;
	[sflag:s15] =	ssyncadd.s32 $0xFFFFC000  }
0x556: {  	[spmem:s2] =	stream.indirect.scatter.add.f32 [tilespmem:s13], [sflag:$0x7], $0x80, s16, s11, $0xb8;
	[tilespmem:$0x1E000] =	vst v63  }
0x557: {  	_ =	swait.ge [sflag:s5], $0x4000  }
0x558: {  	[sflag:s5] =	ssyncset.done $0x0  }
0x559: {  	[sflag:s5] =	ssyncadd.s32 $0xFFFFC000  }
0x55a: {  	_ =	swait.ge [sflag:s4], $0x800  }
0x55b: {  	[sflag:s4] =	ssyncset.done $0x0  }
0x55c: {  	[sflag:s4] =	ssyncadd.s32 $0xFFFFF800  }
0x55d: {  	_ =	swait.ge [sflag:s6], $0x800  }
0x55e: {  	[sflag:s6] =	ssyncset.done $0x0  }
0x55f: {  	[sflag:s6] =	ssyncadd.s32 $0xFFFFF800  }
0x560: {  	[tilespmem:s12], [sflag:$0x1] =	stream.indirect.gather [hbm4b:s10+s11], $0x80, s8, s11, $0xb8;
	[tilespmem:$0x1E000] =	vst v63  }
0x561: {  	_ = 	snop  }
0x562: {  	[tilespmem:s13], [sflag:$0x2] =	stream.indirect.gather [hbm4b:s10+s11], $0x80, s11, s11, $0xb8;
	[tilespmem:$0x1E000] =	vst v63  }
0x563: {  	_ =	swait.ge [sflag:s14], $0x4000  }
0x564: {  	[sflag:s14] =	ssyncset.done $0x0  }
0x565: {  	[sflag:s14] =	ssyncadd.s32 $0xFFFFC000  }
0x566: {  	[spmem:s2] =	stream.indirect.scatter.add.f32 [tilespmem:s12], [sflag:$0x7], $0x80, s29, s11, $0xb8;
	[tilespmem:$0x1E000] =	vst v63  }
0x567: {  	_ =	swait.ge [sflag:s5], $0x4000  }
0x568: {  	[sflag:s5] =	ssyncset.done $0x0  }
0x569: {  	[sflag:s5] =	ssyncadd.s32 $0xFFFFC000  }
0x56a: {  	_ =	swait.ge [sflag:s15], $0x4000  }
0x56b: {  	[sflag:s15] =	ssyncset.done $0x0  }
0x56c: {  	s17 =	simm.s32 $0x1080;
	[sflag:s15] =	ssyncadd.s32 $0xFFFFC000  }
0x56d: {  	[spmem:s2] =	stream.indirect.scatter.add.f32 [tilespmem:s13], [sflag:$0x7], $0x80, s17, s11, $0xb8;
	[tilespmem:$0x1E000] =	vst v63  }
0x56e: {  	_ =	swait.ge [sflag:s5], $0x4000  }
0x56f: {  	[sflag:s5] =	ssyncset.done $0x0  }
0x570: {  	s3 =	simm.s32 $0x100;
	[sflag:s5] =	ssyncadd.s32 $0xFFFFC000  }
0x571: {  	[tilespmem:s12], [sflag:$0x1] =	stream.indirect.gather [hbm4b:s10+s11], $0x80, s3, s11, $0xb8;
	[tilespmem:$0x1E000] =	vst v63  }
0x572: {  	s4 =	simm.s32 $0x180  }
0x573: {  	[tilespmem:s13], [sflag:$0x2] =	stream.indirect.gather [hbm4b:s10+s11], $0x80, s4, s11, $0xb8;
	[tilespmem:$0x1E000] =	vst v63  }
0x574: {  	_ =	swait.ge [sflag:s14], $0x4000  }
0x575: {  	[sflag:s14] =	ssyncset.done $0x0  }
0x576: {  	s16 =	simm.s32 $0x1100;
	[sflag:s14] =	ssyncadd.s32 $0xFFFFC000  }
0x577: {  	[spmem:s2] =	stream.indirect.scatter.add.f32 [tilespmem:s12], [sflag:$0x7], $0x80, s16, s11, $0xb8;
	[tilespmem:$0x1E000] =	vst v63  }
0x578: {  	_ =	swait.ge [sflag:s5], $0x4000  }
0x579: {  	[sflag:s5] =	ssyncset.done $0x0  }
0x57a: {  	[sflag:s5] =	ssyncadd.s32 $0xFFFFC000  }
0x57b: {  	_ =	swait.ge [sflag:s15], $0x4000  }
0x57c: {  	[sflag:s15] =	ssyncset.done $0x0  }
0x57d: {  	s17 =	simm.s32 $0x1180;
	[sflag:s15] =	ssyncadd.s32 $0xFFFFC000  }
0x57e: {  	[spmem:s2] =	stream.indirect.scatter.add.f32 [tilespmem:s13], [sflag:$0x7], $0x80, s17, s11, $0xb8;
	[tilespmem:$0x1E000] =	vst v63  }
0x57f: {  	_ =	swait.ge [sflag:s5], $0x4000  }
0x580: {  	[sflag:s5] =	ssyncset.done $0x0  }
0x581: {  	s3 =	simm.s32 $0x200;
	[sflag:s5] =	ssyncadd.s32 $0xFFFFC000  }
0x582: {  	[tilespmem:s12], [sflag:$0x1] =	stream.indirect.gather [hbm4b:s10+s11], $0x80, s3, s11, $0xb8;
	[tilespmem:$0x1E000] =	vst v63  }
0x583: {  	s4 =	simm.s32 $0x280  }
0x584: {  	[tilespmem:s13], [sflag:$0x2] =	stream.indirect.gather [hbm4b:s10+s11], $0x80, s4, s11, $0xb8;
	[tilespmem:$0x1E000] =	vst v63  }
0x585: {  	_ =	swait.ge [sflag:s14], $0x4000  }
0x586: {  	[sflag:s14] =	ssyncset.done $0x0  }
0x587: {  	s16 =	simm.s32 $0x1200;
	[sflag:s14] =	ssyncadd.s32 $0xFFFFC000  }
0x588: {  	[spmem:s2] =	stream.indirect.scatter.add.f32 [tilespmem:s12], [sflag:$0x7], $0x80, s16, s11, $0xb8;
	[tilespmem:$0x1E000] =	vst v63  }
0x589: {  	_ =	swait.ge [sflag:s5], $0x4000  }
0x58a: {  	[sflag:s5] =	ssyncset.done $0x0  }
0x58b: {  	[sflag:s5] =	ssyncadd.s32 $0xFFFFC000  }
0x58c: {  	_ =	swait.ge [sflag:s15], $0x4000  }
0x58d: {  	[sflag:s15] =	ssyncset.done $0x0  }
0x58e: {  	s17 =	simm.s32 $0x1280;
	[sflag:s15] =	ssyncadd.s32 $0xFFFFC000  }
0x58f: {  	[spmem:s2] =	stream.indirect.scatter.add.f32 [tilespmem:s13], [sflag:$0x7], $0x80, s17, s11, $0xb8;
	[tilespmem:$0x1E000] =	vst v63  }
0x590: {  	_ =	swait.ge [sflag:s5], $0x4000  }
0x591: {  	[sflag:s5] =	ssyncset.done $0x0  }
0x592: {  	s3 =	simm.s32 $0x300;
	[sflag:s5] =	ssyncadd.s32 $0xFFFFC000  }
0x593: {  	[tilespmem:s12], [sflag:$0x1] =	stream.indirect.gather [hbm4b:s10+s11], $0x80, s3, s11, $0xb8;
	[tilespmem:$0x1E000] =	vst v63  }
0x594: {  	s4 =	simm.s32 $0x380  }
0x595: {  	[tilespmem:s13], [sflag:$0x2] =	stream.indirect.gather [hbm4b:s10+s11], $0x80, s4, s11, $0xb8;
	[tilespmem:$0x1E000] =	vst v63  }
0x596: {  	_ =	swait.ge [sflag:s14], $0x4000  }
0x597: {  	[sflag:s14] =	ssyncset.done $0x0  }
0x598: {  	s16 =	simm.s32 $0x1300;
	[sflag:s14] =	ssyncadd.s32 $0xFFFFC000  }
0x599: {  	[spmem:s2] =	stream.indirect.scatter.add.f32 [tilespmem:s12], [sflag:$0x7], $0x80, s16, s11, $0xb8;
	[tilespmem:$0x1E000] =	vst v63  }
0x59a: {  	_ =	swait.ge [sflag:s5], $0x4000  }
0x59b: {  	[sflag:s5] =	ssyncset.done $0x0  }
0x59c: {  	[sflag:s5] =	ssyncadd.s32 $0xFFFFC000  }
0x59d: {  	_ =	swait.ge [sflag:s15], $0x4000  }
0x59e: {  	[sflag:s15] =	ssyncset.done $0x0  }
0x59f: {  	s17 =	simm.s32 $0x1380;
	[sflag:s15] =	ssyncadd.s32 $0xFFFFC000  }
0x5a0: {  	[spmem:s2] =	stream.indirect.scatter.add.f32 [tilespmem:s13], [sflag:$0x7], $0x80, s17, s11, $0xb8;
	[tilespmem:$0x1E000] =	vst v63  }
0x5a1: {  	_ =	swait.ge [sflag:s5], $0x4000  }
0x5a2: {  	[sflag:s5] =	ssyncset.done $0x0  }
0x5a3: {  	s3 =	simm.s32 $0x400;
	[sflag:s5] =	ssyncadd.s32 $0xFFFFC000  }
0x5a4: {  	[tilespmem:s12], [sflag:$0x1] =	stream.indirect.gather [hbm4b:s10+s11], $0x80, s3, s11, $0xb8;
	[tilespmem:$0x1E000] =	vst v63  }
0x5a5: {  	s4 =	simm.s32 $0x480  }
0x5a6: {  	[tilespmem:s13], [sflag:$0x2] =	stream.indirect.gather [hbm4b:s10+s11], $0x80, s4, s11, $0xb8;
	[tilespmem:$0x1E000] =	vst v63  }
0x5a7: {  	_ =	swait.ge [sflag:s14], $0x4000  }
0x5a8: {  	[sflag:s14] =	ssyncset.done $0x0  }
0x5a9: {  	s16 =	simm.s32 $0x1400;
	[sflag:s14] =	ssyncadd.s32 $0xFFFFC000  }
0x5aa: {  	[spmem:s2] =	stream.indirect.scatter.add.f32 [tilespmem:s12], [sflag:$0x7], $0x80, s16, s11, $0xb8;
	[tilespmem:$0x1E000] =	vst v63  }
0x5ab: {  	_ =	swait.ge [sflag:s5], $0x4000  }
0x5ac: {  	[sflag:s5] =	ssyncset.done $0x0  }
0x5ad: {  	[sflag:s5] =	ssyncadd.s32 $0xFFFFC000  }
0x5ae: {  	_ =	swait.ge [sflag:s15], $0x4000  }
0x5af: {  	[sflag:s15] =	ssyncset.done $0x0  }
0x5b0: {  	s17 =	simm.s32 $0x1480;
	[sflag:s15] =	ssyncadd.s32 $0xFFFFC000  }
0x5b1: {  	[spmem:s2] =	stream.indirect.scatter.add.f32 [tilespmem:s13], [sflag:$0x7], $0x80, s17, s11, $0xb8;
	[tilespmem:$0x1E000] =	vst v63  }
0x5b2: {  	_ =	swait.ge [sflag:s5], $0x4000  }
0x5b3: {  	[sflag:s5] =	ssyncset.done $0x0  }
0x5b4: {  	s3 =	simm.s32 $0x500;
	[sflag:s5] =	ssyncadd.s32 $0xFFFFC000  }
0x5b5: {  	[tilespmem:s12], [sflag:$0x1] =	stream.indirect.gather [hbm4b:s10+s11], $0x80, s3, s11, $0xb8;
	[tilespmem:$0x1E000] =	vst v63  }
0x5b6: {  	s4 =	simm.s32 $0x580  }
0x5b7: {  	[tilespmem:s13], [sflag:$0x2] =	stream.indirect.gather [hbm4b:s10+s11], $0x80, s4, s11, $0xb8;
	[tilespmem:$0x1E000] =	vst v63  }
0x5b8: {  	_ =	swait.ge [sflag:s14], $0x4000  }
0x5b9: {  	[sflag:s14] =	ssyncset.done $0x0  }
0x5ba: {  	s16 =	simm.s32 $0x1500;
	[sflag:s14] =	ssyncadd.s32 $0xFFFFC000  }
0x5bb: {  	[spmem:s2] =	stream.indirect.scatter.add.f32 [tilespmem:s12], [sflag:$0x7], $0x80, s16, s11, $0xb8;
	[tilespmem:$0x1E000] =	vst v63  }
0x5bc: {  	_ =	swait.ge [sflag:s5], $0x4000  }
0x5bd: {  	[sflag:s5] =	ssyncset.done $0x0  }
0x5be: {  	[sflag:s5] =	ssyncadd.s32 $0xFFFFC000  }
0x5bf: {  	_ =	swait.ge [sflag:s15], $0x4000  }
0x5c0: {  	[sflag:s15] =	ssyncset.done $0x0  }
0x5c1: {  	s17 =	simm.s32 $0x1580;
	[sflag:s15] =	ssyncadd.s32 $0xFFFFC000  }
0x5c2: {  	[spmem:s2] =	stream.indirect.scatter.add.f32 [tilespmem:s13], [sflag:$0x7], $0x80, s17, s11, $0xb8;
	[tilespmem:$0x1E000] =	vst v63  }
0x5c3: {  	_ =	swait.ge [sflag:s5], $0x4000  }
0x5c4: {  	[sflag:s5] =	ssyncset.done $0x0  }
0x5c5: {  	s3 =	simm.s32 $0x600;
	[sflag:s5] =	ssyncadd.s32 $0xFFFFC000  }
0x5c6: {  	[tilespmem:s12], [sflag:$0x1] =	stream.indirect.gather [hbm4b:s10+s11], $0x80, s3, s11, $0xb8;
	[tilespmem:$0x1E000] =	vst v63  }
0x5c7: {  	s4 =	simm.s32 $0x680  }
0x5c8: {  	[tilespmem:s13], [sflag:$0x2] =	stream.indirect.gather [hbm4b:s10+s11], $0x80, s4, s11, $0xb8;
	[tilespmem:$0x1E000] =	vst v63  }
0x5c9: {  	_ =	swait.ge [sflag:s14], $0x4000  }
0x5ca: {  	[sflag:s14] =	ssyncset.done $0x0  }
0x5cb: {  	s16 =	simm.s32 $0x1600;
	[sflag:s14] =	ssyncadd.s32 $0xFFFFC000  }
0x5cc: {  	[spmem:s2] =	stream.indirect.scatter.add.f32 [tilespmem:s12], [sflag:$0x7], $0x80, s16, s11, $0xb8;
	[tilespmem:$0x1E000] =	vst v63  }
0x5cd: {  	_ =	swait.ge [sflag:s5], $0x4000  }
0x5ce: {  	[sflag:s5] =	ssyncset.done $0x0  }
0x5cf: {  	[sflag:s5] =	ssyncadd.s32 $0xFFFFC000  }
0x5d0: {  	_ =	swait.ge [sflag:s15], $0x4000  }
0x5d1: {  	[sflag:s15] =	ssyncset.done $0x0  }
0x5d2: {  	s17 =	simm.s32 $0x1680;
	[sflag:s15] =	ssyncadd.s32 $0xFFFFC000  }
0x5d3: {  	[spmem:s2] =	stream.indirect.scatter.add.f32 [tilespmem:s13], [sflag:$0x7], $0x80, s17, s11, $0xb8;
	[tilespmem:$0x1E000] =	vst v63  }
0x5d4: {  	_ =	swait.ge [sflag:s5], $0x4000  }
0x5d5: {  	[sflag:s5] =	ssyncset.done $0x0  }
0x5d6: {  	s3 =	simm.s32 $0x700;
	[sflag:s5] =	ssyncadd.s32 $0xFFFFC000  }
0x5d7: {  	[tilespmem:s12], [sflag:$0x1] =	stream.indirect.gather [hbm4b:s10+s11], $0x80, s3, s11, $0xb8;
	[tilespmem:$0x1E000] =	vst v63  }
0x5d8: {  	s4 =	simm.s32 $0x780  }
0x5d9: {  	[tilespmem:s13], [sflag:$0x2] =	stream.indirect.gather [hbm4b:s10+s11], $0x80, s4, s11, $0xb8;
	[tilespmem:$0x1E000] =	vst v63  }
0x5da: {  	_ =	swait.ge [sflag:s14], $0x4000  }
0x5db: {  	[sflag:s14] =	ssyncset.done $0x0  }
0x5dc: {  	s16 =	simm.s32 $0x1700;
	[sflag:s14] =	ssyncadd.s32 $0xFFFFC000  }
0x5dd: {  	[spmem:s2] =	stream.indirect.scatter.add.f32 [tilespmem:s12], [sflag:$0x7], $0x80, s16, s11, $0xb8;
	[tilespmem:$0x1E000] =	vst v63  }
0x5de: {  	_ =	swait.ge [sflag:s5], $0x4000  }
0x5df: {  	[sflag:s5] =	ssyncset.done $0x0  }
0x5e0: {  	[sflag:s5] =	ssyncadd.s32 $0xFFFFC000  }
0x5e1: {  	_ =	swait.ge [sflag:s15], $0x4000  }
0x5e2: {  	[sflag:s15] =	ssyncset.done $0x0  }
0x5e3: {  	s17 =	simm.s32 $0x1780;
	[sflag:s15] =	ssyncadd.s32 $0xFFFFC000  }
0x5e4: {  	[spmem:s2] =	stream.indirect.scatter.add.f32 [tilespmem:s13], [sflag:$0x7], $0x80, s17, s11, $0xb8;
	[tilespmem:$0x1E000] =	vst v63  }
0x5e5: {  	_ =	swait.ge [sflag:s5], $0x4000  }
0x5e6: {  	[sflag:s5] =	ssyncset.done $0x0  }
0x5e7: {  	[sflag:s5] =	ssyncadd.s32 $0xFFFFC000  }
0x5e8: {  	p0 =	sne.s32 s0, $0x1;
	[bflag:$0x0] =	sbarrier.arrive $0xFFFF  }
.Ltmp1:
0x5e9: {  	s3 =	rddreg [dreg:$0xf];
	(pc) =	sbr.rel @p0 .LBB2_2-.Ltmp1, $4  }
0x5ea: {  	s4 =	rddreg [dreg:$0x11]  }
0x5eb: {  	s17 =	rddreg [dreg:$0x10]  }
0x5ec: {  	[hbm:s3], [sflag:s17] =	dma.local [spmem:s4], $0x2800  }
0x5ed: {  	s0 =	sadd.s32 $0xFFFFFFFF, s0;
	_ =	swait.ge [sflag:s5], $0x2800  }
.LBB2_3:
0x5ee: {  	[sflag:s5] =	ssyncset.done $0x0  }
0x5ef: {  	[sflag:s5] =	ssyncadd.s32 $0xFFFFD800  }
0x5f0: {  	_ =	sfence.sel $0x180000  }
0x5f1: {  	[bflag:$0x0] =	sbarrier.arrive $0xFFFF  }
0x5f2: {  	_ =	strace $0x9000004A  }
0x5f3: {  	s0 =	stileid.u32;
	[bflag:$0x2] =	sbarrier.arrive $0xFFFF  }
0x5f4: {  	p0 =	sne.s32 s0, $0x0;
	s0 =	rddreg [dreg:$0x3]  }
0x5f5: {  	s0 =	sadd.s32 @!p0 $0x100000, s0  }
0x5f6: {  	[sflag:s0] =	ssyncadd.tile.s32 @!p0 $0x1;
	_ =	shalt  }
.Lfunc_end2:
_tile_overlayer_lowered:
.L_overlay_start_2:
0x5f7: {  	(tag) =	ssettag $0x2  }
0x5f8: {  	s0 =	rddreg [dreg:$0x0];
	s2 =	stileid.u32  }
0x5f9: {  	s1 =	rddreg [dreg:$0x1];
	p0 =	sne.s32 s2, $0x0  }
0x5fa: {  	s3 =	rddreg [dreg:$0x2];
	[bflag:$0x3] =	sbarrier.arrive $0xFFFF;
	s2 =	simm.s32 @!p0 $0x1C07  }
0x5fb: {  	[timem:s3], [sflag:s2] =	dma.local @!p0 [hbm:s0], s1  }
0x5fc: {  	s0 =	simm.s32 @!p0 $0x7  }
0x5fd: {  	_ =	swait.ge @!p0 [sflag:s0], s1  }
0x5fe: {  	s1 =	ssub.s32 @!p0 $0x0, s1;
	[sflag:s0] =	ssyncset.done @!p0 $0x0  }
0x5ff: {  	[sflag:s0] =	ssyncadd.s32 @!p0 s1  }
0x600: {  	[bflag:$0x3] =	sbarrier.arrive $0xFFFF  }
0x601: {  	_ =	shalt  }

// kernel: kernel.8.cloned.1.call-start
scs
__scs_entry_jumppad:
0x0: {  	(pc) =	sbr.rel $0x88, $3  }
0x1: {  	(tag) =	ssettag $0x0;
	lr =	simm.s32 $0x1  }
0x2: {  	[smem:$0x3F9B] =	sst lr;
	_ =	strace $0xD0000000  }
0x3: {  	_ = 	snop  }
0x4: {  	_ = 	snop  }
0x5: {  	_ = 	snop  }
0x6: {  	_ = 	snop  }
0x7: {  	_ = 	snop  }
__scs_overlays_trampoline_lowered:
0x8: {  	[smem:$0x3FAA] =	sst s0  }
0x9: {  	[smem:$0x3FAB] =	sst s1  }
0xa: {  	[smem:$0x3FAC] =	sst s2  }
0xb: {  	[smem:$0x3FAD] =	sst s3  }
0xc: {  	[smem:$0x3FAE] =	sst s4  }
0xd: {  	[smem:$0x3FAF] =	sst s5  }
0xe: {  	[smem:$0x3FB0] =	sst s6  }
0xf: {  	[smem:$0x3FB1] =	sst s7  }
0x10: {  	[smem:$0x3FB2] =	sst s8  }
0x11: {  	[smem:$0x3FB3] =	sst s9;
	s0 =	simm.s32 @!p0 $0x0  }
0x12: {  	s1 =	sld [smem:$0x3F99];
	s0 =	simm.s32 @p0 $0x1  }
0x13: {  	[smem:$0x3FB4] =	sst s0;
	s0 =	simm.s32 @!p1 $0x0  }
0x14: {  	s2 =	sld [smem:$0x3F98];
	s0 =	simm.s32 @p1 $0x1  }
0x15: {  	[smem:$0x3FB5] =	sst s0;
	s0 =	simm.s32 @!p2 $0x0  }
0x16: {  	s3 =	sld [smem:$0x3FDB];
	s0 =	simm.s32 @p2 $0x1  }
0x17: {  	s4 =	simm.s32 $0x1BF5;
	[smem:$0x3FB7] =	sst s0  }
0x18: {  	s0 =	sld [smem:$0x3F9A];
	_ =	swait.ge [sflag:s4], $0x0  }
0x19: {  	s7 =	sld [smem:$0x3F9B]  }
0x1a: {  	s8 =	sadd.s32 $0xFFFFE003, lr  }
0x1b: {  	s9 =	sadd.s32 $0xFFFFFEF7, lr;
	s5 =	simm.s32 $0xFFFFFFFF;
	p2 =	slt.u32 s8, $0xFFFFF086  }
0x1c: {  	p1 =	slt.u32 s9, $0xF7A;
	s5 =	simm.s32 @!p2 $0x0  }
0x1d: {  	s5 =	simm.s32 @p1 $0x1;
	p0 =	seq.s32 s7, s2  }
0x1e: {  	s7 =	smul.u32 @!p0 $0xF7A, s2;
	p2 =	seq.s32 @!p0 s5, $0x0  }
0x1f: {  	s9 =	smul.u32 $0xF7A, s1;
	s8 =	simm.s32 @!p0 $0x1BF5;
	p2 =	por !p2, p0  }
0x20: {  	[sflag:s8] =	ssyncset.s32 @!p0 $0xFFFFF086;
	s6 =	sadd.s32 @!p0 s3, s7;
	s7 =	simm.s32 @!p0 $0x108  }
0x21: {  	s3 =	sadd.s32 s3, s9;
	s6 =	sadd.s32 @!p0 $0x88, s6;
	s7 =	simm.s32 @p2 $0x1082  }
0x22: {  	[simem:s7], [sflag:s8] =	dma.local @!p0 [hbm:s6], $0xF7A  }
0x23: {  	s9 =	sor.u32 $0xD0000000, s2;
	s6 =	simm.s32 $0x108;
	_ =	swait.ge @!p0 [sflag:s8], $0x0  }
0x24: {  	s3 =	sadd.s32 $0x88, s3;
	s6 =	simm.s32 @!p1 $0x1082;
	[sflag:s4] =	ssyncset.s32 $0xFFFFF086  }
0x25: {  	[simem:s6], [sflag:s4] =	dma.local [hbm:s3], $0xF7A  }
0x26: {  	[smem:$0x3F9B] =	sst s1;
	(tag) =	ssettag s2;
	_ =	strace s9  }
0x27: {  	s1 =	sld [smem:$0x3FAB]  }
0x28: {  	s2 =	sld [smem:$0x3FAC]  }
0x29: {  	s4 =	sld [smem:$0x3FAE]  }
0x2a: {  	p0 =	seq.s32 s5, $0x0;
	s5 =	sld [smem:$0x3FAF]  }
0x2b: {  	s6 =	sld [smem:$0x3FB0]  }
0x2c: {  	s7 =	sld [smem:$0x3FB1]  }
0x2d: {  	s3 =	simm.s32 $0x108;
	s8 =	sld [smem:$0x3FB2]  }
0x2e: {  	s3 =	simm.s32 @!p0 $0x1082;
	s9 =	sld [smem:$0x3FB3]  }
0x2f: {  	lr =	sadd.s32 s0, s3;
	s0 =	sld [smem:$0x3FAA]  }
0x30: {  	s3 =	sld [smem:$0x3FAD]  }
0x31: {  	[smem:$0x3FB6] =	sst s10  }
0x32: {  	s10 =	sld [smem:$0x3FB4];
	_ =	sdelay $0x3  }
0x33: {  	p0 =	seq.s32 s10, $0x1;
	s10 =	sld [smem:$0x3FB6];
	_ =	sdelay $0x3  }
0x34: {  	[smem:$0x3FB6] =	sst s10  }
0x35: {  	s10 =	sld [smem:$0x3FB5];
	_ =	sdelay $0x3  }
0x36: {  	p1 =	seq.s32 s10, $0x1;
	s10 =	sld [smem:$0x3FB6];
	_ =	sdelay $0x3  }
0x37: {  	[smem:$0x3FB6] =	sst s10  }
0x38: {  	s10 =	sld [smem:$0x3FB7]  }
0x39: {  	_ = 	snop;
	(pc) =	sbr.ind lr, $3  }
0x3a: {  	_ = 	snop  }
0x3b: {  	_ = 	snop  }
0x3c: {  	p2 =	seq.s32 s10, $0x1;
	s10 =	sld [smem:$0x3FB6]  }
0x3d: {  	_ =	shalt  }
0x3e: {  	_ =	shalt  }
0x3f: {  	_ =	shalt  }
0x40: {  	_ =	shalt  }
0x41: {  	_ =	shalt  }
0x42: {  	_ =	shalt  }
0x43: {  	_ =	shalt  }
0x44: {  	_ =	shalt  }
0x45: {  	_ =	shalt  }
0x46: {  	_ =	shalt  }
0x47: {  	_ =	shalt  }
0x48: {  	_ =	shalt  }
0x49: {  	_ =	shalt  }
0x4a: {  	_ =	shalt  }
0x4b: {  	_ =	shalt  }
0x4c: {  	_ =	shalt  }
0x4d: {  	_ =	shalt  }
0x4e: {  	_ =	shalt  }
0x4f: {  	_ =	shalt  }
0x50: {  	_ =	shalt  }
0x51: {  	_ =	shalt  }
0x52: {  	_ =	shalt  }
0x53: {  	_ =	shalt  }
0x54: {  	_ =	shalt  }
0x55: {  	_ =	shalt  }
0x56: {  	_ =	shalt  }
0x57: {  	_ =	shalt  }
0x58: {  	_ =	shalt  }
0x59: {  	_ =	shalt  }
0x5a: {  	_ =	shalt  }
0x5b: {  	_ =	shalt  }
0x5c: {  	_ =	shalt  }
0x5d: {  	_ =	shalt  }
0x5e: {  	_ =	shalt  }
0x5f: {  	_ =	shalt  }
0x60: {  	_ =	shalt  }
0x61: {  	_ =	shalt  }
0x62: {  	_ =	shalt  }
0x63: {  	_ =	shalt  }
0x64: {  	_ =	shalt  }
0x65: {  	_ =	shalt  }
0x66: {  	_ =	shalt  }
0x67: {  	_ =	shalt  }
0x68: {  	_ =	shalt  }
0x69: {  	_ =	shalt  }
0x6a: {  	_ =	shalt  }
0x6b: {  	_ =	shalt  }
0x6c: {  	_ =	shalt  }
0x6d: {  	_ =	shalt  }
0x6e: {  	_ =	shalt  }
0x6f: {  	_ =	shalt  }
0x70: {  	_ =	shalt  }
0x71: {  	_ =	shalt  }
0x72: {  	_ =	shalt  }
0x73: {  	_ =	shalt  }
0x74: {  	_ =	shalt  }
0x75: {  	_ =	shalt  }
0x76: {  	_ =	shalt  }
0x77: {  	_ =	shalt  }
0x78: {  	_ =	shalt  }
0x79: {  	_ =	shalt  }
0x7a: {  	_ =	shalt  }
0x7b: {  	_ =	shalt  }
0x7c: {  	_ =	shalt  }
0x7d: {  	_ =	shalt  }
0x7e: {  	_ =	shalt  }
0x7f: {  	_ =	shalt  }
0x80: {  	_ =	shalt  }
0x81: {  	_ =	shalt  }
0x82: {  	_ =	shalt  }
0x83: {  	_ =	shalt  }
0x84: {  	_ =	shalt  }
0x85: {  	_ =	shalt  }
0x86: {  	_ =	shalt  }
0x87: {  	_ =	shalt  }
.Lfunc_end0:
.L_simem_size_0:
called_computation_lowered:
.L_overlay_start_0:
0x88: {  	s2 =	sld [smem:$0x3FD9]  }
0x89: {  	s3 =	sld [smem:$0x3FFE];
	_ =	sdelay $0x1  }
0x8a: {  	s1 =	srdreg.scid  }
0x8b: {  	s0 =	sand.u32 $0x1, s1  }
0x8c: {  	s17 =	sshll.u32 s0, $0xA;
	s2 =	sadd.s32 s3, s2  }
0x8d: {  	s2 =	sadd.s32 s2, s17  }
0x8e: {  	[smem:$0x3FC2] =	sst s2  }
0x8f: {  	_ = 	snop  }
0x90: {  	s2 =	sld [smem:$0x3FD0];
	(tm) =	ssettm $0x1  }
0x91: {  	s18 =	sld [smem:$0x3FFB];
	_ =	sdelay $0x3  }
0x92: {  	_ =	strace s18  }
0x93: {  	s3 =	sld [smem:$0x3FFC];
	_ =	sdelay $0x3  }
0x94: {  	_ =	strace s3  }
0x95: {  	s3 =	sld [smem:$0x3FFD];
	_ =	sdelay $0x3  }
0x96: {  	_ =	strace s3  }
0x97: {  	_ =	strace $0x8FFFFFFF  }
0x98: {  	s19 =	sld [smem:$0x3FDB];
	_ =	sdelay $0x1  }
0x99: {  	s4 =	simm.s32 $_scs_section_size  }
0x9a: {  	s5 =	simm.s32 $_size__tile_overlayer_lowered;
	s6 =	simm.s32 $_tile_overlayer_lowered  }
0x9b: {  	s22 =	simm.s32 $0x1BFF;
	s21 =	sshll.u32 s6, $0x1;
	s3 =	sadd.s32 s4, s19  }
0x9c: {  	s7 =	simm.s32 $0x0;
	s20 =	sshll.u32 s5, $0x1;
	s5 =	sadd.s32 s21, s3  }
0x9d: {  	[timem:s7], [sflag:s22] =	dma.local [hbm:s5], s20  }
0x9e: {  	_ =	swait.ge [sflag:s22], s20  }
0x9f: {  	s4 =	ssub.s32 $0x0, s20;
	[sflag:s22] =	ssyncset.done $0x0  }
0xa0: {  	[sflag:s22] =	ssyncadd.s32 s4;
	_ =	sdelay $0x1  }
0xa1: {  	s23 =	simm.s32 $0x1B8B  }
0xa2: {  	_ =	swait.ge [sflag:s23], $0x1  }
0xa3: {  	[sflag:s23] =	ssyncset.done $0x0  }
0xa4: {  	s25 =	simm.s32 $0x1B8E;
	s24 =	sld [smem:$0x3FFE];
	[sflag:s23] =	ssyncadd.s32 $0xFFFFFFFF  }
0xa5: {  	s26 =	simm.s32 $execute0_lowered;
	[smem:$0x3FD2] =	sst s25  }
0xa6: {  	s5 =	sshll.u32 s26, $0x1;
	_ =	strace $0x80000046;
	[dreg:$0x1] =	wrdreg $0xFFFFFFFF  }
0xa7: {  	s28 =	simm.s32 $_size_execute0_lowered;
	s3 =	sadd.s32 s3, s5;
	[dreg:$0x0] =	wrdreg $0x0  }
0xa8: {  	s5 =	sshll.u32 s28, $0x1;
	[dreg:$0x2] =	wrdreg s3  }
0xa9: {  	[dreg:$0x3] =	wrdreg s5  }
0xaa: {  	[dreg:$0x4] =	wrdreg $0xC0  }
0xab: {  	_ =	task [dreg:s7], $0x5FFFF  }
0xac: {  	[dreg:$0x1] =	wrdreg $0xFFFFFFFF  }
0xad: {  	[dreg:$0x0] =	wrdreg $0x60  }
0xae: {  	[dreg:$0x2] =	wrdreg s2  }
0xaf: {  	[dreg:$0x3] =	wrdreg s24  }
0xb0: {  	[dreg:$0x4] =	wrdreg $0xA0000  }
0xb1: {  	[dreg:$0x5] =	wrdreg $0x9  }
0xb2: {  	_ =	task.clear_ibuf [dreg:s7], $0x6FFFF;
	_ =	strace $0x90000046  }
0xb3: {  	s29 =	simm.s32 $0x9;
	_ =	strace $0x80000048  }
0xb4: {  	_ =	swait.ge [sflag:s29], $0x1  }
0xb5: {  	[sflag:s29] =	ssyncadd.s32 $0xFFFFFFFF  }
0xb6: {  	_ =	strace $0x90000048  }
0xb7: {  	_ =	sfence  }
0xb8: {  	s30 =	sld [smem:$0x0];
	_ =	sdelay $0x2  }
0xb9: {  	s31 =	sshll.u32 s1, $0xD;
	s1 =	sshrl.u32 s1, $0x2  }
0xba: {  	s3 =	sand.u32 $0x4000, s31;
	s1 =	sadd.s32 s1, s30  }
0xbb: {  	s0 =	sor.u32 s3, s0;
	s1 =	sshll.u32 s1, $0x11  }
0xbc: {  	s0 =	sor.u32 s1, s0  }
0xbd: {  	s0 =	sadd.s32 $0x8F2B, s0  }
0xbe: {  	[sflag:s0] =	ssyncadd.remote.s32 $0x1  }
0xbf: {  	_ =	sfence.sel $0xFFFF  }
0xc0: {  	[dreg:$0x0] =	wrdreg $0xFFFFFFFF;
	(pc) =	sbr.abs _section_cstart, $3  }
0xc1: {  	[dreg:$0x1] =	wrdreg $0xFFFFFFFF  }
0xc2: {  	_ =	task.clear_ibuf [dreg:s7], $0x2FFFF;
	_ =	strace $0x9FFFFFFF  }
0xc3: {  	(tm) =	ssettm $0x7FFFFFFF  }
tec
execute0_lowered:
.L_overlay_start_1:
0x0: {  	(tag) =	ssettag $0x1  }
0x1: {  	s1 =	rddreg [dreg:$0x0]  }
0x2: {  	s3 =	rddreg [dreg:$0x1]  }
0x3: {  	s11 =	stileid.u32;
	s0 =	srdreg.scid  }
0x4: {  	s5 =	smul.u32 $0x14000, s11;
	s4 =	sand.u32 $0x1, s0;
	s10 =	sshll.u32 s11, $0x1  }
0x5: {  	s2 =	rddreg [dreg:$0x2];
	s0 =	sor.u32 s4, s10  }
0x6: {  	s8 =	simm.s32 $0x0;
	s7 =	sshrl.u32 s5, $0x3;
	s0 =	smul.u32 $0x2800, s0  }
0x7: {  	[smem:$0x7FF] =	sst s8;
	s6 =	sadd.s32 $0x2800, s3;
	s7 =	sadd.s32 s7, s3  }
0x8: {  	[dreg:$0x12] =	wrdreg s4;
	s7 =	sadd.s32 $0x5C800, s7;
	s0 =	sshrl.u32 s0, $0x3  }
0x9: {  	_ =	strace $0x80000047;
	[dreg:$0x4] =	wrdreg s7;
	s12 =	sadd.s32 s1, s0  }
0xa: {  	s13 =	sadd.s32 s6, s0;
	[dreg:$0x5] =	wrdreg s12  }
0xb: {  	s20 =	smul.u32 $0x50000, s11;
	s10 =	sadd.s32 $0x100, s0;
	[dreg:$0x6] =	wrdreg s13  }
0xc: {  	s26 =	sshll.u32 s11, $0x6;
	s14 =	sadd.s32 s1, s10;
	s29 =	rddreg [dreg:$0x4]  }
0xd: {  	s16 =	sadd.s32 $0x200, s0;
	s15 =	sadd.s32 s6, s10;
	[dreg:$0x7] =	wrdreg s14  }
0xe: {  	s9 =	smul.u32 $0x140000, s4;
	s17 =	sadd.s32 s1, s16;
	[dreg:$0x8] =	wrdreg s15  }
0xf: {  	s19 =	sadd.s32 $0x300, s0;
	s18 =	sadd.s32 s6, s16;
	[dreg:$0x9] =	wrdreg s17  }
0x10: {  	s5 =	sadd.s32 s5, s9;
	s21 =	sadd.s32 s1, s19;
	[dreg:$0xa] =	wrdreg s18  }
0x11: {  	s23 =	sadd.s32 $0x400, s0;
	s22 =	sadd.s32 s6, s19;
	[dreg:$0xb] =	wrdreg s21  }
0x12: {  	s5 =	sshrl.u32 s5, $0x3;
	s0 =	sadd.s32 s1, s23;
	[dreg:$0xc] =	wrdreg s22  }
0x13: {  	s5 =	sadd.s32 s5, s3;
	s28 =	sadd.s32 s6, s23;
	[dreg:$0xd] =	wrdreg s0  }
0x14: {  	s24 =	sshrl.u32 s20, $0x2;
	s5 =	sadd.s32 $0x84800, s5;
	[dreg:$0xe] =	wrdreg s28  }
0x15: {  	s25 =	sadd.s32 s24, s2;
	s0 =	sor.u32 $0x1C07, s26;
	[dreg:$0xf] =	wrdreg s5  }
0x16: {  	s16 =	sshrl.u32 s25, $0x3;
	s5 =	simm.s32 $0x7;
	[dreg:$0x10] =	wrdreg s0  }
0x17: {  	[spmem:s16], [sflag:s0] =	dma.local [hbm:s29], $0x2800  }
0x18: {  	_ =	swait.ge [sflag:s5], $0x2800  }
0x19: {  	[sflag:s5] =	ssyncset.done $0x0  }
0x1a: {  	s30 =	rddreg [dreg:$0x5];
	[sflag:s5] =	ssyncadd.s32 $0xFFFFD800  }
0x1b: {  	[tilespmem:s8], [sflag:$0x7] =	stream.linear.gather [hbm4b:s30+s8], $0x800, $0x38;
	[tilespmem:$0x1E000] =	vst v63  }
0x1c: {  	_ =	swait.ge [sflag:s5], $0x800  }
0x1d: {  	[sflag:s5] =	ssyncset.done $0x0  }
0x1e: {  	s28 =	simm.s32 $0x1000;
	s31 =	rddreg [dreg:$0x6];
	[sflag:s5] =	ssyncadd.s32 $0xFFFFF800  }
0x1f: {  	[tilespmem:s28], [sflag:$0x7] =	stream.linear.gather [hbm4b:s31+s8], $0x800, $0x38;
	[tilespmem:$0x1E000] =	vst v63  }
0x20: {  	_ =	swait.ge [sflag:s5], $0x800  }
0x21: {  	[sflag:s5] =	ssyncset.done $0x0  }
0x22: {  	[sflag:s5] =	ssyncadd.s32 $0xFFFFF800  }
0x23: {  	[bflag:$0x0] =	sbarrier.arrive $0xFFFF  }
0x24: {  	s4 =	simm.s32 $0x800;
	s1 =	rddreg [dreg:$0x7]  }
0x25: {  	[tilespmem:s4], [sflag:$0x4] =	stream.linear.gather [hbm4b:s1+s8], $0x800, $0x38;
	[tilespmem:$0x1E000] =	vst v63  }
0x26: {  	s7 =	simm.s32 $0x1800;
	s6 =	rddreg [dreg:$0x8]  }
0x27: {  	[tilespmem:s7], [sflag:$0x6] =	stream.linear.gather [hbm4b:s6+s8], $0x800, $0x38;
	[tilespmem:$0x1E000] =	vst v63  }
0x28: {  	s11 =	simm.s32 $0x80;
	s10 =	sadd.s32 $0x34800, s3;
	s12 =	simm.s32 $0x2000  }
0x29: {  	[tilespmem:s12], [sflag:$0x1] =	stream.indirect.gather [hbm4b:s10+s11], $0x80, s8, s11, $0xb8;
	[tilespmem:$0x1E000] =	vst v63  }
0x2a: {  	s13 =	simm.s32 $0x6000;
	s14 =	simm.s32 $0x1  }
0x2b: {  	[tilespmem:s13], [sflag:$0x2] =	stream.indirect.gather [hbm4b:s10+s11], $0x80, s11, s11, $0xb8;
	[tilespmem:$0x1E000] =	vst v63  }
0x2c: {  	_ =	swait.ge [sflag:s14], $0x4000  }
0x2d: {  	[sflag:s14] =	ssyncset.done $0x0  }
0x2e: {  	[sflag:s14] =	ssyncadd.s32 $0xFFFFC000  }
0x2f: {  	[spmem:s2] =	stream.indirect.scatter.add.f32 [tilespmem:s12], [sflag:$0x7], $0x80, s28, s11, $0xb8;
	[tilespmem:$0x1E000] =	vst v63  }
0x30: {  	_ =	swait.ge [sflag:s5], $0x4000  }
0x31: {  	[sflag:s5] =	ssyncset.done $0x0  }
0x32: {  	s15 =	simm.s32 $0x2;
	[sflag:s5] =	ssyncadd.s32 $0xFFFFC000  }
0x33: {  	_ =	swait.ge [sflag:s15], $0x4000  }
0x34: {  	[sflag:s15] =	ssyncset.done $0x0  }
0x35: {  	s9 =	simm.s32 $0x1080;
	[sflag:s15] =	ssyncadd.s32 $0xFFFFC000  }
0x36: {  	[spmem:s2] =	stream.indirect.scatter.add.f32 [tilespmem:s13], [sflag:$0x7], $0x80, s9, s11, $0xb8;
	[tilespmem:$0x1E000] =	vst v63  }
0x37: {  	_ =	swait.ge [sflag:s5], $0x4000  }
0x38: {  	[sflag:s5] =	ssyncset.done $0x0  }
0x39: {  	s17 =	simm.s32 $0x100;
	[sflag:s5] =	ssyncadd.s32 $0xFFFFC000  }
0x3a: {  	[tilespmem:s12], [sflag:$0x1] =	stream.indirect.gather [hbm4b:s10+s11], $0x80, s17, s11, $0xb8;
	[tilespmem:$0x1E000] =	vst v63  }
0x3b: {  	s18 =	simm.s32 $0x180  }
0x3c: {  	[tilespmem:s13], [sflag:$0x2] =	stream.indirect.gather [hbm4b:s10+s11], $0x80, s18, s11, $0xb8;
	[tilespmem:$0x1E000] =	vst v63  }
0x3d: {  	_ =	swait.ge [sflag:s14], $0x4000  }
0x3e: {  	[sflag:s14] =	ssyncset.done $0x0  }
0x3f: {  	s19 =	simm.s32 $0x1100;
	[sflag:s14] =	ssyncadd.s32 $0xFFFFC000  }
0x40: {  	[spmem:s2] =	stream.indirect.scatter.add.f32 [tilespmem:s12], [sflag:$0x7], $0x80, s19, s11, $0xb8;
	[tilespmem:$0x1E000] =	vst v63  }
0x41: {  	_ =	swait.ge [sflag:s5], $0x4000  }
0x42: {  	[sflag:s5] =	ssyncset.done $0x0  }
0x43: {  	[sflag:s5] =	ssyncadd.s32 $0xFFFFC000  }
0x44: {  	_ =	swait.ge [sflag:s15], $0x4000  }
0x45: {  	[sflag:s15] =	ssyncset.done $0x0  }
0x46: {  	s20 =	simm.s32 $0x1180;
	[sflag:s15] =	ssyncadd.s32 $0xFFFFC000  }
0x47: {  	[spmem:s2] =	stream.indirect.scatter.add.f32 [tilespmem:s13], [sflag:$0x7], $0x80, s20, s11, $0xb8;
	[tilespmem:$0x1E000] =	vst v63  }
0x48: {  	_ =	swait.ge [sflag:s5], $0x4000  }
0x49: {  	[sflag:s5] =	ssyncset.done $0x0  }
0x4a: {  	s21 =	simm.s32 $0x200;
	[sflag:s5] =	ssyncadd.s32 $0xFFFFC000  }
0x4b: {  	[tilespmem:s12], [sflag:$0x1] =	stream.indirect.gather [hbm4b:s10+s11], $0x80, s21, s11, $0xb8;
	[tilespmem:$0x1E000] =	vst v63  }
0x4c: {  	s22 =	simm.s32 $0x280  }
0x4d: {  	[tilespmem:s13], [sflag:$0x2] =	stream.indirect.gather [hbm4b:s10+s11], $0x80, s22, s11, $0xb8;
	[tilespmem:$0x1E000] =	vst v63  }
0x4e: {  	_ =	swait.ge [sflag:s14], $0x4000  }
0x4f: {  	[sflag:s14] =	ssyncset.done $0x0  }
0x50: {  	s23 =	simm.s32 $0x1200;
	[sflag:s14] =	ssyncadd.s32 $0xFFFFC000  }
0x51: {  	[spmem:s2] =	stream.indirect.scatter.add.f32 [tilespmem:s12], [sflag:$0x7], $0x80, s23, s11, $0xb8;
	[tilespmem:$0x1E000] =	vst v63  }
0x52: {  	_ =	swait.ge [sflag:s5], $0x4000  }
0x53: {  	[sflag:s5] =	ssyncset.done $0x0  }
0x54: {  	[sflag:s5] =	ssyncadd.s32 $0xFFFFC000  }
0x55: {  	_ =	swait.ge [sflag:s15], $0x4000  }
0x56: {  	[sflag:s15] =	ssyncset.done $0x0  }
0x57: {  	s24 =	simm.s32 $0x1280;
	[sflag:s15] =	ssyncadd.s32 $0xFFFFC000  }
0x58: {  	[spmem:s2] =	stream.indirect.scatter.add.f32 [tilespmem:s13], [sflag:$0x7], $0x80, s24, s11, $0xb8;
	[tilespmem:$0x1E000] =	vst v63  }
0x59: {  	_ =	swait.ge [sflag:s5], $0x4000  }
0x5a: {  	[sflag:s5] =	ssyncset.done $0x0  }
0x5b: {  	s25 =	simm.s32 $0x300;
	[sflag:s5] =	ssyncadd.s32 $0xFFFFC000  }
0x5c: {  	[tilespmem:s12], [sflag:$0x1] =	stream.indirect.gather [hbm4b:s10+s11], $0x80, s25, s11, $0xb8;
	[tilespmem:$0x1E000] =	vst v63  }
0x5d: {  	s26 =	simm.s32 $0x380  }
0x5e: {  	[tilespmem:s13], [sflag:$0x2] =	stream.indirect.gather [hbm4b:s10+s11], $0x80, s26, s11, $0xb8;
	[tilespmem:$0x1E000] =	vst v63  }
0x5f: {  	_ =	swait.ge [sflag:s14], $0x4000  }
0x60: {  	[sflag:s14] =	ssyncset.done $0x0  }
0x61: {  	s29 =	simm.s32 $0x1300;
	[sflag:s14] =	ssyncadd.s32 $0xFFFFC000  }
0x62: {  	[spmem:s2] =	stream.indirect.scatter.add.f32 [tilespmem:s12], [sflag:$0x7], $0x80, s29, s11, $0xb8;
	[tilespmem:$0x1E000] =	vst v63  }
0x63: {  	_ =	swait.ge [sflag:s5], $0x4000  }
0x64: {  	[sflag:s5] =	ssyncset.done $0x0  }
0x65: {  	[sflag:s5] =	ssyncadd.s32 $0xFFFFC000  }
0x66: {  	_ =	swait.ge [sflag:s15], $0x4000  }
0x67: {  	[sflag:s15] =	ssyncset.done $0x0  }
0x68: {  	s30 =	simm.s32 $0x1380;
	[sflag:s15] =	ssyncadd.s32 $0xFFFFC000  }
0x69: {  	[spmem:s2] =	stream.indirect.scatter.add.f32 [tilespmem:s13], [sflag:$0x7], $0x80, s30, s11, $0xb8;
	[tilespmem:$0x1E000] =	vst v63  }
0x6a: {  	_ =	swait.ge [sflag:s5], $0x4000  }
0x6b: {  	[sflag:s5] =	ssyncset.done $0x0  }
0x6c: {  	s31 =	simm.s32 $0x400;
	[sflag:s5] =	ssyncadd.s32 $0xFFFFC000  }
0x6d: {  	[tilespmem:s12], [sflag:$0x1] =	stream.indirect.gather [hbm4b:s10+s11], $0x80, s31, s11, $0xb8;
	[tilespmem:$0x1E000] =	vst v63  }
0x6e: {  	s1 =	simm.s32 $0x480  }
0x6f: {  	[tilespmem:s13], [sflag:$0x2] =	stream.indirect.gather [hbm4b:s10+s11], $0x80, s1, s11, $0xb8;
	[tilespmem:$0x1E000] =	vst v63  }
0x70: {  	_ =	swait.ge [sflag:s14], $0x4000  }
0x71: {  	[sflag:s14] =	ssyncset.done $0x0  }
0x72: {  	s3 =	simm.s32 $0x1400;
	[sflag:s14] =	ssyncadd.s32 $0xFFFFC000  }
0x73: {  	[spmem:s2] =	stream.indirect.scatter.add.f32 [tilespmem:s12], [sflag:$0x7], $0x80, s3, s11, $0xb8;
	[tilespmem:$0x1E000] =	vst v63  }
0x74: {  	_ =	swait.ge [sflag:s5], $0x4000  }
0x75: {  	[sflag:s5] =	ssyncset.done $0x0  }
0x76: {  	[sflag:s5] =	ssyncadd.s32 $0xFFFFC000  }
0x77: {  	_ =	swait.ge [sflag:s15], $0x4000  }
0x78: {  	[sflag:s15] =	ssyncset.done $0x0  }
0x79: {  	s4 =	simm.s32 $0x1480;
	[sflag:s15] =	ssyncadd.s32 $0xFFFFC000  }
0x7a: {  	[spmem:s2] =	stream.indirect.scatter.add.f32 [tilespmem:s13], [sflag:$0x7], $0x80, s4, s11, $0xb8;
	[tilespmem:$0x1E000] =	vst v63  }
0x7b: {  	_ =	swait.ge [sflag:s5], $0x4000  }
0x7c: {  	[sflag:s5] =	ssyncset.done $0x0  }
0x7d: {  	s6 =	simm.s32 $0x500;
	[sflag:s5] =	ssyncadd.s32 $0xFFFFC000  }
0x7e: {  	[tilespmem:s12], [sflag:$0x1] =	stream.indirect.gather [hbm4b:s10+s11], $0x80, s6, s11, $0xb8;
	[tilespmem:$0x1E000] =	vst v63  }
0x7f: {  	s7 =	simm.s32 $0x580  }
0x80: {  	[tilespmem:s13], [sflag:$0x2] =	stream.indirect.gather [hbm4b:s10+s11], $0x80, s7, s11, $0xb8;
	[tilespmem:$0x1E000] =	vst v63  }
0x81: {  	_ =	swait.ge [sflag:s14], $0x4000  }
0x82: {  	[sflag:s14] =	ssyncset.done $0x0  }
0x83: {  	s9 =	simm.s32 $0x1500;
	[sflag:s14] =	ssyncadd.s32 $0xFFFFC000  }
0x84: {  	[spmem:s2] =	stream.indirect.scatter.add.f32 [tilespmem:s12], [sflag:$0x7], $0x80, s9, s11, $0xb8;
	[tilespmem:$0x1E000] =	vst v63  }
0x85: {  	_ =	swait.ge [sflag:s5], $0x4000  }
0x86: {  	[sflag:s5] =	ssyncset.done $0x0  }
0x87: {  	[sflag:s5] =	ssyncadd.s32 $0xFFFFC000  }
0x88: {  	_ =	swait.ge [sflag:s15], $0x4000  }
0x89: {  	[sflag:s15] =	ssyncset.done $0x0  }
0x8a: {  	s17 =	simm.s32 $0x1580;
	[sflag:s15] =	ssyncadd.s32 $0xFFFFC000  }
0x8b: {  	[spmem:s2] =	stream.indirect.scatter.add.f32 [tilespmem:s13], [sflag:$0x7], $0x80, s17, s11, $0xb8;
	[tilespmem:$0x1E000] =	vst v63  }
0x8c: {  	_ =	swait.ge [sflag:s5], $0x4000  }
0x8d: {  	[sflag:s5] =	ssyncset.done $0x0  }
0x8e: {  	s18 =	simm.s32 $0x600;
	[sflag:s5] =	ssyncadd.s32 $0xFFFFC000  }
0x8f: {  	[tilespmem:s12], [sflag:$0x1] =	stream.indirect.gather [hbm4b:s10+s11], $0x80, s18, s11, $0xb8;
	[tilespmem:$0x1E000] =	vst v63  }
0x90: {  	s19 =	simm.s32 $0x680  }
0x91: {  	[tilespmem:s13], [sflag:$0x2] =	stream.indirect.gather [hbm4b:s10+s11], $0x80, s19, s11, $0xb8;
	[tilespmem:$0x1E000] =	vst v63  }
0x92: {  	_ =	swait.ge [sflag:s14], $0x4000  }
0x93: {  	[sflag:s14] =	ssyncset.done $0x0  }
0x94: {  	s20 =	simm.s32 $0x1600;
	[sflag:s14] =	ssyncadd.s32 $0xFFFFC000  }
0x95: {  	[spmem:s2] =	stream.indirect.scatter.add.f32 [tilespmem:s12], [sflag:$0x7], $0x80, s20, s11, $0xb8;
	[tilespmem:$0x1E000] =	vst v63  }
0x96: {  	_ =	swait.ge [sflag:s5], $0x4000  }
0x97: {  	[sflag:s5] =	ssyncset.done $0x0  }
0x98: {  	[sflag:s5] =	ssyncadd.s32 $0xFFFFC000  }
0x99: {  	_ =	swait.ge [sflag:s15], $0x4000  }
0x9a: {  	[sflag:s15] =	ssyncset.done $0x0  }
0x9b: {  	s21 =	simm.s32 $0x1680;
	[sflag:s15] =	ssyncadd.s32 $0xFFFFC000  }
0x9c: {  	[spmem:s2] =	stream.indirect.scatter.add.f32 [tilespmem:s13], [sflag:$0x7], $0x80, s21, s11, $0xb8;
	[tilespmem:$0x1E000] =	vst v63  }
0x9d: {  	_ =	swait.ge [sflag:s5], $0x4000  }
0x9e: {  	[sflag:s5] =	ssyncset.done $0x0  }
0x9f: {  	s22 =	simm.s32 $0x700;
	[sflag:s5] =	ssyncadd.s32 $0xFFFFC000  }
0xa0: {  	[tilespmem:s12], [sflag:$0x1] =	stream.indirect.gather [hbm4b:s10+s11], $0x80, s22, s11, $0xb8;
	[tilespmem:$0x1E000] =	vst v63  }
0xa1: {  	s23 =	simm.s32 $0x780  }
0xa2: {  	[tilespmem:s13], [sflag:$0x2] =	stream.indirect.gather [hbm4b:s10+s11], $0x80, s23, s11, $0xb8;
	[tilespmem:$0x1E000] =	vst v63  }
0xa3: {  	_ =	swait.ge [sflag:s14], $0x4000  }
0xa4: {  	[sflag:s14] =	ssyncset.done $0x0  }
0xa5: {  	s24 =	simm.s32 $0x1700;
	[sflag:s14] =	ssyncadd.s32 $0xFFFFC000  }
0xa6: {  	[spmem:s2] =	stream.indirect.scatter.add.f32 [tilespmem:s12], [sflag:$0x7], $0x80, s24, s11, $0xb8;
	[tilespmem:$0x1E000] =	vst v63  }
0xa7: {  	_ =	swait.ge [sflag:s5], $0x4000  }
0xa8: {  	[sflag:s5] =	ssyncset.done $0x0  }
0xa9: {  	[sflag:s5] =	ssyncadd.s32 $0xFFFFC000  }
0xaa: {  	_ =	swait.ge [sflag:s15], $0x4000  }
0xab: {  	[sflag:s15] =	ssyncset.done $0x0  }
0xac: {  	s25 =	simm.s32 $0x1780;
	[sflag:s15] =	ssyncadd.s32 $0xFFFFC000  }
0xad: {  	[spmem:s2] =	stream.indirect.scatter.add.f32 [tilespmem:s13], [sflag:$0x7], $0x80, s25, s11, $0xb8;
	[tilespmem:$0x1E000] =	vst v63  }
0xae: {  	_ =	swait.ge [sflag:s5], $0x4000  }
0xaf: {  	[sflag:s5] =	ssyncset.done $0x0  }
0xb0: {  	s6 =	simm.s32 $0x4;
	[sflag:s5] =	ssyncadd.s32 $0xFFFFC000  }
0xb1: {  	_ =	swait.ge [sflag:s6], $0x800  }
0xb2: {  	[sflag:s6] =	ssyncset.done $0x0  }
0xb3: {  	s4 =	simm.s32 $0x6;
	[sflag:s6] =	ssyncadd.s32 $0xFFFFF800  }
0xb4: {  	_ =	swait.ge [sflag:s4], $0x800  }
0xb5: {  	[sflag:s4] =	ssyncset.done $0x0  }
0xb6: {  	s26 =	rddreg [dreg:$0x9];
	[sflag:s4] =	ssyncadd.s32 $0xFFFFF800  }
0xb7: {  	[tilespmem:s8], [sflag:$0x3] =	stream.linear.gather [hbm4b:s26+s8], $0x800, $0x38;
	[tilespmem:$0x1E000] =	vst v63  }
0xb8: {  	s31 =	rddreg [dreg:$0xa]  }
0xb9: {  	[tilespmem:s28], [sflag:$0x5] =	stream.linear.gather [hbm4b:s31+s8], $0x800, $0x38;
	[tilespmem:$0x1E000] =	vst v63  }
0xba: {  	s9 =	simm.s32 $0x800  }
0xbb: {  	[tilespmem:s12], [sflag:$0x1] =	stream.indirect.gather [hbm4b:s10+s11], $0x80, s9, s11, $0xb8;
	[tilespmem:$0x1E000] =	vst v63  }
0xbc: {  	s29 =	simm.s32 $0x880  }
0xbd: {  	[tilespmem:s13], [sflag:$0x2] =	stream.indirect.gather [hbm4b:s10+s11], $0x80, s29, s11, $0xb8;
	[tilespmem:$0x1E000] =	vst v63  }
0xbe: {  	_ =	swait.ge [sflag:s14], $0x4000  }
0xbf: {  	[sflag:s14] =	ssyncset.done $0x0  }
0xc0: {  	s7 =	simm.s32 $0x1800;
	[sflag:s14] =	ssyncadd.s32 $0xFFFFC000  }
0xc1: {  	[spmem:s2] =	stream.indirect.scatter.add.f32 [tilespmem:s12], [sflag:$0x7], $0x80, s7, s11, $0xb8;
	[tilespmem:$0x1E000] =	vst v63  }
0xc2: {  	_ =	swait.ge [sflag:s5], $0x4000  }
0xc3: {  	[sflag:s5] =	ssyncset.done $0x0  }
0xc4: {  	[sflag:s5] =	ssyncadd.s32 $0xFFFFC000  }
0xc5: {  	_ =	swait.ge [sflag:s15], $0x4000  }
0xc6: {  	[sflag:s15] =	ssyncset.done $0x0  }
0xc7: {  	s30 =	simm.s32 $0x1880;
	[sflag:s15] =	ssyncadd.s32 $0xFFFFC000  }
0xc8: {  	[spmem:s2] =	stream.indirect.scatter.add.f32 [tilespmem:s13], [sflag:$0x7], $0x80, s30, s11, $0xb8;
	[tilespmem:$0x1E000] =	vst v63  }
0xc9: {  	_ =	swait.ge [sflag:s5], $0x4000  }
0xca: {  	[sflag:s5] =	ssyncset.done $0x0  }
0xcb: {  	s31 =	simm.s32 $0x900;
	[sflag:s5] =	ssyncadd.s32 $0xFFFFC000  }
0xcc: {  	[tilespmem:s12], [sflag:$0x1] =	stream.indirect.gather [hbm4b:s10+s11], $0x80, s31, s11, $0xb8;
	[tilespmem:$0x1E000] =	vst v63  }
0xcd: {  	s1 =	simm.s32 $0x980  }
0xce: {  	[tilespmem:s13], [sflag:$0x2] =	stream.indirect.gather [hbm4b:s10+s11], $0x80, s1, s11, $0xb8;
	[tilespmem:$0x1E000] =	vst v63  }
0xcf: {  	_ =	swait.ge [sflag:s14], $0x4000  }
0xd0: {  	[sflag:s14] =	ssyncset.done $0x0  }
0xd1: {  	s3 =	simm.s32 $0x1900;
	[sflag:s14] =	ssyncadd.s32 $0xFFFFC000  }
0xd2: {  	[spmem:s2] =	stream.indirect.scatter.add.f32 [tilespmem:s12], [sflag:$0x7], $0x80, s3, s11, $0xb8;
	[tilespmem:$0x1E000] =	vst v63  }
0xd3: {  	_ =	swait.ge [sflag:s5], $0x4000  }
0xd4: {  	[sflag:s5] =	ssyncset.done $0x0  }
0xd5: {  	[sflag:s5] =	ssyncadd.s32 $0xFFFFC000  }
0xd6: {  	_ =	swait.ge [sflag:s15], $0x4000  }
0xd7: {  	[sflag:s15] =	ssyncset.done $0x0  }
0xd8: {  	s17 =	simm.s32 $0x1980;
	[sflag:s15] =	ssyncadd.s32 $0xFFFFC000  }
0xd9: {  	[spmem:s2] =	stream.indirect.scatter.add.f32 [tilespmem:s13], [sflag:$0x7], $0x80, s17, s11, $0xb8;
	[tilespmem:$0x1E000] =	vst v63  }
0xda: {  	_ =	swait.ge [sflag:s5], $0x4000  }
0xdb: {  	[sflag:s5] =	ssyncset.done $0x0  }
0xdc: {  	s18 =	simm.s32 $0xA00;
	[sflag:s5] =	ssyncadd.s32 $0xFFFFC000  }
0xdd: {  	[tilespmem:s12], [sflag:$0x1] =	stream.indirect.gather [hbm4b:s10+s11], $0x80, s18, s11, $0xb8;
	[tilespmem:$0x1E000] =	vst v63  }
0xde: {  	s19 =	simm.s32 $0xA80  }
0xdf: {  	[tilespmem:s13], [sflag:$0x2] =	stream.indirect.gather [hbm4b:s10+s11], $0x80, s19, s11, $0xb8;
	[tilespmem:$0x1E000] =	vst v63  }
0xe0: {  	_ =	swait.ge [sflag:s14], $0x4000  }
0xe1: {  	[sflag:s14] =	ssyncset.done $0x0  }
0xe2: {  	s20 =	simm.s32 $0x1A00;
	[sflag:s14] =	ssyncadd.s32 $0xFFFFC000  }
0xe3: {  	[spmem:s2] =	stream.indirect.scatter.add.f32 [tilespmem:s12], [sflag:$0x7], $0x80, s20, s11, $0xb8;
	[tilespmem:$0x1E000] =	vst v63  }
0xe4: {  	_ =	swait.ge [sflag:s5], $0x4000  }
0xe5: {  	[sflag:s5] =	ssyncset.done $0x0  }
0xe6: {  	[sflag:s5] =	ssyncadd.s32 $0xFFFFC000  }
0xe7: {  	_ =	swait.ge [sflag:s15], $0x4000  }
0xe8: {  	[sflag:s15] =	ssyncset.done $0x0  }
0xe9: {  	s21 =	simm.s32 $0x1A80;
	[sflag:s15] =	ssyncadd.s32 $0xFFFFC000  }
0xea: {  	[spmem:s2] =	stream.indirect.scatter.add.f32 [tilespmem:s13], [sflag:$0x7], $0x80, s21, s11, $0xb8;
	[tilespmem:$0x1E000] =	vst v63  }
0xeb: {  	_ =	swait.ge [sflag:s5], $0x4000  }
0xec: {  	[sflag:s5] =	ssyncset.done $0x0  }
0xed: {  	s22 =	simm.s32 $0xB00;
	[sflag:s5] =	ssyncadd.s32 $0xFFFFC000  }
0xee: {  	[tilespmem:s12], [sflag:$0x1] =	stream.indirect.gather [hbm4b:s10+s11], $0x80, s22, s11, $0xb8;
	[tilespmem:$0x1E000] =	vst v63  }
0xef: {  	s23 =	simm.s32 $0xB80  }
0xf0: {  	[tilespmem:s13], [sflag:$0x2] =	stream.indirect.gather [hbm4b:s10+s11], $0x80, s23, s11, $0xb8;
	[tilespmem:$0x1E000] =	vst v63  }
0xf1: {  	_ =	swait.ge [sflag:s14], $0x4000  }
0xf2: {  	[sflag:s14] =	ssyncset.done $0x0  }
0xf3: {  	s24 =	simm.s32 $0x1B00;
	[sflag:s14] =	ssyncadd.s32 $0xFFFFC000  }
0xf4: {  	[spmem:s2] =	stream.indirect.scatter.add.f32 [tilespmem:s12], [sflag:$0x7], $0x80, s24, s11, $0xb8;
	[tilespmem:$0x1E000] =	vst v63  }
0xf5: {  	_ =	swait.ge [sflag:s5], $0x4000  }
0xf6: {  	[sflag:s5] =	ssyncset.done $0x0  }
0xf7: {  	[sflag:s5] =	ssyncadd.s32 $0xFFFFC000  }
0xf8: {  	_ =	swait.ge [sflag:s15], $0x4000  }
0xf9: {  	[sflag:s15] =	ssyncset.done $0x0  }
0xfa: {  	s25 =	simm.s32 $0x1B80;
	[sflag:s15] =	ssyncadd.s32 $0xFFFFC000  }
0xfb: {  	[spmem:s2] =	stream.indirect.scatter.add.f32 [tilespmem:s13], [sflag:$0x7], $0x80, s25, s11, $0xb8;
	[tilespmem:$0x1E000] =	vst v63  }
0xfc: {  	_ =	swait.ge [sflag:s5], $0x4000  }
0xfd: {  	[sflag:s5] =	ssyncset.done $0x0  }
0xfe: {  	s26 =	simm.s32 $0xC00;
	[sflag:s5] =	ssyncadd.s32 $0xFFFFC000  }
0xff: {  	[tilespmem:s12], [sflag:$0x1] =	stream.indirect.gather [hbm4b:s10+s11], $0x80, s26, s11, $0xb8;
	[tilespmem:$0x1E000] =	vst v63  }
0x100: {  	s29 =	simm.s32 $0xC80  }
0x101: {  	[tilespmem:s13], [sflag:$0x2] =	stream.indirect.gather [hbm4b:s10+s11], $0x80, s29, s11, $0xb8;
	[tilespmem:$0x1E000] =	vst v63  }
0x102: {  	_ =	swait.ge [sflag:s14], $0x4000  }
0x103: {  	[sflag:s14] =	ssyncset.done $0x0  }
0x104: {  	s30 =	simm.s32 $0x1C00;
	[sflag:s14] =	ssyncadd.s32 $0xFFFFC000  }
0x105: {  	[spmem:s2] =	stream.indirect.scatter.add.f32 [tilespmem:s12], [sflag:$0x7], $0x80, s30, s11, $0xb8;
	[tilespmem:$0x1E000] =	vst v63  }
0x106: {  	_ =	swait.ge [sflag:s5], $0x4000  }
0x107: {  	[sflag:s5] =	ssyncset.done $0x0  }
0x108: {  	[sflag:s5] =	ssyncadd.s32 $0xFFFFC000  }
0x109: {  	_ =	swait.ge [sflag:s15], $0x4000  }
0x10a: {  	[sflag:s15] =	ssyncset.done $0x0  }
0x10b: {  	s31 =	simm.s32 $0x1C80;
	[sflag:s15] =	ssyncadd.s32 $0xFFFFC000  }
0x10c: {  	[spmem:s2] =	stream.indirect.scatter.add.f32 [tilespmem:s13], [sflag:$0x7], $0x80, s31, s11, $0xb8;
	[tilespmem:$0x1E000] =	vst v63  }
0x10d: {  	_ =	swait.ge [sflag:s5], $0x4000  }
0x10e: {  	[sflag:s5] =	ssyncset.done $0x0  }
0x10f: {  	s1 =	simm.s32 $0xD00;
	[sflag:s5] =	ssyncadd.s32 $0xFFFFC000  }
0x110: {  	[tilespmem:s12], [sflag:$0x1] =	stream.indirect.gather [hbm4b:s10+s11], $0x80, s1, s11, $0xb8;
	[tilespmem:$0x1E000] =	vst v63  }
0x111: {  	s3 =	simm.s32 $0xD80  }
0x112: {  	[tilespmem:s13], [sflag:$0x2] =	stream.indirect.gather [hbm4b:s10+s11], $0x80, s3, s11, $0xb8;
	[tilespmem:$0x1E000] =	vst v63  }
0x113: {  	_ =	swait.ge [sflag:s14], $0x4000  }
0x114: {  	[sflag:s14] =	ssyncset.done $0x0  }
0x115: {  	s17 =	simm.s32 $0x1D00;
	[sflag:s14] =	ssyncadd.s32 $0xFFFFC000  }
0x116: {  	[spmem:s2] =	stream.indirect.scatter.add.f32 [tilespmem:s12], [sflag:$0x7], $0x80, s17, s11, $0xb8;
	[tilespmem:$0x1E000] =	vst v63  }
0x117: {  	_ =	swait.ge [sflag:s5], $0x4000  }
0x118: {  	[sflag:s5] =	ssyncset.done $0x0  }
0x119: {  	[sflag:s5] =	ssyncadd.s32 $0xFFFFC000  }
0x11a: {  	_ =	swait.ge [sflag:s15], $0x4000  }
0x11b: {  	[sflag:s15] =	ssyncset.done $0x0  }
0x11c: {  	s18 =	simm.s32 $0x1D80;
	[sflag:s15] =	ssyncadd.s32 $0xFFFFC000  }
0x11d: {  	[spmem:s2] =	stream.indirect.scatter.add.f32 [tilespmem:s13], [sflag:$0x7], $0x80, s18, s11, $0xb8;
	[tilespmem:$0x1E000] =	vst v63  }
0x11e: {  	_ =	swait.ge [sflag:s5], $0x4000  }
0x11f: {  	[sflag:s5] =	ssyncset.done $0x0  }
0x120: {  	s19 =	simm.s32 $0xE00;
	[sflag:s5] =	ssyncadd.s32 $0xFFFFC000  }
0x121: {  	[tilespmem:s12], [sflag:$0x1] =	stream.indirect.gather [hbm4b:s10+s11], $0x80, s19, s11, $0xb8;
	[tilespmem:$0x1E000] =	vst v63  }
0x122: {  	s20 =	simm.s32 $0xE80  }
0x123: {  	[tilespmem:s13], [sflag:$0x2] =	stream.indirect.gather [hbm4b:s10+s11], $0x80, s20, s11, $0xb8;
	[tilespmem:$0x1E000] =	vst v63  }
0x124: {  	_ =	swait.ge [sflag:s14], $0x4000  }
0x125: {  	[sflag:s14] =	ssyncset.done $0x0  }
0x126: {  	s21 =	simm.s32 $0x1E00;
	[sflag:s14] =	ssyncadd.s32 $0xFFFFC000  }
0x127: {  	[spmem:s2] =	stream.indirect.scatter.add.f32 [tilespmem:s12], [sflag:$0x7], $0x80, s21, s11, $0xb8;
	[tilespmem:$0x1E000] =	vst v63  }
0x128: {  	_ =	swait.ge [sflag:s5], $0x4000  }
0x129: {  	[sflag:s5] =	ssyncset.done $0x0  }
0x12a: {  	[sflag:s5] =	ssyncadd.s32 $0xFFFFC000  }
0x12b: {  	_ =	swait.ge [sflag:s15], $0x4000  }
0x12c: {  	[sflag:s15] =	ssyncset.done $0x0  }
0x12d: {  	s22 =	simm.s32 $0x1E80;
	[sflag:s15] =	ssyncadd.s32 $0xFFFFC000  }
0x12e: {  	[spmem:s2] =	stream.indirect.scatter.add.f32 [tilespmem:s13], [sflag:$0x7], $0x80, s22, s11, $0xb8;
	[tilespmem:$0x1E000] =	vst v63  }
0x12f: {  	_ =	swait.ge [sflag:s5], $0x4000  }
0x130: {  	[sflag:s5] =	ssyncset.done $0x0  }
0x131: {  	s23 =	simm.s32 $0xF00;
	[sflag:s5] =	ssyncadd.s32 $0xFFFFC000  }
0x132: {  	[tilespmem:s12], [sflag:$0x1] =	stream.indirect.gather [hbm4b:s10+s11], $0x80, s23, s11, $0xb8;
	[tilespmem:$0x1E000] =	vst v63  }
0x133: {  	s24 =	simm.s32 $0xF80  }
0x134: {  	[tilespmem:s13], [sflag:$0x2] =	stream.indirect.gather [hbm4b:s10+s11], $0x80, s24, s11, $0xb8;
	[tilespmem:$0x1E000] =	vst v63  }
0x135: {  	_ =	swait.ge [sflag:s14], $0x4000  }
0x136: {  	[sflag:s14] =	ssyncset.done $0x0  }
0x137: {  	s25 =	simm.s32 $0x1F00;
	[sflag:s14] =	ssyncadd.s32 $0xFFFFC000  }
0x138: {  	[spmem:s2] =	stream.indirect.scatter.add.f32 [tilespmem:s12], [sflag:$0x7], $0x80, s25, s11, $0xb8;
	[tilespmem:$0x1E000] =	vst v63  }
0x139: {  	_ =	swait.ge [sflag:s5], $0x4000  }
0x13a: {  	[sflag:s5] =	ssyncset.done $0x0  }
0x13b: {  	[sflag:s5] =	ssyncadd.s32 $0xFFFFC000  }
0x13c: {  	_ =	swait.ge [sflag:s15], $0x4000  }
0x13d: {  	[sflag:s15] =	ssyncset.done $0x0  }
0x13e: {  	s26 =	simm.s32 $0x1F80;
	[sflag:s15] =	ssyncadd.s32 $0xFFFFC000  }
0x13f: {  	[spmem:s2] =	stream.indirect.scatter.add.f32 [tilespmem:s13], [sflag:$0x7], $0x80, s26, s11, $0xb8;
	[tilespmem:$0x1E000] =	vst v63  }
0x140: {  	_ =	swait.ge [sflag:s5], $0x4000  }
0x141: {  	[sflag:s5] =	ssyncset.done $0x0  }
0x142: {  	s3 =	simm.s32 $0x3;
	[sflag:s5] =	ssyncadd.s32 $0xFFFFC000  }
0x143: {  	_ =	swait.ge [sflag:s3], $0x800  }
0x144: {  	[sflag:s3] =	ssyncset.done $0x0  }
0x145: {  	s1 =	simm.s32 $0x5;
	[sflag:s3] =	ssyncadd.s32 $0xFFFFF800  }
0x146: {  	_ =	swait.ge [sflag:s1], $0x800  }
0x147: {  	[sflag:s1] =	ssyncset.done $0x0  }
0x148: {  	s17 =	rddreg [dreg:$0xb];
	[sflag:s1] =	ssyncadd.s32 $0xFFFFF800  }
0x149: {  	[tilespmem:s9], [sflag:$0x4] =	stream.linear.gather [hbm4b:s17+s8], $0x800, $0x38;
	[tilespmem:$0x1E000] =	vst v63  }
0x14a: {  	s29 =	rddreg [dreg:$0xc]  }
0x14b: {  	[tilespmem:s7], [sflag:$0x6] =	stream.linear.gather [hbm4b:s29+s8], $0x800, $0x38;
	[tilespmem:$0x1E000] =	vst v63  }
0x14c: {  	_ = 	snop  }
0x14d: {  	[tilespmem:s12], [sflag:$0x1] =	stream.indirect.gather [hbm4b:s10+s11], $0x80, s8, s11, $0xb8;
	[tilespmem:$0x1E000] =	vst v63  }
0x14e: {  	_ = 	snop  }
0x14f: {  	[tilespmem:s13], [sflag:$0x2] =	stream.indirect.gather [hbm4b:s10+s11], $0x80, s11, s11, $0xb8;
	[tilespmem:$0x1E000] =	vst v63  }
0x150: {  	_ =	swait.ge [sflag:s14], $0x4000  }
0x151: {  	[sflag:s14] =	ssyncset.done $0x0  }
0x152: {  	[sflag:s14] =	ssyncadd.s32 $0xFFFFC000  }
0x153: {  	[spmem:s2] =	stream.indirect.scatter.add.f32 [tilespmem:s12], [sflag:$0x7], $0x80, s28, s11, $0xb8;
	[tilespmem:$0x1E000] =	vst v63  }
0x154: {  	_ =	swait.ge [sflag:s5], $0x4000  }
0x155: {  	[sflag:s5] =	ssyncset.done $0x0  }
0x156: {  	[sflag:s5] =	ssyncadd.s32 $0xFFFFC000  }
0x157: {  	_ =	swait.ge [sflag:s15], $0x4000  }
0x158: {  	[sflag:s15] =	ssyncset.done $0x0  }
0x159: {  	s30 =	simm.s32 $0x1080;
	[sflag:s15] =	ssyncadd.s32 $0xFFFFC000  }
0x15a: {  	[spmem:s2] =	stream.indirect.scatter.add.f32 [tilespmem:s13], [sflag:$0x7], $0x80, s30, s11, $0xb8;
	[tilespmem:$0x1E000] =	vst v63  }
0x15b: {  	_ =	swait.ge [sflag:s5], $0x4000  }
0x15c: {  	[sflag:s5] =	ssyncset.done $0x0  }
0x15d: {  	s31 =	simm.s32 $0x100;
	[sflag:s5] =	ssyncadd.s32 $0xFFFFC000  }
0x15e: {  	[tilespmem:s12], [sflag:$0x1] =	stream.indirect.gather [hbm4b:s10+s11], $0x80, s31, s11, $0xb8;
	[tilespmem:$0x1E000] =	vst v63  }
0x15f: {  	s17 =	simm.s32 $0x180  }
0x160: {  	[tilespmem:s13], [sflag:$0x2] =	stream.indirect.gather [hbm4b:s10+s11], $0x80, s17, s11, $0xb8;
	[tilespmem:$0x1E000] =	vst v63  }
0x161: {  	_ =	swait.ge [sflag:s14], $0x4000  }
0x162: {  	[sflag:s14] =	ssyncset.done $0x0  }
0x163: {  	s18 =	simm.s32 $0x1100;
	[sflag:s14] =	ssyncadd.s32 $0xFFFFC000  }
0x164: {  	[spmem:s2] =	stream.indirect.scatter.add.f32 [tilespmem:s12], [sflag:$0x7], $0x80, s18, s11, $0xb8;
	[tilespmem:$0x1E000] =	vst v63  }
0x165: {  	_ =	swait.ge [sflag:s5], $0x4000  }
0x166: {  	[sflag:s5] =	ssyncset.done $0x0  }
0x167: {  	[sflag:s5] =	ssyncadd.s32 $0xFFFFC000  }
0x168: {  	_ =	swait.ge [sflag:s15], $0x4000  }
0x169: {  	[sflag:s15] =	ssyncset.done $0x0  }
0x16a: {  	s19 =	simm.s32 $0x1180;
	[sflag:s15] =	ssyncadd.s32 $0xFFFFC000  }
0x16b: {  	[spmem:s2] =	stream.indirect.scatter.add.f32 [tilespmem:s13], [sflag:$0x7], $0x80, s19, s11, $0xb8;
	[tilespmem:$0x1E000] =	vst v63  }
0x16c: {  	_ =	swait.ge [sflag:s5], $0x4000  }
0x16d: {  	[sflag:s5] =	ssyncset.done $0x0  }
0x16e: {  	s20 =	simm.s32 $0x200;
	[sflag:s5] =	ssyncadd.s32 $0xFFFFC000  }
0x16f: {  	[tilespmem:s12], [sflag:$0x1] =	stream.indirect.gather [hbm4b:s10+s11], $0x80, s20, s11, $0xb8;
	[tilespmem:$0x1E000] =	vst v63  }
0x170: {  	s21 =	simm.s32 $0x280  }
0x171: {  	[tilespmem:s13], [sflag:$0x2] =	stream.indirect.gather [hbm4b:s10+s11], $0x80, s21, s11, $0xb8;
	[tilespmem:$0x1E000] =	vst v63  }
0x172: {  	_ =	swait.ge [sflag:s14], $0x4000  }
0x173: {  	[sflag:s14] =	ssyncset.done $0x0  }
0x174: {  	s22 =	simm.s32 $0x1200;
	[sflag:s14] =	ssyncadd.s32 $0xFFFFC000  }
0x175: {  	[spmem:s2] =	stream.indirect.scatter.add.f32 [tilespmem:s12], [sflag:$0x7], $0x80, s22, s11, $0xb8;
	[tilespmem:$0x1E000] =	vst v63  }
0x176: {  	_ =	swait.ge [sflag:s5], $0x4000  }
0x177: {  	[sflag:s5] =	ssyncset.done $0x0  }
0x178: {  	[sflag:s5] =	ssyncadd.s32 $0xFFFFC000  }
0x179: {  	_ =	swait.ge [sflag:s15], $0x4000  }
0x17a: {  	[sflag:s15] =	ssyncset.done $0x0  }
0x17b: {  	s23 =	simm.s32 $0x1280;
	[sflag:s15] =	ssyncadd.s32 $0xFFFFC000  }
0x17c: {  	[spmem:s2] =	stream.indirect.scatter.add.f32 [tilespmem:s13], [sflag:$0x7], $0x80, s23, s11, $0xb8;
	[tilespmem:$0x1E000] =	vst v63  }
0x17d: {  	_ =	swait.ge [sflag:s5], $0x4000  }
0x17e: {  	[sflag:s5] =	ssyncset.done $0x0  }
0x17f: {  	s24 =	simm.s32 $0x300;
	[sflag:s5] =	ssyncadd.s32 $0xFFFFC000  }
0x180: {  	[tilespmem:s12], [sflag:$0x1] =	stream.indirect.gather [hbm4b:s10+s11], $0x80, s24, s11, $0xb8;
	[tilespmem:$0x1E000] =	vst v63  }
0x181: {  	s25 =	simm.s32 $0x380  }
0x182: {  	[tilespmem:s13], [sflag:$0x2] =	stream.indirect.gather [hbm4b:s10+s11], $0x80, s25, s11, $0xb8;
	[tilespmem:$0x1E000] =	vst v63  }
0x183: {  	_ =	swait.ge [sflag:s14], $0x4000  }
0x184: {  	[sflag:s14] =	ssyncset.done $0x0  }
0x185: {  	s26 =	simm.s32 $0x1300;
	[sflag:s14] =	ssyncadd.s32 $0xFFFFC000  }
0x186: {  	[spmem:s2] =	stream.indirect.scatter.add.f32 [tilespmem:s12], [sflag:$0x7], $0x80, s26, s11, $0xb8;
	[tilespmem:$0x1E000] =	vst v63  }
0x187: {  	_ =	swait.ge [sflag:s5], $0x4000  }
0x188: {  	[sflag:s5] =	ssyncset.done $0x0  }
0x189: {  	[sflag:s5] =	ssyncadd.s32 $0xFFFFC000  }
0x18a: {  	_ =	swait.ge [sflag:s15], $0x4000  }
0x18b: {  	[sflag:s15] =	ssyncset.done $0x0  }
0x18c: {  	s29 =	simm.s32 $0x1380;
	[sflag:s15] =	ssyncadd.s32 $0xFFFFC000  }
0x18d: {  	[spmem:s2] =	stream.indirect.scatter.add.f32 [tilespmem:s13], [sflag:$0x7], $0x80, s29, s11, $0xb8;
	[tilespmem:$0x1E000] =	vst v63  }
0x18e: {  	_ =	swait.ge [sflag:s5], $0x4000  }
0x18f: {  	[sflag:s5] =	ssyncset.done $0x0  }
0x190: {  	s30 =	simm.s32 $0x400;
	[sflag:s5] =	ssyncadd.s32 $0xFFFFC000  }
0x191: {  	[tilespmem:s12], [sflag:$0x1] =	stream.indirect.gather [hbm4b:s10+s11], $0x80, s30, s11, $0xb8;
	[tilespmem:$0x1E000] =	vst v63  }
0x192: {  	s31 =	simm.s32 $0x480  }
0x193: {  	[tilespmem:s13], [sflag:$0x2] =	stream.indirect.gather [hbm4b:s10+s11], $0x80, s31, s11, $0xb8;
	[tilespmem:$0x1E000] =	vst v63  }
0x194: {  	_ =	swait.ge [sflag:s14], $0x4000  }
0x195: {  	[sflag:s14] =	ssyncset.done $0x0  }
0x196: {  	s0 =	simm.s32 $0x1400;
	[sflag:s14] =	ssyncadd.s32 $0xFFFFC000  }
0x197: {  	[spmem:s2] =	stream.indirect.scatter.add.f32 [tilespmem:s12], [sflag:$0x7], $0x80, s0, s11, $0xb8;
	[tilespmem:$0x1E000] =	vst v63  }
0x198: {  	_ =	swait.ge [sflag:s5], $0x4000  }
0x199: {  	[sflag:s5] =	ssyncset.done $0x0  }
0x19a: {  	[sflag:s5] =	ssyncadd.s32 $0xFFFFC000  }
0x19b: {  	_ =	swait.ge [sflag:s15], $0x4000  }
0x19c: {  	[sflag:s15] =	ssyncset.done $0x0  }
0x19d: {  	s0 =	simm.s32 $0x1480;
	[sflag:s15] =	ssyncadd.s32 $0xFFFFC000  }
0x19e: {  	[spmem:s2] =	stream.indirect.scatter.add.f32 [tilespmem:s13], [sflag:$0x7], $0x80, s0, s11, $0xb8;
	[tilespmem:$0x1E000] =	vst v63  }
0x19f: {  	_ =	swait.ge [sflag:s5], $0x4000  }
0x1a0: {  	[sflag:s5] =	ssyncset.done $0x0  }
0x1a1: {  	s0 =	simm.s32 $0x500;
	[sflag:s5] =	ssyncadd.s32 $0xFFFFC000  }
0x1a2: {  	[tilespmem:s12], [sflag:$0x1] =	stream.indirect.gather [hbm4b:s10+s11], $0x80, s0, s11, $0xb8;
	[tilespmem:$0x1E000] =	vst v63  }
0x1a3: {  	s0 =	simm.s32 $0x580  }
0x1a4: {  	[tilespmem:s13], [sflag:$0x2] =	stream.indirect.gather [hbm4b:s10+s11], $0x80, s0, s11, $0xb8;
	[tilespmem:$0x1E000] =	vst v63  }
0x1a5: {  	_ =	swait.ge [sflag:s14], $0x4000  }
0x1a6: {  	[sflag:s14] =	ssyncset.done $0x0  }
0x1a7: {  	s0 =	simm.s32 $0x1500;
	[sflag:s14] =	ssyncadd.s32 $0xFFFFC000  }
0x1a8: {  	[spmem:s2] =	stream.indirect.scatter.add.f32 [tilespmem:s12], [sflag:$0x7], $0x80, s0, s11, $0xb8;
	[tilespmem:$0x1E000] =	vst v63  }
0x1a9: {  	_ =	swait.ge [sflag:s5], $0x4000  }
0x1aa: {  	[sflag:s5] =	ssyncset.done $0x0  }
0x1ab: {  	[sflag:s5] =	ssyncadd.s32 $0xFFFFC000  }
0x1ac: {  	_ =	swait.ge [sflag:s15], $0x4000  }
0x1ad: {  	[sflag:s15] =	ssyncset.done $0x0  }
0x1ae: {  	s0 =	simm.s32 $0x1580;
	[sflag:s15] =	ssyncadd.s32 $0xFFFFC000  }
0x1af: {  	[spmem:s2] =	stream.indirect.scatter.add.f32 [tilespmem:s13], [sflag:$0x7], $0x80, s0, s11, $0xb8;
	[tilespmem:$0x1E000] =	vst v63  }
0x1b0: {  	_ =	swait.ge [sflag:s5], $0x4000  }
0x1b1: {  	[sflag:s5] =	ssyncset.done $0x0  }
0x1b2: {  	s0 =	simm.s32 $0x600;
	[sflag:s5] =	ssyncadd.s32 $0xFFFFC000  }
0x1b3: {  	[tilespmem:s12], [sflag:$0x1] =	stream.indirect.gather [hbm4b:s10+s11], $0x80, s0, s11, $0xb8;
	[tilespmem:$0x1E000] =	vst v63  }
0x1b4: {  	s0 =	simm.s32 $0x680  }
0x1b5: {  	[tilespmem:s13], [sflag:$0x2] =	stream.indirect.gather [hbm4b:s10+s11], $0x80, s0, s11, $0xb8;
	[tilespmem:$0x1E000] =	vst v63  }
0x1b6: {  	_ =	swait.ge [sflag:s14], $0x4000  }
0x1b7: {  	[sflag:s14] =	ssyncset.done $0x0  }
0x1b8: {  	s0 =	simm.s32 $0x1600;
	[sflag:s14] =	ssyncadd.s32 $0xFFFFC000  }
0x1b9: {  	[spmem:s2] =	stream.indirect.scatter.add.f32 [tilespmem:s12], [sflag:$0x7], $0x80, s0, s11, $0xb8;
	[tilespmem:$0x1E000] =	vst v63  }
0x1ba: {  	_ =	swait.ge [sflag:s5], $0x4000  }
0x1bb: {  	[sflag:s5] =	ssyncset.done $0x0  }
0x1bc: {  	[sflag:s5] =	ssyncadd.s32 $0xFFFFC000  }
0x1bd: {  	_ =	swait.ge [sflag:s15], $0x4000  }
0x1be: {  	[sflag:s15] =	ssyncset.done $0x0  }
0x1bf: {  	s0 =	simm.s32 $0x1680;
	[sflag:s15] =	ssyncadd.s32 $0xFFFFC000  }
0x1c0: {  	[spmem:s2] =	stream.indirect.scatter.add.f32 [tilespmem:s13], [sflag:$0x7], $0x80, s0, s11, $0xb8;
	[tilespmem:$0x1E000] =	vst v63  }
0x1c1: {  	_ =	swait.ge [sflag:s5], $0x4000  }
0x1c2: {  	[sflag:s5] =	ssyncset.done $0x0  }
0x1c3: {  	s0 =	simm.s32 $0x700;
	[sflag:s5] =	ssyncadd.s32 $0xFFFFC000  }
0x1c4: {  	[tilespmem:s12], [sflag:$0x1] =	stream.indirect.gather [hbm4b:s10+s11], $0x80, s0, s11, $0xb8;
	[tilespmem:$0x1E000] =	vst v63  }
0x1c5: {  	s0 =	simm.s32 $0x780  }
0x1c6: {  	[tilespmem:s13], [sflag:$0x2] =	stream.indirect.gather [hbm4b:s10+s11], $0x80, s0, s11, $0xb8;
	[tilespmem:$0x1E000] =	vst v63  }
0x1c7: {  	_ =	swait.ge [sflag:s14], $0x4000  }
0x1c8: {  	[sflag:s14] =	ssyncset.done $0x0  }
0x1c9: {  	s0 =	simm.s32 $0x1700;
	[sflag:s14] =	ssyncadd.s32 $0xFFFFC000  }
0x1ca: {  	[spmem:s2] =	stream.indirect.scatter.add.f32 [tilespmem:s12], [sflag:$0x7], $0x80, s0, s11, $0xb8;
	[tilespmem:$0x1E000] =	vst v63  }
0x1cb: {  	_ =	swait.ge [sflag:s5], $0x4000  }
0x1cc: {  	[sflag:s5] =	ssyncset.done $0x0  }
0x1cd: {  	[sflag:s5] =	ssyncadd.s32 $0xFFFFC000  }
0x1ce: {  	_ =	swait.ge [sflag:s15], $0x4000  }
0x1cf: {  	[sflag:s15] =	ssyncset.done $0x0  }
0x1d0: {  	s0 =	simm.s32 $0x1780;
	[sflag:s15] =	ssyncadd.s32 $0xFFFFC000  }
0x1d1: {  	[spmem:s2] =	stream.indirect.scatter.add.f32 [tilespmem:s13], [sflag:$0x7], $0x80, s0, s11, $0xb8;
	[tilespmem:$0x1E000] =	vst v63  }
0x1d2: {  	_ =	swait.ge [sflag:s5], $0x4000  }
0x1d3: {  	[sflag:s5] =	ssyncset.done $0x0  }
0x1d4: {  	[sflag:s5] =	ssyncadd.s32 $0xFFFFC000  }
0x1d5: {  	_ =	swait.ge [sflag:s6], $0x800  }
0x1d6: {  	[sflag:s6] =	ssyncset.done $0x0  }
0x1d7: {  	[sflag:s6] =	ssyncadd.s32 $0xFFFFF800  }
0x1d8: {  	_ =	swait.ge [sflag:s4], $0x800  }
0x1d9: {  	[sflag:s4] =	ssyncset.done $0x0  }
0x1da: {  	s0 =	rddreg [dreg:$0xd];
	[sflag:s4] =	ssyncadd.s32 $0xFFFFF800  }
0x1db: {  	[tilespmem:s8], [sflag:$0x3] =	stream.linear.gather [hbm4b:s0+s8], $0x800, $0x38;
	[tilespmem:$0x1E000] =	vst v63  }
0x1dc: {  	s4 =	rddreg [dreg:$0xe]  }
0x1dd: {  	[tilespmem:s28], [sflag:$0x5] =	stream.linear.gather [hbm4b:s4+s8], $0x800, $0x38;
	[tilespmem:$0x1E000] =	vst v63  }
0x1de: {  	s9 =	simm.s32 $0x800  }
0x1df: {  	[tilespmem:s12], [sflag:$0x1] =	stream.indirect.gather [hbm4b:s10+s11], $0x80, s9, s11, $0xb8;
	[tilespmem:$0x1E000] =	vst v63  }
0x1e0: {  	s6 =	simm.s32 $0x880  }
0x1e1: {  	[tilespmem:s13], [sflag:$0x2] =	stream.indirect.gather [hbm4b:s10+s11], $0x80, s6, s11, $0xb8;
	[tilespmem:$0x1E000] =	vst v63  }
0x1e2: {  	_ =	swait.ge [sflag:s14], $0x4000  }
0x1e3: {  	[sflag:s14] =	ssyncset.done $0x0  }
0x1e4: {  	s7 =	simm.s32 $0x1800;
	[sflag:s14] =	ssyncadd.s32 $0xFFFFC000  }
0x1e5: {  	[spmem:s2] =	stream.indirect.scatter.add.f32 [tilespmem:s12], [sflag:$0x7], $0x80, s7, s11, $0xb8;
	[tilespmem:$0x1E000] =	vst v63  }
0x1e6: {  	_ =	swait.ge [sflag:s5], $0x4000  }
0x1e7: {  	[sflag:s5] =	ssyncset.done $0x0  }
0x1e8: {  	[sflag:s5] =	ssyncadd.s32 $0xFFFFC000  }
0x1e9: {  	_ =	swait.ge [sflag:s15], $0x4000  }
0x1ea: {  	[sflag:s15] =	ssyncset.done $0x0  }
0x1eb: {  	s9 =	simm.s32 $0x1880;
	[sflag:s15] =	ssyncadd.s32 $0xFFFFC000  }
0x1ec: {  	[spmem:s2] =	stream.indirect.scatter.add.f32 [tilespmem:s13], [sflag:$0x7], $0x80, s9, s11, $0xb8;
	[tilespmem:$0x1E000] =	vst v63  }
0x1ed: {  	_ =	swait.ge [sflag:s5], $0x4000  }
0x1ee: {  	[sflag:s5] =	ssyncset.done $0x0  }
0x1ef: {  	s4 =	simm.s32 $0x900;
	[sflag:s5] =	ssyncadd.s32 $0xFFFFC000  }
0x1f0: {  	[tilespmem:s12], [sflag:$0x1] =	stream.indirect.gather [hbm4b:s10+s11], $0x80, s4, s11, $0xb8;
	[tilespmem:$0x1E000] =	vst v63  }
0x1f1: {  	s6 =	simm.s32 $0x980  }
0x1f2: {  	[tilespmem:s13], [sflag:$0x2] =	stream.indirect.gather [hbm4b:s10+s11], $0x80, s6, s11, $0xb8;
	[tilespmem:$0x1E000] =	vst v63  }
0x1f3: {  	_ =	swait.ge [sflag:s14], $0x4000  }
0x1f4: {  	[sflag:s14] =	ssyncset.done $0x0  }
0x1f5: {  	s7 =	simm.s32 $0x1900;
	[sflag:s14] =	ssyncadd.s32 $0xFFFFC000  }
0x1f6: {  	[spmem:s2] =	stream.indirect.scatter.add.f32 [tilespmem:s12], [sflag:$0x7], $0x80, s7, s11, $0xb8;
	[tilespmem:$0x1E000] =	vst v63  }
0x1f7: {  	_ =	swait.ge [sflag:s5], $0x4000  }
0x1f8: {  	[sflag:s5] =	ssyncset.done $0x0  }
0x1f9: {  	[sflag:s5] =	ssyncadd.s32 $0xFFFFC000  }
0x1fa: {  	_ =	swait.ge [sflag:s15], $0x4000  }
0x1fb: {  	[sflag:s15] =	ssyncset.done $0x0  }
0x1fc: {  	s9 =	simm.s32 $0x1980;
	[sflag:s15] =	ssyncadd.s32 $0xFFFFC000  }
0x1fd: {  	[spmem:s2] =	stream.indirect.scatter.add.f32 [tilespmem:s13], [sflag:$0x7], $0x80, s9, s11, $0xb8;
	[tilespmem:$0x1E000] =	vst v63  }
0x1fe: {  	_ =	swait.ge [sflag:s5], $0x4000  }
0x1ff: {  	[sflag:s5] =	ssyncset.done $0x0  }
0x200: {  	s4 =	simm.s32 $0xA00;
	[sflag:s5] =	ssyncadd.s32 $0xFFFFC000  }
0x201: {  	[tilespmem:s12], [sflag:$0x1] =	stream.indirect.gather [hbm4b:s10+s11], $0x80, s4, s11, $0xb8;
	[tilespmem:$0x1E000] =	vst v63  }
0x202: {  	s6 =	simm.s32 $0xA80  }
0x203: {  	[tilespmem:s13], [sflag:$0x2] =	stream.indirect.gather [hbm4b:s10+s11], $0x80, s6, s11, $0xb8;
	[tilespmem:$0x1E000] =	vst v63  }
0x204: {  	_ =	swait.ge [sflag:s14], $0x4000  }
0x205: {  	[sflag:s14] =	ssyncset.done $0x0  }
0x206: {  	s7 =	simm.s32 $0x1A00;
	[sflag:s14] =	ssyncadd.s32 $0xFFFFC000  }
0x207: {  	[spmem:s2] =	stream.indirect.scatter.add.f32 [tilespmem:s12], [sflag:$0x7], $0x80, s7, s11, $0xb8;
	[tilespmem:$0x1E000] =	vst v63  }
0x208: {  	_ =	swait.ge [sflag:s5], $0x4000  }
0x209: {  	[sflag:s5] =	ssyncset.done $0x0  }
0x20a: {  	[sflag:s5] =	ssyncadd.s32 $0xFFFFC000  }
0x20b: {  	_ =	swait.ge [sflag:s15], $0x4000  }
0x20c: {  	[sflag:s15] =	ssyncset.done $0x0  }
0x20d: {  	s9 =	simm.s32 $0x1A80;
	[sflag:s15] =	ssyncadd.s32 $0xFFFFC000  }
0x20e: {  	[spmem:s2] =	stream.indirect.scatter.add.f32 [tilespmem:s13], [sflag:$0x7], $0x80, s9, s11, $0xb8;
	[tilespmem:$0x1E000] =	vst v63  }
0x20f: {  	_ =	swait.ge [sflag:s5], $0x4000  }
0x210: {  	[sflag:s5] =	ssyncset.done $0x0  }
0x211: {  	s4 =	simm.s32 $0xB00;
	[sflag:s5] =	ssyncadd.s32 $0xFFFFC000  }
0x212: {  	[tilespmem:s12], [sflag:$0x1] =	stream.indirect.gather [hbm4b:s10+s11], $0x80, s4, s11, $0xb8;
	[tilespmem:$0x1E000] =	vst v63  }
0x213: {  	s6 =	simm.s32 $0xB80  }
0x214: {  	[tilespmem:s13], [sflag:$0x2] =	stream.indirect.gather [hbm4b:s10+s11], $0x80, s6, s11, $0xb8;
	[tilespmem:$0x1E000] =	vst v63  }
0x215: {  	_ =	swait.ge [sflag:s14], $0x4000  }
0x216: {  	[sflag:s14] =	ssyncset.done $0x0  }
0x217: {  	s7 =	simm.s32 $0x1B00;
	[sflag:s14] =	ssyncadd.s32 $0xFFFFC000  }
0x218: {  	[spmem:s2] =	stream.indirect.scatter.add.f32 [tilespmem:s12], [sflag:$0x7], $0x80, s7, s11, $0xb8;
	[tilespmem:$0x1E000] =	vst v63  }
0x219: {  	_ =	swait.ge [sflag:s5], $0x4000  }
0x21a: {  	[sflag:s5] =	ssyncset.done $0x0  }
0x21b: {  	[sflag:s5] =	ssyncadd.s32 $0xFFFFC000  }
0x21c: {  	_ =	swait.ge [sflag:s15], $0x4000  }
0x21d: {  	[sflag:s15] =	ssyncset.done $0x0  }
0x21e: {  	s9 =	simm.s32 $0x1B80;
	[sflag:s15] =	ssyncadd.s32 $0xFFFFC000  }
0x21f: {  	[spmem:s2] =	stream.indirect.scatter.add.f32 [tilespmem:s13], [sflag:$0x7], $0x80, s9, s11, $0xb8;
	[tilespmem:$0x1E000] =	vst v63  }
0x220: {  	_ =	swait.ge [sflag:s5], $0x4000  }
0x221: {  	[sflag:s5] =	ssyncset.done $0x0  }
0x222: {  	s4 =	simm.s32 $0xC00;
	[sflag:s5] =	ssyncadd.s32 $0xFFFFC000  }
0x223: {  	[tilespmem:s12], [sflag:$0x1] =	stream.indirect.gather [hbm4b:s10+s11], $0x80, s4, s11, $0xb8;
	[tilespmem:$0x1E000] =	vst v63  }
0x224: {  	s6 =	simm.s32 $0xC80  }
0x225: {  	[tilespmem:s13], [sflag:$0x2] =	stream.indirect.gather [hbm4b:s10+s11], $0x80, s6, s11, $0xb8;
	[tilespmem:$0x1E000] =	vst v63  }
0x226: {  	_ =	swait.ge [sflag:s14], $0x4000  }
0x227: {  	[sflag:s14] =	ssyncset.done $0x0  }
0x228: {  	s7 =	simm.s32 $0x1C00;
	[sflag:s14] =	ssyncadd.s32 $0xFFFFC000  }
0x229: {  	[spmem:s2] =	stream.indirect.scatter.add.f32 [tilespmem:s12], [sflag:$0x7], $0x80, s7, s11, $0xb8;
	[tilespmem:$0x1E000] =	vst v63  }
0x22a: {  	_ =	swait.ge [sflag:s5], $0x4000  }
0x22b: {  	[sflag:s5] =	ssyncset.done $0x0  }
0x22c: {  	[sflag:s5] =	ssyncadd.s32 $0xFFFFC000  }
0x22d: {  	_ =	swait.ge [sflag:s15], $0x4000  }
0x22e: {  	[sflag:s15] =	ssyncset.done $0x0  }
0x22f: {  	s9 =	simm.s32 $0x1C80;
	[sflag:s15] =	ssyncadd.s32 $0xFFFFC000  }
0x230: {  	[spmem:s2] =	stream.indirect.scatter.add.f32 [tilespmem:s13], [sflag:$0x7], $0x80, s9, s11, $0xb8;
	[tilespmem:$0x1E000] =	vst v63  }
0x231: {  	_ =	swait.ge [sflag:s5], $0x4000  }
0x232: {  	[sflag:s5] =	ssyncset.done $0x0  }
0x233: {  	s4 =	simm.s32 $0xD00;
	[sflag:s5] =	ssyncadd.s32 $0xFFFFC000  }
0x234: {  	[tilespmem:s12], [sflag:$0x1] =	stream.indirect.gather [hbm4b:s10+s11], $0x80, s4, s11, $0xb8;
	[tilespmem:$0x1E000] =	vst v63  }
0x235: {  	s6 =	simm.s32 $0xD80  }
0x236: {  	[tilespmem:s13], [sflag:$0x2] =	stream.indirect.gather [hbm4b:s10+s11], $0x80, s6, s11, $0xb8;
	[tilespmem:$0x1E000] =	vst v63  }
0x237: {  	_ =	swait.ge [sflag:s14], $0x4000  }
0x238: {  	[sflag:s14] =	ssyncset.done $0x0  }
0x239: {  	s7 =	simm.s32 $0x1D00;
	[sflag:s14] =	ssyncadd.s32 $0xFFFFC000  }
0x23a: {  	[spmem:s2] =	stream.indirect.scatter.add.f32 [tilespmem:s12], [sflag:$0x7], $0x80, s7, s11, $0xb8;
	[tilespmem:$0x1E000] =	vst v63  }
0x23b: {  	_ =	swait.ge [sflag:s5], $0x4000  }
0x23c: {  	[sflag:s5] =	ssyncset.done $0x0  }
0x23d: {  	[sflag:s5] =	ssyncadd.s32 $0xFFFFC000  }
0x23e: {  	_ =	swait.ge [sflag:s15], $0x4000  }
0x23f: {  	[sflag:s15] =	ssyncset.done $0x0  }
0x240: {  	s9 =	simm.s32 $0x1D80;
	[sflag:s15] =	ssyncadd.s32 $0xFFFFC000  }
0x241: {  	[spmem:s2] =	stream.indirect.scatter.add.f32 [tilespmem:s13], [sflag:$0x7], $0x80, s9, s11, $0xb8;
	[tilespmem:$0x1E000] =	vst v63  }
0x242: {  	_ =	swait.ge [sflag:s5], $0x4000  }
0x243: {  	[sflag:s5] =	ssyncset.done $0x0  }
0x244: {  	s4 =	simm.s32 $0xE00;
	[sflag:s5] =	ssyncadd.s32 $0xFFFFC000  }
0x245: {  	[tilespmem:s12], [sflag:$0x1] =	stream.indirect.gather [hbm4b:s10+s11], $0x80, s4, s11, $0xb8;
	[tilespmem:$0x1E000] =	vst v63  }
0x246: {  	s6 =	simm.s32 $0xE80  }
0x247: {  	[tilespmem:s13], [sflag:$0x2] =	stream.indirect.gather [hbm4b:s10+s11], $0x80, s6, s11, $0xb8;
	[tilespmem:$0x1E000] =	vst v63  }
0x248: {  	_ =	swait.ge [sflag:s14], $0x4000  }
0x249: {  	[sflag:s14] =	ssyncset.done $0x0  }
0x24a: {  	s7 =	simm.s32 $0x1E00;
	[sflag:s14] =	ssyncadd.s32 $0xFFFFC000  }
0x24b: {  	[spmem:s2] =	stream.indirect.scatter.add.f32 [tilespmem:s12], [sflag:$0x7], $0x80, s7, s11, $0xb8;
	[tilespmem:$0x1E000] =	vst v63  }
0x24c: {  	_ =	swait.ge [sflag:s5], $0x4000  }
0x24d: {  	[sflag:s5] =	ssyncset.done $0x0  }
0x24e: {  	[sflag:s5] =	ssyncadd.s32 $0xFFFFC000  }
0x24f: {  	_ =	swait.ge [sflag:s15], $0x4000  }
0x250: {  	[sflag:s15] =	ssyncset.done $0x0  }
0x251: {  	s9 =	simm.s32 $0x1E80;
	[sflag:s15] =	ssyncadd.s32 $0xFFFFC000  }
0x252: {  	[spmem:s2] =	stream.indirect.scatter.add.f32 [tilespmem:s13], [sflag:$0x7], $0x80, s9, s11, $0xb8;
	[tilespmem:$0x1E000] =	vst v63  }
0x253: {  	_ =	swait.ge [sflag:s5], $0x4000  }
0x254: {  	[sflag:s5] =	ssyncset.done $0x0  }
0x255: {  	s4 =	simm.s32 $0xF00;
	[sflag:s5] =	ssyncadd.s32 $0xFFFFC000  }
0x256: {  	[tilespmem:s12], [sflag:$0x1] =	stream.indirect.gather [hbm4b:s10+s11], $0x80, s4, s11, $0xb8;
	[tilespmem:$0x1E000] =	vst v63  }
0x257: {  	s6 =	simm.s32 $0xF80  }
0x258: {  	[tilespmem:s13], [sflag:$0x2] =	stream.indirect.gather [hbm4b:s10+s11], $0x80, s6, s11, $0xb8;
	[tilespmem:$0x1E000] =	vst v63  }
0x259: {  	_ =	swait.ge [sflag:s14], $0x4000  }
0x25a: {  	[sflag:s14] =	ssyncset.done $0x0  }
0x25b: {  	s7 =	simm.s32 $0x1F00;
	[sflag:s14] =	ssyncadd.s32 $0xFFFFC000  }
0x25c: {  	[spmem:s2] =	stream.indirect.scatter.add.f32 [tilespmem:s12], [sflag:$0x7], $0x80, s7, s11, $0xb8;
	[tilespmem:$0x1E000] =	vst v63  }
0x25d: {  	_ =	swait.ge [sflag:s5], $0x4000  }
0x25e: {  	[sflag:s5] =	ssyncset.done $0x0  }
0x25f: {  	[sflag:s5] =	ssyncadd.s32 $0xFFFFC000  }
0x260: {  	_ =	swait.ge [sflag:s15], $0x4000  }
0x261: {  	[sflag:s15] =	ssyncset.done $0x0  }
0x262: {  	s9 =	simm.s32 $0x1F80;
	[sflag:s15] =	ssyncadd.s32 $0xFFFFC000  }
0x263: {  	[spmem:s2] =	stream.indirect.scatter.add.f32 [tilespmem:s13], [sflag:$0x7], $0x80, s9, s11, $0xb8;
	[tilespmem:$0x1E000] =	vst v63  }
0x264: {  	_ =	swait.ge [sflag:s5], $0x4000  }
0x265: {  	[sflag:s5] =	ssyncset.done $0x0  }
0x266: {  	[sflag:s5] =	ssyncadd.s32 $0xFFFFC000  }
0x267: {  	_ =	swait.ge [sflag:s3], $0x800  }
0x268: {  	[sflag:s3] =	ssyncset.done $0x0  }
0x269: {  	[sflag:s3] =	ssyncadd.s32 $0xFFFFF800  }
0x26a: {  	_ =	swait.ge [sflag:s1], $0x800  }
0x26b: {  	[sflag:s1] =	ssyncset.done $0x0  }
0x26c: {  	[sflag:s1] =	ssyncadd.s32 $0xFFFFF800  }
0x26d: {  	[tilespmem:s12], [sflag:$0x1] =	stream.indirect.gather [hbm4b:s10+s11], $0x80, s8, s11, $0xb8;
	[tilespmem:$0x1E000] =	vst v63  }
0x26e: {  	_ = 	snop  }
0x26f: {  	[tilespmem:s13], [sflag:$0x2] =	stream.indirect.gather [hbm4b:s10+s11], $0x80, s11, s11, $0xb8;
	[tilespmem:$0x1E000] =	vst v63  }
0x270: {  	_ =	swait.ge [sflag:s14], $0x4000  }
0x271: {  	[sflag:s14] =	ssyncset.done $0x0  }
0x272: {  	[sflag:s14] =	ssyncadd.s32 $0xFFFFC000  }
0x273: {  	[spmem:s2] =	stream.indirect.scatter.add.f32 [tilespmem:s12], [sflag:$0x7], $0x80, s28, s11, $0xb8;
	[tilespmem:$0x1E000] =	vst v63  }
0x274: {  	_ =	swait.ge [sflag:s5], $0x4000  }
0x275: {  	[sflag:s5] =	ssyncset.done $0x0  }
0x276: {  	[sflag:s5] =	ssyncadd.s32 $0xFFFFC000  }
0x277: {  	_ =	swait.ge [sflag:s15], $0x4000  }
0x278: {  	[sflag:s15] =	ssyncset.done $0x0  }
0x279: {  	s1 =	simm.s32 $0x1080;
	[sflag:s15] =	ssyncadd.s32 $0xFFFFC000  }
0x27a: {  	[spmem:s2] =	stream.indirect.scatter.add.f32 [tilespmem:s13], [sflag:$0x7], $0x80, s1, s11, $0xb8;
	[tilespmem:$0x1E000] =	vst v63  }
0x27b: {  	_ =	swait.ge [sflag:s5], $0x4000  }
0x27c: {  	[sflag:s5] =	ssyncset.done $0x0  }
0x27d: {  	s3 =	simm.s32 $0x100;
	[sflag:s5] =	ssyncadd.s32 $0xFFFFC000  }
0x27e: {  	[tilespmem:s12], [sflag:$0x1] =	stream.indirect.gather [hbm4b:s10+s11], $0x80, s3, s11, $0xb8;
	[tilespmem:$0x1E000] =	vst v63  }
0x27f: {  	_ = 	snop  }
0x280: {  	[tilespmem:s13], [sflag:$0x2] =	stream.indirect.gather [hbm4b:s10+s11], $0x80, s17, s11, $0xb8;
	[tilespmem:$0x1E000] =	vst v63  }
0x281: {  	_ =	swait.ge [sflag:s14], $0x4000  }
0x282: {  	[sflag:s14] =	ssyncset.done $0x0  }
0x283: {  	[sflag:s14] =	ssyncadd.s32 $0xFFFFC000  }
0x284: {  	[spmem:s2] =	stream.indirect.scatter.add.f32 [tilespmem:s12], [sflag:$0x7], $0x80, s18, s11, $0xb8;
	[tilespmem:$0x1E000] =	vst v63  }
0x285: {  	_ =	swait.ge [sflag:s5], $0x4000  }
0x286: {  	[sflag:s5] =	ssyncset.done $0x0  }
0x287: {  	[sflag:s5] =	ssyncadd.s32 $0xFFFFC000  }
0x288: {  	_ =	swait.ge [sflag:s15], $0x4000  }
0x289: {  	[sflag:s15] =	ssyncset.done $0x0  }
0x28a: {  	[sflag:s15] =	ssyncadd.s32 $0xFFFFC000  }
0x28b: {  	[spmem:s2] =	stream.indirect.scatter.add.f32 [tilespmem:s13], [sflag:$0x7], $0x80, s19, s11, $0xb8;
	[tilespmem:$0x1E000] =	vst v63  }
0x28c: {  	_ =	swait.ge [sflag:s5], $0x4000  }
0x28d: {  	[sflag:s5] =	ssyncset.done $0x0  }
0x28e: {  	[sflag:s5] =	ssyncadd.s32 $0xFFFFC000  }
0x28f: {  	[tilespmem:s12], [sflag:$0x1] =	stream.indirect.gather [hbm4b:s10+s11], $0x80, s20, s11, $0xb8;
	[tilespmem:$0x1E000] =	vst v63  }
0x290: {  	_ = 	snop  }
0x291: {  	[tilespmem:s13], [sflag:$0x2] =	stream.indirect.gather [hbm4b:s10+s11], $0x80, s21, s11, $0xb8;
	[tilespmem:$0x1E000] =	vst v63  }
0x292: {  	_ =	swait.ge [sflag:s14], $0x4000  }
0x293: {  	[sflag:s14] =	ssyncset.done $0x0  }
0x294: {  	[sflag:s14] =	ssyncadd.s32 $0xFFFFC000  }
0x295: {  	[spmem:s2] =	stream.indirect.scatter.add.f32 [tilespmem:s12], [sflag:$0x7], $0x80, s22, s11, $0xb8;
	[tilespmem:$0x1E000] =	vst v63  }
0x296: {  	_ =	swait.ge [sflag:s5], $0x4000  }
0x297: {  	[sflag:s5] =	ssyncset.done $0x0  }
0x298: {  	[sflag:s5] =	ssyncadd.s32 $0xFFFFC000  }
0x299: {  	_ =	swait.ge [sflag:s15], $0x4000  }
0x29a: {  	[sflag:s15] =	ssyncset.done $0x0  }
0x29b: {  	[sflag:s15] =	ssyncadd.s32 $0xFFFFC000  }
0x29c: {  	[spmem:s2] =	stream.indirect.scatter.add.f32 [tilespmem:s13], [sflag:$0x7], $0x80, s23, s11, $0xb8;
	[tilespmem:$0x1E000] =	vst v63  }
0x29d: {  	_ =	swait.ge [sflag:s5], $0x4000  }
0x29e: {  	[sflag:s5] =	ssyncset.done $0x0  }
0x29f: {  	[sflag:s5] =	ssyncadd.s32 $0xFFFFC000  }
0x2a0: {  	[tilespmem:s12], [sflag:$0x1] =	stream.indirect.gather [hbm4b:s10+s11], $0x80, s24, s11, $0xb8;
	[tilespmem:$0x1E000] =	vst v63  }
0x2a1: {  	_ = 	snop  }
0x2a2: {  	[tilespmem:s13], [sflag:$0x2] =	stream.indirect.gather [hbm4b:s10+s11], $0x80, s25, s11, $0xb8;
	[tilespmem:$0x1E000] =	vst v63  }
0x2a3: {  	_ =	swait.ge [sflag:s14], $0x4000  }
0x2a4: {  	[sflag:s14] =	ssyncset.done $0x0  }
0x2a5: {  	[sflag:s14] =	ssyncadd.s32 $0xFFFFC000  }
0x2a6: {  	[spmem:s2] =	stream.indirect.scatter.add.f32 [tilespmem:s12], [sflag:$0x7], $0x80, s26, s11, $0xb8;
	[tilespmem:$0x1E000] =	vst v63  }
0x2a7: {  	_ =	swait.ge [sflag:s5], $0x4000  }
0x2a8: {  	[sflag:s5] =	ssyncset.done $0x0  }
0x2a9: {  	[sflag:s5] =	ssyncadd.s32 $0xFFFFC000  }
0x2aa: {  	_ =	swait.ge [sflag:s15], $0x4000  }
0x2ab: {  	[sflag:s15] =	ssyncset.done $0x0  }
0x2ac: {  	[sflag:s15] =	ssyncadd.s32 $0xFFFFC000  }
0x2ad: {  	[spmem:s2] =	stream.indirect.scatter.add.f32 [tilespmem:s13], [sflag:$0x7], $0x80, s29, s11, $0xb8;
	[tilespmem:$0x1E000] =	vst v63  }
0x2ae: {  	_ =	swait.ge [sflag:s5], $0x4000  }
0x2af: {  	[sflag:s5] =	ssyncset.done $0x0  }
0x2b0: {  	[sflag:s5] =	ssyncadd.s32 $0xFFFFC000  }
0x2b1: {  	[tilespmem:s12], [sflag:$0x1] =	stream.indirect.gather [hbm4b:s10+s11], $0x80, s30, s11, $0xb8;
	[tilespmem:$0x1E000] =	vst v63  }
0x2b2: {  	_ = 	snop  }
0x2b3: {  	[tilespmem:s13], [sflag:$0x2] =	stream.indirect.gather [hbm4b:s10+s11], $0x80, s31, s11, $0xb8;
	[tilespmem:$0x1E000] =	vst v63  }
0x2b4: {  	_ =	swait.ge [sflag:s14], $0x4000  }
0x2b5: {  	[sflag:s14] =	ssyncset.done $0x0  }
0x2b6: {  	s4 =	simm.s32 $0x1400;
	[sflag:s14] =	ssyncadd.s32 $0xFFFFC000  }
0x2b7: {  	[spmem:s2] =	stream.indirect.scatter.add.f32 [tilespmem:s12], [sflag:$0x7], $0x80, s4, s11, $0xb8;
	[tilespmem:$0x1E000] =	vst v63  }
0x2b8: {  	_ =	swait.ge [sflag:s5], $0x4000  }
0x2b9: {  	[sflag:s5] =	ssyncset.done $0x0  }
0x2ba: {  	[sflag:s5] =	ssyncadd.s32 $0xFFFFC000  }
0x2bb: {  	_ =	swait.ge [sflag:s15], $0x4000  }
0x2bc: {  	[sflag:s15] =	ssyncset.done $0x0  }
0x2bd: {  	s6 =	simm.s32 $0x1480;
	[sflag:s15] =	ssyncadd.s32 $0xFFFFC000  }
0x2be: {  	[spmem:s2] =	stream.indirect.scatter.add.f32 [tilespmem:s13], [sflag:$0x7], $0x80, s6, s11, $0xb8;
	[tilespmem:$0x1E000] =	vst v63  }
0x2bf: {  	_ =	swait.ge [sflag:s5], $0x4000  }
0x2c0: {  	[sflag:s5] =	ssyncset.done $0x0  }
0x2c1: {  	s7 =	simm.s32 $0x500;
	[sflag:s5] =	ssyncadd.s32 $0xFFFFC000  }
0x2c2: {  	[tilespmem:s12], [sflag:$0x1] =	stream.indirect.gather [hbm4b:s10+s11], $0x80, s7, s11, $0xb8;
	[tilespmem:$0x1E000] =	vst v63  }
0x2c3: {  	s9 =	simm.s32 $0x580  }
0x2c4: {  	[tilespmem:s13], [sflag:$0x2] =	stream.indirect.gather [hbm4b:s10+s11], $0x80, s9, s11, $0xb8;
	[tilespmem:$0x1E000] =	vst v63  }
0x2c5: {  	_ =	swait.ge [sflag:s14], $0x4000  }
0x2c6: {  	[sflag:s14] =	ssyncset.done $0x0  }
0x2c7: {  	s17 =	simm.s32 $0x1500;
	[sflag:s14] =	ssyncadd.s32 $0xFFFFC000  }
0x2c8: {  	[spmem:s2] =	stream.indirect.scatter.add.f32 [tilespmem:s12], [sflag:$0x7], $0x80, s17, s11, $0xb8;
	[tilespmem:$0x1E000] =	vst v63  }
0x2c9: {  	_ =	swait.ge [sflag:s5], $0x4000  }
0x2ca: {  	[sflag:s5] =	ssyncset.done $0x0  }
0x2cb: {  	[sflag:s5] =	ssyncadd.s32 $0xFFFFC000  }
0x2cc: {  	_ =	swait.ge [sflag:s15], $0x4000  }
0x2cd: {  	[sflag:s15] =	ssyncset.done $0x0  }
0x2ce: {  	s18 =	simm.s32 $0x1580;
	[sflag:s15] =	ssyncadd.s32 $0xFFFFC000  }
0x2cf: {  	[spmem:s2] =	stream.indirect.scatter.add.f32 [tilespmem:s13], [sflag:$0x7], $0x80, s18, s11, $0xb8;
	[tilespmem:$0x1E000] =	vst v63  }
0x2d0: {  	_ =	swait.ge [sflag:s5], $0x4000  }
0x2d1: {  	[sflag:s5] =	ssyncset.done $0x0  }
0x2d2: {  	s19 =	simm.s32 $0x600;
	[sflag:s5] =	ssyncadd.s32 $0xFFFFC000  }
0x2d3: {  	[tilespmem:s12], [sflag:$0x1] =	stream.indirect.gather [hbm4b:s10+s11], $0x80, s19, s11, $0xb8;
	[tilespmem:$0x1E000] =	vst v63  }
0x2d4: {  	s20 =	simm.s32 $0x680  }
0x2d5: {  	[tilespmem:s13], [sflag:$0x2] =	stream.indirect.gather [hbm4b:s10+s11], $0x80, s20, s11, $0xb8;
	[tilespmem:$0x1E000] =	vst v63  }
0x2d6: {  	_ =	swait.ge [sflag:s14], $0x4000  }
0x2d7: {  	[sflag:s14] =	ssyncset.done $0x0  }
0x2d8: {  	s21 =	simm.s32 $0x1600;
	[sflag:s14] =	ssyncadd.s32 $0xFFFFC000  }
0x2d9: {  	[spmem:s2] =	stream.indirect.scatter.add.f32 [tilespmem:s12], [sflag:$0x7], $0x80, s21, s11, $0xb8;
	[tilespmem:$0x1E000] =	vst v63  }
0x2da: {  	_ =	swait.ge [sflag:s5], $0x4000  }
0x2db: {  	[sflag:s5] =	ssyncset.done $0x0  }
0x2dc: {  	[sflag:s5] =	ssyncadd.s32 $0xFFFFC000  }
0x2dd: {  	_ =	swait.ge [sflag:s15], $0x4000  }
0x2de: {  	[sflag:s15] =	ssyncset.done $0x0  }
0x2df: {  	s22 =	simm.s32 $0x1680;
	[sflag:s15] =	ssyncadd.s32 $0xFFFFC000  }
0x2e0: {  	[spmem:s2] =	stream.indirect.scatter.add.f32 [tilespmem:s13], [sflag:$0x7], $0x80, s22, s11, $0xb8;
	[tilespmem:$0x1E000] =	vst v63  }
0x2e1: {  	_ =	swait.ge [sflag:s5], $0x4000  }
0x2e2: {  	[sflag:s5] =	ssyncset.done $0x0  }
0x2e3: {  	s23 =	simm.s32 $0x700;
	[sflag:s5] =	ssyncadd.s32 $0xFFFFC000  }
0x2e4: {  	[tilespmem:s12], [sflag:$0x1] =	stream.indirect.gather [hbm4b:s10+s11], $0x80, s23, s11, $0xb8;
	[tilespmem:$0x1E000] =	vst v63  }
0x2e5: {  	s24 =	simm.s32 $0x780  }
0x2e6: {  	[tilespmem:s13], [sflag:$0x2] =	stream.indirect.gather [hbm4b:s10+s11], $0x80, s24, s11, $0xb8;
	[tilespmem:$0x1E000] =	vst v63  }
0x2e7: {  	_ =	swait.ge [sflag:s14], $0x4000  }
0x2e8: {  	[sflag:s14] =	ssyncset.done $0x0  }
0x2e9: {  	s25 =	simm.s32 $0x1700;
	[sflag:s14] =	ssyncadd.s32 $0xFFFFC000  }
0x2ea: {  	[spmem:s2] =	stream.indirect.scatter.add.f32 [tilespmem:s12], [sflag:$0x7], $0x80, s25, s11, $0xb8;
	[tilespmem:$0x1E000] =	vst v63  }
0x2eb: {  	_ =	swait.ge [sflag:s5], $0x4000  }
0x2ec: {  	[sflag:s5] =	ssyncset.done $0x0  }
0x2ed: {  	[sflag:s5] =	ssyncadd.s32 $0xFFFFC000  }
0x2ee: {  	_ =	swait.ge [sflag:s15], $0x4000  }
0x2ef: {  	[sflag:s15] =	ssyncset.done $0x0  }
0x2f0: {  	s26 =	simm.s32 $0x1780;
	[sflag:s15] =	ssyncadd.s32 $0xFFFFC000  }
0x2f1: {  	[spmem:s2] =	stream.indirect.scatter.add.f32 [tilespmem:s13], [sflag:$0x7], $0x80, s26, s11, $0xb8;
	[tilespmem:$0x1E000] =	vst v63  }
0x2f2: {  	_ =	swait.ge [sflag:s5], $0x4000  }
0x2f3: {  	[sflag:s5] =	ssyncset.done $0x0  }
0x2f4: {  	[sflag:s5] =	ssyncadd.s32 $0xFFFFC000  }
0x2f5: {  	[bflag:$0x0] =	sbarrier.arrive $0xFFFF  }
0x2f6: {  	s28 =	rddreg [dreg:$0x12]  }
0x2f7: {  	s29 =	ssub.s32 $0x2, s28  }
0x2f8: {  	s0 =	sshrl.u32 s29, $0x1  }
0x2f9: {  	s0 =	ssub.s32 s29, s0  }
0x2fa: {  	s0 =	smax.u32 s0, $0x1  }
0x2fb: {  	p0 =	sne.s32 s0, $0x1  }
.Ltmp0:
0x2fc: {  	s30 =	rddreg [dreg:$0xf];
	(pc) =	sbr.rel @!p0 .LBB2_3-.Ltmp0, $4  }
0x2fd: {  	s31 =	rddreg [dreg:$0x10]  }
0x2fe: {  	[dreg:$0x11] =	wrdreg s16  }
0x2ff: {  	[hbm:s30], [sflag:s31] =	dma.local [spmem:s16], $0x2800  }
0x300: {  	_ =	swait.ge [sflag:s5], $0x2800;
	s0 =	sadd.s32 $0xFFFFFFFF, s0  }
0x301: {  	s29 =	simm.s32 $0x1000  }
0x302: {  	s9 =	simm.s32 $0x800;
	s7 =	simm.s32 $0x1800;
	s18 =	simm.s32 $0x900  }
0x303: {  	s19 =	simm.s32 $0x980;
	s20 =	simm.s32 $0x1900;
	s21 =	simm.s32 $0x1980  }
0x304: {  	s22 =	simm.s32 $0xA00;
	s23 =	simm.s32 $0xA80;
	s24 =	simm.s32 $0x1A00  }
0x305: {  	s25 =	simm.s32 $0x1A80;
	s26 =	simm.s32 $0xB00;
	s28 =	simm.s32 $0xB80  }
0x306: {  	s30 =	simm.s32 $0x1B00;
	s31 =	simm.s32 $0x1B80;
	s6 =	simm.s32 $0x5  }
.LBB2_2:
0x307: {  	s16 =	rddreg [dreg:$0x4]  }
0x308: {  	[sflag:s5] =	ssyncset.done $0x0;
	s1 =	rddreg [dreg:$0x10]  }
0x309: {  	s3 =	rddreg [dreg:$0x11];
	[sflag:s5] =	ssyncadd.s32 $0xFFFFD800  }
0x30a: {  	[spmem:s3], [sflag:s1] =	dma.local [hbm:s16], $0x2800  }
0x30b: {  	_ =	swait.ge [sflag:s5], $0x2800  }
0x30c: {  	[sflag:s5] =	ssyncset.done $0x0  }
0x30d: {  	s1 =	rddreg [dreg:$0x5];
	[sflag:s5] =	ssyncadd.s32 $0xFFFFD800  }
0x30e: {  	[tilespmem:s8], [sflag:$0x7] =	stream.linear.gather [hbm4b:s1+s8], $0x800, $0x38;
	[tilespmem:$0x1E000] =	vst v63  }
0x30f: {  	_ =	swait.ge [sflag:s5], $0x800  }
0x310: {  	[sflag:s5] =	ssyncset.done $0x0  }
0x311: {  	s3 =	rddreg [dreg:$0x6];
	[sflag:s5] =	ssyncadd.s32 $0xFFFFF800  }
0x312: {  	[tilespmem:s29], [sflag:$0x7] =	stream.linear.gather [hbm4b:s3+s8], $0x800, $0x38;
	[tilespmem:$0x1E000] =	vst v63  }
0x313: {  	_ =	swait.ge [sflag:s5], $0x800  }
0x314: {  	[sflag:s5] =	ssyncset.done $0x0  }
0x315: {  	[sflag:s5] =	ssyncadd.s32 $0xFFFFF800  }
0x316: {  	[bflag:$0x0] =	sbarrier.arrive $0xFFFF  }
0x317: {  	s4 =	rddreg [dreg:$0x7]  }
0x318: {  	[tilespmem:s9], [sflag:$0x4] =	stream.linear.gather [hbm4b:s4+s8], $0x800, $0x38;
	[tilespmem:$0x1E000] =	vst v63  }
0x319: {  	s17 =	rddreg [dreg:$0x8]  }
0x31a: {  	[tilespmem:s7], [sflag:$0x6] =	stream.linear.gather [hbm4b:s17+s8], $0x800, $0x38;
	[tilespmem:$0x1E000] =	vst v63  }
0x31b: {  	_ = 	snop  }
0x31c: {  	[tilespmem:s12], [sflag:$0x1] =	stream.indirect.gather [hbm4b:s10+s11], $0x80, s8, s11, $0xb8;
	[tilespmem:$0x1E000] =	vst v63  }
0x31d: {  	_ = 	snop  }
0x31e: {  	[tilespmem:s13], [sflag:$0x2] =	stream.indirect.gather [hbm4b:s10+s11], $0x80, s11, s11, $0xb8;
	[tilespmem:$0x1E000] =	vst v63  }
0x31f: {  	_ =	swait.ge [sflag:s14], $0x4000  }
0x320: {  	[sflag:s14] =	ssyncset.done $0x0  }
0x321: {  	[sflag:s14] =	ssyncadd.s32 $0xFFFFC000  }
0x322: {  	[spmem:s2] =	stream.indirect.scatter.add.f32 [tilespmem:s12], [sflag:$0x7], $0x80, s29, s11, $0xb8;
	[tilespmem:$0x1E000] =	vst v63  }
0x323: {  	_ =	swait.ge [sflag:s5], $0x4000  }
0x324: {  	[sflag:s5] =	ssyncset.done $0x0  }
0x325: {  	[sflag:s5] =	ssyncadd.s32 $0xFFFFC000  }
0x326: {  	_ =	swait.ge [sflag:s15], $0x4000  }
0x327: {  	[sflag:s15] =	ssyncset.done $0x0  }
0x328: {  	s16 =	simm.s32 $0x1080;
	[sflag:s15] =	ssyncadd.s32 $0xFFFFC000  }
0x329: {  	[spmem:s2] =	stream.indirect.scatter.add.f32 [tilespmem:s13], [sflag:$0x7], $0x80, s16, s11, $0xb8;
	[tilespmem:$0x1E000] =	vst v63  }
0x32a: {  	_ =	swait.ge [sflag:s5], $0x4000  }
0x32b: {  	[sflag:s5] =	ssyncset.done $0x0  }
0x32c: {  	s17 =	simm.s32 $0x100;
	[sflag:s5] =	ssyncadd.s32 $0xFFFFC000  }
0x32d: {  	[tilespmem:s12], [sflag:$0x1] =	stream.indirect.gather [hbm4b:s10+s11], $0x80, s17, s11, $0xb8;
	[tilespmem:$0x1E000] =	vst v63  }
0x32e: {  	s3 =	simm.s32 $0x180  }
0x32f: {  	[tilespmem:s13], [sflag:$0x2] =	stream.indirect.gather [hbm4b:s10+s11], $0x80, s3, s11, $0xb8;
	[tilespmem:$0x1E000] =	vst v63  }
0x330: {  	_ =	swait.ge [sflag:s14], $0x4000  }
0x331: {  	[sflag:s14] =	ssyncset.done $0x0  }
0x332: {  	s4 =	simm.s32 $0x1100;
	[sflag:s14] =	ssyncadd.s32 $0xFFFFC000  }
0x333: {  	[spmem:s2] =	stream.indirect.scatter.add.f32 [tilespmem:s12], [sflag:$0x7], $0x80, s4, s11, $0xb8;
	[tilespmem:$0x1E000] =	vst v63  }
0x334: {  	_ =	swait.ge [sflag:s5], $0x4000  }
0x335: {  	[sflag:s5] =	ssyncset.done $0x0  }
0x336: {  	[sflag:s5] =	ssyncadd.s32 $0xFFFFC000  }
0x337: {  	_ =	swait.ge [sflag:s15], $0x4000  }
0x338: {  	[sflag:s15] =	ssyncset.done $0x0  }
0x339: {  	s16 =	simm.s32 $0x1180;
	[sflag:s15] =	ssyncadd.s32 $0xFFFFC000  }
0x33a: {  	[spmem:s2] =	stream.indirect.scatter.add.f32 [tilespmem:s13], [sflag:$0x7], $0x80, s16, s11, $0xb8;
	[tilespmem:$0x1E000] =	vst v63  }
0x33b: {  	_ =	swait.ge [sflag:s5], $0x4000  }
0x33c: {  	[sflag:s5] =	ssyncset.done $0x0  }
0x33d: {  	s17 =	simm.s32 $0x200;
	[sflag:s5] =	ssyncadd.s32 $0xFFFFC000  }
0x33e: {  	[tilespmem:s12], [sflag:$0x1] =	stream.indirect.gather [hbm4b:s10+s11], $0x80, s17, s11, $0xb8;
	[tilespmem:$0x1E000] =	vst v63  }
0x33f: {  	s3 =	simm.s32 $0x280  }
0x340: {  	[tilespmem:s13], [sflag:$0x2] =	stream.indirect.gather [hbm4b:s10+s11], $0x80, s3, s11, $0xb8;
	[tilespmem:$0x1E000] =	vst v63  }
0x341: {  	_ =	swait.ge [sflag:s14], $0x4000  }
0x342: {  	[sflag:s14] =	ssyncset.done $0x0  }
0x343: {  	s4 =	simm.s32 $0x1200;
	[sflag:s14] =	ssyncadd.s32 $0xFFFFC000  }
0x344: {  	[spmem:s2] =	stream.indirect.scatter.add.f32 [tilespmem:s12], [sflag:$0x7], $0x80, s4, s11, $0xb8;
	[tilespmem:$0x1E000] =	vst v63  }
0x345: {  	_ =	swait.ge [sflag:s5], $0x4000  }
0x346: {  	[sflag:s5] =	ssyncset.done $0x0  }
0x347: {  	[sflag:s5] =	ssyncadd.s32 $0xFFFFC000  }
0x348: {  	_ =	swait.ge [sflag:s15], $0x4000  }
0x349: {  	[sflag:s15] =	ssyncset.done $0x0  }
0x34a: {  	s16 =	simm.s32 $0x1280;
	[sflag:s15] =	ssyncadd.s32 $0xFFFFC000  }
0x34b: {  	[spmem:s2] =	stream.indirect.scatter.add.f32 [tilespmem:s13], [sflag:$0x7], $0x80, s16, s11, $0xb8;
	[tilespmem:$0x1E000] =	vst v63  }
0x34c: {  	_ =	swait.ge [sflag:s5], $0x4000  }
0x34d: {  	[sflag:s5] =	ssyncset.done $0x0  }
0x34e: {  	s17 =	simm.s32 $0x300;
	[sflag:s5] =	ssyncadd.s32 $0xFFFFC000  }
0x34f: {  	[tilespmem:s12], [sflag:$0x1] =	stream.indirect.gather [hbm4b:s10+s11], $0x80, s17, s11, $0xb8;
	[tilespmem:$0x1E000] =	vst v63  }
0x350: {  	s3 =	simm.s32 $0x380  }
0x351: {  	[tilespmem:s13], [sflag:$0x2] =	stream.indirect.gather [hbm4b:s10+s11], $0x80, s3, s11, $0xb8;
	[tilespmem:$0x1E000] =	vst v63  }
0x352: {  	_ =	swait.ge [sflag:s14], $0x4000  }
0x353: {  	[sflag:s14] =	ssyncset.done $0x0  }
0x354: {  	s4 =	simm.s32 $0x1300;
	[sflag:s14] =	ssyncadd.s32 $0xFFFFC000  }
0x355: {  	[spmem:s2] =	stream.indirect.scatter.add.f32 [tilespmem:s12], [sflag:$0x7], $0x80, s4, s11, $0xb8;
	[tilespmem:$0x1E000] =	vst v63  }
0x356: {  	_ =	swait.ge [sflag:s5], $0x4000  }
0x357: {  	[sflag:s5] =	ssyncset.done $0x0  }
0x358: {  	[sflag:s5] =	ssyncadd.s32 $0xFFFFC000  }
0x359: {  	_ =	swait.ge [sflag:s15], $0x4000  }
0x35a: {  	[sflag:s15] =	ssyncset.done $0x0  }
0x35b: {  	s16 =	simm.s32 $0x1380;
	[sflag:s15] =	ssyncadd.s32 $0xFFFFC000  }
0x35c: {  	[spmem:s2] =	stream.indirect.scatter.add.f32 [tilespmem:s13], [sflag:$0x7], $0x80, s16, s11, $0xb8;
	[tilespmem:$0x1E000] =	vst v63  }
0x35d: {  	_ =	swait.ge [sflag:s5], $0x4000  }
0x35e: {  	[sflag:s5] =	ssyncset.done $0x0  }
0x35f: {  	s17 =	simm.s32 $0x400;
	[sflag:s5] =	ssyncadd.s32 $0xFFFFC000  }
0x360: {  	[tilespmem:s12], [sflag:$0x1] =	stream.indirect.gather [hbm4b:s10+s11], $0x80, s17, s11, $0xb8;
	[tilespmem:$0x1E000] =	vst v63  }
0x361: {  	s3 =	simm.s32 $0x480  }
0x362: {  	[tilespmem:s13], [sflag:$0x2] =	stream.indirect.gather [hbm4b:s10+s11], $0x80, s3, s11, $0xb8;
	[tilespmem:$0x1E000] =	vst v63  }
0x363: {  	_ =	swait.ge [sflag:s14], $0x4000  }
0x364: {  	[sflag:s14] =	ssyncset.done $0x0  }
0x365: {  	s4 =	simm.s32 $0x1400;
	[sflag:s14] =	ssyncadd.s32 $0xFFFFC000  }
0x366: {  	[spmem:s2] =	stream.indirect.scatter.add.f32 [tilespmem:s12], [sflag:$0x7], $0x80, s4, s11, $0xb8;
	[tilespmem:$0x1E000] =	vst v63  }
0x367: {  	_ =	swait.ge [sflag:s5], $0x4000  }
0x368: {  	[sflag:s5] =	ssyncset.done $0x0  }
0x369: {  	[sflag:s5] =	ssyncadd.s32 $0xFFFFC000  }
0x36a: {  	_ =	swait.ge [sflag:s15], $0x4000  }
0x36b: {  	[sflag:s15] =	ssyncset.done $0x0  }
0x36c: {  	s16 =	simm.s32 $0x1480;
	[sflag:s15] =	ssyncadd.s32 $0xFFFFC000  }
0x36d: {  	[spmem:s2] =	stream.indirect.scatter.add.f32 [tilespmem:s13], [sflag:$0x7], $0x80, s16, s11, $0xb8;
	[tilespmem:$0x1E000] =	vst v63  }
0x36e: {  	_ =	swait.ge [sflag:s5], $0x4000  }
0x36f: {  	[sflag:s5] =	ssyncset.done $0x0  }
0x370: {  	s17 =	simm.s32 $0x500;
	[sflag:s5] =	ssyncadd.s32 $0xFFFFC000  }
0x371: {  	[tilespmem:s12], [sflag:$0x1] =	stream.indirect.gather [hbm4b:s10+s11], $0x80, s17, s11, $0xb8;
	[tilespmem:$0x1E000] =	vst v63  }
0x372: {  	s3 =	simm.s32 $0x580  }
0x373: {  	[tilespmem:s13], [sflag:$0x2] =	stream.indirect.gather [hbm4b:s10+s11], $0x80, s3, s11, $0xb8;
	[tilespmem:$0x1E000] =	vst v63  }
0x374: {  	_ =	swait.ge [sflag:s14], $0x4000  }
0x375: {  	[sflag:s14] =	ssyncset.done $0x0  }
0x376: {  	s4 =	simm.s32 $0x1500;
	[sflag:s14] =	ssyncadd.s32 $0xFFFFC000  }
0x377: {  	[spmem:s2] =	stream.indirect.scatter.add.f32 [tilespmem:s12], [sflag:$0x7], $0x80, s4, s11, $0xb8;
	[tilespmem:$0x1E000] =	vst v63  }
0x378: {  	_ =	swait.ge [sflag:s5], $0x4000  }
0x379: {  	[sflag:s5] =	ssyncset.done $0x0  }
0x37a: {  	[sflag:s5] =	ssyncadd.s32 $0xFFFFC000  }
0x37b: {  	_ =	swait.ge [sflag:s15], $0x4000  }
0x37c: {  	[sflag:s15] =	ssyncset.done $0x0  }
0x37d: {  	s16 =	simm.s32 $0x1580;
	[sflag:s15] =	ssyncadd.s32 $0xFFFFC000  }
0x37e: {  	[spmem:s2] =	stream.indirect.scatter.add.f32 [tilespmem:s13], [sflag:$0x7], $0x80, s16, s11, $0xb8;
	[tilespmem:$0x1E000] =	vst v63  }
0x37f: {  	_ =	swait.ge [sflag:s5], $0x4000  }
0x380: {  	[sflag:s5] =	ssyncset.done $0x0  }
0x381: {  	s17 =	simm.s32 $0x600;
	[sflag:s5] =	ssyncadd.s32 $0xFFFFC000  }
0x382: {  	[tilespmem:s12], [sflag:$0x1] =	stream.indirect.gather [hbm4b:s10+s11], $0x80, s17, s11, $0xb8;
	[tilespmem:$0x1E000] =	vst v63  }
0x383: {  	s3 =	simm.s32 $0x680  }
0x384: {  	[tilespmem:s13], [sflag:$0x2] =	stream.indirect.gather [hbm4b:s10+s11], $0x80, s3, s11, $0xb8;
	[tilespmem:$0x1E000] =	vst v63  }
0x385: {  	_ =	swait.ge [sflag:s14], $0x4000  }
0x386: {  	[sflag:s14] =	ssyncset.done $0x0  }
0x387: {  	s4 =	simm.s32 $0x1600;
	[sflag:s14] =	ssyncadd.s32 $0xFFFFC000  }
0x388: {  	[spmem:s2] =	stream.indirect.scatter.add.f32 [tilespmem:s12], [sflag:$0x7], $0x80, s4, s11, $0xb8;
	[tilespmem:$0x1E000] =	vst v63  }
0x389: {  	_ =	swait.ge [sflag:s5], $0x4000  }
0x38a: {  	[sflag:s5] =	ssyncset.done $0x0  }
0x38b: {  	[sflag:s5] =	ssyncadd.s32 $0xFFFFC000  }
0x38c: {  	_ =	swait.ge [sflag:s15], $0x4000  }
0x38d: {  	[sflag:s15] =	ssyncset.done $0x0  }
0x38e: {  	s16 =	simm.s32 $0x1680;
	[sflag:s15] =	ssyncadd.s32 $0xFFFFC000  }
0x38f: {  	[spmem:s2] =	stream.indirect.scatter.add.f32 [tilespmem:s13], [sflag:$0x7], $0x80, s16, s11, $0xb8;
	[tilespmem:$0x1E000] =	vst v63  }
0x390: {  	_ =	swait.ge [sflag:s5], $0x4000  }
0x391: {  	[sflag:s5] =	ssyncset.done $0x0  }
0x392: {  	s17 =	simm.s32 $0x700;
	[sflag:s5] =	ssyncadd.s32 $0xFFFFC000  }
0x393: {  	[tilespmem:s12], [sflag:$0x1] =	stream.indirect.gather [hbm4b:s10+s11], $0x80, s17, s11, $0xb8;
	[tilespmem:$0x1E000] =	vst v63  }
0x394: {  	s3 =	simm.s32 $0x780  }
0x395: {  	[tilespmem:s13], [sflag:$0x2] =	stream.indirect.gather [hbm4b:s10+s11], $0x80, s3, s11, $0xb8;
	[tilespmem:$0x1E000] =	vst v63  }
0x396: {  	_ =	swait.ge [sflag:s14], $0x4000  }
0x397: {  	[sflag:s14] =	ssyncset.done $0x0  }
0x398: {  	s4 =	simm.s32 $0x1700;
	[sflag:s14] =	ssyncadd.s32 $0xFFFFC000  }
0x399: {  	[spmem:s2] =	stream.indirect.scatter.add.f32 [tilespmem:s12], [sflag:$0x7], $0x80, s4, s11, $0xb8;
	[tilespmem:$0x1E000] =	vst v63  }
0x39a: {  	_ =	swait.ge [sflag:s5], $0x4000  }
0x39b: {  	[sflag:s5] =	ssyncset.done $0x0  }
0x39c: {  	[sflag:s5] =	ssyncadd.s32 $0xFFFFC000  }
0x39d: {  	_ =	swait.ge [sflag:s15], $0x4000  }
0x39e: {  	[sflag:s15] =	ssyncset.done $0x0  }
0x39f: {  	s16 =	simm.s32 $0x1780;
	[sflag:s15] =	ssyncadd.s32 $0xFFFFC000  }
0x3a0: {  	[spmem:s2] =	stream.indirect.scatter.add.f32 [tilespmem:s13], [sflag:$0x7], $0x80, s16, s11, $0xb8;
	[tilespmem:$0x1E000] =	vst v63  }
0x3a1: {  	_ =	swait.ge [sflag:s5], $0x4000  }
0x3a2: {  	[sflag:s5] =	ssyncset.done $0x0  }
0x3a3: {  	s3 =	simm.s32 $0x4;
	[sflag:s5] =	ssyncadd.s32 $0xFFFFC000  }
0x3a4: {  	_ =	swait.ge [sflag:s3], $0x800  }
0x3a5: {  	[sflag:s3] =	ssyncset.done $0x0  }
0x3a6: {  	s1 =	simm.s32 $0x6;
	[sflag:s3] =	ssyncadd.s32 $0xFFFFF800  }
0x3a7: {  	_ =	swait.ge [sflag:s1], $0x800  }
0x3a8: {  	[sflag:s1] =	ssyncset.done $0x0  }
0x3a9: {  	s17 =	rddreg [dreg:$0x9];
	[sflag:s1] =	ssyncadd.s32 $0xFFFFF800  }
0x3aa: {  	[tilespmem:s8], [sflag:$0x3] =	stream.linear.gather [hbm4b:s17+s8], $0x800, $0x38;
	[tilespmem:$0x1E000] =	vst v63  }
0x3ab: {  	s4 =	rddreg [dreg:$0xa]  }
0x3ac: {  	[tilespmem:s29], [sflag:$0x5] =	stream.linear.gather [hbm4b:s4+s8], $0x800, $0x38;
	[tilespmem:$0x1E000] =	vst v63  }
0x3ad: {  	_ = 	snop  }
0x3ae: {  	[tilespmem:s12], [sflag:$0x1] =	stream.indirect.gather [hbm4b:s10+s11], $0x80, s9, s11, $0xb8;
	[tilespmem:$0x1E000] =	vst v63  }
0x3af: {  	s4 =	simm.s32 $0x880  }
0x3b0: {  	[tilespmem:s13], [sflag:$0x2] =	stream.indirect.gather [hbm4b:s10+s11], $0x80, s4, s11, $0xb8;
	[tilespmem:$0x1E000] =	vst v63  }
0x3b1: {  	_ =	swait.ge [sflag:s14], $0x4000  }
0x3b2: {  	[sflag:s14] =	ssyncset.done $0x0  }
0x3b3: {  	[sflag:s14] =	ssyncadd.s32 $0xFFFFC000  }
0x3b4: {  	[spmem:s2] =	stream.indirect.scatter.add.f32 [tilespmem:s12], [sflag:$0x7], $0x80, s7, s11, $0xb8;
	[tilespmem:$0x1E000] =	vst v63  }
0x3b5: {  	_ =	swait.ge [sflag:s5], $0x4000  }
0x3b6: {  	[sflag:s5] =	ssyncset.done $0x0  }
0x3b7: {  	[sflag:s5] =	ssyncadd.s32 $0xFFFFC000  }
0x3b8: {  	_ =	swait.ge [sflag:s15], $0x4000  }
0x3b9: {  	[sflag:s15] =	ssyncset.done $0x0  }
0x3ba: {  	s16 =	simm.s32 $0x1880;
	[sflag:s15] =	ssyncadd.s32 $0xFFFFC000  }
0x3bb: {  	[spmem:s2] =	stream.indirect.scatter.add.f32 [tilespmem:s13], [sflag:$0x7], $0x80, s16, s11, $0xb8;
	[tilespmem:$0x1E000] =	vst v63  }
0x3bc: {  	_ =	swait.ge [sflag:s5], $0x4000  }
0x3bd: {  	[sflag:s5] =	ssyncset.done $0x0  }
0x3be: {  	[sflag:s5] =	ssyncadd.s32 $0xFFFFC000  }
0x3bf: {  	[tilespmem:s12], [sflag:$0x1] =	stream.indirect.gather [hbm4b:s10+s11], $0x80, s18, s11, $0xb8;
	[tilespmem:$0x1E000] =	vst v63  }
0x3c0: {  	_ = 	snop  }
0x3c1: {  	[tilespmem:s13], [sflag:$0x2] =	stream.indirect.gather [hbm4b:s10+s11], $0x80, s19, s11, $0xb8;
	[tilespmem:$0x1E000] =	vst v63  }
0x3c2: {  	_ =	swait.ge [sflag:s14], $0x4000  }
0x3c3: {  	[sflag:s14] =	ssyncset.done $0x0  }
0x3c4: {  	[sflag:s14] =	ssyncadd.s32 $0xFFFFC000  }
0x3c5: {  	[spmem:s2] =	stream.indirect.scatter.add.f32 [tilespmem:s12], [sflag:$0x7], $0x80, s20, s11, $0xb8;
	[tilespmem:$0x1E000] =	vst v63  }
0x3c6: {  	_ =	swait.ge [sflag:s5], $0x4000  }
0x3c7: {  	[sflag:s5] =	ssyncset.done $0x0  }
0x3c8: {  	[sflag:s5] =	ssyncadd.s32 $0xFFFFC000  }
0x3c9: {  	_ =	swait.ge [sflag:s15], $0x4000  }
0x3ca: {  	[sflag:s15] =	ssyncset.done $0x0  }
0x3cb: {  	[sflag:s15] =	ssyncadd.s32 $0xFFFFC000  }
0x3cc: {  	[spmem:s2] =	stream.indirect.scatter.add.f32 [tilespmem:s13], [sflag:$0x7], $0x80, s21, s11, $0xb8;
	[tilespmem:$0x1E000] =	vst v63  }
0x3cd: {  	_ =	swait.ge [sflag:s5], $0x4000  }
0x3ce: {  	[sflag:s5] =	ssyncset.done $0x0  }
0x3cf: {  	[sflag:s5] =	ssyncadd.s32 $0xFFFFC000  }
0x3d0: {  	[tilespmem:s12], [sflag:$0x1] =	stream.indirect.gather [hbm4b:s10+s11], $0x80, s22, s11, $0xb8;
	[tilespmem:$0x1E000] =	vst v63  }
0x3d1: {  	_ = 	snop  }
0x3d2: {  	[tilespmem:s13], [sflag:$0x2] =	stream.indirect.gather [hbm4b:s10+s11], $0x80, s23, s11, $0xb8;
	[tilespmem:$0x1E000] =	vst v63  }
0x3d3: {  	_ =	swait.ge [sflag:s14], $0x4000  }
0x3d4: {  	[sflag:s14] =	ssyncset.done $0x0  }
0x3d5: {  	[sflag:s14] =	ssyncadd.s32 $0xFFFFC000  }
0x3d6: {  	[spmem:s2] =	stream.indirect.scatter.add.f32 [tilespmem:s12], [sflag:$0x7], $0x80, s24, s11, $0xb8;
	[tilespmem:$0x1E000] =	vst v63  }
0x3d7: {  	_ =	swait.ge [sflag:s5], $0x4000  }
0x3d8: {  	[sflag:s5] =	ssyncset.done $0x0  }
0x3d9: {  	[sflag:s5] =	ssyncadd.s32 $0xFFFFC000  }
0x3da: {  	_ =	swait.ge [sflag:s15], $0x4000  }
0x3db: {  	[sflag:s15] =	ssyncset.done $0x0  }
0x3dc: {  	[sflag:s15] =	ssyncadd.s32 $0xFFFFC000  }
0x3dd: {  	[spmem:s2] =	stream.indirect.scatter.add.f32 [tilespmem:s13], [sflag:$0x7], $0x80, s25, s11, $0xb8;
	[tilespmem:$0x1E000] =	vst v63  }
0x3de: {  	_ =	swait.ge [sflag:s5], $0x4000  }
0x3df: {  	[sflag:s5] =	ssyncset.done $0x0  }
0x3e0: {  	[sflag:s5] =	ssyncadd.s32 $0xFFFFC000  }
0x3e1: {  	[tilespmem:s12], [sflag:$0x1] =	stream.indirect.gather [hbm4b:s10+s11], $0x80, s26, s11, $0xb8;
	[tilespmem:$0x1E000] =	vst v63  }
0x3e2: {  	_ = 	snop  }
0x3e3: {  	[tilespmem:s13], [sflag:$0x2] =	stream.indirect.gather [hbm4b:s10+s11], $0x80, s28, s11, $0xb8;
	[tilespmem:$0x1E000] =	vst v63  }
0x3e4: {  	_ =	swait.ge [sflag:s14], $0x4000  }
0x3e5: {  	[sflag:s14] =	ssyncset.done $0x0  }
0x3e6: {  	[sflag:s14] =	ssyncadd.s32 $0xFFFFC000  }
0x3e7: {  	[spmem:s2] =	stream.indirect.scatter.add.f32 [tilespmem:s12], [sflag:$0x7], $0x80, s30, s11, $0xb8;
	[tilespmem:$0x1E000] =	vst v63  }
0x3e8: {  	_ =	swait.ge [sflag:s5], $0x4000  }
0x3e9: {  	[sflag:s5] =	ssyncset.done $0x0  }
0x3ea: {  	[sflag:s5] =	ssyncadd.s32 $0xFFFFC000  }
0x3eb: {  	_ =	swait.ge [sflag:s15], $0x4000  }
0x3ec: {  	[sflag:s15] =	ssyncset.done $0x0  }
0x3ed: {  	[sflag:s15] =	ssyncadd.s32 $0xFFFFC000  }
0x3ee: {  	[spmem:s2] =	stream.indirect.scatter.add.f32 [tilespmem:s13], [sflag:$0x7], $0x80, s31, s11, $0xb8;
	[tilespmem:$0x1E000] =	vst v63  }
0x3ef: {  	_ =	swait.ge [sflag:s5], $0x4000  }
0x3f0: {  	[sflag:s5] =	ssyncset.done $0x0  }
0x3f1: {  	s17 =	simm.s32 $0xC00;
	[sflag:s5] =	ssyncadd.s32 $0xFFFFC000  }
0x3f2: {  	[tilespmem:s12], [sflag:$0x1] =	stream.indirect.gather [hbm4b:s10+s11], $0x80, s17, s11, $0xb8;
	[tilespmem:$0x1E000] =	vst v63  }
0x3f3: {  	s16 =	simm.s32 $0xC80  }
0x3f4: {  	[tilespmem:s13], [sflag:$0x2] =	stream.indirect.gather [hbm4b:s10+s11], $0x80, s16, s11, $0xb8;
	[tilespmem:$0x1E000] =	vst v63  }
0x3f5: {  	_ =	swait.ge [sflag:s14], $0x4000  }
0x3f6: {  	[sflag:s14] =	ssyncset.done $0x0  }
0x3f7: {  	s17 =	simm.s32 $0x1C00;
	[sflag:s14] =	ssyncadd.s32 $0xFFFFC000  }
0x3f8: {  	[spmem:s2] =	stream.indirect.scatter.add.f32 [tilespmem:s12], [sflag:$0x7], $0x80, s17, s11, $0xb8;
	[tilespmem:$0x1E000] =	vst v63  }
0x3f9: {  	_ =	swait.ge [sflag:s5], $0x4000  }
0x3fa: {  	[sflag:s5] =	ssyncset.done $0x0  }
0x3fb: {  	[sflag:s5] =	ssyncadd.s32 $0xFFFFC000  }
0x3fc: {  	_ =	swait.ge [sflag:s15], $0x4000  }
0x3fd: {  	[sflag:s15] =	ssyncset.done $0x0  }
0x3fe: {  	s16 =	simm.s32 $0x1C80;
	[sflag:s15] =	ssyncadd.s32 $0xFFFFC000  }
0x3ff: {  	[spmem:s2] =	stream.indirect.scatter.add.f32 [tilespmem:s13], [sflag:$0x7], $0x80, s16, s11, $0xb8;
	[tilespmem:$0x1E000] =	vst v63  }
0x400: {  	_ =	swait.ge [sflag:s5], $0x4000  }
0x401: {  	[sflag:s5] =	ssyncset.done $0x0  }
0x402: {  	s17 =	simm.s32 $0xD00;
	[sflag:s5] =	ssyncadd.s32 $0xFFFFC000  }
0x403: {  	[tilespmem:s12], [sflag:$0x1] =	stream.indirect.gather [hbm4b:s10+s11], $0x80, s17, s11, $0xb8;
	[tilespmem:$0x1E000] =	vst v63  }
0x404: {  	s16 =	simm.s32 $0xD80  }
0x405: {  	[tilespmem:s13], [sflag:$0x2] =	stream.indirect.gather [hbm4b:s10+s11], $0x80, s16, s11, $0xb8;
	[tilespmem:$0x1E000] =	vst v63  }
0x406: {  	_ =	swait.ge [sflag:s14], $0x4000  }
0x407: {  	[sflag:s14] =	ssyncset.done $0x0  }
0x408: {  	s17 =	simm.s32 $0x1D00;
	[sflag:s14] =	ssyncadd.s32 $0xFFFFC000  }
0x409: {  	[spmem:s2] =	stream.indirect.scatter.add.f32 [tilespmem:s12], [sflag:$0x7], $0x80, s17, s11, $0xb8;
	[tilespmem:$0x1E000] =	vst v63  }
0x40a: {  	_ =	swait.ge [sflag:s5], $0x4000  }
0x40b: {  	[sflag:s5] =	ssyncset.done $0x0  }
0x40c: {  	[sflag:s5] =	ssyncadd.s32 $0xFFFFC000  }
0x40d: {  	_ =	swait.ge [sflag:s15], $0x4000  }
0x40e: {  	[sflag:s15] =	ssyncset.done $0x0  }
0x40f: {  	s16 =	simm.s32 $0x1D80;
	[sflag:s15] =	ssyncadd.s32 $0xFFFFC000  }
0x410: {  	[spmem:s2] =	stream.indirect.scatter.add.f32 [tilespmem:s13], [sflag:$0x7], $0x80, s16, s11, $0xb8;
	[tilespmem:$0x1E000] =	vst v63  }
0x411: {  	_ =	swait.ge [sflag:s5], $0x4000  }
0x412: {  	[sflag:s5] =	ssyncset.done $0x0  }
0x413: {  	s17 =	simm.s32 $0xE00;
	[sflag:s5] =	ssyncadd.s32 $0xFFFFC000  }
0x414: {  	[tilespmem:s12], [sflag:$0x1] =	stream.indirect.gather [hbm4b:s10+s11], $0x80, s17, s11, $0xb8;
	[tilespmem:$0x1E000] =	vst v63  }
0x415: {  	s16 =	simm.s32 $0xE80  }
0x416: {  	[tilespmem:s13], [sflag:$0x2] =	stream.indirect.gather [hbm4b:s10+s11], $0x80, s16, s11, $0xb8;
	[tilespmem:$0x1E000] =	vst v63  }
0x417: {  	_ =	swait.ge [sflag:s14], $0x4000  }
0x418: {  	[sflag:s14] =	ssyncset.done $0x0  }
0x419: {  	s17 =	simm.s32 $0x1E00;
	[sflag:s14] =	ssyncadd.s32 $0xFFFFC000  }
0x41a: {  	[spmem:s2] =	stream.indirect.scatter.add.f32 [tilespmem:s12], [sflag:$0x7], $0x80, s17, s11, $0xb8;
	[tilespmem:$0x1E000] =	vst v63  }
0x41b: {  	_ =	swait.ge [sflag:s5], $0x4000  }
0x41c: {  	[sflag:s5] =	ssyncset.done $0x0  }
0x41d: {  	[sflag:s5] =	ssyncadd.s32 $0xFFFFC000  }
0x41e: {  	_ =	swait.ge [sflag:s15], $0x4000  }
0x41f: {  	[sflag:s15] =	ssyncset.done $0x0  }
0x420: {  	s16 =	simm.s32 $0x1E80;
	[sflag:s15] =	ssyncadd.s32 $0xFFFFC000  }
0x421: {  	[spmem:s2] =	stream.indirect.scatter.add.f32 [tilespmem:s13], [sflag:$0x7], $0x80, s16, s11, $0xb8;
	[tilespmem:$0x1E000] =	vst v63  }
0x422: {  	_ =	swait.ge [sflag:s5], $0x4000  }
0x423: {  	[sflag:s5] =	ssyncset.done $0x0  }
0x424: {  	s17 =	simm.s32 $0xF00;
	[sflag:s5] =	ssyncadd.s32 $0xFFFFC000  }
0x425: {  	[tilespmem:s12], [sflag:$0x1] =	stream.indirect.gather [hbm4b:s10+s11], $0x80, s17, s11, $0xb8;
	[tilespmem:$0x1E000] =	vst v63  }
0x426: {  	s16 =	simm.s32 $0xF80  }
0x427: {  	[tilespmem:s13], [sflag:$0x2] =	stream.indirect.gather [hbm4b:s10+s11], $0x80, s16, s11, $0xb8;
	[tilespmem:$0x1E000] =	vst v63  }
0x428: {  	_ =	swait.ge [sflag:s14], $0x4000  }
0x429: {  	[sflag:s14] =	ssyncset.done $0x0  }
0x42a: {  	s17 =	simm.s32 $0x1F00;
	[sflag:s14] =	ssyncadd.s32 $0xFFFFC000  }
0x42b: {  	[spmem:s2] =	stream.indirect.scatter.add.f32 [tilespmem:s12], [sflag:$0x7], $0x80, s17, s11, $0xb8;
	[tilespmem:$0x1E000] =	vst v63  }
0x42c: {  	_ =	swait.ge [sflag:s5], $0x4000  }
0x42d: {  	[sflag:s5] =	ssyncset.done $0x0  }
0x42e: {  	[sflag:s5] =	ssyncadd.s32 $0xFFFFC000  }
0x42f: {  	_ =	swait.ge [sflag:s15], $0x4000  }
0x430: {  	[sflag:s15] =	ssyncset.done $0x0  }
0x431: {  	s16 =	simm.s32 $0x1F80;
	[sflag:s15] =	ssyncadd.s32 $0xFFFFC000  }
0x432: {  	[spmem:s2] =	stream.indirect.scatter.add.f32 [tilespmem:s13], [sflag:$0x7], $0x80, s16, s11, $0xb8;
	[tilespmem:$0x1E000] =	vst v63  }
0x433: {  	_ =	swait.ge [sflag:s5], $0x4000  }
0x434: {  	[sflag:s5] =	ssyncset.done $0x0  }
0x435: {  	s4 =	simm.s32 $0x3;
	[sflag:s5] =	ssyncadd.s32 $0xFFFFC000  }
0x436: {  	_ =	swait.ge [sflag:s4], $0x800  }
0x437: {  	[sflag:s4] =	ssyncset.done $0x0  }
0x438: {  	[sflag:s4] =	ssyncadd.s32 $0xFFFFF800  }
0x439: {  	_ =	swait.ge [sflag:s6], $0x800  }
0x43a: {  	[sflag:s6] =	ssyncset.done $0x0  }
0x43b: {  	s16 =	rddreg [dreg:$0xb];
	[sflag:s6] =	ssyncadd.s32 $0xFFFFF800  }
0x43c: {  	[tilespmem:s9], [sflag:$0x4] =	stream.linear.gather [hbm4b:s16+s8], $0x800, $0x38;
	[tilespmem:$0x1E000] =	vst v63  }
0x43d: {  	s17 =	rddreg [dreg:$0xc]  }
0x43e: {  	[tilespmem:s7], [sflag:$0x6] =	stream.linear.gather [hbm4b:s17+s8], $0x800, $0x38;
	[tilespmem:$0x1E000] =	vst v63  }
0x43f: {  	_ = 	snop  }
0x440: {  	[tilespmem:s12], [sflag:$0x1] =	stream.indirect.gather [hbm4b:s10+s11], $0x80, s8, s11, $0xb8;
	[tilespmem:$0x1E000] =	vst v63  }
0x441: {  	_ = 	snop  }
0x442: {  	[tilespmem:s13], [sflag:$0x2] =	stream.indirect.gather [hbm4b:s10+s11], $0x80, s11, s11, $0xb8;
	[tilespmem:$0x1E000] =	vst v63  }
0x443: {  	_ =	swait.ge [sflag:s14], $0x4000  }
0x444: {  	[sflag:s14] =	ssyncset.done $0x0  }
0x445: {  	[sflag:s14] =	ssyncadd.s32 $0xFFFFC000  }
0x446: {  	[spmem:s2] =	stream.indirect.scatter.add.f32 [tilespmem:s12], [sflag:$0x7], $0x80, s29, s11, $0xb8;
	[tilespmem:$0x1E000] =	vst v63  }
0x447: {  	_ =	swait.ge [sflag:s5], $0x4000  }
0x448: {  	[sflag:s5] =	ssyncset.done $0x0  }
0x449: {  	[sflag:s5] =	ssyncadd.s32 $0xFFFFC000  }
0x44a: {  	_ =	swait.ge [sflag:s15], $0x4000  }
0x44b: {  	[sflag:s15] =	ssyncset.done $0x0  }
0x44c: {  	s17 =	simm.s32 $0x1080;
	[sflag:s15] =	ssyncadd.s32 $0xFFFFC000  }
0x44d: {  	[spmem:s2] =	stream.indirect.scatter.add.f32 [tilespmem:s13], [sflag:$0x7], $0x80, s17, s11, $0xb8;
	[tilespmem:$0x1E000] =	vst v63  }
0x44e: {  	_ =	swait.ge [sflag:s5], $0x4000  }
0x44f: {  	[sflag:s5] =	ssyncset.done $0x0  }
0x450: {  	s17 =	simm.s32 $0x100;
	[sflag:s5] =	ssyncadd.s32 $0xFFFFC000  }
0x451: {  	[tilespmem:s12], [sflag:$0x1] =	stream.indirect.gather [hbm4b:s10+s11], $0x80, s17, s11, $0xb8;
	[tilespmem:$0x1E000] =	vst v63  }
0x452: {  	s17 =	simm.s32 $0x180  }
0x453: {  	[tilespmem:s13], [sflag:$0x2] =	stream.indirect.gather [hbm4b:s10+s11], $0x80, s17, s11, $0xb8;
	[tilespmem:$0x1E000] =	vst v63  }
0x454: {  	_ =	swait.ge [sflag:s14], $0x4000  }
0x455: {  	[sflag:s14] =	ssyncset.done $0x0  }
0x456: {  	s17 =	simm.s32 $0x1100;
	[sflag:s14] =	ssyncadd.s32 $0xFFFFC000  }
0x457: {  	[spmem:s2] =	stream.indirect.scatter.add.f32 [tilespmem:s12], [sflag:$0x7], $0x80, s17, s11, $0xb8;
	[tilespmem:$0x1E000] =	vst v63  }
0x458: {  	_ =	swait.ge [sflag:s5], $0x4000  }
0x459: {  	[sflag:s5] =	ssyncset.done $0x0  }
0x45a: {  	[sflag:s5] =	ssyncadd.s32 $0xFFFFC000  }
0x45b: {  	_ =	swait.ge [sflag:s15], $0x4000  }
0x45c: {  	[sflag:s15] =	ssyncset.done $0x0  }
0x45d: {  	s17 =	simm.s32 $0x1180;
	[sflag:s15] =	ssyncadd.s32 $0xFFFFC000  }
0x45e: {  	[spmem:s2] =	stream.indirect.scatter.add.f32 [tilespmem:s13], [sflag:$0x7], $0x80, s17, s11, $0xb8;
	[tilespmem:$0x1E000] =	vst v63  }
0x45f: {  	_ =	swait.ge [sflag:s5], $0x4000  }
0x460: {  	[sflag:s5] =	ssyncset.done $0x0  }
0x461: {  	s17 =	simm.s32 $0x200;
	[sflag:s5] =	ssyncadd.s32 $0xFFFFC000  }
0x462: {  	[tilespmem:s12], [sflag:$0x1] =	stream.indirect.gather [hbm4b:s10+s11], $0x80, s17, s11, $0xb8;
	[tilespmem:$0x1E000] =	vst v63  }
0x463: {  	s17 =	simm.s32 $0x280  }
0x464: {  	[tilespmem:s13], [sflag:$0x2] =	stream.indirect.gather [hbm4b:s10+s11], $0x80, s17, s11, $0xb8;
	[tilespmem:$0x1E000] =	vst v63  }
0x465: {  	_ =	swait.ge [sflag:s14], $0x4000  }
0x466: {  	[sflag:s14] =	ssyncset.done $0x0  }
0x467: {  	s17 =	simm.s32 $0x1200;
	[sflag:s14] =	ssyncadd.s32 $0xFFFFC000  }
0x468: {  	[spmem:s2] =	stream.indirect.scatter.add.f32 [tilespmem:s12], [sflag:$0x7], $0x80, s17, s11, $0xb8;
	[tilespmem:$0x1E000] =	vst v63  }
0x469: {  	_ =	swait.ge [sflag:s5], $0x4000  }
0x46a: {  	[sflag:s5] =	ssyncset.done $0x0  }
0x46b: {  	[sflag:s5] =	ssyncadd.s32 $0xFFFFC000  }
0x46c: {  	_ =	swait.ge [sflag:s15], $0x4000  }
0x46d: {  	[sflag:s15] =	ssyncset.done $0x0  }
0x46e: {  	s17 =	simm.s32 $0x1280;
	[sflag:s15] =	ssyncadd.s32 $0xFFFFC000  }
0x46f: {  	[spmem:s2] =	stream.indirect.scatter.add.f32 [tilespmem:s13], [sflag:$0x7], $0x80, s17, s11, $0xb8;
	[tilespmem:$0x1E000] =	vst v63  }
0x470: {  	_ =	swait.ge [sflag:s5], $0x4000  }
0x471: {  	[sflag:s5] =	ssyncset.done $0x0  }
0x472: {  	s17 =	simm.s32 $0x300;
	[sflag:s5] =	ssyncadd.s32 $0xFFFFC000  }
0x473: {  	[tilespmem:s12], [sflag:$0x1] =	stream.indirect.gather [hbm4b:s10+s11], $0x80, s17, s11, $0xb8;
	[tilespmem:$0x1E000] =	vst v63  }
0x474: {  	s17 =	simm.s32 $0x380  }
0x475: {  	[tilespmem:s13], [sflag:$0x2] =	stream.indirect.gather [hbm4b:s10+s11], $0x80, s17, s11, $0xb8;
	[tilespmem:$0x1E000] =	vst v63  }
0x476: {  	_ =	swait.ge [sflag:s14], $0x4000  }
0x477: {  	[sflag:s14] =	ssyncset.done $0x0  }
0x478: {  	s17 =	simm.s32 $0x1300;
	[sflag:s14] =	ssyncadd.s32 $0xFFFFC000  }
0x479: {  	[spmem:s2] =	stream.indirect.scatter.add.f32 [tilespmem:s12], [sflag:$0x7], $0x80, s17, s11, $0xb8;
	[tilespmem:$0x1E000] =	vst v63  }
0x47a: {  	_ =	swait.ge [sflag:s5], $0x4000  }
0x47b: {  	[sflag:s5] =	ssyncset.done $0x0  }
0x47c: {  	[sflag:s5] =	ssyncadd.s32 $0xFFFFC000  }
0x47d: {  	_ =	swait.ge [sflag:s15], $0x4000  }
0x47e: {  	[sflag:s15] =	ssyncset.done $0x0  }
0x47f: {  	s17 =	simm.s32 $0x1380;
	[sflag:s15] =	ssyncadd.s32 $0xFFFFC000  }
0x480: {  	[spmem:s2] =	stream.indirect.scatter.add.f32 [tilespmem:s13], [sflag:$0x7], $0x80, s17, s11, $0xb8;
	[tilespmem:$0x1E000] =	vst v63  }
0x481: {  	_ =	swait.ge [sflag:s5], $0x4000  }
0x482: {  	[sflag:s5] =	ssyncset.done $0x0  }
0x483: {  	s17 =	simm.s32 $0x400;
	[sflag:s5] =	ssyncadd.s32 $0xFFFFC000  }
0x484: {  	[tilespmem:s12], [sflag:$0x1] =	stream.indirect.gather [hbm4b:s10+s11], $0x80, s17, s11, $0xb8;
	[tilespmem:$0x1E000] =	vst v63  }
0x485: {  	s17 =	simm.s32 $0x480  }
0x486: {  	[tilespmem:s13], [sflag:$0x2] =	stream.indirect.gather [hbm4b:s10+s11], $0x80, s17, s11, $0xb8;
	[tilespmem:$0x1E000] =	vst v63  }
0x487: {  	_ =	swait.ge [sflag:s14], $0x4000  }
0x488: {  	[sflag:s14] =	ssyncset.done $0x0  }
0x489: {  	s17 =	simm.s32 $0x1400;
	[sflag:s14] =	ssyncadd.s32 $0xFFFFC000  }
0x48a: {  	[spmem:s2] =	stream.indirect.scatter.add.f32 [tilespmem:s12], [sflag:$0x7], $0x80, s17, s11, $0xb8;
	[tilespmem:$0x1E000] =	vst v63  }
0x48b: {  	_ =	swait.ge [sflag:s5], $0x4000  }
0x48c: {  	[sflag:s5] =	ssyncset.done $0x0  }
0x48d: {  	[sflag:s5] =	ssyncadd.s32 $0xFFFFC000  }
0x48e: {  	_ =	swait.ge [sflag:s15], $0x4000  }
0x48f: {  	[sflag:s15] =	ssyncset.done $0x0  }
0x490: {  	s17 =	simm.s32 $0x1480;
	[sflag:s15] =	ssyncadd.s32 $0xFFFFC000  }
0x491: {  	[spmem:s2] =	stream.indirect.scatter.add.f32 [tilespmem:s13], [sflag:$0x7], $0x80, s17, s11, $0xb8;
	[tilespmem:$0x1E000] =	vst v63  }
0x492: {  	_ =	swait.ge [sflag:s5], $0x4000  }
0x493: {  	[sflag:s5] =	ssyncset.done $0x0  }
0x494: {  	s17 =	simm.s32 $0x500;
	[sflag:s5] =	ssyncadd.s32 $0xFFFFC000  }
0x495: {  	[tilespmem:s12], [sflag:$0x1] =	stream.indirect.gather [hbm4b:s10+s11], $0x80, s17, s11, $0xb8;
	[tilespmem:$0x1E000] =	vst v63  }
0x496: {  	s17 =	simm.s32 $0x580  }
0x497: {  	[tilespmem:s13], [sflag:$0x2] =	stream.indirect.gather [hbm4b:s10+s11], $0x80, s17, s11, $0xb8;
	[tilespmem:$0x1E000] =	vst v63  }
0x498: {  	_ =	swait.ge [sflag:s14], $0x4000  }
0x499: {  	[sflag:s14] =	ssyncset.done $0x0  }
0x49a: {  	s17 =	simm.s32 $0x1500;
	[sflag:s14] =	ssyncadd.s32 $0xFFFFC000  }
0x49b: {  	[spmem:s2] =	stream.indirect.scatter.add.f32 [tilespmem:s12], [sflag:$0x7], $0x80, s17, s11, $0xb8;
	[tilespmem:$0x1E000] =	vst v63  }
0x49c: {  	_ =	swait.ge [sflag:s5], $0x4000  }
0x49d: {  	[sflag:s5] =	ssyncset.done $0x0  }
0x49e: {  	[sflag:s5] =	ssyncadd.s32 $0xFFFFC000  }
0x49f: {  	_ =	swait.ge [sflag:s15], $0x4000  }
0x4a0: {  	[sflag:s15] =	ssyncset.done $0x0  }
0x4a1: {  	s17 =	simm.s32 $0x1580;
	[sflag:s15] =	ssyncadd.s32 $0xFFFFC000  }
0x4a2: {  	[spmem:s2] =	stream.indirect.scatter.add.f32 [tilespmem:s13], [sflag:$0x7], $0x80, s17, s11, $0xb8;
	[tilespmem:$0x1E000] =	vst v63  }
0x4a3: {  	_ =	swait.ge [sflag:s5], $0x4000  }
0x4a4: {  	[sflag:s5] =	ssyncset.done $0x0  }
0x4a5: {  	s17 =	simm.s32 $0x600;
	[sflag:s5] =	ssyncadd.s32 $0xFFFFC000  }
0x4a6: {  	[tilespmem:s12], [sflag:$0x1] =	stream.indirect.gather [hbm4b:s10+s11], $0x80, s17, s11, $0xb8;
	[tilespmem:$0x1E000] =	vst v63  }
0x4a7: {  	s17 =	simm.s32 $0x680  }
0x4a8: {  	[tilespmem:s13], [sflag:$0x2] =	stream.indirect.gather [hbm4b:s10+s11], $0x80, s17, s11, $0xb8;
	[tilespmem:$0x1E000] =	vst v63  }
0x4a9: {  	_ =	swait.ge [sflag:s14], $0x4000  }
0x4aa: {  	[sflag:s14] =	ssyncset.done $0x0  }
0x4ab: {  	s17 =	simm.s32 $0x1600;
	[sflag:s14] =	ssyncadd.s32 $0xFFFFC000  }
0x4ac: {  	[spmem:s2] =	stream.indirect.scatter.add.f32 [tilespmem:s12], [sflag:$0x7], $0x80, s17, s11, $0xb8;
	[tilespmem:$0x1E000] =	vst v63  }
0x4ad: {  	_ =	swait.ge [sflag:s5], $0x4000  }
0x4ae: {  	[sflag:s5] =	ssyncset.done $0x0  }
0x4af: {  	[sflag:s5] =	ssyncadd.s32 $0xFFFFC000  }
0x4b0: {  	_ =	swait.ge [sflag:s15], $0x4000  }
0x4b1: {  	[sflag:s15] =	ssyncset.done $0x0  }
0x4b2: {  	s17 =	simm.s32 $0x1680;
	[sflag:s15] =	ssyncadd.s32 $0xFFFFC000  }
0x4b3: {  	[spmem:s2] =	stream.indirect.scatter.add.f32 [tilespmem:s13], [sflag:$0x7], $0x80, s17, s11, $0xb8;
	[tilespmem:$0x1E000] =	vst v63  }
0x4b4: {  	_ =	swait.ge [sflag:s5], $0x4000  }
0x4b5: {  	[sflag:s5] =	ssyncset.done $0x0  }
0x4b6: {  	s17 =	simm.s32 $0x700;
	[sflag:s5] =	ssyncadd.s32 $0xFFFFC000  }
0x4b7: {  	[tilespmem:s12], [sflag:$0x1] =	stream.indirect.gather [hbm4b:s10+s11], $0x80, s17, s11, $0xb8;
	[tilespmem:$0x1E000] =	vst v63  }
0x4b8: {  	s17 =	simm.s32 $0x780  }
0x4b9: {  	[tilespmem:s13], [sflag:$0x2] =	stream.indirect.gather [hbm4b:s10+s11], $0x80, s17, s11, $0xb8;
	[tilespmem:$0x1E000] =	vst v63  }
0x4ba: {  	_ =	swait.ge [sflag:s14], $0x4000  }
0x4bb: {  	[sflag:s14] =	ssyncset.done $0x0  }
0x4bc: {  	s17 =	simm.s32 $0x1700;
	[sflag:s14] =	ssyncadd.s32 $0xFFFFC000  }
0x4bd: {  	[spmem:s2] =	stream.indirect.scatter.add.f32 [tilespmem:s12], [sflag:$0x7], $0x80, s17, s11, $0xb8;
	[tilespmem:$0x1E000] =	vst v63  }
0x4be: {  	_ =	swait.ge [sflag:s5], $0x4000  }
0x4bf: {  	[sflag:s5] =	ssyncset.done $0x0  }
0x4c0: {  	[sflag:s5] =	ssyncadd.s32 $0xFFFFC000  }
0x4c1: {  	_ =	swait.ge [sflag:s15], $0x4000  }
0x4c2: {  	[sflag:s15] =	ssyncset.done $0x0  }
0x4c3: {  	s17 =	simm.s32 $0x1780;
	[sflag:s15] =	ssyncadd.s32 $0xFFFFC000  }
0x4c4: {  	[spmem:s2] =	stream.indirect.scatter.add.f32 [tilespmem:s13], [sflag:$0x7], $0x80, s17, s11, $0xb8;
	[tilespmem:$0x1E000] =	vst v63  }
0x4c5: {  	_ =	swait.ge [sflag:s5], $0x4000  }
0x4c6: {  	[sflag:s5] =	ssyncset.done $0x0  }
0x4c7: {  	[sflag:s5] =	ssyncadd.s32 $0xFFFFC000  }
0x4c8: {  	_ =	swait.ge [sflag:s3], $0x800  }
0x4c9: {  	[sflag:s3] =	ssyncset.done $0x0  }
0x4ca: {  	[sflag:s3] =	ssyncadd.s32 $0xFFFFF800  }
0x4cb: {  	_ =	swait.ge [sflag:s1], $0x800  }
0x4cc: {  	[sflag:s1] =	ssyncset.done $0x0  }
0x4cd: {  	s17 =	rddreg [dreg:$0xd];
	[sflag:s1] =	ssyncadd.s32 $0xFFFFF800  }
0x4ce: {  	[tilespmem:s8], [sflag:$0x3] =	stream.linear.gather [hbm4b:s17+s8], $0x800, $0x38;
	[tilespmem:$0x1E000] =	vst v63  }
0x4cf: {  	s3 =	rddreg [dreg:$0xe]  }
0x4d0: {  	[tilespmem:s29], [sflag:$0x5] =	stream.linear.gather [hbm4b:s3+s8], $0x800, $0x38;
	[tilespmem:$0x1E000] =	vst v63  }
0x4d1: {  	_ = 	snop  }
0x4d2: {  	[tilespmem:s12], [sflag:$0x1] =	stream.indirect.gather [hbm4b:s10+s11], $0x80, s9, s11, $0xb8;
	[tilespmem:$0x1E000] =	vst v63  }
0x4d3: {  	s17 =	simm.s32 $0x880  }
0x4d4: {  	[tilespmem:s13], [sflag:$0x2] =	stream.indirect.gather [hbm4b:s10+s11], $0x80, s17, s11, $0xb8;
	[tilespmem:$0x1E000] =	vst v63  }
0x4d5: {  	_ =	swait.ge [sflag:s14], $0x4000  }
0x4d6: {  	[sflag:s14] =	ssyncset.done $0x0  }
0x4d7: {  	[sflag:s14] =	ssyncadd.s32 $0xFFFFC000  }
0x4d8: {  	[spmem:s2] =	stream.indirect.scatter.add.f32 [tilespmem:s12], [sflag:$0x7], $0x80, s7, s11, $0xb8;
	[tilespmem:$0x1E000] =	vst v63  }
0x4d9: {  	_ =	swait.ge [sflag:s5], $0x4000  }
0x4da: {  	[sflag:s5] =	ssyncset.done $0x0  }
0x4db: {  	[sflag:s5] =	ssyncadd.s32 $0xFFFFC000  }
0x4dc: {  	_ =	swait.ge [sflag:s15], $0x4000  }
0x4dd: {  	[sflag:s15] =	ssyncset.done $0x0  }
0x4de: {  	s3 =	simm.s32 $0x1880;
	[sflag:s15] =	ssyncadd.s32 $0xFFFFC000  }
0x4df: {  	[spmem:s2] =	stream.indirect.scatter.add.f32 [tilespmem:s13], [sflag:$0x7], $0x80, s3, s11, $0xb8;
	[tilespmem:$0x1E000] =	vst v63  }
0x4e0: {  	_ =	swait.ge [sflag:s5], $0x4000  }
0x4e1: {  	[sflag:s5] =	ssyncset.done $0x0  }
0x4e2: {  	[sflag:s5] =	ssyncadd.s32 $0xFFFFC000  }
0x4e3: {  	[tilespmem:s12], [sflag:$0x1] =	stream.indirect.gather [hbm4b:s10+s11], $0x80, s18, s11, $0xb8;
	[tilespmem:$0x1E000] =	vst v63  }
0x4e4: {  	_ = 	snop  }
0x4e5: {  	[tilespmem:s13], [sflag:$0x2] =	stream.indirect.gather [hbm4b:s10+s11], $0x80, s19, s11, $0xb8;
	[tilespmem:$0x1E000] =	vst v63  }
0x4e6: {  	_ =	swait.ge [sflag:s14], $0x4000  }
0x4e7: {  	[sflag:s14] =	ssyncset.done $0x0  }
0x4e8: {  	[sflag:s14] =	ssyncadd.s32 $0xFFFFC000  }
0x4e9: {  	[spmem:s2] =	stream.indirect.scatter.add.f32 [tilespmem:s12], [sflag:$0x7], $0x80, s20, s11, $0xb8;
	[tilespmem:$0x1E000] =	vst v63  }
0x4ea: {  	_ =	swait.ge [sflag:s5], $0x4000  }
0x4eb: {  	[sflag:s5] =	ssyncset.done $0x0  }
0x4ec: {  	[sflag:s5] =	ssyncadd.s32 $0xFFFFC000  }
0x4ed: {  	_ =	swait.ge [sflag:s15], $0x4000  }
0x4ee: {  	[sflag:s15] =	ssyncset.done $0x0  }
0x4ef: {  	[sflag:s15] =	ssyncadd.s32 $0xFFFFC000  }
0x4f0: {  	[spmem:s2] =	stream.indirect.scatter.add.f32 [tilespmem:s13], [sflag:$0x7], $0x80, s21, s11, $0xb8;
	[tilespmem:$0x1E000] =	vst v63  }
0x4f1: {  	_ =	swait.ge [sflag:s5], $0x4000  }
0x4f2: {  	[sflag:s5] =	ssyncset.done $0x0  }
0x4f3: {  	[sflag:s5] =	ssyncadd.s32 $0xFFFFC000  }
0x4f4: {  	[tilespmem:s12], [sflag:$0x1] =	stream.indirect.gather [hbm4b:s10+s11], $0x80, s22, s11, $0xb8;
	[tilespmem:$0x1E000] =	vst v63  }
0x4f5: {  	_ = 	snop  }
0x4f6: {  	[tilespmem:s13], [sflag:$0x2] =	stream.indirect.gather [hbm4b:s10+s11], $0x80, s23, s11, $0xb8;
	[tilespmem:$0x1E000] =	vst v63  }
0x4f7: {  	_ =	swait.ge [sflag:s14], $0x4000  }
0x4f8: {  	[sflag:s14] =	ssyncset.done $0x0  }
0x4f9: {  	[sflag:s14] =	ssyncadd.s32 $0xFFFFC000  }
0x4fa: {  	[spmem:s2] =	stream.indirect.scatter.add.f32 [tilespmem:s12], [sflag:$0x7], $0x80, s24, s11, $0xb8;
	[tilespmem:$0x1E000] =	vst v63  }
0x4fb: {  	_ =	swait.ge [sflag:s5], $0x4000  }
0x4fc: {  	[sflag:s5] =	ssyncset.done $0x0  }
0x4fd: {  	[sflag:s5] =	ssyncadd.s32 $0xFFFFC000  }
0x4fe: {  	_ =	swait.ge [sflag:s15], $0x4000  }
0x4ff: {  	[sflag:s15] =	ssyncset.done $0x0  }
0x500: {  	[sflag:s15] =	ssyncadd.s32 $0xFFFFC000  }
0x501: {  	[spmem:s2] =	stream.indirect.scatter.add.f32 [tilespmem:s13], [sflag:$0x7], $0x80, s25, s11, $0xb8;
	[tilespmem:$0x1E000] =	vst v63  }
0x502: {  	_ =	swait.ge [sflag:s5], $0x4000  }
0x503: {  	[sflag:s5] =	ssyncset.done $0x0  }
0x504: {  	[sflag:s5] =	ssyncadd.s32 $0xFFFFC000  }
0x505: {  	[tilespmem:s12], [sflag:$0x1] =	stream.indirect.gather [hbm4b:s10+s11], $0x80, s26, s11, $0xb8;
	[tilespmem:$0x1E000] =	vst v63  }
0x506: {  	_ = 	snop  }
0x507: {  	[tilespmem:s13], [sflag:$0x2] =	stream.indirect.gather [hbm4b:s10+s11], $0x80, s28, s11, $0xb8;
	[tilespmem:$0x1E000] =	vst v63  }
0x508: {  	_ =	swait.ge [sflag:s14], $0x4000  }
0x509: {  	[sflag:s14] =	ssyncset.done $0x0  }
0x50a: {  	[sflag:s14] =	ssyncadd.s32 $0xFFFFC000  }
0x50b: {  	[spmem:s2] =	stream.indirect.scatter.add.f32 [tilespmem:s12], [sflag:$0x7], $0x80, s30, s11, $0xb8;
	[tilespmem:$0x1E000] =	vst v63  }
0x50c: {  	_ =	swait.ge [sflag:s5], $0x4000  }
0x50d: {  	[sflag:s5] =	ssyncset.done $0x0  }
0x50e: {  	[sflag:s5] =	ssyncadd.s32 $0xFFFFC000  }
0x50f: {  	_ =	swait.ge [sflag:s15], $0x4000  }
0x510: {  	[sflag:s15] =	ssyncset.done $0x0  }
0x511: {  	[sflag:s15] =	ssyncadd.s32 $0xFFFFC000  }
0x512: {  	[spmem:s2] =	stream.indirect.scatter.add.f32 [tilespmem:s13], [sflag:$0x7], $0x80, s31, s11, $0xb8;
	[tilespmem:$0x1E000] =	vst v63  }
0x513: {  	_ =	swait.ge [sflag:s5], $0x4000  }
0x514: {  	[sflag:s5] =	ssyncset.done $0x0  }
0x515: {  	s16 =	simm.s32 $0xC00;
	[sflag:s5] =	ssyncadd.s32 $0xFFFFC000  }
0x516: {  	[tilespmem:s12], [sflag:$0x1] =	stream.indirect.gather [hbm4b:s10+s11], $0x80, s16, s11, $0xb8;
	[tilespmem:$0x1E000] =	vst v63  }
0x517: {  	s17 =	simm.s32 $0xC80  }
0x518: {  	[tilespmem:s13], [sflag:$0x2] =	stream.indirect.gather [hbm4b:s10+s11], $0x80, s17, s11, $0xb8;
	[tilespmem:$0x1E000] =	vst v63  }
0x519: {  	_ =	swait.ge [sflag:s14], $0x4000  }
0x51a: {  	[sflag:s14] =	ssyncset.done $0x0  }
0x51b: {  	s3 =	simm.s32 $0x1C00;
	[sflag:s14] =	ssyncadd.s32 $0xFFFFC000  }
0x51c: {  	[spmem:s2] =	stream.indirect.scatter.add.f32 [tilespmem:s12], [sflag:$0x7], $0x80, s3, s11, $0xb8;
	[tilespmem:$0x1E000] =	vst v63  }
0x51d: {  	_ =	swait.ge [sflag:s5], $0x4000  }
0x51e: {  	[sflag:s5] =	ssyncset.done $0x0  }
0x51f: {  	[sflag:s5] =	ssyncadd.s32 $0xFFFFC000  }
0x520: {  	_ =	swait.ge [sflag:s15], $0x4000  }
0x521: {  	[sflag:s15] =	ssyncset.done $0x0  }
0x522: {  	s16 =	simm.s32 $0x1C80;
	[sflag:s15] =	ssyncadd.s32 $0xFFFFC000  }
0x523: {  	[spmem:s2] =	stream.indirect.scatter.add.f32 [tilespmem:s13], [sflag:$0x7], $0x80, s16, s11, $0xb8;
	[tilespmem:$0x1E000] =	vst v63  }
0x524: {  	_ =	swait.ge [sflag:s5], $0x4000  }
0x525: {  	[sflag:s5] =	ssyncset.done $0x0  }
0x526: {  	s17 =	simm.s32 $0xD00;
	[sflag:s5] =	ssyncadd.s32 $0xFFFFC000  }
0x527: {  	[tilespmem:s12], [sflag:$0x1] =	stream.indirect.gather [hbm4b:s10+s11], $0x80, s17, s11, $0xb8;
	[tilespmem:$0x1E000] =	vst v63  }
0x528: {  	s3 =	simm.s32 $0xD80  }
0x529: {  	[tilespmem:s13], [sflag:$0x2] =	stream.indirect.gather [hbm4b:s10+s11], $0x80, s3, s11, $0xb8;
	[tilespmem:$0x1E000] =	vst v63  }
0x52a: {  	_ =	swait.ge [sflag:s14], $0x4000  }
0x52b: {  	[sflag:s14] =	ssyncset.done $0x0  }
0x52c: {  	s16 =	simm.s32 $0x1D00;
	[sflag:s14] =	ssyncadd.s32 $0xFFFFC000  }
0x52d: {  	[spmem:s2] =	stream.indirect.scatter.add.f32 [tilespmem:s12], [sflag:$0x7], $0x80, s16, s11, $0xb8;
	[tilespmem:$0x1E000] =	vst v63  }
0x52e: {  	_ =	swait.ge [sflag:s5], $0x4000  }
0x52f: {  	[sflag:s5] =	ssyncset.done $0x0  }
0x530: {  	[sflag:s5] =	ssyncadd.s32 $0xFFFFC000  }
0x531: {  	_ =	swait.ge [sflag:s15], $0x4000  }
0x532: {  	[sflag:s15] =	ssyncset.done $0x0  }
0x533: {  	s17 =	simm.s32 $0x1D80;
	[sflag:s15] =	ssyncadd.s32 $0xFFFFC000  }
0x534: {  	[spmem:s2] =	stream.indirect.scatter.add.f32 [tilespmem:s13], [sflag:$0x7], $0x80, s17, s11, $0xb8;
	[tilespmem:$0x1E000] =	vst v63  }
0x535: {  	_ =	swait.ge [sflag:s5], $0x4000  }
0x536: {  	[sflag:s5] =	ssyncset.done $0x0  }
0x537: {  	s3 =	simm.s32 $0xE00;
	[sflag:s5] =	ssyncadd.s32 $0xFFFFC000  }
0x538: {  	[tilespmem:s12], [sflag:$0x1] =	stream.indirect.gather [hbm4b:s10+s11], $0x80, s3, s11, $0xb8;
	[tilespmem:$0x1E000] =	vst v63  }
0x539: {  	s16 =	simm.s32 $0xE80  }
0x53a: {  	[tilespmem:s13], [sflag:$0x2] =	stream.indirect.gather [hbm4b:s10+s11], $0x80, s16, s11, $0xb8;
	[tilespmem:$0x1E000] =	vst v63  }
0x53b: {  	_ =	swait.ge [sflag:s14], $0x4000  }
0x53c: {  	[sflag:s14] =	ssyncset.done $0x0  }
0x53d: {  	s17 =	simm.s32 $0x1E00;
	[sflag:s14] =	ssyncadd.s32 $0xFFFFC000  }
0x53e: {  	[spmem:s2] =	stream.indirect.scatter.add.f32 [tilespmem:s12], [sflag:$0x7], $0x80, s17, s11, $0xb8;
	[tilespmem:$0x1E000] =	vst v63  }
0x53f: {  	_ =	swait.ge [sflag:s5], $0x4000  }
0x540: {  	[sflag:s5] =	ssyncset.done $0x0  }
0x541: {  	[sflag:s5] =	ssyncadd.s32 $0xFFFFC000  }
0x542: {  	_ =	swait.ge [sflag:s15], $0x4000  }
0x543: {  	[sflag:s15] =	ssyncset.done $0x0  }
0x544: {  	s3 =	simm.s32 $0x1E80;
	[sflag:s15] =	ssyncadd.s32 $0xFFFFC000  }
0x545: {  	[spmem:s2] =	stream.indirect.scatter.add.f32 [tilespmem:s13], [sflag:$0x7], $0x80, s3, s11, $0xb8;
	[tilespmem:$0x1E000] =	vst v63  }
0x546: {  	_ =	swait.ge [sflag:s5], $0x4000  }
0x547: {  	[sflag:s5] =	ssyncset.done $0x0  }
0x548: {  	s16 =	simm.s32 $0xF00;
	[sflag:s5] =	ssyncadd.s32 $0xFFFFC000  }
0x549: {  	[tilespmem:s12], [sflag:$0x1] =	stream.indirect.gather [hbm4b:s10+s11], $0x80, s16, s11, $0xb8;
	[tilespmem:$0x1E000] =	vst v63  }
0x54a: {  	s17 =	simm.s32 $0xF80  }
0x54b: {  	[tilespmem:s13], [sflag:$0x2] =	stream.indirect.gather [hbm4b:s10+s11], $0x80, s17, s11, $0xb8;
	[tilespmem:$0x1E000] =	vst v63  }
0x54c: {  	_ =	swait.ge [sflag:s14], $0x4000  }
0x54d: {  	[sflag:s14] =	ssyncset.done $0x0  }
0x54e: {  	s3 =	simm.s32 $0x1F00;
	[sflag:s14] =	ssyncadd.s32 $0xFFFFC000  }
0x54f: {  	[spmem:s2] =	stream.indirect.scatter.add.f32 [tilespmem:s12], [sflag:$0x7], $0x80, s3, s11, $0xb8;
	[tilespmem:$0x1E000] =	vst v63  }
0x550: {  	_ =	swait.ge [sflag:s5], $0x4000  }
0x551: {  	[sflag:s5] =	ssyncset.done $0x0  }
0x552: {  	[sflag:s5] =	ssyncadd.s32 $0xFFFFC000  }
0x553: {  	_ =	swait.ge [sflag:s15], $0x4000  }
0x554: {  	[sflag:s15] =	ssyncset.done $0x0  }
0x555: {  	s16 =	simm.s32 $0x1F80;
	[sflag:s15] =	ssyncadd.s32 $0xFFFFC000  }
0x556: {  	[spmem:s2] =	stream.indirect.scatter.add.f32 [tilespmem:s13], [sflag:$0x7], $0x80, s16, s11, $0xb8;
	[tilespmem:$0x1E000] =	vst v63  }
0x557: {  	_ =	swait.ge [sflag:s5], $0x4000  }
0x558: {  	[sflag:s5] =	ssyncset.done $0x0  }
0x559: {  	[sflag:s5] =	ssyncadd.s32 $0xFFFFC000  }
0x55a: {  	_ =	swait.ge [sflag:s4], $0x800  }
0x55b: {  	[sflag:s4] =	ssyncset.done $0x0  }
0x55c: {  	[sflag:s4] =	ssyncadd.s32 $0xFFFFF800  }
0x55d: {  	_ =	swait.ge [sflag:s6], $0x800  }
0x55e: {  	[sflag:s6] =	ssyncset.done $0x0  }
0x55f: {  	[sflag:s6] =	ssyncadd.s32 $0xFFFFF800  }
0x560: {  	[tilespmem:s12], [sflag:$0x1] =	stream.indirect.gather [hbm4b:s10+s11], $0x80, s8, s11, $0xb8;
	[tilespmem:$0x1E000] =	vst v63  }
0x561: {  	_ = 	snop  }
0x562: {  	[tilespmem:s13], [sflag:$0x2] =	stream.indirect.gather [hbm4b:s10+s11], $0x80, s11, s11, $0xb8;
	[tilespmem:$0x1E000] =	vst v63  }
0x563: {  	_ =	swait.ge [sflag:s14], $0x4000  }
0x564: {  	[sflag:s14] =	ssyncset.done $0x0  }
0x565: {  	[sflag:s14] =	ssyncadd.s32 $0xFFFFC000  }
0x566: {  	[spmem:s2] =	stream.indirect.scatter.add.f32 [tilespmem:s12], [sflag:$0x7], $0x80, s29, s11, $0xb8;
	[tilespmem:$0x1E000] =	vst v63  }
0x567: {  	_ =	swait.ge [sflag:s5], $0x4000  }
0x568: {  	[sflag:s5] =	ssyncset.done $0x0  }
0x569: {  	[sflag:s5] =	ssyncadd.s32 $0xFFFFC000  }
0x56a: {  	_ =	swait.ge [sflag:s15], $0x4000  }
0x56b: {  	[sflag:s15] =	ssyncset.done $0x0  }
0x56c: {  	s17 =	simm.s32 $0x1080;
	[sflag:s15] =	ssyncadd.s32 $0xFFFFC000  }
0x56d: {  	[spmem:s2] =	stream.indirect.scatter.add.f32 [tilespmem:s13], [sflag:$0x7], $0x80, s17, s11, $0xb8;
	[tilespmem:$0x1E000] =	vst v63  }
0x56e: {  	_ =	swait.ge [sflag:s5], $0x4000  }
0x56f: {  	[sflag:s5] =	ssyncset.done $0x0  }
0x570: {  	s3 =	simm.s32 $0x100;
	[sflag:s5] =	ssyncadd.s32 $0xFFFFC000  }
0x571: {  	[tilespmem:s12], [sflag:$0x1] =	stream.indirect.gather [hbm4b:s10+s11], $0x80, s3, s11, $0xb8;
	[tilespmem:$0x1E000] =	vst v63  }
0x572: {  	s4 =	simm.s32 $0x180  }
0x573: {  	[tilespmem:s13], [sflag:$0x2] =	stream.indirect.gather [hbm4b:s10+s11], $0x80, s4, s11, $0xb8;
	[tilespmem:$0x1E000] =	vst v63  }
0x574: {  	_ =	swait.ge [sflag:s14], $0x4000  }
0x575: {  	[sflag:s14] =	ssyncset.done $0x0  }
0x576: {  	s16 =	simm.s32 $0x1100;
	[sflag:s14] =	ssyncadd.s32 $0xFFFFC000  }
0x577: {  	[spmem:s2] =	stream.indirect.scatter.add.f32 [tilespmem:s12], [sflag:$0x7], $0x80, s16, s11, $0xb8;
	[tilespmem:$0x1E000] =	vst v63  }
0x578: {  	_ =	swait.ge [sflag:s5], $0x4000  }
0x579: {  	[sflag:s5] =	ssyncset.done $0x0  }
0x57a: {  	[sflag:s5] =	ssyncadd.s32 $0xFFFFC000  }
0x57b: {  	_ =	swait.ge [sflag:s15], $0x4000  }
0x57c: {  	[sflag:s15] =	ssyncset.done $0x0  }
0x57d: {  	s17 =	simm.s32 $0x1180;
	[sflag:s15] =	ssyncadd.s32 $0xFFFFC000  }
0x57e: {  	[spmem:s2] =	stream.indirect.scatter.add.f32 [tilespmem:s13], [sflag:$0x7], $0x80, s17, s11, $0xb8;
	[tilespmem:$0x1E000] =	vst v63  }
0x57f: {  	_ =	swait.ge [sflag:s5], $0x4000  }
0x580: {  	[sflag:s5] =	ssyncset.done $0x0  }
0x581: {  	s3 =	simm.s32 $0x200;
	[sflag:s5] =	ssyncadd.s32 $0xFFFFC000  }
0x582: {  	[tilespmem:s12], [sflag:$0x1] =	stream.indirect.gather [hbm4b:s10+s11], $0x80, s3, s11, $0xb8;
	[tilespmem:$0x1E000] =	vst v63  }
0x583: {  	s4 =	simm.s32 $0x280  }
0x584: {  	[tilespmem:s13], [sflag:$0x2] =	stream.indirect.gather [hbm4b:s10+s11], $0x80, s4, s11, $0xb8;
	[tilespmem:$0x1E000] =	vst v63  }
0x585: {  	_ =	swait.ge [sflag:s14], $0x4000  }
0x586: {  	[sflag:s14] =	ssyncset.done $0x0  }
0x587: {  	s16 =	simm.s32 $0x1200;
	[sflag:s14] =	ssyncadd.s32 $0xFFFFC000  }
0x588: {  	[spmem:s2] =	stream.indirect.scatter.add.f32 [tilespmem:s12], [sflag:$0x7], $0x80, s16, s11, $0xb8;
	[tilespmem:$0x1E000] =	vst v63  }
0x589: {  	_ =	swait.ge [sflag:s5], $0x4000  }
0x58a: {  	[sflag:s5] =	ssyncset.done $0x0  }
0x58b: {  	[sflag:s5] =	ssyncadd.s32 $0xFFFFC000  }
0x58c: {  	_ =	swait.ge [sflag:s15], $0x4000  }
0x58d: {  	[sflag:s15] =	ssyncset.done $0x0  }
0x58e: {  	s17 =	simm.s32 $0x1280;
	[sflag:s15] =	ssyncadd.s32 $0xFFFFC000  }
0x58f: {  	[spmem:s2] =	stream.indirect.scatter.add.f32 [tilespmem:s13], [sflag:$0x7], $0x80, s17, s11, $0xb8;
	[tilespmem:$0x1E000] =	vst v63  }
0x590: {  	_ =	swait.ge [sflag:s5], $0x4000  }
0x591: {  	[sflag:s5] =	ssyncset.done $0x0  }
0x592: {  	s3 =	simm.s32 $0x300;
	[sflag:s5] =	ssyncadd.s32 $0xFFFFC000  }
0x593: {  	[tilespmem:s12], [sflag:$0x1] =	stream.indirect.gather [hbm4b:s10+s11], $0x80, s3, s11, $0xb8;
	[tilespmem:$0x1E000] =	vst v63  }
0x594: {  	s4 =	simm.s32 $0x380  }
0x595: {  	[tilespmem:s13], [sflag:$0x2] =	stream.indirect.gather [hbm4b:s10+s11], $0x80, s4, s11, $0xb8;
	[tilespmem:$0x1E000] =	vst v63  }
0x596: {  	_ =	swait.ge [sflag:s14], $0x4000  }
0x597: {  	[sflag:s14] =	ssyncset.done $0x0  }
0x598: {  	s16 =	simm.s32 $0x1300;
	[sflag:s14] =	ssyncadd.s32 $0xFFFFC000  }
0x599: {  	[spmem:s2] =	stream.indirect.scatter.add.f32 [tilespmem:s12], [sflag:$0x7], $0x80, s16, s11, $0xb8;
	[tilespmem:$0x1E000] =	vst v63  }
0x59a: {  	_ =	swait.ge [sflag:s5], $0x4000  }
0x59b: {  	[sflag:s5] =	ssyncset.done $0x0  }
0x59c: {  	[sflag:s5] =	ssyncadd.s32 $0xFFFFC000  }
0x59d: {  	_ =	swait.ge [sflag:s15], $0x4000  }
0x59e: {  	[sflag:s15] =	ssyncset.done $0x0  }
0x59f: {  	s17 =	simm.s32 $0x1380;
	[sflag:s15] =	ssyncadd.s32 $0xFFFFC000  }
0x5a0: {  	[spmem:s2] =	stream.indirect.scatter.add.f32 [tilespmem:s13], [sflag:$0x7], $0x80, s17, s11, $0xb8;
	[tilespmem:$0x1E000] =	vst v63  }
0x5a1: {  	_ =	swait.ge [sflag:s5], $0x4000  }
0x5a2: {  	[sflag:s5] =	ssyncset.done $0x0  }
0x5a3: {  	s3 =	simm.s32 $0x400;
	[sflag:s5] =	ssyncadd.s32 $0xFFFFC000  }
0x5a4: {  	[tilespmem:s12], [sflag:$0x1] =	stream.indirect.gather [hbm4b:s10+s11], $0x80, s3, s11, $0xb8;
	[tilespmem:$0x1E000] =	vst v63  }
0x5a5: {  	s4 =	simm.s32 $0x480  }
0x5a6: {  	[tilespmem:s13], [sflag:$0x2] =	stream.indirect.gather [hbm4b:s10+s11], $0x80, s4, s11, $0xb8;
	[tilespmem:$0x1E000] =	vst v63  }
0x5a7: {  	_ =	swait.ge [sflag:s14], $0x4000  }
0x5a8: {  	[sflag:s14] =	ssyncset.done $0x0  }
0x5a9: {  	s16 =	simm.s32 $0x1400;
	[sflag:s14] =	ssyncadd.s32 $0xFFFFC000  }
0x5aa: {  	[spmem:s2] =	stream.indirect.scatter.add.f32 [tilespmem:s12], [sflag:$0x7], $0x80, s16, s11, $0xb8;
	[tilespmem:$0x1E000] =	vst v63  }
0x5ab: {  	_ =	swait.ge [sflag:s5], $0x4000  }
0x5ac: {  	[sflag:s5] =	ssyncset.done $0x0  }
0x5ad: {  	[sflag:s5] =	ssyncadd.s32 $0xFFFFC000  }
0x5ae: {  	_ =	swait.ge [sflag:s15], $0x4000  }
0x5af: {  	[sflag:s15] =	ssyncset.done $0x0  }
0x5b0: {  	s17 =	simm.s32 $0x1480;
	[sflag:s15] =	ssyncadd.s32 $0xFFFFC000  }
0x5b1: {  	[spmem:s2] =	stream.indirect.scatter.add.f32 [tilespmem:s13], [sflag:$0x7], $0x80, s17, s11, $0xb8;
	[tilespmem:$0x1E000] =	vst v63  }
0x5b2: {  	_ =	swait.ge [sflag:s5], $0x4000  }
0x5b3: {  	[sflag:s5] =	ssyncset.done $0x0  }
0x5b4: {  	s3 =	simm.s32 $0x500;
	[sflag:s5] =	ssyncadd.s32 $0xFFFFC000  }
0x5b5: {  	[tilespmem:s12], [sflag:$0x1] =	stream.indirect.gather [hbm4b:s10+s11], $0x80, s3, s11, $0xb8;
	[tilespmem:$0x1E000] =	vst v63  }
0x5b6: {  	s4 =	simm.s32 $0x580  }
0x5b7: {  	[tilespmem:s13], [sflag:$0x2] =	stream.indirect.gather [hbm4b:s10+s11], $0x80, s4, s11, $0xb8;
	[tilespmem:$0x1E000] =	vst v63  }
0x5b8: {  	_ =	swait.ge [sflag:s14], $0x4000  }
0x5b9: {  	[sflag:s14] =	ssyncset.done $0x0  }
0x5ba: {  	s16 =	simm.s32 $0x1500;
	[sflag:s14] =	ssyncadd.s32 $0xFFFFC000  }
0x5bb: {  	[spmem:s2] =	stream.indirect.scatter.add.f32 [tilespmem:s12], [sflag:$0x7], $0x80, s16, s11, $0xb8;
	[tilespmem:$0x1E000] =	vst v63  }
0x5bc: {  	_ =	swait.ge [sflag:s5], $0x4000  }
0x5bd: {  	[sflag:s5] =	ssyncset.done $0x0  }
0x5be: {  	[sflag:s5] =	ssyncadd.s32 $0xFFFFC000  }
0x5bf: {  	_ =	swait.ge [sflag:s15], $0x4000  }
0x5c0: {  	[sflag:s15] =	ssyncset.done $0x0  }
0x5c1: {  	s17 =	simm.s32 $0x1580;
	[sflag:s15] =	ssyncadd.s32 $0xFFFFC000  }
0x5c2: {  	[spmem:s2] =	stream.indirect.scatter.add.f32 [tilespmem:s13], [sflag:$0x7], $0x80, s17, s11, $0xb8;
	[tilespmem:$0x1E000] =	vst v63  }
0x5c3: {  	_ =	swait.ge [sflag:s5], $0x4000  }
0x5c4: {  	[sflag:s5] =	ssyncset.done $0x0  }
0x5c5: {  	s3 =	simm.s32 $0x600;
	[sflag:s5] =	ssyncadd.s32 $0xFFFFC000  }
0x5c6: {  	[tilespmem:s12], [sflag:$0x1] =	stream.indirect.gather [hbm4b:s10+s11], $0x80, s3, s11, $0xb8;
	[tilespmem:$0x1E000] =	vst v63  }
0x5c7: {  	s4 =	simm.s32 $0x680  }
0x5c8: {  	[tilespmem:s13], [sflag:$0x2] =	stream.indirect.gather [hbm4b:s10+s11], $0x80, s4, s11, $0xb8;
	[tilespmem:$0x1E000] =	vst v63  }
0x5c9: {  	_ =	swait.ge [sflag:s14], $0x4000  }
0x5ca: {  	[sflag:s14] =	ssyncset.done $0x0  }
0x5cb: {  	s16 =	simm.s32 $0x1600;
	[sflag:s14] =	ssyncadd.s32 $0xFFFFC000  }
0x5cc: {  	[spmem:s2] =	stream.indirect.scatter.add.f32 [tilespmem:s12], [sflag:$0x7], $0x80, s16, s11, $0xb8;
	[tilespmem:$0x1E000] =	vst v63  }
0x5cd: {  	_ =	swait.ge [sflag:s5], $0x4000  }
0x5ce: {  	[sflag:s5] =	ssyncset.done $0x0  }
0x5cf: {  	[sflag:s5] =	ssyncadd.s32 $0xFFFFC000  }
0x5d0: {  	_ =	swait.ge [sflag:s15], $0x4000  }
0x5d1: {  	[sflag:s15] =	ssyncset.done $0x0  }
0x5d2: {  	s17 =	simm.s32 $0x1680;
	[sflag:s15] =	ssyncadd.s32 $0xFFFFC000  }
0x5d3: {  	[spmem:s2] =	stream.indirect.scatter.add.f32 [tilespmem:s13], [sflag:$0x7], $0x80, s17, s11, $0xb8;
	[tilespmem:$0x1E000] =	vst v63  }
0x5d4: {  	_ =	swait.ge [sflag:s5], $0x4000  }
0x5d5: {  	[sflag:s5] =	ssyncset.done $0x0  }
0x5d6: {  	s3 =	simm.s32 $0x700;
	[sflag:s5] =	ssyncadd.s32 $0xFFFFC000  }
0x5d7: {  	[tilespmem:s12], [sflag:$0x1] =	stream.indirect.gather [hbm4b:s10+s11], $0x80, s3, s11, $0xb8;
	[tilespmem:$0x1E000] =	vst v63  }
0x5d8: {  	s4 =	simm.s32 $0x780  }
0x5d9: {  	[tilespmem:s13], [sflag:$0x2] =	stream.indirect.gather [hbm4b:s10+s11], $0x80, s4, s11, $0xb8;
	[tilespmem:$0x1E000] =	vst v63  }
0x5da: {  	_ =	swait.ge [sflag:s14], $0x4000  }
0x5db: {  	[sflag:s14] =	ssyncset.done $0x0  }
0x5dc: {  	s16 =	simm.s32 $0x1700;
	[sflag:s14] =	ssyncadd.s32 $0xFFFFC000  }
0x5dd: {  	[spmem:s2] =	stream.indirect.scatter.add.f32 [tilespmem:s12], [sflag:$0x7], $0x80, s16, s11, $0xb8;
	[tilespmem:$0x1E000] =	vst v63  }
0x5de: {  	_ =	swait.ge [sflag:s5], $0x4000  }
0x5df: {  	[sflag:s5] =	ssyncset.done $0x0  }
0x5e0: {  	[sflag:s5] =	ssyncadd.s32 $0xFFFFC000  }
0x5e1: {  	_ =	swait.ge [sflag:s15], $0x4000  }
0x5e2: {  	[sflag:s15] =	ssyncset.done $0x0  }
0x5e3: {  	s17 =	simm.s32 $0x1780;
	[sflag:s15] =	ssyncadd.s32 $0xFFFFC000  }
0x5e4: {  	[spmem:s2] =	stream.indirect.scatter.add.f32 [tilespmem:s13], [sflag:$0x7], $0x80, s17, s11, $0xb8;
	[tilespmem:$0x1E000] =	vst v63  }
0x5e5: {  	_ =	swait.ge [sflag:s5], $0x4000  }
0x5e6: {  	[sflag:s5] =	ssyncset.done $0x0  }
0x5e7: {  	[sflag:s5] =	ssyncadd.s32 $0xFFFFC000  }
0x5e8: {  	p0 =	sne.s32 s0, $0x1;
	[bflag:$0x0] =	sbarrier.arrive $0xFFFF  }
.Ltmp1:
0x5e9: {  	s3 =	rddreg [dreg:$0xf];
	(pc) =	sbr.rel @p0 .LBB2_2-.Ltmp1, $4  }
0x5ea: {  	s4 =	rddreg [dreg:$0x11]  }
0x5eb: {  	s17 =	rddreg [dreg:$0x10]  }
0x5ec: {  	[hbm:s3], [sflag:s17] =	dma.local [spmem:s4], $0x2800  }
0x5ed: {  	s0 =	sadd.s32 $0xFFFFFFFF, s0;
	_ =	swait.ge [sflag:s5], $0x2800  }
.LBB2_3:
0x5ee: {  	[sflag:s5] =	ssyncset.done $0x0  }
0x5ef: {  	[sflag:s5] =	ssyncadd.s32 $0xFFFFD800  }
0x5f0: {  	_ =	sfence.sel $0x180000  }
0x5f1: {  	[bflag:$0x0] =	sbarrier.arrive $0xFFFF  }
0x5f2: {  	_ =	strace $0x90000047  }
0x5f3: {  	s0 =	stileid.u32;
	[bflag:$0x2] =	sbarrier.arrive $0xFFFF  }
0x5f4: {  	p0 =	sne.s32 s0, $0x0;
	s0 =	rddreg [dreg:$0x3]  }
0x5f5: {  	s0 =	sadd.s32 @!p0 $0x100000, s0  }
0x5f6: {  	[sflag:s0] =	ssyncadd.tile.s32 @!p0 $0x1;
	_ =	shalt  }
.Lfunc_end2:
_tile_overlayer_lowered:
.L_overlay_start_2:
0x5f7: {  	(tag) =	ssettag $0x2  }
0x5f8: {  	s0 =	rddreg [dreg:$0x0];
	s2 =	stileid.u32  }
0x5f9: {  	s1 =	rddreg [dreg:$0x1];
	p0 =	sne.s32 s2, $0x0  }
0x5fa: {  	s3 =	rddreg [dreg:$0x2];
	[bflag:$0x3] =	sbarrier.arrive $0xFFFF;
	s2 =	simm.s32 @!p0 $0x1C07  }
0x5fb: {  	[timem:s3], [sflag:s2] =	dma.local @!p0 [hbm:s0], s1  }
0x5fc: {  	s0 =	simm.s32 @!p0 $0x7  }
0x5fd: {  	_ =	swait.ge @!p0 [sflag:s0], s1  }
0x5fe: {  	s1 =	ssub.s32 @!p0 $0x0, s1;
	[sflag:s0] =	ssyncset.done @!p0 $0x0  }
0x5ff: {  	[sflag:s0] =	ssyncadd.s32 @!p0 s1  }
0x600: {  	[bflag:$0x3] =	sbarrier.arrive $0xFFFF  }
0x601: {  	_ =	shalt  }

</sc_bundles>
